<compile_context>
chip_gen: v7x
topology: tpu7x:2x2x1
jax: 0.10.2.dev20260603
libtpu: 0.0.44.dev20260713+nightly
codegen_flags: <defaults>
</compile_context>

<pallas_src>
import functools

import jax
import jax.numpy as jnp
import numpy as np
from jax import lax
from jax.experimental import pallas as pl
from jax.experimental.pallas import tpu as pltpu
from jax.experimental.pallas import tpu_sc as plsc

B = 8
C = 4
L = 64
N = 90
BIN = 360 // N
V = L * L * L
NW = 32
NBINS_PAD = 8128
CH = 16384
NCHUNK = V // CH
LANES = 16


def _build_bin_table() -> np.ndarray:
    i3, i4, i5 = np.meshgrid(
        np.arange(L), np.arange(L), np.arange(L), indexing="ij"
    )
    i3 = i3.ravel().astype(np.float32)
    i4 = i4.ravel().astype(np.float32)
    i5 = i5.ravel().astype(np.float32)
    x_comp = np.sqrt(i4 * i4 + i5 * i5, dtype=np.float32)
    z_comp = np.sqrt(i4 * i4 + i3 * i3, dtype=np.float32)
    deg = np.float32(180.0)
    pi = np.float32(np.pi)
    binf = np.float32(BIN)
    ax = (np.arctan2(x_comp, i3) * deg / pi / binf).astype(np.int32)
    az = (np.arctan2(i5, z_comp) * deg / pi / binf).astype(np.int32)
    return (ax * np.int32(N) + az).astype(np.int32)


_BIN_TABLE = _build_bin_table()


UNROLL = 8


def _sc_body(x_hbm, tbl_hbm, out_hbm, xb0, xb1, tb0, tb1, acc, sem0, sem1):
    wid = lax.axis_index("s") * 2 + lax.axis_index("c")
    xrow = (wid & 7) * C + lax.shift_right_logical(wid, 3)

    xb = (xb0, xb1)
    tb = (tb0, tb1)
    sems = (sem0, sem1)

    def _issue(chunk):
        par = chunk & 1
        hx = pltpu.async_copy(
            x_hbm.at[xrow, pl.ds(chunk * CH, CH)],
            xb[par].at[pl.ds(0, CH)],
            sems[par],
        )
        ht = pltpu.async_copy(
            tbl_hbm.at[pl.ds(chunk * CH, CH)],
            tb[par].at[pl.ds(0, CH)],
            sems[par],
        )
        return hx, ht

    pending = {0: _issue(0)}

    zero16 = jnp.zeros((LANES,), jnp.int32)

    def _zero(i, _):
        acc[pl.ds(i * LANES, LANES)] = zero16
        return _

    lax.fori_loop(0, NBINS_PAD // LANES, _zero, None)

    iota1 = lax.iota(jnp.int32, LANES) + 1

    for chunk in range(NCHUNK):
        hx, ht = pending.pop(chunk)
        hx.wait()
        ht.wait()
        if chunk + 1 < NCHUNK:
            pending[chunk + 1] = _issue(chunk + 1)
        par = chunk & 1
        xbuf, tbuf = xb[par], tb[par]
        base0 = chunk * CH
        blk = LANES * UNROLL

        def _loads(off, xbuf=xbuf, tbuf=tbuf):
            vs = []
            for j in range(UNROLL):
                o = off + j * LANES
                vs.append(xbuf[pl.ds(o, LANES)])
                vs.append(tbuf[pl.ds(o, LANES)])
            return tuple(vs)

        def _step(i, carry, base0=base0, loads=_loads):
            vs = loads((i + 1) * blk)
            for j in range(UNROLL):
                xv = carry[2 * j]
                iv = carry[2 * j + 1]
                code = iota1 + (base0 + i * blk + j * LANES)
                plsc.store_scatter(acc, [iv], code, mask=xv > 0.5)
            return vs

        lax.fori_loop(0, CH // blk, _step, _loads(0))

    pltpu.sync_copy(acc, out_hbm.at[wid])


@functools.partial(jax.jit, static_argnames=())
def _sc_scatter(x2, tbl):
    mesh = plsc.VectorSubcoreMesh(core_axis_name="c", subcore_axis_name="s")
    kern = pl.kernel(
        _sc_body,
        out_type=jax.ShapeDtypeStruct((NW, NBINS_PAD), jnp.int32),
        mesh=mesh,
        scratch_types=[
            pltpu.VMEM((CH + LANES * UNROLL,), jnp.float32),
            pltpu.VMEM((CH + LANES * UNROLL,), jnp.float32),
            pltpu.VMEM((CH + LANES * UNROLL,), jnp.int32),
            pltpu.VMEM((CH + LANES * UNROLL,), jnp.int32),
            pltpu.VMEM((NBINS_PAD,), jnp.int32),
            pltpu.SemaphoreType.DMA,
            pltpu.SemaphoreType.DMA,
        ],
        compiler_params=pltpu.CompilerParams(needs_layout_passes=False),
    )
    return kern(x2, tbl)


def _tc_body(codes_ref, gamma_ref, beta_ref, out_ref):
    c = pl.program_id(0)
    code = codes_ref[0]
    v = code - 1
    i3 = lax.shift_right_logical(v, 12)
    i4 = lax.shift_right_logical(v, 6) & (L - 1)
    i5 = v & (L - 1)
    m2 = (i3 * i3 + i4 * i4 + i5 * i5).astype(jnp.float32)
    mag = jnp.where(code > 0, jnp.sqrt(m2), 0.0)
    n = jnp.float32(B * N * N)
    s1 = jnp.sum(mag)
    s2 = jnp.sum(mag * mag)
    mean = s1 / n
    var = s2 / n - mean * mean
    inv = lax.rsqrt(var + 1e-5)
    g = gamma_ref[c]
    b = beta_ref[c]
    out_ref[0] = (mag - mean) * (inv * g) + b


def _tc_batchnorm(codes3, gamma, beta):
    return pl.pallas_call(
        _tc_body,
        out_shape=jax.ShapeDtypeStruct((C, B, NBINS_PAD), jnp.float32),
        grid=(C,),
        in_specs=[
            pl.BlockSpec((1, B, NBINS_PAD), lambda c: (c, 0, 0)),
            pl.BlockSpec(memory_space=pltpu.SMEM),
            pl.BlockSpec(memory_space=pltpu.SMEM),
        ],
        out_specs=pl.BlockSpec((1, B, NBINS_PAD), lambda c: (c, 0, 0)),
    )(codes3, gamma, beta)


def kernel(x, gamma, beta):
    x2 = x.reshape(B * C, V)
    tbl = jnp.asarray(_BIN_TABLE)
    codes = _sc_scatter(x2, tbl)
    codes3 = codes.reshape(C, B, NBINS_PAD)
    y = _tc_batchnorm(codes3, gamma, beta)
    return y.transpose(1, 0, 2)[:, :, : N * N].reshape(B, C, N, N)

# --- scband reference (transcript-rebuilt; emitter-appended) ---
"""Pipeline reference for scband-gradient-input-layer-25391846654370 (READ-ONLY COPY).

The authoritative reference and input builder live on the scoring server;
editing this copy changes nothing except your own understanding.
"""

import jax, jax.numpy as jnp
import numpy as np

B = 8
C = 4
L = 64
N = 90
BIN = 360 // N  # 4


def setup_inputs(seed: int = 0) -> dict:
    key = jax.random.key(seed)
    k1, k2, k3 = jax.random.split(key, 3)
    # binary syndrome: values in {0,1}, ~50% density
    x = jax.random.randint(k1, (B, C, L, L, L), 0, 2).astype(jnp.float32)
    # BatchNorm2d learned parameters (fresh init: weight=1, bias=0)
    gamma = jnp.ones((C,), dtype=jnp.float32)
    beta = jnp.zeros((C,), dtype=jnp.float32)
    return {"x": x, "gamma": gamma, "beta": beta}


def reference(x, gamma, beta):
    b = x.shape[0]
    xr = x.reshape(b, C, L, L, L)
    # torch.nonzero(x).T  -> (5, nnz)
    iii = jnp.stack(jnp.nonzero(xr, size=xr.size, fill_value=(b, 0, 0, 0, 0)))
    idx_b = iii[0]
    idx_c = iii[1]
    i3 = iii[-3]
    i4 = iii[-2]
    i5 = iii[-1]
    mags = jnp.sqrt((i3 * i3 + i4 * i4 + i5 * i5).astype(jnp.float32))
    x_comp = jnp.sqrt((i4 ** 2 + i5 ** 2).astype(jnp.float32))
    z_comp = jnp.sqrt((i4 ** 2 + i3 ** 2).astype(jnp.float32))
    ax = (jnp.arctan2(x_comp, i3.astype(jnp.float32)) * 180.0 / jnp.pi / BIN).astype(jnp.int32)
    az = (jnp.arctan2(i5.astype(jnp.float32), z_comp) * 180.0 / jnp.pi / BIN).astype(jnp.int32)
    gradients = jnp.zeros((b, C, N, N), dtype=jnp.float32)
    # torch: gradients[targets] = gradients[targets] + mags (non-accumulating index_put;
    # reads happen before writes, so this equals .set(read + mags))
    gathered = gradients[idx_b, idx_c, ax, az]
    gradients = gradients.at[idx_b, idx_c, ax, az].set(gathered + mags)
    # BatchNorm2d in training mode: batch statistics over (N, H, W), biased variance
    mean = jnp.mean(gradients, axis=(0, 2, 3), keepdims=True)
    var = jnp.var(gradients, axis=(0, 2, 3), keepdims=True)
    y = (gradients - mean) / jnp.sqrt(var + 1e-5)
    y = y * gamma.reshape(1, C, 1, 1) + beta.reshape(1, C, 1, 1)
    return y

if __name__ == "__main__":
    import jax
    _d = setup_inputs()
    print(jax.jit(kernel)(*tuple(_d.values())))

</pallas_src>

<mosaic_0001>
#map = affine_map<(d0, d1) -> (0, 0)>
#map1 = affine_map<(d0, d1) -> (0)>
module attributes {stable_mosaic.version = 14 : i64} {
  func.func @_sc_body(%arg0: i32, %arg1: i32, %arg2: memref<32x262144xf32, #tpu.memory_space<hbm>>, %arg3: memref<262144xi32, #tpu.memory_space<hbm>>, %arg4: memref<32x8128xi32, #tpu.memory_space<hbm>>, %arg5: memref<16512xf32, #tpu.memory_space<vmem>>, %arg6: memref<16512xf32, #tpu.memory_space<vmem>>, %arg7: memref<16512xi32, #tpu.memory_space<vmem>>, %arg8: memref<16512xi32, #tpu.memory_space<vmem>>, %arg9: memref<8128xi32, #tpu.memory_space<vmem>>, %arg10: memref<!tpu.dma_semaphore, #tpu.memory_space<semaphore_mem>>, %arg11: memref<!tpu.dma_semaphore, #tpu.memory_space<semaphore_mem>>) attributes {dimension_semantics = [#tpu.dimension_semantics<core_parallel>, #tpu.dimension_semantics<subcore_parallel>], iteration_bounds = array<i64: 2, 16>, scalar_prefetch = 0 : i64, scratch_operands = 7 : i64, tpu.core_type = #tpu.core_type<sc_vector_subcore>, window_params = [{transform_indices = #map}, {transform_indices = #map1}, {transform_indices = #map}]} {
    %mul3A = arith.constant 2 : i32
    %mul3A_0 = arith.muli %arg1, %mul3A : i32
    %add3A = arith.addi %mul3A_0, %arg0 : i32
    %and3A = arith.constant 7 : i32
    %and3A_1 = arith.andi %add3A, %and3A : i32
    %mul3A_2 = arith.constant 4 : i32
    %mul3A_3 = arith.muli %and3A_1, %mul3A_2 : i32
    %shift_right_logical3A = arith.constant 3 : i32
    %shift_right_logical3A_4 = arith.shrui %add3A, %shift_right_logical3A : i32
    %add3A_5 = arith.addi %mul3A_3, %shift_right_logical3A_4 : i32
    %dma_start3A = arith.constant 0 : i32
    %dma_start3A_6 = tpu.memref_slice %arg5[%dma_start3A] : memref<16512xf32, #tpu.memory_space<vmem>> -> memref<16384xf32, #tpu.memory_space<vmem>>
    %dma_start3A_7 = arith.constant 0 : i32
    %dma_start3A_8 = tpu.memref_slice %arg2[%add3A_5, %dma_start3A_7] : memref<32x262144xf32, #tpu.memory_space<hbm>> -> memref<1x16384xf32, #tpu.memory_space<hbm>>
    %dma_start3A_9 = tpu.memref_squeeze %dma_start3A_8 : memref<1x16384xf32, #tpu.memory_space<hbm>> -> memref<16384xf32, #tpu.memory_space<hbm>>
    %dma_start3A_10 = arith.constant 0 : i32
    %dma_start3A_11 = tpu.memref_slice %arg5[%dma_start3A_10] : memref<16512xf32, #tpu.memory_space<vmem>> -> memref<16384xf32, #tpu.memory_space<vmem>>
    %dma_start3A_12 = arith.constant 0 : i32
    %dma_start3A_13 = tpu.memref_slice %arg2[%add3A_5, %dma_start3A_12] : memref<32x262144xf32, #tpu.memory_space<hbm>> -> memref<1x16384xf32, #tpu.memory_space<hbm>>
    %dma_start3A_14 = tpu.memref_squeeze %dma_start3A_13 : memref<1x16384xf32, #tpu.memory_space<hbm>> -> memref<16384xf32, #tpu.memory_space<hbm>>
    tpu.enqueue_dma source(%dma_start3A_14 : memref<16384xf32, #tpu.memory_space<hbm>>) target(%dma_start3A_11 : memref<16384xf32, #tpu.memory_space<vmem>>) target_semaphore(%arg10 : memref<!tpu.dma_semaphore, #tpu.memory_space<semaphore_mem>>)
    %dma_start3A_15 = arith.constant 0 : i32
    %dma_start3A_16 = tpu.memref_slice %arg7[%dma_start3A_15] : memref<16512xi32, #tpu.memory_space<vmem>> -> memref<16384xi32, #tpu.memory_space<vmem>>
    %dma_start3A_17 = arith.constant 0 : i32
    %dma_start3A_18 = tpu.memref_slice %arg3[%dma_start3A_17] : memref<262144xi32, #tpu.memory_space<hbm>> -> memref<16384xi32, #tpu.memory_space<hbm>>
    %dma_start3A_19 = arith.constant 0 : i32
    %dma_start3A_20 = tpu.memref_slice %arg7[%dma_start3A_19] : memref<16512xi32, #tpu.memory_space<vmem>> -> memref<16384xi32, #tpu.memory_space<vmem>>
    %dma_start3A_21 = arith.constant 0 : i32
    %dma_start3A_22 = tpu.memref_slice %arg3[%dma_start3A_21] : memref<262144xi32, #tpu.memory_space<hbm>> -> memref<16384xi32, #tpu.memory_space<hbm>>
    tpu.enqueue_dma source(%dma_start3A_22 : memref<16384xi32, #tpu.memory_space<hbm>>) target(%dma_start3A_20 : memref<16384xi32, #tpu.memory_space<vmem>>) target_semaphore(%arg10 : memref<!tpu.dma_semaphore, #tpu.memory_space<semaphore_mem>>)
    %broadcast_in_dim3A = arith.constant 0 : i32
    %broadcast_in_dim3A_23 = vector.broadcast %broadcast_in_dim3A : i32 to vector<16xi32>
    %scan3A = arith.constant 0 : i32
    %scan3A_24 = arith.constant 508 : i32
    %scan3A_25 = arith.addi %scan3A, %scan3A_24 : i32
    %scan3A_26 = arith.constant 1 : i32
    scf.for %scan3A_1195 = %scan3A to %scan3A_25 step %scan3A_26  : i32 {
      %mul3A_1196 = arith.constant 16 : i32
      %mul3A_1197 = arith.muli %scan3A_1195, %mul3A_1196 : i32
      %swap3A = arith.index_cast %mul3A_1197 : i32 to index
      %swap3A_1198 = tpu.vector_load %arg9[%swap3A] {strides = array<i32>} : memref<8128xi32, #tpu.memory_space<vmem>>, vector<16xi32>,
      tpu.vector_store %arg9[%swap3A], %broadcast_in_dim3A_23 {strides = array<i32>} : memref<8128xi32, #tpu.memory_space<vmem>>, vector<16xi32>,
    }
    %scan3A_27 = arith.constant 508 : i32
    %iota3A = tpu.iota {dimensions = array<i32: 0>} : vector<16xi32>
    %add3A_28 = arith.constant 1 : i32
    %add3A_29 = vector.broadcast %add3A_28 : i32 to vector<16xi32>
    %add3A_30 = arith.addi %iota3A, %add3A_29 : vector<16xi32>
    %dma_wait3A = arith.constant 0 : i32
    %dma_wait3A_31 = tpu.memref_slice %arg5[%dma_wait3A] : memref<16512xf32, #tpu.memory_space<vmem>> -> memref<16384xf32, #tpu.memory_space<vmem>>
    %dma_wait3A_32 = arith.constant 0 : i32
    %dma_wait3A_33 = tpu.memref_slice %arg2[%add3A_5, %dma_wait3A_32] : memref<32x262144xf32, #tpu.memory_space<hbm>> -> memref<1x16384xf32, #tpu.memory_space<hbm>>
    %dma_wait3A_34 = tpu.memref_squeeze %dma_wait3A_33 : memref<1x16384xf32, #tpu.memory_space<hbm>> -> memref<16384xf32, #tpu.memory_space<hbm>>
    %dma_wait3A_35 = arith.constant 0 : i32
    %dma_wait3A_36 = tpu.memref_slice %arg5[%dma_wait3A_35] : memref<16512xf32, #tpu.memory_space<vmem>> -> memref<16384xf32, #tpu.memory_space<vmem>>
    %dma_wait3A_37 = arith.constant 0 : i32
    %dma_wait3A_38 = tpu.memref_slice %arg2[%add3A_5, %dma_wait3A_37] : memref<32x262144xf32, #tpu.memory_space<hbm>> -> memref<1x16384xf32, #tpu.memory_space<hbm>>
    %dma_wait3A_39 = tpu.memref_squeeze %dma_wait3A_38 : memref<1x16384xf32, #tpu.memory_space<hbm>> -> memref<16384xf32, #tpu.memory_space<hbm>>
    tpu.wait_dma2 semaphore(%arg10 : memref<!tpu.dma_semaphore, #tpu.memory_space<semaphore_mem>>) src(%dma_wait3A_39 : memref<16384xf32, #tpu.memory_space<hbm>>) dst(%dma_wait3A_36 : memref<16384xf32, #tpu.memory_space<vmem>>)
    %dma_wait3A_40 = arith.constant 0 : i32
    %dma_wait3A_41 = tpu.memref_slice %arg7[%dma_wait3A_40] : memref<16512xi32, #tpu.memory_space<vmem>> -> memref<16384xi32, #tpu.memory_space<vmem>>
    %dma_wait3A_42 = arith.constant 0 : i32
    %dma_wait3A_43 = tpu.memref_slice %arg3[%dma_wait3A_42] : memref<262144xi32, #tpu.memory_space<hbm>> -> memref<16384xi32, #tpu.memory_space<hbm>>
    %dma_wait3A_44 = arith.constant 0 : i32
    %dma_wait3A_45 = tpu.memref_slice %arg7[%dma_wait3A_44] : memref<16512xi32, #tpu.memory_space<vmem>> -> memref<16384xi32, #tpu.memory_space<vmem>>
    %dma_wait3A_46 = arith.constant 0 : i32
    %dma_wait3A_47 = tpu.memref_slice %arg3[%dma_wait3A_46] : memref<262144xi32, #tpu.memory_space<hbm>> -> memref<16384xi32, #tpu.memory_space<hbm>>
    tpu.wait_dma2 semaphore(%arg10 : memref<!tpu.dma_semaphore, #tpu.memory_space<semaphore_mem>>) src(%dma_wait3A_47 : memref<16384xi32, #tpu.memory_space<hbm>>) dst(%dma_wait3A_45 : memref<16384xi32, #tpu.memory_space<vmem>>)
    %dma_start3A_48 = arith.constant 0 : i32
    %dma_start3A_49 = tpu.memref_slice %arg6[%dma_start3A_48] : memref<16512xf32, #tpu.memory_space<vmem>> -> memref<16384xf32, #tpu.memory_space<vmem>>
    %dma_start3A_50 = arith.constant 16384 : i32
    %dma_start3A_51 = tpu.memref_slice %arg2[%add3A_5, %dma_start3A_50] : memref<32x262144xf32, #tpu.memory_space<hbm>> -> memref<1x16384xf32, #tpu.memory_space<hbm>>
    %dma_start3A_52 = tpu.memref_squeeze %dma_start3A_51 : memref<1x16384xf32, #tpu.memory_space<hbm>> -> memref<16384xf32, #tpu.memory_space<hbm>>
    %dma_start3A_53 = arith.constant 0 : i32
    %dma_start3A_54 = tpu.memref_slice %arg6[%dma_start3A_53] : memref<16512xf32, #tpu.memory_space<vmem>> -> memref<16384xf32, #tpu.memory_space<vmem>>
    %dma_start3A_55 = arith.constant 16384 : i32
    %dma_start3A_56 = tpu.memref_slice %arg2[%add3A_5, %dma_start3A_55] : memref<32x262144xf32, #tpu.memory_space<hbm>> -> memref<1x16384xf32, #tpu.memory_space<hbm>>
    %dma_start3A_57 = tpu.memref_squeeze %dma_start3A_56 : memref<1x16384xf32, #tpu.memory_space<hbm>> -> memref<16384xf32, #tpu.memory_space<hbm>>
    tpu.enqueue_dma source(%dma_start3A_57 : memref<16384xf32, #tpu.memory_space<hbm>>) target(%dma_start3A_54 : memref<16384xf32, #tpu.memory_space<vmem>>) target_semaphore(%arg11 : memref<!tpu.dma_semaphore, #tpu.memory_space<semaphore_mem>>)
    %dma_start3A_58 = arith.constant 0 : i32
    %dma_start3A_59 = tpu.memref_slice %arg8[%dma_start3A_58] : memref<16512xi32, #tpu.memory_space<vmem>> -> memref<16384xi32, #tpu.memory_space<vmem>>
    %dma_start3A_60 = arith.constant 16384 : i32
    %dma_start3A_61 = tpu.memref_slice %arg3[%dma_start3A_60] : memref<262144xi32, #tpu.memory_space<hbm>> -> memref<16384xi32, #tpu.memory_space<hbm>>
    %dma_start3A_62 = arith.constant 0 : i32
    %dma_start3A_63 = tpu.memref_slice %arg8[%dma_start3A_62] : memref<16512xi32, #tpu.memory_space<vmem>> -> memref<16384xi32, #tpu.memory_space<vmem>>
    %dma_start3A_64 = arith.constant 16384 : i32
    %dma_start3A_65 = tpu.memref_slice %arg3[%dma_start3A_64] : memref<262144xi32, #tpu.memory_space<hbm>> -> memref<16384xi32, #tpu.memory_space<hbm>>
    tpu.enqueue_dma source(%dma_start3A_65 : memref<16384xi32, #tpu.memory_space<hbm>>) target(%dma_start3A_63 : memref<16384xi32, #tpu.memory_space<vmem>>) target_semaphore(%arg11 : memref<!tpu.dma_semaphore, #tpu.memory_space<semaphore_mem>>)
    %get3A = arith.constant 0 : index
    %get3A_66 = tpu.vector_load %arg5[%get3A] {strides = array<i32>} : memref<16512xf32, #tpu.memory_space<vmem>>, vector<16xf32>,
    %get3A_67 = arith.constant 0 : index
    %get3A_68 = tpu.vector_load %arg7[%get3A_67] {strides = array<i32>} : memref<16512xi32, #tpu.memory_space<vmem>>, vector<16xi32>,
    %get3A_69 = arith.constant 16 : index
    %get3A_70 = tpu.vector_load %arg5[%get3A_69] {strides = array<i32>} : memref<16512xf32, #tpu.memory_space<vmem>>, vector<16xf32>,
    %get3A_71 = arith.constant 16 : index
    %get3A_72 = tpu.vector_load %arg7[%get3A_71] {strides = array<i32>} : memref<16512xi32, #tpu.memory_space<vmem>>, vector<16xi32>,
    %get3A_73 = arith.constant 32 : index
    %get3A_74 = tpu.vector_load %arg5[%get3A_73] {strides = array<i32>} : memref<16512xf32, #tpu.memory_space<vmem>>, vector<16xf32>,
    %get3A_75 = arith.constant 32 : index
    %get3A_76 = tpu.vector_load %arg7[%get3A_75] {strides = array<i32>} : memref<16512xi32, #tpu.memory_space<vmem>>, vector<16xi32>,
    %get3A_77 = arith.constant 48 : index
    %get3A_78 = tpu.vector_load %arg5[%get3A_77] {strides = array<i32>} : memref<16512xf32, #tpu.memory_space<vmem>>, vector<16xf32>,
    %get3A_79 = arith.constant 48 : index
    %get3A_80 = tpu.vector_load %arg7[%get3A_79] {strides = array<i32>} : memref<16512xi32, #tpu.memory_space<vmem>>, vector<16xi32>,
    %get3A_81 = arith.constant 64 : index
    %get3A_82 = tpu.vector_load %arg5[%get3A_81] {strides = array<i32>} : memref<16512xf32, #tpu.memory_space<vmem>>, vector<16xf32>,
    %get3A_83 = arith.constant 64 : index
    %get3A_84 = tpu.vector_load %arg7[%get3A_83] {strides = array<i32>} : memref<16512xi32, #tpu.memory_space<vmem>>, vector<16xi32>,
    %get3A_85 = arith.constant 80 : index
    %get3A_86 = tpu.vector_load %arg5[%get3A_85] {strides = array<i32>} : memref<16512xf32, #tpu.memory_space<vmem>>, vector<16xf32>,
    %get3A_87 = arith.constant 80 : index
    %get3A_88 = tpu.vector_load %arg7[%get3A_87] {strides = array<i32>} : memref<16512xi32, #tpu.memory_space<vmem>>, vector<16xi32>,
    %get3A_89 = arith.constant 96 : index
    %get3A_90 = tpu.vector_load %arg5[%get3A_89] {strides = array<i32>} : memref<16512xf32, #tpu.memory_space<vmem>>, vector<16xf32>,
    %get3A_91 = arith.constant 96 : index
    %get3A_92 = tpu.vector_load %arg7[%get3A_91] {strides = array<i32>} : memref<16512xi32, #tpu.memory_space<vmem>>, vector<16xi32>,
    %get3A_93 = arith.constant 112 : index
    %get3A_94 = tpu.vector_load %arg5[%get3A_93] {strides = array<i32>} : memref<16512xf32, #tpu.memory_space<vmem>>, vector<16xf32>,
    %get3A_95 = arith.constant 112 : index
    %get3A_96 = tpu.vector_load %arg7[%get3A_95] {strides = array<i32>} : memref<16512xi32, #tpu.memory_space<vmem>>, vector<16xi32>,
    %scan3A_97 = arith.constant 0 : i32
    %scan3A_98 = arith.constant 128 : i32
    %scan3A_99 = arith.addi %scan3A_97, %scan3A_98 : i32
    %scan3A_100 = arith.constant 1 : i32
    %scan3A_101:16 = scf.for %scan3A_1195 = %scan3A_97 to %scan3A_99 step %scan3A_100 iter_args(%scan3A_1196 = %get3A_66, %scan3A_1197 = %get3A_68, %scan3A_1198 = %get3A_70, %scan3A_1199 = %get3A_72, %scan3A_1200 = %get3A_74, %scan3A_1201 = %get3A_76, %scan3A_1202 = %get3A_78, %scan3A_1203 = %get3A_80, %scan3A_1204 = %get3A_82, %scan3A_1205 = %get3A_84, %scan3A_1206 = %get3A_86, %scan3A_1207 = %get3A_88, %scan3A_1208 = %get3A_90, %scan3A_1209 = %get3A_92, %scan3A_1210 = %get3A_94, %scan3A_1211 = %get3A_96) -> (vector<16xf32>, vector<16xi32>, vector<16xf32>, vector<16xi32>, vector<16xf32>, vector<16xi32>, vector<16xf32>, vector<16xi32>, vector<16xf32>, vector<16xi32>, vector<16xf32>, vector<16xi32>, vector<16xf32>, vector<16xi32>, vector<16xf32>, vector<16xi32>)  : i32 {
      %add3A_1212 = arith.constant 1 : i32
      %add3A_1213 = arith.addi %scan3A_1195, %add3A_1212 : i32
      %mul3A_1214 = arith.constant 128 : i32
      %mul3A_1215 = arith.muli %add3A_1213, %mul3A_1214 : i32
      %add3A_1216 = arith.constant 0 : i32
      %add3A_1217 = arith.addi %mul3A_1215, %add3A_1216 : i32
      %get3A_1218 = arith.index_cast %add3A_1217 : i32 to index
      %get3A_1219 = tpu.vector_load %arg5[%get3A_1218] {strides = array<i32>} : memref<16512xf32, #tpu.memory_space<vmem>>, vector<16xf32>,
      %get3A_1220 = arith.index_cast %add3A_1217 : i32 to index
      %get3A_1221 = tpu.vector_load %arg7[%get3A_1220] {strides = array<i32>} : memref<16512xi32, #tpu.memory_space<vmem>>, vector<16xi32>,
      %add3A_1222 = arith.constant 16 : i32
      %add3A_1223 = arith.addi %mul3A_1215, %add3A_1222 : i32
      %get3A_1224 = arith.index_cast %add3A_1223 : i32 to index
      %get3A_1225 = tpu.vector_load %arg5[%get3A_1224] {strides = array<i32>} : memref<16512xf32, #tpu.memory_space<vmem>>, vector<16xf32>,
      %get3A_1226 = arith.index_cast %add3A_1223 : i32 to index
      %get3A_1227 = tpu.vector_load %arg7[%get3A_1226] {strides = array<i32>} : memref<16512xi32, #tpu.memory_space<vmem>>, vector<16xi32>,
      %add3A_1228 = arith.constant 32 : i32
      %add3A_1229 = arith.addi %mul3A_1215, %add3A_1228 : i32
      %get3A_1230 = arith.index_cast %add3A_1229 : i32 to index
      %get3A_1231 = tpu.vector_load %arg5[%get3A_1230] {strides = array<i32>} : memref<16512xf32, #tpu.memory_space<vmem>>, vector<16xf32>,
      %get3A_1232 = arith.index_cast %add3A_1229 : i32 to index
      %get3A_1233 = tpu.vector_load %arg7[%get3A_1232] {strides = array<i32>} : memref<16512xi32, #tpu.memory_space<vmem>>, vector<16xi32>,
      %add3A_1234 = arith.constant 48 : i32
      %add3A_1235 = arith.addi %mul3A_1215, %add3A_1234 : i32
      %get3A_1236 = arith.index_cast %add3A_1235 : i32 to index
      %get3A_1237 = tpu.vector_load %arg5[%get3A_1236] {strides = array<i32>} : memref<16512xf32, #tpu.memory_space<vmem>>, vector<16xf32>,
      %get3A_1238 = arith.index_cast %add3A_1235 : i32 to index
      %get3A_1239 = tpu.vector_load %arg7[%get3A_1238] {strides = array<i32>} : memref<16512xi32, #tpu.memory_space<vmem>>, vector<16xi32>,
      %add3A_1240 = arith.constant 64 : i32
      %add3A_1241 = arith.addi %mul3A_1215, %add3A_1240 : i32
      %get3A_1242 = arith.index_cast %add3A_1241 : i32 to index
      %get3A_1243 = tpu.vector_load %arg5[%get3A_1242] {strides = array<i32>} : memref<16512xf32, #tpu.memory_space<vmem>>, vector<16xf32>,
      %get3A_1244 = arith.index_cast %add3A_1241 : i32 to index
      %get3A_1245 = tpu.vector_load %arg7[%get3A_1244] {strides = array<i32>} : memref<16512xi32, #tpu.memory_space<vmem>>, vector<16xi32>,
      %add3A_1246 = arith.constant 80 : i32
      %add3A_1247 = arith.addi %mul3A_1215, %add3A_1246 : i32
      %get3A_1248 = arith.index_cast %add3A_1247 : i32 to index
      %get3A_1249 = tpu.vector_load %arg5[%get3A_1248] {strides = array<i32>} : memref<16512xf32, #tpu.memory_space<vmem>>, vector<16xf32>,
      %get3A_1250 = arith.index_cast %add3A_1247 : i32 to index
      %get3A_1251 = tpu.vector_load %arg7[%get3A_1250] {strides = array<i32>} : memref<16512xi32, #tpu.memory_space<vmem>>, vector<16xi32>,
      %add3A_1252 = arith.constant 96 : i32
      %add3A_1253 = arith.addi %mul3A_1215, %add3A_1252 : i32
      %get3A_1254 = arith.index_cast %add3A_1253 : i32 to index
      %get3A_1255 = tpu.vector_load %arg5[%get3A_1254] {strides = array<i32>} : memref<16512xf32, #tpu.memory_space<vmem>>, vector<16xf32>,
      %get3A_1256 = arith.index_cast %add3A_1253 : i32 to index
      %get3A_1257 = tpu.vector_load %arg7[%get3A_1256] {strides = array<i32>} : memref<16512xi32, #tpu.memory_space<vmem>>, vector<16xi32>,
      %add3A_1258 = arith.constant 112 : i32
      %add3A_1259 = arith.addi %mul3A_1215, %add3A_1258 : i32
      %get3A_1260 = arith.index_cast %add3A_1259 : i32 to index
      %get3A_1261 = tpu.vector_load %arg5[%get3A_1260] {strides = array<i32>} : memref<16512xf32, #tpu.memory_space<vmem>>, vector<16xf32>,
      %get3A_1262 = arith.index_cast %add3A_1259 : i32 to index
      %get3A_1263 = tpu.vector_load %arg7[%get3A_1262] {strides = array<i32>} : memref<16512xi32, #tpu.memory_space<vmem>>, vector<16xi32>,
      %mul3A_1264 = arith.constant 128 : i32
      %mul3A_1265 = arith.muli %scan3A_1195, %mul3A_1264 : i32
      %add3A_1266 = arith.constant 0 : i32
      %add3A_1267 = arith.addi %add3A_1266, %mul3A_1265 : i32
      %add3A_1268 = arith.constant 0 : i32
      %add3A_1269 = arith.addi %add3A_1267, %add3A_1268 : i32
      %add3A_1270 = vector.broadcast %add3A_1269 : i32 to vector<16xi32>
      %add3A_1271 = arith.addi %add3A_30, %add3A_1270 : vector<16xi32>
      %gt3A = arith.constant 5.000000e-01 : f32
      %gt3A_1272 = vector.broadcast %gt3A : f32 to vector<16xf32>
      %gt3A_1273 = arith.cmpf ogt, %scan3A_1196, %gt3A_1272 : vector<16xf32>
      tpu.vector_store_idx %arg9[%scan3A_1197], %add3A_1271 masked %gt3A_1273 : memref<8128xi32, #tpu.memory_space<vmem>>[vector<16xi32>], vector<16xi32>, vector<16xi1>
      %mul3A_1274 = arith.constant 128 : i32
      %mul3A_1275 = arith.muli %scan3A_1195, %mul3A_1274 : i32
      %add3A_1276 = arith.constant 0 : i32
      %add3A_1277 = arith.addi %add3A_1276, %mul3A_1275 : i32
      %add3A_1278 = arith.constant 16 : i32
      %add3A_1279 = arith.addi %add3A_1277, %add3A_1278 : i32
      %add3A_1280 = vector.broadcast %add3A_1279 : i32 to vector<16xi32>
      %add3A_1281 = arith.addi %add3A_30, %add3A_1280 : vector<16xi32>
      %gt3A_1282 = arith.constant 5.000000e-01 : f32
      %gt3A_1283 = vector.broadcast %gt3A_1282 : f32 to vector<16xf32>
      %gt3A_1284 = arith.cmpf ogt, %scan3A_1198, %gt3A_1283 : vector<16xf32>
      tpu.vector_store_idx %arg9[%scan3A_1199], %add3A_1281 masked %gt3A_1284 : memref<8128xi32, #tpu.memory_space<vmem>>[vector<16xi32>], vector<16xi32>, vector<16xi1>
      %mul3A_1285 = arith.constant 128 : i32
      %mul3A_1286 = arith.muli %scan3A_1195, %mul3A_1285 : i32
      %add3A_1287 = arith.constant 0 : i32
      %add3A_1288 = arith.addi %add3A_1287, %mul3A_1286 : i32
      %add3A_1289 = arith.constant 32 : i32
      %add3A_1290 = arith.addi %add3A_1288, %add3A_1289 : i32
      %add3A_1291 = vector.broadcast %add3A_1290 : i32 to vector<16xi32>
      %add3A_1292 = arith.addi %add3A_30, %add3A_1291 : vector<16xi32>
      %gt3A_1293 = arith.constant 5.000000e-01 : f32
      %gt3A_1294 = vector.broadcast %gt3A_1293 : f32 to vector<16xf32>
      %gt3A_1295 = arith.cmpf ogt, %scan3A_1200, %gt3A_1294 : vector<16xf32>
      tpu.vector_store_idx %arg9[%scan3A_1201], %add3A_1292 masked %gt3A_1295 : memref<8128xi32, #tpu.memory_space<vmem>>[vector<16xi32>], vector<16xi32>, vector<16xi1>
      %mul3A_1296 = arith.constant 128 : i32
      %mul3A_1297 = arith.muli %scan3A_1195, %mul3A_1296 : i32
      %add3A_1298 = arith.constant 0 : i32
      %add3A_1299 = arith.addi %add3A_1298, %mul3A_1297 : i32
      %add3A_1300 = arith.constant 48 : i32
      %add3A_1301 = arith.addi %add3A_1299, %add3A_1300 : i32
      %add3A_1302 = vector.broadcast %add3A_1301 : i32 to vector<16xi32>
      %add3A_1303 = arith.addi %add3A_30, %add3A_1302 : vector<16xi32>
      %gt3A_1304 = arith.constant 5.000000e-01 : f32
      %gt3A_1305 = vector.broadcast %gt3A_1304 : f32 to vector<16xf32>
      %gt3A_1306 = arith.cmpf ogt, %scan3A_1202, %gt3A_1305 : vector<16xf32>
      tpu.vector_store_idx %arg9[%scan3A_1203], %add3A_1303 masked %gt3A_1306 : memref<8128xi32, #tpu.memory_space<vmem>>[vector<16xi32>], vector<16xi32>, vector<16xi1>
      %mul3A_1307 = arith.constant 128 : i32
      %mul3A_1308 = arith.muli %scan3A_1195, %mul3A_1307 : i32
      %add3A_1309 = arith.constant 0 : i32
      %add3A_1310 = arith.addi %add3A_1309, %mul3A_1308 : i32
      %add3A_1311 = arith.constant 64 : i32
      %add3A_1312 = arith.addi %add3A_1310, %add3A_1311 : i32
      %add3A_1313 = vector.broadcast %add3A_1312 : i32 to vector<16xi32>
      %add3A_1314 = arith.addi %add3A_30, %add3A_1313 : vector<16xi32>
      %gt3A_1315 = arith.constant 5.000000e-01 : f32
      %gt3A_1316 = vector.broadcast %gt3A_1315 : f32 to vector<16xf32>
      %gt3A_1317 = arith.cmpf ogt, %scan3A_1204, %gt3A_1316 : vector<16xf32>
      tpu.vector_store_idx %arg9[%scan3A_1205], %add3A_1314 masked %gt3A_1317 : memref<8128xi32, #tpu.memory_space<vmem>>[vector<16xi32>], vector<16xi32>, vector<16xi1>
      %mul3A_1318 = arith.constant 128 : i32
      %mul3A_1319 = arith.muli %scan3A_1195, %mul3A_1318 : i32
      %add3A_1320 = arith.constant 0 : i32
      %add3A_1321 = arith.addi %add3A_1320, %mul3A_1319 : i32
      %add3A_1322 = arith.constant 80 : i32
      %add3A_1323 = arith.addi %add3A_1321, %add3A_1322 : i32
      %add3A_1324 = vector.broadcast %add3A_1323 : i32 to vector<16xi32>
      %add3A_1325 = arith.addi %add3A_30, %add3A_1324 : vector<16xi32>
      %gt3A_1326 = arith.constant 5.000000e-01 : f32
      %gt3A_1327 = vector.broadcast %gt3A_1326 : f32 to vector<16xf32>
      %gt3A_1328 = arith.cmpf ogt, %scan3A_1206, %gt3A_1327 : vector<16xf32>
      tpu.vector_store_idx %arg9[%scan3A_1207], %add3A_1325 masked %gt3A_1328 : memref<8128xi32, #tpu.memory_space<vmem>>[vector<16xi32>], vector<16xi32>, vector<16xi1>
      %mul3A_1329 = arith.constant 128 : i32
      %mul3A_1330 = arith.muli %scan3A_1195, %mul3A_1329 : i32
      %add3A_1331 = arith.constant 0 : i32
      %add3A_1332 = arith.addi %add3A_1331, %mul3A_1330 : i32
      %add3A_1333 = arith.constant 96 : i32
      %add3A_1334 = arith.addi %add3A_1332, %add3A_1333 : i32
      %add3A_1335 = vector.broadcast %add3A_1334 : i32 to vector<16xi32>
      %add3A_1336 = arith.addi %add3A_30, %add3A_1335 : vector<16xi32>
      %gt3A_1337 = arith.constant 5.000000e-01 : f32
      %gt3A_1338 = vector.broadcast %gt3A_1337 : f32 to vector<16xf32>
      %gt3A_1339 = arith.cmpf ogt, %scan3A_1208, %gt3A_1338 : vector<16xf32>
      tpu.vector_store_idx %arg9[%scan3A_1209], %add3A_1336 masked %gt3A_1339 : memref<8128xi32, #tpu.memory_space<vmem>>[vector<16xi32>], vector<16xi32>, vector<16xi1>
      %mul3A_1340 = arith.constant 128 : i32
      %mul3A_1341 = arith.muli %scan3A_1195, %mul3A_1340 : i32
      %add3A_1342 = arith.constant 0 : i32
      %add3A_1343 = arith.addi %add3A_1342, %mul3A_1341 : i32
      %add3A_1344 = arith.constant 112 : i32
      %add3A_1345 = arith.addi %add3A_1343, %add3A_1344 : i32
      %add3A_1346 = vector.broadcast %add3A_1345 : i32 to vector<16xi32>
      %add3A_1347 = arith.addi %add3A_30, %add3A_1346 : vector<16xi32>
      %gt3A_1348 = arith.constant 5.000000e-01 : f32
      %gt3A_1349 = vector.broadcast %gt3A_1348 : f32 to vector<16xf32>
      %gt3A_1350 = arith.cmpf ogt, %scan3A_1210, %gt3A_1349 : vector<16xf32>
      tpu.vector_store_idx %arg9[%scan3A_1211], %add3A_1347 masked %gt3A_1350 : memref<8128xi32, #tpu.memory_space<vmem>>[vector<16xi32>], vector<16xi32>, vector<16xi1>
      scf.yield %get3A_1219, %get3A_1221, %get3A_1225, %get3A_1227, %get3A_1231, %get3A_1233, %get3A_1237, %get3A_1239, %get3A_1243, %get3A_1245, %get3A_1249, %get3A_1251, %get3A_1255, %get3A_1257, %get3A_1261, %get3A_1263 : vector<16xf32>, vector<16xi32>, vector<16xf32>, vector<16xi32>, vector<16xf32>, vector<16xi32>, vector<16xf32>, vector<16xi32>, vector<16xf32>, vector<16xi32>, vector<16xf32>, vector<16xi32>, vector<16xf32>, vector<16xi32>, vector<16xf32>, vector<16xi32>
    }
    %scan3A_102 = arith.constant 128 : i32
    %dma_wait3A_103 = arith.constant 0 : i32
    %dma_wait3A_104 = tpu.memref_slice %arg6[%dma_wait3A_103] : memref<16512xf32, #tpu.memory_space<vmem>> -> memref<16384xf32, #tpu.memory_space<vmem>>
    %dma_wait3A_105 = arith.constant 16384 : i32
    %dma_wait3A_106 = tpu.memref_slice %arg2[%add3A_5, %dma_wait3A_105] : memref<32x262144xf32, #tpu.memory_space<hbm>> -> memref<1x16384xf32, #tpu.memory_space<hbm>>
    %dma_wait3A_107 = tpu.memref_squeeze %dma_wait3A_106 : memref<1x16384xf32, #tpu.memory_space<hbm>> -> memref<16384xf32, #tpu.memory_space<hbm>>
    %dma_wait3A_108 = arith.constant 0 : i32
    %dma_wait3A_109 = tpu.memref_slice %arg6[%dma_wait3A_108] : memref<16512xf32, #tpu.memory_space<vmem>> -> memref<16384xf32, #tpu.memory_space<vmem>>
    %dma_wait3A_110 = arith.constant 16384 : i32
    %dma_wait3A_111 = tpu.memref_slice %arg2[%add3A_5, %dma_wait3A_110] : memref<32x262144xf32, #tpu.memory_space<hbm>> -> memref<1x16384xf32, #tpu.memory_space<hbm>>
    %dma_wait3A_112 = tpu.memref_squeeze %dma_wait3A_111 : memref<1x16384xf32, #tpu.memory_space<hbm>> -> memref<16384xf32, #tpu.memory_space<hbm>>
    tpu.wait_dma2 semaphore(%arg11 : memref<!tpu.dma_semaphore, #tpu.memory_space<semaphore_mem>>) src(%dma_wait3A_112 : memref<16384xf32, #tpu.memory_space<hbm>>) dst(%dma_wait3A_109 : memref<16384xf32, #tpu.memory_space<vmem>>)
    %dma_wait3A_113 = arith.constant 0 : i32
    %dma_wait3A_114 = tpu.memref_slice %arg8[%dma_wait3A_113] : memref<16512xi32, #tpu.memory_space<vmem>> -> memref<16384xi32, #tpu.memory_space<vmem>>
    %dma_wait3A_115 = arith.constant 16384 : i32
    %dma_wait3A_116 = tpu.memref_slice %arg3[%dma_wait3A_115] : memref<262144xi32, #tpu.memory_space<hbm>> -> memref<16384xi32, #tpu.memory_space<hbm>>
    %dma_wait3A_117 = arith.constant 0 : i32
    %dma_wait3A_118 = tpu.memref_slice %arg8[%dma_wait3A_117] : memref<16512xi32, #tpu.memory_space<vmem>> -> memref<16384xi32, #tpu.memory_space<vmem>>
    %dma_wait3A_119 = arith.constant 16384 : i32
    %dma_wait3A_120 = tpu.memref_slice %arg3[%dma_wait3A_119] : memref<262144xi32, #tpu.memory_space<hbm>> -> memref<16384xi32, #tpu.memory_space<hbm>>
    tpu.wait_dma2 semaphore(%arg11 : memref<!tpu.dma_semaphore, #tpu.memory_space<semaphore_mem>>) src(%dma_wait3A_120 : memref<16384xi32, #tpu.memory_space<hbm>>) dst(%dma_wait3A_118 : memref<16384xi32, #tpu.memory_space<vmem>>)
    %dma_start3A_121 = arith.constant 0 : i32
    %dma_start3A_122 = tpu.memref_slice %arg5[%dma_start3A_121] : memref<16512xf32, #tpu.memory_space<vmem>> -> memref<16384xf32, #tpu.memory_space<vmem>>
    %dma_start3A_123 = arith.constant 32768 : i32
    %dma_start3A_124 = tpu.memref_slice %arg2[%add3A_5, %dma_start3A_123] : memref<32x262144xf32, #tpu.memory_space<hbm>> -> memref<1x16384xf32, #tpu.memory_space<hbm>>
    %dma_start3A_125 = tpu.memref_squeeze %dma_start3A_124 : memref<1x16384xf32, #tpu.memory_space<hbm>> -> memref<16384xf32, #tpu.memory_space<hbm>>
    %dma_start3A_126 = arith.constant 0 : i32
    %dma_start3A_127 = tpu.memref_slice %arg5[%dma_start3A_126] : memref<16512xf32, #tpu.memory_space<vmem>> -> memref<16384xf32, #tpu.memory_space<vmem>>
    %dma_start3A_128 = arith.constant 32768 : i32
    %dma_start3A_129 = tpu.memref_slice %arg2[%add3A_5, %dma_start3A_128] : memref<32x262144xf32, #tpu.memory_space<hbm>> -> memref<1x16384xf32, #tpu.memory_space<hbm>>
    %dma_start3A_130 = tpu.memref_squeeze %dma_start3A_129 : memref<1x16384xf32, #tpu.memory_space<hbm>> -> memref<16384xf32, #tpu.memory_space<hbm>>
    tpu.enqueue_dma source(%dma_start3A_130 : memref<16384xf32, #tpu.memory_space<hbm>>) target(%dma_start3A_127 : memref<16384xf32, #tpu.memory_space<vmem>>) target_semaphore(%arg10 : memref<!tpu.dma_semaphore, #tpu.memory_space<semaphore_mem>>)
    %dma_start3A_131 = arith.constant 0 : i32
    %dma_start3A_132 = tpu.memref_slice %arg7[%dma_start3A_131] : memref<16512xi32, #tpu.memory_space<vmem>> -> memref<16384xi32, #tpu.memory_space<vmem>>
    %dma_start3A_133 = arith.constant 32768 : i32
    %dma_start3A_134 = tpu.memref_slice %arg3[%dma_start3A_133] : memref<262144xi32, #tpu.memory_space<hbm>> -> memref<16384xi32, #tpu.memory_space<hbm>>
    %dma_start3A_135 = arith.constant 0 : i32
    %dma_start3A_136 = tpu.memref_slice %arg7[%dma_start3A_135] : memref<16512xi32, #tpu.memory_space<vmem>> -> memref<16384xi32, #tpu.memory_space<vmem>>
    %dma_start3A_137 = arith.constant 32768 : i32
    %dma_start3A_138 = tpu.memref_slice %arg3[%dma_start3A_137] : memref<262144xi32, #tpu.memory_space<hbm>> -> memref<16384xi32, #tpu.memory_space<hbm>>
    tpu.enqueue_dma source(%dma_start3A_138 : memref<16384xi32, #tpu.memory_space<hbm>>) target(%dma_start3A_136 : memref<16384xi32, #tpu.memory_space<vmem>>) target_semaphore(%arg10 : memref<!tpu.dma_semaphore, #tpu.memory_space<semaphore_mem>>)
    %get3A_139 = arith.constant 0 : index
    %get3A_140 = tpu.vector_load %arg6[%get3A_139] {strides = array<i32>} : memref<16512xf32, #tpu.memory_space<vmem>>, vector<16xf32>,
    %get3A_141 = arith.constant 0 : index
    %get3A_142 = tpu.vector_load %arg8[%get3A_141] {strides = array<i32>} : memref<16512xi32, #tpu.memory_space<vmem>>, vector<16xi32>,
    %get3A_143 = arith.constant 16 : index
    %get3A_144 = tpu.vector_load %arg6[%get3A_143] {strides = array<i32>} : memref<16512xf32, #tpu.memory_space<vmem>>, vector<16xf32>,
    %get3A_145 = arith.constant 16 : index
    %get3A_146 = tpu.vector_load %arg8[%get3A_145] {strides = array<i32>} : memref<16512xi32, #tpu.memory_space<vmem>>, vector<16xi32>,
    %get3A_147 = arith.constant 32 : index
    %get3A_148 = tpu.vector_load %arg6[%get3A_147] {strides = array<i32>} : memref<16512xf32, #tpu.memory_space<vmem>>, vector<16xf32>,
    %get3A_149 = arith.constant 32 : index
    %get3A_150 = tpu.vector_load %arg8[%get3A_149] {strides = array<i32>} : memref<16512xi32, #tpu.memory_space<vmem>>, vector<16xi32>,
    %get3A_151 = arith.constant 48 : index
    %get3A_152 = tpu.vector_load %arg6[%get3A_151] {strides = array<i32>} : memref<16512xf32, #tpu.memory_space<vmem>>, vector<16xf32>,
    %get3A_153 = arith.constant 48 : index
    %get3A_154 = tpu.vector_load %arg8[%get3A_153] {strides = array<i32>} : memref<16512xi32, #tpu.memory_space<vmem>>, vector<16xi32>,
    %get3A_155 = arith.constant 64 : index
    %get3A_156 = tpu.vector_load %arg6[%get3A_155] {strides = array<i32>} : memref<16512xf32, #tpu.memory_space<vmem>>, vector<16xf32>,
    %get3A_157 = arith.constant 64 : index
    %get3A_158 = tpu.vector_load %arg8[%get3A_157] {strides = array<i32>} : memref<16512xi32, #tpu.memory_space<vmem>>, vector<16xi32>,
    %get3A_159 = arith.constant 80 : index
    %get3A_160 = tpu.vector_load %arg6[%get3A_159] {strides = array<i32>} : memref<16512xf32, #tpu.memory_space<vmem>>, vector<16xf32>,
    %get3A_161 = arith.constant 80 : index
    %get3A_162 = tpu.vector_load %arg8[%get3A_161] {strides = array<i32>} : memref<16512xi32, #tpu.memory_space<vmem>>, vector<16xi32>,
    %get3A_163 = arith.constant 96 : index
    %get3A_164 = tpu.vector_load %arg6[%get3A_163] {strides = array<i32>} : memref<16512xf32, #tpu.memory_space<vmem>>, vector<16xf32>,
    %get3A_165 = arith.constant 96 : index
    %get3A_166 = tpu.vector_load %arg8[%get3A_165] {strides = array<i32>} : memref<16512xi32, #tpu.memory_space<vmem>>, vector<16xi32>,
    %get3A_167 = arith.constant 112 : index
    %get3A_168 = tpu.vector_load %arg6[%get3A_167] {strides = array<i32>} : memref<16512xf32, #tpu.memory_space<vmem>>, vector<16xf32>,
    %get3A_169 = arith.constant 112 : index
    %get3A_170 = tpu.vector_load %arg8[%get3A_169] {strides = array<i32>} : memref<16512xi32, #tpu.memory_space<vmem>>, vector<16xi32>,
    %scan3A_171 = arith.constant 0 : i32
    %scan3A_172 = arith.constant 128 : i32
    %scan3A_173 = arith.addi %scan3A_171, %scan3A_172 : i32
    %scan3A_174 = arith.constant 1 : i32
    %scan3A_175:16 = scf.for %scan3A_1195 = %scan3A_171 to %scan3A_173 step %scan3A_174 iter_args(%scan3A_1196 = %get3A_140, %scan3A_1197 = %get3A_142, %scan3A_1198 = %get3A_144, %scan3A_1199 = %get3A_146, %scan3A_1200 = %get3A_148, %scan3A_1201 = %get3A_150, %scan3A_1202 = %get3A_152, %scan3A_1203 = %get3A_154, %scan3A_1204 = %get3A_156, %scan3A_1205 = %get3A_158, %scan3A_1206 = %get3A_160, %scan3A_1207 = %get3A_162, %scan3A_1208 = %get3A_164, %scan3A_1209 = %get3A_166, %scan3A_1210 = %get3A_168, %scan3A_1211 = %get3A_170) -> (vector<16xf32>, vector<16xi32>, vector<16xf32>, vector<16xi32>, vector<16xf32>, vector<16xi32>, vector<16xf32>, vector<16xi32>, vector<16xf32>, vector<16xi32>, vector<16xf32>, vector<16xi32>, vector<16xf32>, vector<16xi32>, vector<16xf32>, vector<16xi32>)  : i32 {
      %add3A_1212 = arith.constant 1 : i32
      %add3A_1213 = arith.addi %scan3A_1195, %add3A_1212 : i32
      %mul3A_1214 = arith.constant 128 : i32
      %mul3A_1215 = arith.muli %add3A_1213, %mul3A_1214 : i32
      %add3A_1216 = arith.constant 0 : i32
      %add3A_1217 = arith.addi %mul3A_1215, %add3A_1216 : i32
      %get3A_1218 = arith.index_cast %add3A_1217 : i32 to index
      %get3A_1219 = tpu.vector_load %arg6[%get3A_1218] {strides = array<i32>} : memref<16512xf32, #tpu.memory_space<vmem>>, vector<16xf32>,
      %get3A_1220 = arith.index_cast %add3A_1217 : i32 to index
      %get3A_1221 = tpu.vector_load %arg8[%get3A_1220] {strides = array<i32>} : memref<16512xi32, #tpu.memory_space<vmem>>, vector<16xi32>,
      %add3A_1222 = arith.constant 16 : i32
      %add3A_1223 = arith.addi %mul3A_1215, %add3A_1222 : i32
      %get3A_1224 = arith.index_cast %add3A_1223 : i32 to index
      %get3A_1225 = tpu.vector_load %arg6[%get3A_1224] {strides = array<i32>} : memref<16512xf32, #tpu.memory_space<vmem>>, vector<16xf32>,
      %get3A_1226 = arith.index_cast %add3A_1223 : i32 to index
      %get3A_1227 = tpu.vector_load %arg8[%get3A_1226] {strides = array<i32>} : memref<16512xi32, #tpu.memory_space<vmem>>, vector<16xi32>,
      %add3A_1228 = arith.constant 32 : i32
      %add3A_1229 = arith.addi %mul3A_1215, %add3A_1228 : i32
      %get3A_1230 = arith.index_cast %add3A_1229 : i32 to index
      %get3A_1231 = tpu.vector_load %arg6[%get3A_1230] {strides = array<i32>} : memref<16512xf32, #tpu.memory_space<vmem>>, vector<16xf32>,
      %get3A_1232 = arith.index_cast %add3A_1229 : i32 to index
      %get3A_1233 = tpu.vector_load %arg8[%get3A_1232] {strides = array<i32>} : memref<16512xi32, #tpu.memory_space<vmem>>, vector<16xi32>,
      %add3A_1234 = arith.constant 48 : i32
      %add3A_1235 = arith.addi %mul3A_1215, %add3A_1234 : i32
      %get3A_1236 = arith.index_cast %add3A_1235 : i32 to index
      %get3A_1237 = tpu.vector_load %arg6[%get3A_1236] {strides = array<i32>} : memref<16512xf32, #tpu.memory_space<vmem>>, vector<16xf32>,
      %get3A_1238 = arith.index_cast %add3A_1235 : i32 to index
      %get3A_1239 = tpu.vector_load %arg8[%get3A_1238] {strides = array<i32>} : memref<16512xi32, #tpu.memory_space<vmem>>, vector<16xi32>,
      %add3A_1240 = arith.constant 64 : i32
      %add3A_1241 = arith.addi %mul3A_1215, %add3A_1240 : i32
      %get3A_1242 = arith.index_cast %add3A_1241 : i32 to index
      %get3A_1243 = tpu.vector_load %arg6[%get3A_1242] {strides = array<i32>} : memref<16512xf32, #tpu.memory_space<vmem>>, vector<16xf32>,
      %get3A_1244 = arith.index_cast %add3A_1241 : i32 to index
      %get3A_1245 = tpu.vector_load %arg8[%get3A_1244] {strides = array<i32>} : memref<16512xi32, #tpu.memory_space<vmem>>, vector<16xi32>,
      %add3A_1246 = arith.constant 80 : i32
      %add3A_1247 = arith.addi %mul3A_1215, %add3A_1246 : i32
      %get3A_1248 = arith.index_cast %add3A_1247 : i32 to index
      %get3A_1249 = tpu.vector_load %arg6[%get3A_1248] {strides = array<i32>} : memref<16512xf32, #tpu.memory_space<vmem>>, vector<16xf32>,
      %get3A_1250 = arith.index_cast %add3A_1247 : i32 to index
      %get3A_1251 = tpu.vector_load %arg8[%get3A_1250] {strides = array<i32>} : memref<16512xi32, #tpu.memory_space<vmem>>, vector<16xi32>,
      %add3A_1252 = arith.constant 96 : i32
      %add3A_1253 = arith.addi %mul3A_1215, %add3A_1252 : i32
      %get3A_1254 = arith.index_cast %add3A_1253 : i32 to index
      %get3A_1255 = tpu.vector_load %arg6[%get3A_1254] {strides = array<i32>} : memref<16512xf32, #tpu.memory_space<vmem>>, vector<16xf32>,
      %get3A_1256 = arith.index_cast %add3A_1253 : i32 to index
      %get3A_1257 = tpu.vector_load %arg8[%get3A_1256] {strides = array<i32>} : memref<16512xi32, #tpu.memory_space<vmem>>, vector<16xi32>,
      %add3A_1258 = arith.constant 112 : i32
      %add3A_1259 = arith.addi %mul3A_1215, %add3A_1258 : i32
      %get3A_1260 = arith.index_cast %add3A_1259 : i32 to index
      %get3A_1261 = tpu.vector_load %arg6[%get3A_1260] {strides = array<i32>} : memref<16512xf32, #tpu.memory_space<vmem>>, vector<16xf32>,
      %get3A_1262 = arith.index_cast %add3A_1259 : i32 to index
      %get3A_1263 = tpu.vector_load %arg8[%get3A_1262] {strides = array<i32>} : memref<16512xi32, #tpu.memory_space<vmem>>, vector<16xi32>,
      %mul3A_1264 = arith.constant 128 : i32
      %mul3A_1265 = arith.muli %scan3A_1195, %mul3A_1264 : i32
      %add3A_1266 = arith.constant 16384 : i32
      %add3A_1267 = arith.addi %add3A_1266, %mul3A_1265 : i32
      %add3A_1268 = arith.constant 0 : i32
      %add3A_1269 = arith.addi %add3A_1267, %add3A_1268 : i32
      %add3A_1270 = vector.broadcast %add3A_1269 : i32 to vector<16xi32>
      %add3A_1271 = arith.addi %add3A_30, %add3A_1270 : vector<16xi32>
      %gt3A = arith.constant 5.000000e-01 : f32
      %gt3A_1272 = vector.broadcast %gt3A : f32 to vector<16xf32>
      %gt3A_1273 = arith.cmpf ogt, %scan3A_1196, %gt3A_1272 : vector<16xf32>
      tpu.vector_store_idx %arg9[%scan3A_1197], %add3A_1271 masked %gt3A_1273 : memref<8128xi32, #tpu.memory_space<vmem>>[vector<16xi32>], vector<16xi32>, vector<16xi1>
      %mul3A_1274 = arith.constant 128 : i32
      %mul3A_1275 = arith.muli %scan3A_1195, %mul3A_1274 : i32
      %add3A_1276 = arith.constant 16384 : i32
      %add3A_1277 = arith.addi %add3A_1276, %mul3A_1275 : i32
      %add3A_1278 = arith.constant 16 : i32
      %add3A_1279 = arith.addi %add3A_1277, %add3A_1278 : i32
      %add3A_1280 = vector.broadcast %add3A_1279 : i32 to vector<16xi32>
      %add3A_1281 = arith.addi %add3A_30, %add3A_1280 : vector<16xi32>
      %gt3A_1282 = arith.constant 5.000000e-01 : f32
      %gt3A_1283 = vector.broadcast %gt3A_1282 : f32 to vector<16xf32>
      %gt3A_1284 = arith.cmpf ogt, %scan3A_1198, %gt3A_1283 : vector<16xf32>
      tpu.vector_store_idx %arg9[%scan3A_1199], %add3A_1281 masked %gt3A_1284 : memref<8128xi32, #tpu.memory_space<vmem>>[vector<16xi32>], vector<16xi32>, vector<16xi1>
      %mul3A_1285 = arith.constant 128 : i32
      %mul3A_1286 = arith.muli %scan3A_1195, %mul3A_1285 : i32
      %add3A_1287 = arith.constant 16384 : i32
      %add3A_1288 = arith.addi %add3A_1287, %mul3A_1286 : i32
      %add3A_1289 = arith.constant 32 : i32
      %add3A_1290 = arith.addi %add3A_1288, %add3A_1289 : i32
      %add3A_1291 = vector.broadcast %add3A_1290 : i32 to vector<16xi32>
      %add3A_1292 = arith.addi %add3A_30, %add3A_1291 : vector<16xi32>
      %gt3A_1293 = arith.constant 5.000000e-01 : f32
      %gt3A_1294 = vector.broadcast %gt3A_1293 : f32 to vector<16xf32>
      %gt3A_1295 = arith.cmpf ogt, %scan3A_1200, %gt3A_1294 : vector<16xf32>
      tpu.vector_store_idx %arg9[%scan3A_1201], %add3A_1292 masked %gt3A_1295 : memref<8128xi32, #tpu.memory_space<vmem>>[vector<16xi32>], vector<16xi32>, vector<16xi1>
      %mul3A_1296 = arith.constant 128 : i32
      %mul3A_1297 = arith.muli %scan3A_1195, %mul3A_1296 : i32
      %add3A_1298 = arith.constant 16384 : i32
      %add3A_1299 = arith.addi %add3A_1298, %mul3A_1297 : i32
      %add3A_1300 = arith.constant 48 : i32
      %add3A_1301 = arith.addi %add3A_1299, %add3A_1300 : i32
      %add3A_1302 = vector.broadcast %add3A_1301 : i32 to vector<16xi32>
      %add3A_1303 = arith.addi %add3A_30, %add3A_1302 : vector<16xi32>
      %gt3A_1304 = arith.constant 5.000000e-01 : f32
      %gt3A_1305 = vector.broadcast %gt3A_1304 : f32 to vector<16xf32>
      %gt3A_1306 = arith.cmpf ogt, %scan3A_1202, %gt3A_1305 : vector<16xf32>
      tpu.vector_store_idx %arg9[%scan3A_1203], %add3A_1303 masked %gt3A_1306 : memref<8128xi32, #tpu.memory_space<vmem>>[vector<16xi32>], vector<16xi32>, vector<16xi1>
      %mul3A_1307 = arith.constant 128 : i32
      %mul3A_1308 = arith.muli %scan3A_1195, %mul3A_1307 : i32
      %add3A_1309 = arith.constant 16384 : i32
      %add3A_1310 = arith.addi %add3A_1309, %mul3A_1308 : i32
      %add3A_1311 = arith.constant 64 : i32
      %add3A_1312 = arith.addi %add3A_1310, %add3A_1311 : i32
      %add3A_1313 = vector.broadcast %add3A_1312 : i32 to vector<16xi32>
      %add3A_1314 = arith.addi %add3A_30, %add3A_1313 : vector<16xi32>
      %gt3A_1315 = arith.constant 5.000000e-01 : f32
      %gt3A_1316 = vector.broadcast %gt3A_1315 : f32 to vector<16xf32>
      %gt3A_1317 = arith.cmpf ogt, %scan3A_1204, %gt3A_1316 : vector<16xf32>
      tpu.vector_store_idx %arg9[%scan3A_1205], %add3A_1314 masked %gt3A_1317 : memref<8128xi32, #tpu.memory_space<vmem>>[vector<16xi32>], vector<16xi32>, vector<16xi1>
      %mul3A_1318 = arith.constant 128 : i32
      %mul3A_1319 = arith.muli %scan3A_1195, %mul3A_1318 : i32
      %add3A_1320 = arith.constant 16384 : i32
      %add3A_1321 = arith.addi %add3A_1320, %mul3A_1319 : i32
      %add3A_1322 = arith.constant 80 : i32
      %add3A_1323 = arith.addi %add3A_1321, %add3A_1322 : i32
      %add3A_1324 = vector.broadcast %add3A_1323 : i32 to vector<16xi32>
      %add3A_1325 = arith.addi %add3A_30, %add3A_1324 : vector<16xi32>
      %gt3A_1326 = arith.constant 5.000000e-01 : f32
      %gt3A_1327 = vector.broadcast %gt3A_1326 : f32 to vector<16xf32>
      %gt3A_1328 = arith.cmpf ogt, %scan3A_1206, %gt3A_1327 : vector<16xf32>
      tpu.vector_store_idx %arg9[%scan3A_1207], %add3A_1325 masked %gt3A_1328 : memref<8128xi32, #tpu.memory_space<vmem>>[vector<16xi32>], vector<16xi32>, vector<16xi1>
      %mul3A_1329 = arith.constant 128 : i32
      %mul3A_1330 = arith.muli %scan3A_1195, %mul3A_1329 : i32
      %add3A_1331 = arith.constant 16384 : i32
      %add3A_1332 = arith.addi %add3A_1331, %mul3A_1330 : i32
      %add3A_1333 = arith.constant 96 : i32
      %add3A_1334 = arith.addi %add3A_1332, %add3A_1333 : i32
      %add3A_1335 = vector.broadcast %add3A_1334 : i32 to vector<16xi32>
      %add3A_1336 = arith.addi %add3A_30, %add3A_1335 : vector<16xi32>
      %gt3A_1337 = arith.constant 5.000000e-01 : f32
      %gt3A_1338 = vector.broadcast %gt3A_1337 : f32 to vector<16xf32>
      %gt3A_1339 = arith.cmpf ogt, %scan3A_1208, %gt3A_1338 : vector<16xf32>
      tpu.vector_store_idx %arg9[%scan3A_1209], %add3A_1336 masked %gt3A_1339 : memref<8128xi32, #tpu.memory_space<vmem>>[vector<16xi32>], vector<16xi32>, vector<16xi1>
      %mul3A_1340 = arith.constant 128 : i32
      %mul3A_1341 = arith.muli %scan3A_1195, %mul3A_1340 : i32
      %add3A_1342 = arith.constant 16384 : i32
      %add3A_1343 = arith.addi %add3A_1342, %mul3A_1341 : i32
      %add3A_1344 = arith.constant 112 : i32
      %add3A_1345 = arith.addi %add3A_1343, %add3A_1344 : i32
      %add3A_1346 = vector.broadcast %add3A_1345 : i32 to vector<16xi32>
      %add3A_1347 = arith.addi %add3A_30, %add3A_1346 : vector<16xi32>
      %gt3A_1348 = arith.constant 5.000000e-01 : f32
      %gt3A_1349 = vector.broadcast %gt3A_1348 : f32 to vector<16xf32>
      %gt3A_1350 = arith.cmpf ogt, %scan3A_1210, %gt3A_1349 : vector<16xf32>
      tpu.vector_store_idx %arg9[%scan3A_1211], %add3A_1347 masked %gt3A_1350 : memref<8128xi32, #tpu.memory_space<vmem>>[vector<16xi32>], vector<16xi32>, vector<16xi1>
      scf.yield %get3A_1219, %get3A_1221, %get3A_1225, %get3A_1227, %get3A_1231, %get3A_1233, %get3A_1237, %get3A_1239, %get3A_1243, %get3A_1245, %get3A_1249, %get3A_1251, %get3A_1255, %get3A_1257, %get3A_1261, %get3A_1263 : vector<16xf32>, vector<16xi32>, vector<16xf32>, vector<16xi32>, vector<16xf32>, vector<16xi32>, vector<16xf32>, vector<16xi32>, vector<16xf32>, vector<16xi32>, vector<16xf32>, vector<16xi32>, vector<16xf32>, vector<16xi32>, vector<16xf32>, vector<16xi32>
    }
    %scan3A_176 = arith.constant 128 : i32
    %dma_wait3A_177 = arith.constant 0 : i32
    %dma_wait3A_178 = tpu.memref_slice %arg5[%dma_wait3A_177] : memref<16512xf32, #tpu.memory_space<vmem>> -> memref<16384xf32, #tpu.memory_space<vmem>>
    %dma_wait3A_179 = arith.constant 32768 : i32
    %dma_wait3A_180 = tpu.memref_slice %arg2[%add3A_5, %dma_wait3A_179] : memref<32x262144xf32, #tpu.memory_space<hbm>> -> memref<1x16384xf32, #tpu.memory_space<hbm>>
    %dma_wait3A_181 = tpu.memref_squeeze %dma_wait3A_180 : memref<1x16384xf32, #tpu.memory_space<hbm>> -> memref<16384xf32, #tpu.memory_space<hbm>>
    %dma_wait3A_182 = arith.constant 0 : i32
    %dma_wait3A_183 = tpu.memref_slice %arg5[%dma_wait3A_182] : memref<16512xf32, #tpu.memory_space<vmem>> -> memref<16384xf32, #tpu.memory_space<vmem>>
    %dma_wait3A_184 = arith.constant 32768 : i32
    %dma_wait3A_185 = tpu.memref_slice %arg2[%add3A_5, %dma_wait3A_184] : memref<32x262144xf32, #tpu.memory_space<hbm>> -> memref<1x16384xf32, #tpu.memory_space<hbm>>
    %dma_wait3A_186 = tpu.memref_squeeze %dma_wait3A_185 : memref<1x16384xf32, #tpu.memory_space<hbm>> -> memref<16384xf32, #tpu.memory_space<hbm>>
    tpu.wait_dma2 semaphore(%arg10 : memref<!tpu.dma_semaphore, #tpu.memory_space<semaphore_mem>>) src(%dma_wait3A_186 : memref<16384xf32, #tpu.memory_space<hbm>>) dst(%dma_wait3A_183 : memref<16384xf32, #tpu.memory_space<vmem>>)
    %dma_wait3A_187 = arith.constant 0 : i32
    %dma_wait3A_188 = tpu.memref_slice %arg7[%dma_wait3A_187] : memref<16512xi32, #tpu.memory_space<vmem>> -> memref<16384xi32, #tpu.memory_space<vmem>>
    %dma_wait3A_189 = arith.constant 32768 : i32
    %dma_wait3A_190 = tpu.memref_slice %arg3[%dma_wait3A_189] : memref<262144xi32, #tpu.memory_space<hbm>> -> memref<16384xi32, #tpu.memory_space<hbm>>
    %dma_wait3A_191 = arith.constant 0 : i32
    %dma_wait3A_192 = tpu.memref_slice %arg7[%dma_wait3A_191] : memref<16512xi32, #tpu.memory_space<vmem>> -> memref<16384xi32, #tpu.memory_space<vmem>>
    %dma_wait3A_193 = arith.constant 32768 : i32
    %dma_wait3A_194 = tpu.memref_slice %arg3[%dma_wait3A_193] : memref<262144xi32, #tpu.memory_space<hbm>> -> memref<16384xi32, #tpu.memory_space<hbm>>
    tpu.wait_dma2 semaphore(%arg10 : memref<!tpu.dma_semaphore, #tpu.memory_space<semaphore_mem>>) src(%dma_wait3A_194 : memref<16384xi32, #tpu.memory_space<hbm>>) dst(%dma_wait3A_192 : memref<16384xi32, #tpu.memory_space<vmem>>)
    %dma_start3A_195 = arith.constant 0 : i32
    %dma_start3A_196 = tpu.memref_slice %arg6[%dma_start3A_195] : memref<16512xf32, #tpu.memory_space<vmem>> -> memref<16384xf32, #tpu.memory_space<vmem>>
    %dma_start3A_197 = arith.constant 49152 : i32
    %dma_start3A_198 = tpu.memref_slice %arg2[%add3A_5, %dma_start3A_197] : memref<32x262144xf32, #tpu.memory_space<hbm>> -> memref<1x16384xf32, #tpu.memory_space<hbm>>
    %dma_start3A_199 = tpu.memref_squeeze %dma_start3A_198 : memref<1x16384xf32, #tpu.memory_space<hbm>> -> memref<16384xf32, #tpu.memory_space<hbm>>
    %dma_start3A_200 = arith.constant 0 : i32
    %dma_start3A_201 = tpu.memref_slice %arg6[%dma_start3A_200] : memref<16512xf32, #tpu.memory_space<vmem>> -> memref<16384xf32, #tpu.memory_space<vmem>>
    %dma_start3A_202 = arith.constant 49152 : i32
    %dma_start3A_203 = tpu.memref_slice %arg2[%add3A_5, %dma_start3A_202] : memref<32x262144xf32, #tpu.memory_space<hbm>> -> memref<1x16384xf32, #tpu.memory_space<hbm>>
    %dma_start3A_204 = tpu.memref_squeeze %dma_start3A_203 : memref<1x16384xf32, #tpu.memory_space<hbm>> -> memref<16384xf32, #tpu.memory_space<hbm>>
    tpu.enqueue_dma source(%dma_start3A_204 : memref<16384xf32, #tpu.memory_space<hbm>>) target(%dma_start3A_201 : memref<16384xf32, #tpu.memory_space<vmem>>) target_semaphore(%arg11 : memref<!tpu.dma_semaphore, #tpu.memory_space<semaphore_mem>>)
    %dma_start3A_205 = arith.constant 0 : i32
    %dma_start3A_206 = tpu.memref_slice %arg8[%dma_start3A_205] : memref<16512xi32, #tpu.memory_space<vmem>> -> memref<16384xi32, #tpu.memory_space<vmem>>
    %dma_start3A_207 = arith.constant 49152 : i32
    %dma_start3A_208 = tpu.memref_slice %arg3[%dma_start3A_207] : memref<262144xi32, #tpu.memory_space<hbm>> -> memref<16384xi32, #tpu.memory_space<hbm>>
    %dma_start3A_209 = arith.constant 0 : i32
    %dma_start3A_210 = tpu.memref_slice %arg8[%dma_start3A_209] : memref<16512xi32, #tpu.memory_space<vmem>> -> memref<16384xi32, #tpu.memory_space<vmem>>
    %dma_start3A_211 = arith.constant 49152 : i32
    %dma_start3A_212 = tpu.memref_slice %arg3[%dma_start3A_211] : memref<262144xi32, #tpu.memory_space<hbm>> -> memref<16384xi32, #tpu.memory_space<hbm>>
    tpu.enqueue_dma source(%dma_start3A_212 : memref<16384xi32, #tpu.memory_space<hbm>>) target(%dma_start3A_210 : memref<16384xi32, #tpu.memory_space<vmem>>) target_semaphore(%arg11 : memref<!tpu.dma_semaphore, #tpu.memory_space<semaphore_mem>>)
    %get3A_213 = arith.constant 0 : index
    %get3A_214 = tpu.vector_load %arg5[%get3A_213] {strides = array<i32>} : memref<16512xf32, #tpu.memory_space<vmem>>, vector<16xf32>,
    %get3A_215 = arith.constant 0 : index
    %get3A_216 = tpu.vector_load %arg7[%get3A_215] {strides = array<i32>} : memref<16512xi32, #tpu.memory_space<vmem>>, vector<16xi32>,
    %get3A_217 = arith.constant 16 : index
    %get3A_218 = tpu.vector_load %arg5[%get3A_217] {strides = array<i32>} : memref<16512xf32, #tpu.memory_space<vmem>>, vector<16xf32>,
    %get3A_219 = arith.constant 16 : index
    %get3A_220 = tpu.vector_load %arg7[%get3A_219] {strides = array<i32>} : memref<16512xi32, #tpu.memory_space<vmem>>, vector<16xi32>,
    %get3A_221 = arith.constant 32 : index
    %get3A_222 = tpu.vector_load %arg5[%get3A_221] {strides = array<i32>} : memref<16512xf32, #tpu.memory_space<vmem>>, vector<16xf32>,
    %get3A_223 = arith.constant 32 : index
    %get3A_224 = tpu.vector_load %arg7[%get3A_223] {strides = array<i32>} : memref<16512xi32, #tpu.memory_space<vmem>>, vector<16xi32>,
    %get3A_225 = arith.constant 48 : index
    %get3A_226 = tpu.vector_load %arg5[%get3A_225] {strides = array<i32>} : memref<16512xf32, #tpu.memory_space<vmem>>, vector<16xf32>,
    %get3A_227 = arith.constant 48 : index
    %get3A_228 = tpu.vector_load %arg7[%get3A_227] {strides = array<i32>} : memref<16512xi32, #tpu.memory_space<vmem>>, vector<16xi32>,
    %get3A_229 = arith.constant 64 : index
    %get3A_230 = tpu.vector_load %arg5[%get3A_229] {strides = array<i32>} : memref<16512xf32, #tpu.memory_space<vmem>>, vector<16xf32>,
    %get3A_231 = arith.constant 64 : index
    %get3A_232 = tpu.vector_load %arg7[%get3A_231] {strides = array<i32>} : memref<16512xi32, #tpu.memory_space<vmem>>, vector<16xi32>,
    %get3A_233 = arith.constant 80 : index
    %get3A_234 = tpu.vector_load %arg5[%get3A_233] {strides = array<i32>} : memref<16512xf32, #tpu.memory_space<vmem>>, vector<16xf32>,
    %get3A_235 = arith.constant 80 : index
    %get3A_236 = tpu.vector_load %arg7[%get3A_235] {strides = array<i32>} : memref<16512xi32, #tpu.memory_space<vmem>>, vector<16xi32>,
    %get3A_237 = arith.constant 96 : index
    %get3A_238 = tpu.vector_load %arg5[%get3A_237] {strides = array<i32>} : memref<16512xf32, #tpu.memory_space<vmem>>, vector<16xf32>,
    %get3A_239 = arith.constant 96 : index
    %get3A_240 = tpu.vector_load %arg7[%get3A_239] {strides = array<i32>} : memref<16512xi32, #tpu.memory_space<vmem>>, vector<16xi32>,
    %get3A_241 = arith.constant 112 : index
    %get3A_242 = tpu.vector_load %arg5[%get3A_241] {strides = array<i32>} : memref<16512xf32, #tpu.memory_space<vmem>>, vector<16xf32>,
    %get3A_243 = arith.constant 112 : index
    %get3A_244 = tpu.vector_load %arg7[%get3A_243] {strides = array<i32>} : memref<16512xi32, #tpu.memory_space<vmem>>, vector<16xi32>,
    %scan3A_245 = arith.constant 0 : i32
    %scan3A_246 = arith.constant 128 : i32
    %scan3A_247 = arith.addi %scan3A_245, %scan3A_246 : i32
    %scan3A_248 = arith.constant 1 : i32
    %scan3A_249:16 = scf.for %scan3A_1195 = %scan3A_245 to %scan3A_247 step %scan3A_248 iter_args(%scan3A_1196 = %get3A_214, %scan3A_1197 = %get3A_216, %scan3A_1198 = %get3A_218, %scan3A_1199 = %get3A_220, %scan3A_1200 = %get3A_222, %scan3A_1201 = %get3A_224, %scan3A_1202 = %get3A_226, %scan3A_1203 = %get3A_228, %scan3A_1204 = %get3A_230, %scan3A_1205 = %get3A_232, %scan3A_1206 = %get3A_234, %scan3A_1207 = %get3A_236, %scan3A_1208 = %get3A_238, %scan3A_1209 = %get3A_240, %scan3A_1210 = %get3A_242, %scan3A_1211 = %get3A_244) -> (vector<16xf32>, vector<16xi32>, vector<16xf32>, vector<16xi32>, vector<16xf32>, vector<16xi32>, vector<16xf32>, vector<16xi32>, vector<16xf32>, vector<16xi32>, vector<16xf32>, vector<16xi32>, vector<16xf32>, vector<16xi32>, vector<16xf32>, vector<16xi32>)  : i32 {
      %add3A_1212 = arith.constant 1 : i32
      %add3A_1213 = arith.addi %scan3A_1195, %add3A_1212 : i32
      %mul3A_1214 = arith.constant 128 : i32
      %mul3A_1215 = arith.muli %add3A_1213, %mul3A_1214 : i32
      %add3A_1216 = arith.constant 0 : i32
      %add3A_1217 = arith.addi %mul3A_1215, %add3A_1216 : i32
      %get3A_1218 = arith.index_cast %add3A_1217 : i32 to index
      %get3A_1219 = tpu.vector_load %arg5[%get3A_1218] {strides = array<i32>} : memref<16512xf32, #tpu.memory_space<vmem>>, vector<16xf32>,
      %get3A_1220 = arith.index_cast %add3A_1217 : i32 to index
      %get3A_1221 = tpu.vector_load %arg7[%get3A_1220] {strides = array<i32>} : memref<16512xi32, #tpu.memory_space<vmem>>, vector<16xi32>,
      %add3A_1222 = arith.constant 16 : i32
      %add3A_1223 = arith.addi %mul3A_1215, %add3A_1222 : i32
      %get3A_1224 = arith.index_cast %add3A_1223 : i32 to index
      %get3A_1225 = tpu.vector_load %arg5[%get3A_1224] {strides = array<i32>} : memref<16512xf32, #tpu.memory_space<vmem>>, vector<16xf32>,
      %get3A_1226 = arith.index_cast %add3A_1223 : i32 to index
      %get3A_1227 = tpu.vector_load %arg7[%get3A_1226] {strides = array<i32>} : memref<16512xi32, #tpu.memory_space<vmem>>, vector<16xi32>,
      %add3A_1228 = arith.constant 32 : i32
      %add3A_1229 = arith.addi %mul3A_1215, %add3A_1228 : i32
      %get3A_1230 = arith.index_cast %add3A_1229 : i32 to index
      %get3A_1231 = tpu.vector_load %arg5[%get3A_1230] {strides = array<i32>} : memref<16512xf32, #tpu.memory_space<vmem>>, vector<16xf32>,
      %get3A_1232 = arith.index_cast %add3A_1229 : i32 to index
      %get3A_1233 = tpu.vector_load %arg7[%get3A_1232] {strides = array<i32>} : memref<16512xi32, #tpu.memory_space<vmem>>, vector<16xi32>,
      %add3A_1234 = arith.constant 48 : i32
      %add3A_1235 = arith.addi %mul3A_1215, %add3A_1234 : i32
      %get3A_1236 = arith.index_cast %add3A_1235 : i32 to index
      %get3A_1237 = tpu.vector_load %arg5[%get3A_1236] {strides = array<i32>} : memref<16512xf32, #tpu.memory_space<vmem>>, vector<16xf32>,
      %get3A_1238 = arith.index_cast %add3A_1235 : i32 to index
      %get3A_1239 = tpu.vector_load %arg7[%get3A_1238] {strides = array<i32>} : memref<16512xi32, #tpu.memory_space<vmem>>, vector<16xi32>,
      %add3A_1240 = arith.constant 64 : i32
      %add3A_1241 = arith.addi %mul3A_1215, %add3A_1240 : i32
      %get3A_1242 = arith.index_cast %add3A_1241 : i32 to index
      %get3A_1243 = tpu.vector_load %arg5[%get3A_1242] {strides = array<i32>} : memref<16512xf32, #tpu.memory_space<vmem>>, vector<16xf32>,
      %get3A_1244 = arith.index_cast %add3A_1241 : i32 to index
      %get3A_1245 = tpu.vector_load %arg7[%get3A_1244] {strides = array<i32>} : memref<16512xi32, #tpu.memory_space<vmem>>, vector<16xi32>,
      %add3A_1246 = arith.constant 80 : i32
      %add3A_1247 = arith.addi %mul3A_1215, %add3A_1246 : i32
      %get3A_1248 = arith.index_cast %add3A_1247 : i32 to index
      %get3A_1249 = tpu.vector_load %arg5[%get3A_1248] {strides = array<i32>} : memref<16512xf32, #tpu.memory_space<vmem>>, vector<16xf32>,
      %get3A_1250 = arith.index_cast %add3A_1247 : i32 to index
      %get3A_1251 = tpu.vector_load %arg7[%get3A_1250] {strides = array<i32>} : memref<16512xi32, #tpu.memory_space<vmem>>, vector<16xi32>,
      %add3A_1252 = arith.constant 96 : i32
      %add3A_1253 = arith.addi %mul3A_1215, %add3A_1252 : i32
      %get3A_1254 = arith.index_cast %add3A_1253 : i32 to index
      %get3A_1255 = tpu.vector_load %arg5[%get3A_1254] {strides = array<i32>} : memref<16512xf32, #tpu.memory_space<vmem>>, vector<16xf32>,
      %get3A_1256 = arith.index_cast %add3A_1253 : i32 to index
      %get3A_1257 = tpu.vector_load %arg7[%get3A_1256] {strides = array<i32>} : memref<16512xi32, #tpu.memory_space<vmem>>, vector<16xi32>,
      %add3A_1258 = arith.constant 112 : i32
      %add3A_1259 = arith.addi %mul3A_1215, %add3A_1258 : i32
      %get3A_1260 = arith.index_cast %add3A_1259 : i32 to index
      %get3A_1261 = tpu.vector_load %arg5[%get3A_1260] {strides = array<i32>} : memref<16512xf32, #tpu.memory_space<vmem>>, vector<16xf32>,
      %get3A_1262 = arith.index_cast %add3A_1259 : i32 to index
      %get3A_1263 = tpu.vector_load %arg7[%get3A_1262] {strides = array<i32>} : memref<16512xi32, #tpu.memory_space<vmem>>, vector<16xi32>,
      %mul3A_1264 = arith.constant 128 : i32
      %mul3A_1265 = arith.muli %scan3A_1195, %mul3A_1264 : i32
      %add3A_1266 = arith.constant 32768 : i32
      %add3A_1267 = arith.addi %add3A_1266, %mul3A_1265 : i32
      %add3A_1268 = arith.constant 0 : i32
      %add3A_1269 = arith.addi %add3A_1267, %add3A_1268 : i32
      %add3A_1270 = vector.broadcast %add3A_1269 : i32 to vector<16xi32>
      %add3A_1271 = arith.addi %add3A_30, %add3A_1270 : vector<16xi32>
      %gt3A = arith.constant 5.000000e-01 : f32
      %gt3A_1272 = vector.broadcast %gt3A : f32 to vector<16xf32>
      %gt3A_1273 = arith.cmpf ogt, %scan3A_1196, %gt3A_1272 : vector<16xf32>
      tpu.vector_store_idx %arg9[%scan3A_1197], %add3A_1271 masked %gt3A_1273 : memref<8128xi32, #tpu.memory_space<vmem>>[vector<16xi32>], vector<16xi32>, vector<16xi1>
      %mul3A_1274 = arith.constant 128 : i32
      %mul3A_1275 = arith.muli %scan3A_1195, %mul3A_1274 : i32
      %add3A_1276 = arith.constant 32768 : i32
      %add3A_1277 = arith.addi %add3A_1276, %mul3A_1275 : i32
      %add3A_1278 = arith.constant 16 : i32
      %add3A_1279 = arith.addi %add3A_1277, %add3A_1278 : i32
      %add3A_1280 = vector.broadcast %add3A_1279 : i32 to vector<16xi32>
      %add3A_1281 = arith.addi %add3A_30, %add3A_1280 : vector<16xi32>
      %gt3A_1282 = arith.constant 5.000000e-01 : f32
      %gt3A_1283 = vector.broadcast %gt3A_1282 : f32 to vector<16xf32>
      %gt3A_1284 = arith.cmpf ogt, %scan3A_1198, %gt3A_1283 : vector<16xf32>
      tpu.vector_store_idx %arg9[%scan3A_1199], %add3A_1281 masked %gt3A_1284 : memref<8128xi32, #tpu.memory_space<vmem>>[vector<16xi32>], vector<16xi32>, vector<16xi1>
      %mul3A_1285 = arith.constant 128 : i32
      %mul3A_1286 = arith.muli %scan3A_1195, %mul3A_1285 : i32
      %add3A_1287 = arith.constant 32768 : i32
      %add3A_1288 = arith.addi %add3A_1287, %mul3A_1286 : i32
      %add3A_1289 = arith.constant 32 : i32
      %add3A_1290 = arith.addi %add3A_1288, %add3A_1289 : i32
      %add3A_1291 = vector.broadcast %add3A_1290 : i32 to vector<16xi32>
      %add3A_1292 = arith.addi %add3A_30, %add3A_1291 : vector<16xi32>
      %gt3A_1293 = arith.constant 5.000000e-01 : f32
      %gt3A_1294 = vector.broadcast %gt3A_1293 : f32 to vector<16xf32>
      %gt3A_1295 = arith.cmpf ogt, %scan3A_1200, %gt3A_1294 : vector<16xf32>
      tpu.vector_store_idx %arg9[%scan3A_1201], %add3A_1292 masked %gt3A_1295 : memref<8128xi32, #tpu.memory_space<vmem>>[vector<16xi32>], vector<16xi32>, vector<16xi1>
      %mul3A_1296 = arith.constant 128 : i32
      %mul3A_1297 = arith.muli %scan3A_1195, %mul3A_1296 : i32
      %add3A_1298 = arith.constant 32768 : i32
      %add3A_1299 = arith.addi %add3A_1298, %mul3A_1297 : i32
      %add3A_1300 = arith.constant 48 : i32
      %add3A_1301 = arith.addi %add3A_1299, %add3A_1300 : i32
      %add3A_1302 = vector.broadcast %add3A_1301 : i32 to vector<16xi32>
      %add3A_1303 = arith.addi %add3A_30, %add3A_1302 : vector<16xi32>
      %gt3A_1304 = arith.constant 5.000000e-01 : f32
      %gt3A_1305 = vector.broadcast %gt3A_1304 : f32 to vector<16xf32>
      %gt3A_1306 = arith.cmpf ogt, %scan3A_1202, %gt3A_1305 : vector<16xf32>
      tpu.vector_store_idx %arg9[%scan3A_1203], %add3A_1303 masked %gt3A_1306 : memref<8128xi32, #tpu.memory_space<vmem>>[vector<16xi32>], vector<16xi32>, vector<16xi1>
      %mul3A_1307 = arith.constant 128 : i32
      %mul3A_1308 = arith.muli %scan3A_1195, %mul3A_1307 : i32
      %add3A_1309 = arith.constant 32768 : i32
      %add3A_1310 = arith.addi %add3A_1309, %mul3A_1308 : i32
      %add3A_1311 = arith.constant 64 : i32
      %add3A_1312 = arith.addi %add3A_1310, %add3A_1311 : i32
      %add3A_1313 = vector.broadcast %add3A_1312 : i32 to vector<16xi32>
      %add3A_1314 = arith.addi %add3A_30, %add3A_1313 : vector<16xi32>
      %gt3A_1315 = arith.constant 5.000000e-01 : f32
      %gt3A_1316 = vector.broadcast %gt3A_1315 : f32 to vector<16xf32>
      %gt3A_1317 = arith.cmpf ogt, %scan3A_1204, %gt3A_1316 : vector<16xf32>
      tpu.vector_store_idx %arg9[%scan3A_1205], %add3A_1314 masked %gt3A_1317 : memref<8128xi32, #tpu.memory_space<vmem>>[vector<16xi32>], vector<16xi32>, vector<16xi1>
      %mul3A_1318 = arith.constant 128 : i32
      %mul3A_1319 = arith.muli %scan3A_1195, %mul3A_1318 : i32
      %add3A_1320 = arith.constant 32768 : i32
      %add3A_1321 = arith.addi %add3A_1320, %mul3A_1319 : i32
      %add3A_1322 = arith.constant 80 : i32
      %add3A_1323 = arith.addi %add3A_1321, %add3A_1322 : i32
      %add3A_1324 = vector.broadcast %add3A_1323 : i32 to vector<16xi32>
      %add3A_1325 = arith.addi %add3A_30, %add3A_1324 : vector<16xi32>
      %gt3A_1326 = arith.constant 5.000000e-01 : f32
      %gt3A_1327 = vector.broadcast %gt3A_1326 : f32 to vector<16xf32>
      %gt3A_1328 = arith.cmpf ogt, %scan3A_1206, %gt3A_1327 : vector<16xf32>
      tpu.vector_store_idx %arg9[%scan3A_1207], %add3A_1325 masked %gt3A_1328 : memref<8128xi32, #tpu.memory_space<vmem>>[vector<16xi32>], vector<16xi32>, vector<16xi1>
      %mul3A_1329 = arith.constant 128 : i32
      %mul3A_1330 = arith.muli %scan3A_1195, %mul3A_1329 : i32
      %add3A_1331 = arith.constant 32768 : i32
      %add3A_1332 = arith.addi %add3A_1331, %mul3A_1330 : i32
      %add3A_1333 = arith.constant 96 : i32
      %add3A_1334 = arith.addi %add3A_1332, %add3A_1333 : i32
      %add3A_1335 = vector.broadcast %add3A_1334 : i32 to vector<16xi32>
      %add3A_1336 = arith.addi %add3A_30, %add3A_1335 : vector<16xi32>
      %gt3A_1337 = arith.constant 5.000000e-01 : f32
      %gt3A_1338 = vector.broadcast %gt3A_1337 : f32 to vector<16xf32>
      %gt3A_1339 = arith.cmpf ogt, %scan3A_1208, %gt3A_1338 : vector<16xf32>
      tpu.vector_store_idx %arg9[%scan3A_1209], %add3A_1336 masked %gt3A_1339 : memref<8128xi32, #tpu.memory_space<vmem>>[vector<16xi32>], vector<16xi32>, vector<16xi1>
      %mul3A_1340 = arith.constant 128 : i32
      %mul3A_1341 = arith.muli %scan3A_1195, %mul3A_1340 : i32
      %add3A_1342 = arith.constant 32768 : i32
      %add3A_1343 = arith.addi %add3A_1342, %mul3A_1341 : i32
      %add3A_1344 = arith.constant 112 : i32
      %add3A_1345 = arith.addi %add3A_1343, %add3A_1344 : i32
      %add3A_1346 = vector.broadcast %add3A_1345 : i32 to vector<16xi32>
      %add3A_1347 = arith.addi %add3A_30, %add3A_1346 : vector<16xi32>
      %gt3A_1348 = arith.constant 5.000000e-01 : f32
      %gt3A_1349 = vector.broadcast %gt3A_1348 : f32 to vector<16xf32>
      %gt3A_1350 = arith.cmpf ogt, %scan3A_1210, %gt3A_1349 : vector<16xf32>
      tpu.vector_store_idx %arg9[%scan3A_1211], %add3A_1347 masked %gt3A_1350 : memref<8128xi32, #tpu.memory_space<vmem>>[vector<16xi32>], vector<16xi32>, vector<16xi1>
      scf.yield %get3A_1219, %get3A_1221, %get3A_1225, %get3A_1227, %get3A_1231, %get3A_1233, %get3A_1237, %get3A_1239, %get3A_1243, %get3A_1245, %get3A_1249, %get3A_1251, %get3A_1255, %get3A_1257, %get3A_1261, %get3A_1263 : vector<16xf32>, vector<16xi32>, vector<16xf32>, vector<16xi32>, vector<16xf32>, vector<16xi32>, vector<16xf32>, vector<16xi32>, vector<16xf32>, vector<16xi32>, vector<16xf32>, vector<16xi32>, vector<16xf32>, vector<16xi32>, vector<16xf32>, vector<16xi32>
    }
    %scan3A_250 = arith.constant 128 : i32
    %dma_wait3A_251 = arith.constant 0 : i32
    %dma_wait3A_252 = tpu.memref_slice %arg6[%dma_wait3A_251] : memref<16512xf32, #tpu.memory_space<vmem>> -> memref<16384xf32, #tpu.memory_space<vmem>>
    %dma_wait3A_253 = arith.constant 49152 : i32
    %dma_wait3A_254 = tpu.memref_slice %arg2[%add3A_5, %dma_wait3A_253] : memref<32x262144xf32, #tpu.memory_space<hbm>> -> memref<1x16384xf32, #tpu.memory_space<hbm>>
    %dma_wait3A_255 = tpu.memref_squeeze %dma_wait3A_254 : memref<1x16384xf32, #tpu.memory_space<hbm>> -> memref<16384xf32, #tpu.memory_space<hbm>>
    %dma_wait3A_256 = arith.constant 0 : i32
    %dma_wait3A_257 = tpu.memref_slice %arg6[%dma_wait3A_256] : memref<16512xf32, #tpu.memory_space<vmem>> -> memref<16384xf32, #tpu.memory_space<vmem>>
    %dma_wait3A_258 = arith.constant 49152 : i32
    %dma_wait3A_259 = tpu.memref_slice %arg2[%add3A_5, %dma_wait3A_258] : memref<32x262144xf32, #tpu.memory_space<hbm>> -> memref<1x16384xf32, #tpu.memory_space<hbm>>
    %dma_wait3A_260 = tpu.memref_squeeze %dma_wait3A_259 : memref<1x16384xf32, #tpu.memory_space<hbm>> -> memref<16384xf32, #tpu.memory_space<hbm>>
    tpu.wait_dma2 semaphore(%arg11 : memref<!tpu.dma_semaphore, #tpu.memory_space<semaphore_mem>>) src(%dma_wait3A_260 : memref<16384xf32, #tpu.memory_space<hbm>>) dst(%dma_wait3A_257 : memref<16384xf32, #tpu.memory_space<vmem>>)
    %dma_wait3A_261 = arith.constant 0 : i32
    %dma_wait3A_262 = tpu.memref_slice %arg8[%dma_wait3A_261] : memref<16512xi32, #tpu.memory_space<vmem>> -> memref<16384xi32, #tpu.memory_space<vmem>>
    %dma_wait3A_263 = arith.constant 49152 : i32
    %dma_wait3A_264 = tpu.memref_slice %arg3[%dma_wait3A_263] : memref<262144xi32, #tpu.memory_space<hbm>> -> memref<16384xi32, #tpu.memory_space<hbm>>
    %dma_wait3A_265 = arith.constant 0 : i32
    %dma_wait3A_266 = tpu.memref_slice %arg8[%dma_wait3A_265] : memref<16512xi32, #tpu.memory_space<vmem>> -> memref<16384xi32, #tpu.memory_space<vmem>>
    %dma_wait3A_267 = arith.constant 49152 : i32
    %dma_wait3A_268 = tpu.memref_slice %arg3[%dma_wait3A_267] : memref<262144xi32, #tpu.memory_space<hbm>> -> memref<16384xi32, #tpu.memory_space<hbm>>
    tpu.wait_dma2 semaphore(%arg11 : memref<!tpu.dma_semaphore, #tpu.memory_space<semaphore_mem>>) src(%dma_wait3A_268 : memref<16384xi32, #tpu.memory_space<hbm>>) dst(%dma_wait3A_266 : memref<16384xi32, #tpu.memory_space<vmem>>)
    %dma_start3A_269 = arith.constant 0 : i32
    %dma_start3A_270 = tpu.memref_slice %arg5[%dma_start3A_269] : memref<16512xf32, #tpu.memory_space<vmem>> -> memref<16384xf32, #tpu.memory_space<vmem>>
    %dma_start3A_271 = arith.constant 65536 : i32
    %dma_start3A_272 = tpu.memref_slice %arg2[%add3A_5, %dma_start3A_271] : memref<32x262144xf32, #tpu.memory_space<hbm>> -> memref<1x16384xf32, #tpu.memory_space<hbm>>
    %dma_start3A_273 = tpu.memref_squeeze %dma_start3A_272 : memref<1x16384xf32, #tpu.memory_space<hbm>> -> memref<16384xf32, #tpu.memory_space<hbm>>
    %dma_start3A_274 = arith.constant 0 : i32
    %dma_start3A_275 = tpu.memref_slice %arg5[%dma_start3A_274] : memref<16512xf32, #tpu.memory_space<vmem>> -> memref<16384xf32, #tpu.memory_space<vmem>>
    %dma_start3A_276 = arith.constant 65536 : i32
    %dma_start3A_277 = tpu.memref_slice %arg2[%add3A_5, %dma_start3A_276] : memref<32x262144xf32, #tpu.memory_space<hbm>> -> memref<1x16384xf32, #tpu.memory_space<hbm>>
    %dma_start3A_278 = tpu.memref_squeeze %dma_start3A_277 : memref<1x16384xf32, #tpu.memory_space<hbm>> -> memref<16384xf32, #tpu.memory_space<hbm>>
    tpu.enqueue_dma source(%dma_start3A_278 : memref<16384xf32, #tpu.memory_space<hbm>>) target(%dma_start3A_275 : memref<16384xf32, #tpu.memory_space<vmem>>) target_semaphore(%arg10 : memref<!tpu.dma_semaphore, #tpu.memory_space<semaphore_mem>>)
    %dma_start3A_279 = arith.constant 0 : i32
    %dma_start3A_280 = tpu.memref_slice %arg7[%dma_start3A_279] : memref<16512xi32, #tpu.memory_space<vmem>> -> memref<16384xi32, #tpu.memory_space<vmem>>
    %dma_start3A_281 = arith.constant 65536 : i32
    %dma_start3A_282 = tpu.memref_slice %arg3[%dma_start3A_281] : memref<262144xi32, #tpu.memory_space<hbm>> -> memref<16384xi32, #tpu.memory_space<hbm>>
    %dma_start3A_283 = arith.constant 0 : i32
    %dma_start3A_284 = tpu.memref_slice %arg7[%dma_start3A_283] : memref<16512xi32, #tpu.memory_space<vmem>> -> memref<16384xi32, #tpu.memory_space<vmem>>
    %dma_start3A_285 = arith.constant 65536 : i32
    %dma_start3A_286 = tpu.memref_slice %arg3[%dma_start3A_285] : memref<262144xi32, #tpu.memory_space<hbm>> -> memref<16384xi32, #tpu.memory_space<hbm>>
    tpu.enqueue_dma source(%dma_start3A_286 : memref<16384xi32, #tpu.memory_space<hbm>>) target(%dma_start3A_284 : memref<16384xi32, #tpu.memory_space<vmem>>) target_semaphore(%arg10 : memref<!tpu.dma_semaphore, #tpu.memory_space<semaphore_mem>>)
    %get3A_287 = arith.constant 0 : index
    %get3A_288 = tpu.vector_load %arg6[%get3A_287] {strides = array<i32>} : memref<16512xf32, #tpu.memory_space<vmem>>, vector<16xf32>,
    %get3A_289 = arith.constant 0 : index
    %get3A_290 = tpu.vector_load %arg8[%get3A_289] {strides = array<i32>} : memref<16512xi32, #tpu.memory_space<vmem>>, vector<16xi32>,
    %get3A_291 = arith.constant 16 : index
    %get3A_292 = tpu.vector_load %arg6[%get3A_291] {strides = array<i32>} : memref<16512xf32, #tpu.memory_space<vmem>>, vector<16xf32>,
    %get3A_293 = arith.constant 16 : index
    %get3A_294 = tpu.vector_load %arg8[%get3A_293] {strides = array<i32>} : memref<16512xi32, #tpu.memory_space<vmem>>, vector<16xi32>,
    %get3A_295 = arith.constant 32 : index
    %get3A_296 = tpu.vector_load %arg6[%get3A_295] {strides = array<i32>} : memref<16512xf32, #tpu.memory_space<vmem>>, vector<16xf32>,
    %get3A_297 = arith.constant 32 : index
    %get3A_298 = tpu.vector_load %arg8[%get3A_297] {strides = array<i32>} : memref<16512xi32, #tpu.memory_space<vmem>>, vector<16xi32>,
    %get3A_299 = arith.constant 48 : index
    %get3A_300 = tpu.vector_load %arg6[%get3A_299] {strides = array<i32>} : memref<16512xf32, #tpu.memory_space<vmem>>, vector<16xf32>,
    %get3A_301 = arith.constant 48 : index
    %get3A_302 = tpu.vector_load %arg8[%get3A_301] {strides = array<i32>} : memref<16512xi32, #tpu.memory_space<vmem>>, vector<16xi32>,
    %get3A_303 = arith.constant 64 : index
    %get3A_304 = tpu.vector_load %arg6[%get3A_303] {strides = array<i32>} : memref<16512xf32, #tpu.memory_space<vmem>>, vector<16xf32>,
    %get3A_305 = arith.constant 64 : index
    %get3A_306 = tpu.vector_load %arg8[%get3A_305] {strides = array<i32>} : memref<16512xi32, #tpu.memory_space<vmem>>, vector<16xi32>,
    %get3A_307 = arith.constant 80 : index
    %get3A_308 = tpu.vector_load %arg6[%get3A_307] {strides = array<i32>} : memref<16512xf32, #tpu.memory_space<vmem>>, vector<16xf32>,
    %get3A_309 = arith.constant 80 : index
    %get3A_310 = tpu.vector_load %arg8[%get3A_309] {strides = array<i32>} : memref<16512xi32, #tpu.memory_space<vmem>>, vector<16xi32>,
    %get3A_311 = arith.constant 96 : index
    %get3A_312 = tpu.vector_load %arg6[%get3A_311] {strides = array<i32>} : memref<16512xf32, #tpu.memory_space<vmem>>, vector<16xf32>,
    %get3A_313 = arith.constant 96 : index
    %get3A_314 = tpu.vector_load %arg8[%get3A_313] {strides = array<i32>} : memref<16512xi32, #tpu.memory_space<vmem>>, vector<16xi32>,
    %get3A_315 = arith.constant 112 : index
    %get3A_316 = tpu.vector_load %arg6[%get3A_315] {strides = array<i32>} : memref<16512xf32, #tpu.memory_space<vmem>>, vector<16xf32>,
    %get3A_317 = arith.constant 112 : index
    %get3A_318 = tpu.vector_load %arg8[%get3A_317] {strides = array<i32>} : memref<16512xi32, #tpu.memory_space<vmem>>, vector<16xi32>,
    %scan3A_319 = arith.constant 0 : i32
    %scan3A_320 = arith.constant 128 : i32
    %scan3A_321 = arith.addi %scan3A_319, %scan3A_320 : i32
    %scan3A_322 = arith.constant 1 : i32
    %scan3A_323:16 = scf.for %scan3A_1195 = %scan3A_319 to %scan3A_321 step %scan3A_322 iter_args(%scan3A_1196 = %get3A_288, %scan3A_1197 = %get3A_290, %scan3A_1198 = %get3A_292, %scan3A_1199 = %get3A_294, %scan3A_1200 = %get3A_296, %scan3A_1201 = %get3A_298, %scan3A_1202 = %get3A_300, %scan3A_1203 = %get3A_302, %scan3A_1204 = %get3A_304, %scan3A_1205 = %get3A_306, %scan3A_1206 = %get3A_308, %scan3A_1207 = %get3A_310, %scan3A_1208 = %get3A_312, %scan3A_1209 = %get3A_314, %scan3A_1210 = %get3A_316, %scan3A_1211 = %get3A_318) -> (vector<16xf32>, vector<16xi32>, vector<16xf32>, vector<16xi32>, vector<16xf32>, vector<16xi32>, vector<16xf32>, vector<16xi32>, vector<16xf32>, vector<16xi32>, vector<16xf32>, vector<16xi32>, vector<16xf32>, vector<16xi32>, vector<16xf32>, vector<16xi32>)  : i32 {
      %add3A_1212 = arith.constant 1 : i32
      %add3A_1213 = arith.addi %scan3A_1195, %add3A_1212 : i32
      %mul3A_1214 = arith.constant 128 : i32
      %mul3A_1215 = arith.muli %add3A_1213, %mul3A_1214 : i32
      %add3A_1216 = arith.constant 0 : i32
      %add3A_1217 = arith.addi %mul3A_1215, %add3A_1216 : i32
      %get3A_1218 = arith.index_cast %add3A_1217 : i32 to index
      %get3A_1219 = tpu.vector_load %arg6[%get3A_1218] {strides = array<i32>} : memref<16512xf32, #tpu.memory_space<vmem>>, vector<16xf32>,
      %get3A_1220 = arith.index_cast %add3A_1217 : i32 to index
      %get3A_1221 = tpu.vector_load %arg8[%get3A_1220] {strides = array<i32>} : memref<16512xi32, #tpu.memory_space<vmem>>, vector<16xi32>,
      %add3A_1222 = arith.constant 16 : i32
      %add3A_1223 = arith.addi %mul3A_1215, %add3A_1222 : i32
      %get3A_1224 = arith.index_cast %add3A_1223 : i32 to index
      %get3A_1225 = tpu.vector_load %arg6[%get3A_1224] {strides = array<i32>} : memref<16512xf32, #tpu.memory_space<vmem>>, vector<16xf32>,
      %get3A_1226 = arith.index_cast %add3A_1223 : i32 to index
      %get3A_1227 = tpu.vector_load %arg8[%get3A_1226] {strides = array<i32>} : memref<16512xi32, #tpu.memory_space<vmem>>, vector<16xi32>,
      %add3A_1228 = arith.constant 32 : i32
      %add3A_1229 = arith.addi %mul3A_1215, %add3A_1228 : i32
      %get3A_1230 = arith.index_cast %add3A_1229 : i32 to index
      %get3A_1231 = tpu.vector_load %arg6[%get3A_1230] {strides = array<i32>} : memref<16512xf32, #tpu.memory_space<vmem>>, vector<16xf32>,
      %get3A_1232 = arith.index_cast %add3A_1229 : i32 to index
      %get3A_1233 = tpu.vector_load %arg8[%get3A_1232] {strides = array<i32>} : memref<16512xi32, #tpu.memory_space<vmem>>, vector<16xi32>,
      %add3A_1234 = arith.constant 48 : i32
      %add3A_1235 = arith.addi %mul3A_1215, %add3A_1234 : i32
      %get3A_1236 = arith.index_cast %add3A_1235 : i32 to index
      %get3A_1237 = tpu.vector_load %arg6[%get3A_1236] {strides = array<i32>} : memref<16512xf32, #tpu.memory_space<vmem>>, vector<16xf32>,
      %get3A_1238 = arith.index_cast %add3A_1235 : i32 to index
      %get3A_1239 = tpu.vector_load %arg8[%get3A_1238] {strides = array<i32>} : memref<16512xi32, #tpu.memory_space<vmem>>, vector<16xi32>,
      %add3A_1240 = arith.constant 64 : i32
      %add3A_1241 = arith.addi %mul3A_1215, %add3A_1240 : i32
      %get3A_1242 = arith.index_cast %add3A_1241 : i32 to index
      %get3A_1243 = tpu.vector_load %arg6[%get3A_1242] {strides = array<i32>} : memref<16512xf32, #tpu.memory_space<vmem>>, vector<16xf32>,
      %get3A_1244 = arith.index_cast %add3A_1241 : i32 to index
      %get3A_1245 = tpu.vector_load %arg8[%get3A_1244] {strides = array<i32>} : memref<16512xi32, #tpu.memory_space<vmem>>, vector<16xi32>,
      %add3A_1246 = arith.constant 80 : i32
      %add3A_1247 = arith.addi %mul3A_1215, %add3A_1246 : i32
      %get3A_1248 = arith.index_cast %add3A_1247 : i32 to index
      %get3A_1249 = tpu.vector_load %arg6[%get3A_1248] {strides = array<i32>} : memref<16512xf32, #tpu.memory_space<vmem>>, vector<16xf32>,
      %get3A_1250 = arith.index_cast %add3A_1247 : i32 to index
      %get3A_1251 = tpu.vector_load %arg8[%get3A_1250] {strides = array<i32>} : memref<16512xi32, #tpu.memory_space<vmem>>, vector<16xi32>,
      %add3A_1252 = arith.constant 96 : i32
      %add3A_1253 = arith.addi %mul3A_1215, %add3A_1252 : i32
      %get3A_1254 = arith.index_cast %add3A_1253 : i32 to index
      %get3A_1255 = tpu.vector_load %arg6[%get3A_1254] {strides = array<i32>} : memref<16512xf32, #tpu.memory_space<vmem>>, vector<16xf32>,
      %get3A_1256 = arith.index_cast %add3A_1253 : i32 to index
      %get3A_1257 = tpu.vector_load %arg8[%get3A_1256] {strides = array<i32>} : memref<16512xi32, #tpu.memory_space<vmem>>, vector<16xi32>,
      %add3A_1258 = arith.constant 112 : i32
      %add3A_1259 = arith.addi %mul3A_1215, %add3A_1258 : i32
      %get3A_1260 = arith.index_cast %add3A_1259 : i32 to index
      %get3A_1261 = tpu.vector_load %arg6[%get3A_1260] {strides = array<i32>} : memref<16512xf32, #tpu.memory_space<vmem>>, vector<16xf32>,
      %get3A_1262 = arith.index_cast %add3A_1259 : i32 to index
      %get3A_1263 = tpu.vector_load %arg8[%get3A_1262] {strides = array<i32>} : memref<16512xi32, #tpu.memory_space<vmem>>, vector<16xi32>,
      %mul3A_1264 = arith.constant 128 : i32
      %mul3A_1265 = arith.muli %scan3A_1195, %mul3A_1264 : i32
      %add3A_1266 = arith.constant 49152 : i32
      %add3A_1267 = arith.addi %add3A_1266, %mul3A_1265 : i32
      %add3A_1268 = arith.constant 0 : i32
      %add3A_1269 = arith.addi %add3A_1267, %add3A_1268 : i32
      %add3A_1270 = vector.broadcast %add3A_1269 : i32 to vector<16xi32>
      %add3A_1271 = arith.addi %add3A_30, %add3A_1270 : vector<16xi32>
      %gt3A = arith.constant 5.000000e-01 : f32
      %gt3A_1272 = vector.broadcast %gt3A : f32 to vector<16xf32>
      %gt3A_1273 = arith.cmpf ogt, %scan3A_1196, %gt3A_1272 : vector<16xf32>
      tpu.vector_store_idx %arg9[%scan3A_1197], %add3A_1271 masked %gt3A_1273 : memref<8128xi32, #tpu.memory_space<vmem>>[vector<16xi32>], vector<16xi32>, vector<16xi1>
      %mul3A_1274 = arith.constant 128 : i32
      %mul3A_1275 = arith.muli %scan3A_1195, %mul3A_1274 : i32
      %add3A_1276 = arith.constant 49152 : i32
      %add3A_1277 = arith.addi %add3A_1276, %mul3A_1275 : i32
      %add3A_1278 = arith.constant 16 : i32
      %add3A_1279 = arith.addi %add3A_1277, %add3A_1278 : i32
      %add3A_1280 = vector.broadcast %add3A_1279 : i32 to vector<16xi32>
      %add3A_1281 = arith.addi %add3A_30, %add3A_1280 : vector<16xi32>
      %gt3A_1282 = arith.constant 5.000000e-01 : f32
      %gt3A_1283 = vector.broadcast %gt3A_1282 : f32 to vector<16xf32>
      %gt3A_1284 = arith.cmpf ogt, %scan3A_1198, %gt3A_1283 : vector<16xf32>
      tpu.vector_store_idx %arg9[%scan3A_1199], %add3A_1281 masked %gt3A_1284 : memref<8128xi32, #tpu.memory_space<vmem>>[vector<16xi32>], vector<16xi32>, vector<16xi1>
      %mul3A_1285 = arith.constant 128 : i32
      %mul3A_1286 = arith.muli %scan3A_1195, %mul3A_1285 : i32
      %add3A_1287 = arith.constant 49152 : i32
      %add3A_1288 = arith.addi %add3A_1287, %mul3A_1286 : i32
      %add3A_1289 = arith.constant 32 : i32
      %add3A_1290 = arith.addi %add3A_1288, %add3A_1289 : i32
      %add3A_1291 = vector.broadcast %add3A_1290 : i32 to vector<16xi32>
      %add3A_1292 = arith.addi %add3A_30, %add3A_1291 : vector<16xi32>
      %gt3A_1293 = arith.constant 5.000000e-01 : f32
      %gt3A_1294 = vector.broadcast %gt3A_1293 : f32 to vector<16xf32>
      %gt3A_1295 = arith.cmpf ogt, %scan3A_1200, %gt3A_1294 : vector<16xf32>
      tpu.vector_store_idx %arg9[%scan3A_1201], %add3A_1292 masked %gt3A_1295 : memref<8128xi32, #tpu.memory_space<vmem>>[vector<16xi32>], vector<16xi32>, vector<16xi1>
      %mul3A_1296 = arith.constant 128 : i32
      %mul3A_1297 = arith.muli %scan3A_1195, %mul3A_1296 : i32
      %add3A_1298 = arith.constant 49152 : i32
      %add3A_1299 = arith.addi %add3A_1298, %mul3A_1297 : i32
      %add3A_1300 = arith.constant 48 : i32
      %add3A_1301 = arith.addi %add3A_1299, %add3A_1300 : i32
      %add3A_1302 = vector.broadcast %add3A_1301 : i32 to vector<16xi32>
      %add3A_1303 = arith.addi %add3A_30, %add3A_1302 : vector<16xi32>
      %gt3A_1304 = arith.constant 5.000000e-01 : f32
      %gt3A_1305 = vector.broadcast %gt3A_1304 : f32 to vector<16xf32>
      %gt3A_1306 = arith.cmpf ogt, %scan3A_1202, %gt3A_1305 : vector<16xf32>
      tpu.vector_store_idx %arg9[%scan3A_1203], %add3A_1303 masked %gt3A_1306 : memref<8128xi32, #tpu.memory_space<vmem>>[vector<16xi32>], vector<16xi32>, vector<16xi1>
      %mul3A_1307 = arith.constant 128 : i32
      %mul3A_1308 = arith.muli %scan3A_1195, %mul3A_1307 : i32
      %add3A_1309 = arith.constant 49152 : i32
      %add3A_1310 = arith.addi %add3A_1309, %mul3A_1308 : i32
      %add3A_1311 = arith.constant 64 : i32
      %add3A_1312 = arith.addi %add3A_1310, %add3A_1311 : i32
      %add3A_1313 = vector.broadcast %add3A_1312 : i32 to vector<16xi32>
      %add3A_1314 = arith.addi %add3A_30, %add3A_1313 : vector<16xi32>
      %gt3A_1315 = arith.constant 5.000000e-01 : f32
      %gt3A_1316 = vector.broadcast %gt3A_1315 : f32 to vector<16xf32>
      %gt3A_1317 = arith.cmpf ogt, %scan3A_1204, %gt3A_1316 : vector<16xf32>
      tpu.vector_store_idx %arg9[%scan3A_1205], %add3A_1314 masked %gt3A_1317 : memref<8128xi32, #tpu.memory_space<vmem>>[vector<16xi32>], vector<16xi32>, vector<16xi1>
      %mul3A_1318 = arith.constant 128 : i32
      %mul3A_1319 = arith.muli %scan3A_1195, %mul3A_1318 : i32
      %add3A_1320 = arith.constant 49152 : i32
      %add3A_1321 = arith.addi %add3A_1320, %mul3A_1319 : i32
      %add3A_1322 = arith.constant 80 : i32
      %add3A_1323 = arith.addi %add3A_1321, %add3A_1322 : i32
      %add3A_1324 = vector.broadcast %add3A_1323 : i32 to vector<16xi32>
      %add3A_1325 = arith.addi %add3A_30, %add3A_1324 : vector<16xi32>
      %gt3A_1326 = arith.constant 5.000000e-01 : f32
      %gt3A_1327 = vector.broadcast %gt3A_1326 : f32 to vector<16xf32>
      %gt3A_1328 = arith.cmpf ogt, %scan3A_1206, %gt3A_1327 : vector<16xf32>
      tpu.vector_store_idx %arg9[%scan3A_1207], %add3A_1325 masked %gt3A_1328 : memref<8128xi32, #tpu.memory_space<vmem>>[vector<16xi32>], vector<16xi32>, vector<16xi1>
      %mul3A_1329 = arith.constant 128 : i32
      %mul3A_1330 = arith.muli %scan3A_1195, %mul3A_1329 : i32
      %add3A_1331 = arith.constant 49152 : i32
      %add3A_1332 = arith.addi %add3A_1331, %mul3A_1330 : i32
      %add3A_1333 = arith.constant 96 : i32
      %add3A_1334 = arith.addi %add3A_1332, %add3A_1333 : i32
      %add3A_1335 = vector.broadcast %add3A_1334 : i32 to vector<16xi32>
      %add3A_1336 = arith.addi %add3A_30, %add3A_1335 : vector<16xi32>
      %gt3A_1337 = arith.constant 5.000000e-01 : f32
      %gt3A_1338 = vector.broadcast %gt3A_1337 : f32 to vector<16xf32>
      %gt3A_1339 = arith.cmpf ogt, %scan3A_1208, %gt3A_1338 : vector<16xf32>
      tpu.vector_store_idx %arg9[%scan3A_1209], %add3A_1336 masked %gt3A_1339 : memref<8128xi32, #tpu.memory_space<vmem>>[vector<16xi32>], vector<16xi32>, vector<16xi1>
      %mul3A_1340 = arith.constant 128 : i32
      %mul3A_1341 = arith.muli %scan3A_1195, %mul3A_1340 : i32
      %add3A_1342 = arith.constant 49152 : i32
      %add3A_1343 = arith.addi %add3A_1342, %mul3A_1341 : i32
      %add3A_1344 = arith.constant 112 : i32
      %add3A_1345 = arith.addi %add3A_1343, %add3A_1344 : i32
      %add3A_1346 = vector.broadcast %add3A_1345 : i32 to vector<16xi32>
      %add3A_1347 = arith.addi %add3A_30, %add3A_1346 : vector<16xi32>
      %gt3A_1348 = arith.constant 5.000000e-01 : f32
      %gt3A_1349 = vector.broadcast %gt3A_1348 : f32 to vector<16xf32>
      %gt3A_1350 = arith.cmpf ogt, %scan3A_1210, %gt3A_1349 : vector<16xf32>
      tpu.vector_store_idx %arg9[%scan3A_1211], %add3A_1347 masked %gt3A_1350 : memref<8128xi32, #tpu.memory_space<vmem>>[vector<16xi32>], vector<16xi32>, vector<16xi1>
      scf.yield %get3A_1219, %get3A_1221, %get3A_1225, %get3A_1227, %get3A_1231, %get3A_1233, %get3A_1237, %get3A_1239, %get3A_1243, %get3A_1245, %get3A_1249, %get3A_1251, %get3A_1255, %get3A_1257, %get3A_1261, %get3A_1263 : vector<16xf32>, vector<16xi32>, vector<16xf32>, vector<16xi32>, vector<16xf32>, vector<16xi32>, vector<16xf32>, vector<16xi32>, vector<16xf32>, vector<16xi32>, vector<16xf32>, vector<16xi32>, vector<16xf32>, vector<16xi32>, vector<16xf32>, vector<16xi32>
    }
    %scan3A_324 = arith.constant 128 : i32
    %dma_wait3A_325 = arith.constant 0 : i32
    %dma_wait3A_326 = tpu.memref_slice %arg5[%dma_wait3A_325] : memref<16512xf32, #tpu.memory_space<vmem>> -> memref<16384xf32, #tpu.memory_space<vmem>>
    %dma_wait3A_327 = arith.constant 65536 : i32
    %dma_wait3A_328 = tpu.memref_slice %arg2[%add3A_5, %dma_wait3A_327] : memref<32x262144xf32, #tpu.memory_space<hbm>> -> memref<1x16384xf32, #tpu.memory_space<hbm>>
    %dma_wait3A_329 = tpu.memref_squeeze %dma_wait3A_328 : memref<1x16384xf32, #tpu.memory_space<hbm>> -> memref<16384xf32, #tpu.memory_space<hbm>>
    %dma_wait3A_330 = arith.constant 0 : i32
    %dma_wait3A_331 = tpu.memref_slice %arg5[%dma_wait3A_330] : memref<16512xf32, #tpu.memory_space<vmem>> -> memref<16384xf32, #tpu.memory_space<vmem>>
    %dma_wait3A_332 = arith.constant 65536 : i32
    %dma_wait3A_333 = tpu.memref_slice %arg2[%add3A_5, %dma_wait3A_332] : memref<32x262144xf32, #tpu.memory_space<hbm>> -> memref<1x16384xf32, #tpu.memory_space<hbm>>
    %dma_wait3A_334 = tpu.memref_squeeze %dma_wait3A_333 : memref<1x16384xf32, #tpu.memory_space<hbm>> -> memref<16384xf32, #tpu.memory_space<hbm>>
    tpu.wait_dma2 semaphore(%arg10 : memref<!tpu.dma_semaphore, #tpu.memory_space<semaphore_mem>>) src(%dma_wait3A_334 : memref<16384xf32, #tpu.memory_space<hbm>>) dst(%dma_wait3A_331 : memref<16384xf32, #tpu.memory_space<vmem>>)
    %dma_wait3A_335 = arith.constant 0 : i32
    %dma_wait3A_336 = tpu.memref_slice %arg7[%dma_wait3A_335] : memref<16512xi32, #tpu.memory_space<vmem>> -> memref<16384xi32, #tpu.memory_space<vmem>>
    %dma_wait3A_337 = arith.constant 65536 : i32
    %dma_wait3A_338 = tpu.memref_slice %arg3[%dma_wait3A_337] : memref<262144xi32, #tpu.memory_space<hbm>> -> memref<16384xi32, #tpu.memory_space<hbm>>
    %dma_wait3A_339 = arith.constant 0 : i32
    %dma_wait3A_340 = tpu.memref_slice %arg7[%dma_wait3A_339] : memref<16512xi32, #tpu.memory_space<vmem>> -> memref<16384xi32, #tpu.memory_space<vmem>>
    %dma_wait3A_341 = arith.constant 65536 : i32
    %dma_wait3A_342 = tpu.memref_slice %arg3[%dma_wait3A_341] : memref<262144xi32, #tpu.memory_space<hbm>> -> memref<16384xi32, #tpu.memory_space<hbm>>
    tpu.wait_dma2 semaphore(%arg10 : memref<!tpu.dma_semaphore, #tpu.memory_space<semaphore_mem>>) src(%dma_wait3A_342 : memref<16384xi32, #tpu.memory_space<hbm>>) dst(%dma_wait3A_340 : memref<16384xi32, #tpu.memory_space<vmem>>)
    %dma_start3A_343 = arith.constant 0 : i32
    %dma_start3A_344 = tpu.memref_slice %arg6[%dma_start3A_343] : memref<16512xf32, #tpu.memory_space<vmem>> -> memref<16384xf32, #tpu.memory_space<vmem>>
    %dma_start3A_345 = arith.constant 81920 : i32
    %dma_start3A_346 = tpu.memref_slice %arg2[%add3A_5, %dma_start3A_345] : memref<32x262144xf32, #tpu.memory_space<hbm>> -> memref<1x16384xf32, #tpu.memory_space<hbm>>
    %dma_start3A_347 = tpu.memref_squeeze %dma_start3A_346 : memref<1x16384xf32, #tpu.memory_space<hbm>> -> memref<16384xf32, #tpu.memory_space<hbm>>
    %dma_start3A_348 = arith.constant 0 : i32
    %dma_start3A_349 = tpu.memref_slice %arg6[%dma_start3A_348] : memref<16512xf32, #tpu.memory_space<vmem>> -> memref<16384xf32, #tpu.memory_space<vmem>>
    %dma_start3A_350 = arith.constant 81920 : i32
    %dma_start3A_351 = tpu.memref_slice %arg2[%add3A_5, %dma_start3A_350] : memref<32x262144xf32, #tpu.memory_space<hbm>> -> memref<1x16384xf32, #tpu.memory_space<hbm>>
    %dma_start3A_352 = tpu.memref_squeeze %dma_start3A_351 : memref<1x16384xf32, #tpu.memory_space<hbm>> -> memref<16384xf32, #tpu.memory_space<hbm>>
    tpu.enqueue_dma source(%dma_start3A_352 : memref<16384xf32, #tpu.memory_space<hbm>>) target(%dma_start3A_349 : memref<16384xf32, #tpu.memory_space<vmem>>) target_semaphore(%arg11 : memref<!tpu.dma_semaphore, #tpu.memory_space<semaphore_mem>>)
    %dma_start3A_353 = arith.constant 0 : i32
    %dma_start3A_354 = tpu.memref_slice %arg8[%dma_start3A_353] : memref<16512xi32, #tpu.memory_space<vmem>> -> memref<16384xi32, #tpu.memory_space<vmem>>
    %dma_start3A_355 = arith.constant 81920 : i32
    %dma_start3A_356 = tpu.memref_slice %arg3[%dma_start3A_355] : memref<262144xi32, #tpu.memory_space<hbm>> -> memref<16384xi32, #tpu.memory_space<hbm>>
    %dma_start3A_357 = arith.constant 0 : i32
    %dma_start3A_358 = tpu.memref_slice %arg8[%dma_start3A_357] : memref<16512xi32, #tpu.memory_space<vmem>> -> memref<16384xi32, #tpu.memory_space<vmem>>
    %dma_start3A_359 = arith.constant 81920 : i32
    %dma_start3A_360 = tpu.memref_slice %arg3[%dma_start3A_359] : memref<262144xi32, #tpu.memory_space<hbm>> -> memref<16384xi32, #tpu.memory_space<hbm>>
    tpu.enqueue_dma source(%dma_start3A_360 : memref<16384xi32, #tpu.memory_space<hbm>>) target(%dma_start3A_358 : memref<16384xi32, #tpu.memory_space<vmem>>) target_semaphore(%arg11 : memref<!tpu.dma_semaphore, #tpu.memory_space<semaphore_mem>>)
    %get3A_361 = arith.constant 0 : index
    %get3A_362 = tpu.vector_load %arg5[%get3A_361] {strides = array<i32>} : memref<16512xf32, #tpu.memory_space<vmem>>, vector<16xf32>,
    %get3A_363 = arith.constant 0 : index
    %get3A_364 = tpu.vector_load %arg7[%get3A_363] {strides = array<i32>} : memref<16512xi32, #tpu.memory_space<vmem>>, vector<16xi32>,
    %get3A_365 = arith.constant 16 : index
    %get3A_366 = tpu.vector_load %arg5[%get3A_365] {strides = array<i32>} : memref<16512xf32, #tpu.memory_space<vmem>>, vector<16xf32>,
    %get3A_367 = arith.constant 16 : index
    %get3A_368 = tpu.vector_load %arg7[%get3A_367] {strides = array<i32>} : memref<16512xi32, #tpu.memory_space<vmem>>, vector<16xi32>,
    %get3A_369 = arith.constant 32 : index
    %get3A_370 = tpu.vector_load %arg5[%get3A_369] {strides = array<i32>} : memref<16512xf32, #tpu.memory_space<vmem>>, vector<16xf32>,
    %get3A_371 = arith.constant 32 : index
    %get3A_372 = tpu.vector_load %arg7[%get3A_371] {strides = array<i32>} : memref<16512xi32, #tpu.memory_space<vmem>>, vector<16xi32>,
    %get3A_373 = arith.constant 48 : index
    %get3A_374 = tpu.vector_load %arg5[%get3A_373] {strides = array<i32>} : memref<16512xf32, #tpu.memory_space<vmem>>, vector<16xf32>,
    %get3A_375 = arith.constant 48 : index
    %get3A_376 = tpu.vector_load %arg7[%get3A_375] {strides = array<i32>} : memref<16512xi32, #tpu.memory_space<vmem>>, vector<16xi32>,
    %get3A_377 = arith.constant 64 : index
    %get3A_378 = tpu.vector_load %arg5[%get3A_377] {strides = array<i32>} : memref<16512xf32, #tpu.memory_space<vmem>>, vector<16xf32>,
    %get3A_379 = arith.constant 64 : index
    %get3A_380 = tpu.vector_load %arg7[%get3A_379] {strides = array<i32>} : memref<16512xi32, #tpu.memory_space<vmem>>, vector<16xi32>,
    %get3A_381 = arith.constant 80 : index
    %get3A_382 = tpu.vector_load %arg5[%get3A_381] {strides = array<i32>} : memref<16512xf32, #tpu.memory_space<vmem>>, vector<16xf32>,
    %get3A_383 = arith.constant 80 : index
    %get3A_384 = tpu.vector_load %arg7[%get3A_383] {strides = array<i32>} : memref<16512xi32, #tpu.memory_space<vmem>>, vector<16xi32>,
    %get3A_385 = arith.constant 96 : index
    %get3A_386 = tpu.vector_load %arg5[%get3A_385] {strides = array<i32>} : memref<16512xf32, #tpu.memory_space<vmem>>, vector<16xf32>,
    %get3A_387 = arith.constant 96 : index
    %get3A_388 = tpu.vector_load %arg7[%get3A_387] {strides = array<i32>} : memref<16512xi32, #tpu.memory_space<vmem>>, vector<16xi32>,
    %get3A_389 = arith.constant 112 : index
    %get3A_390 = tpu.vector_load %arg5[%get3A_389] {strides = array<i32>} : memref<16512xf32, #tpu.memory_space<vmem>>, vector<16xf32>,
    %get3A_391 = arith.constant 112 : index
    %get3A_392 = tpu.vector_load %arg7[%get3A_391] {strides = array<i32>} : memref<16512xi32, #tpu.memory_space<vmem>>, vector<16xi32>,
    %scan3A_393 = arith.constant 0 : i32
    %scan3A_394 = arith.constant 128 : i32
    %scan3A_395 = arith.addi %scan3A_393, %scan3A_394 : i32
    %scan3A_396 = arith.constant 1 : i32
    %scan3A_397:16 = scf.for %scan3A_1195 = %scan3A_393 to %scan3A_395 step %scan3A_396 iter_args(%scan3A_1196 = %get3A_362, %scan3A_1197 = %get3A_364, %scan3A_1198 = %get3A_366, %scan3A_1199 = %get3A_368, %scan3A_1200 = %get3A_370, %scan3A_1201 = %get3A_372, %scan3A_1202 = %get3A_374, %scan3A_1203 = %get3A_376, %scan3A_1204 = %get3A_378, %scan3A_1205 = %get3A_380, %scan3A_1206 = %get3A_382, %scan3A_1207 = %get3A_384, %scan3A_1208 = %get3A_386, %scan3A_1209 = %get3A_388, %scan3A_1210 = %get3A_390, %scan3A_1211 = %get3A_392) -> (vector<16xf32>, vector<16xi32>, vector<16xf32>, vector<16xi32>, vector<16xf32>, vector<16xi32>, vector<16xf32>, vector<16xi32>, vector<16xf32>, vector<16xi32>, vector<16xf32>, vector<16xi32>, vector<16xf32>, vector<16xi32>, vector<16xf32>, vector<16xi32>)  : i32 {
      %add3A_1212 = arith.constant 1 : i32
      %add3A_1213 = arith.addi %scan3A_1195, %add3A_1212 : i32
      %mul3A_1214 = arith.constant 128 : i32
      %mul3A_1215 = arith.muli %add3A_1213, %mul3A_1214 : i32
      %add3A_1216 = arith.constant 0 : i32
      %add3A_1217 = arith.addi %mul3A_1215, %add3A_1216 : i32
      %get3A_1218 = arith.index_cast %add3A_1217 : i32 to index
      %get3A_1219 = tpu.vector_load %arg5[%get3A_1218] {strides = array<i32>} : memref<16512xf32, #tpu.memory_space<vmem>>, vector<16xf32>,
      %get3A_1220 = arith.index_cast %add3A_1217 : i32 to index
      %get3A_1221 = tpu.vector_load %arg7[%get3A_1220] {strides = array<i32>} : memref<16512xi32, #tpu.memory_space<vmem>>, vector<16xi32>,
      %add3A_1222 = arith.constant 16 : i32
      %add3A_1223 = arith.addi %mul3A_1215, %add3A_1222 : i32
      %get3A_1224 = arith.index_cast %add3A_1223 : i32 to index
      %get3A_1225 = tpu.vector_load %arg5[%get3A_1224] {strides = array<i32>} : memref<16512xf32, #tpu.memory_space<vmem>>, vector<16xf32>,
      %get3A_1226 = arith.index_cast %add3A_1223 : i32 to index
      %get3A_1227 = tpu.vector_load %arg7[%get3A_1226] {strides = array<i32>} : memref<16512xi32, #tpu.memory_space<vmem>>, vector<16xi32>,
      %add3A_1228 = arith.constant 32 : i32
      %add3A_1229 = arith.addi %mul3A_1215, %add3A_1228 : i32
      %get3A_1230 = arith.index_cast %add3A_1229 : i32 to index
      %get3A_1231 = tpu.vector_load %arg5[%get3A_1230] {strides = array<i32>} : memref<16512xf32, #tpu.memory_space<vmem>>, vector<16xf32>,
      %get3A_1232 = arith.index_cast %add3A_1229 : i32 to index
      %get3A_1233 = tpu.vector_load %arg7[%get3A_1232] {strides = array<i32>} : memref<16512xi32, #tpu.memory_space<vmem>>, vector<16xi32>,
      %add3A_1234 = arith.constant 48 : i32
      %add3A_1235 = arith.addi %mul3A_1215, %add3A_1234 : i32
      %get3A_1236 = arith.index_cast %add3A_1235 : i32 to index
      %get3A_1237 = tpu.vector_load %arg5[%get3A_1236] {strides = array<i32>} : memref<16512xf32, #tpu.memory_space<vmem>>, vector<16xf32>,
      %get3A_1238 = arith.index_cast %add3A_1235 : i32 to index
      %get3A_1239 = tpu.vector_load %arg7[%get3A_1238] {strides = array<i32>} : memref<16512xi32, #tpu.memory_space<vmem>>, vector<16xi32>,
      %add3A_1240 = arith.constant 64 : i32
      %add3A_1241 = arith.addi %mul3A_1215, %add3A_1240 : i32
      %get3A_1242 = arith.index_cast %add3A_1241 : i32 to index
      %get3A_1243 = tpu.vector_load %arg5[%get3A_1242] {strides = array<i32>} : memref<16512xf32, #tpu.memory_space<vmem>>, vector<16xf32>,
      %get3A_1244 = arith.index_cast %add3A_1241 : i32 to index
      %get3A_1245 = tpu.vector_load %arg7[%get3A_1244] {strides = array<i32>} : memref<16512xi32, #tpu.memory_space<vmem>>, vector<16xi32>,
      %add3A_1246 = arith.constant 80 : i32
      %add3A_1247 = arith.addi %mul3A_1215, %add3A_1246 : i32
      %get3A_1248 = arith.index_cast %add3A_1247 : i32 to index
      %get3A_1249 = tpu.vector_load %arg5[%get3A_1248] {strides = array<i32>} : memref<16512xf32, #tpu.memory_space<vmem>>, vector<16xf32>,
      %get3A_1250 = arith.index_cast %add3A_1247 : i32 to index
      %get3A_1251 = tpu.vector_load %arg7[%get3A_1250] {strides = array<i32>} : memref<16512xi32, #tpu.memory_space<vmem>>, vector<16xi32>,
      %add3A_1252 = arith.constant 96 : i32
      %add3A_1253 = arith.addi %mul3A_1215, %add3A_1252 : i32
      %get3A_1254 = arith.index_cast %add3A_1253 : i32 to index
      %get3A_1255 = tpu.vector_load %arg5[%get3A_1254] {strides = array<i32>} : memref<16512xf32, #tpu.memory_space<vmem>>, vector<16xf32>,
      %get3A_1256 = arith.index_cast %add3A_1253 : i32 to index
      %get3A_1257 = tpu.vector_load %arg7[%get3A_1256] {strides = array<i32>} : memref<16512xi32, #tpu.memory_space<vmem>>, vector<16xi32>,
      %add3A_1258 = arith.constant 112 : i32
      %add3A_1259 = arith.addi %mul3A_1215, %add3A_1258 : i32
      %get3A_1260 = arith.index_cast %add3A_1259 : i32 to index
      %get3A_1261 = tpu.vector_load %arg5[%get3A_1260] {strides = array<i32>} : memref<16512xf32, #tpu.memory_space<vmem>>, vector<16xf32>,
      %get3A_1262 = arith.index_cast %add3A_1259 : i32 to index
      %get3A_1263 = tpu.vector_load %arg7[%get3A_1262] {strides = array<i32>} : memref<16512xi32, #tpu.memory_space<vmem>>, vector<16xi32>,
      %mul3A_1264 = arith.constant 128 : i32
      %mul3A_1265 = arith.muli %scan3A_1195, %mul3A_1264 : i32
      %add3A_1266 = arith.constant 65536 : i32
      %add3A_1267 = arith.addi %add3A_1266, %mul3A_1265 : i32
      %add3A_1268 = arith.constant 0 : i32
      %add3A_1269 = arith.addi %add3A_1267, %add3A_1268 : i32
      %add3A_1270 = vector.broadcast %add3A_1269 : i32 to vector<16xi32>
      %add3A_1271 = arith.addi %add3A_30, %add3A_1270 : vector<16xi32>
      %gt3A = arith.constant 5.000000e-01 : f32
      %gt3A_1272 = vector.broadcast %gt3A : f32 to vector<16xf32>
      %gt3A_1273 = arith.cmpf ogt, %scan3A_1196, %gt3A_1272 : vector<16xf32>
      tpu.vector_store_idx %arg9[%scan3A_1197], %add3A_1271 masked %gt3A_1273 : memref<8128xi32, #tpu.memory_space<vmem>>[vector<16xi32>], vector<16xi32>, vector<16xi1>
      %mul3A_1274 = arith.constant 128 : i32
      %mul3A_1275 = arith.muli %scan3A_1195, %mul3A_1274 : i32
      %add3A_1276 = arith.constant 65536 : i32
      %add3A_1277 = arith.addi %add3A_1276, %mul3A_1275 : i32
      %add3A_1278 = arith.constant 16 : i32
      %add3A_1279 = arith.addi %add3A_1277, %add3A_1278 : i32
      %add3A_1280 = vector.broadcast %add3A_1279 : i32 to vector<16xi32>
      %add3A_1281 = arith.addi %add3A_30, %add3A_1280 : vector<16xi32>
      %gt3A_1282 = arith.constant 5.000000e-01 : f32
      %gt3A_1283 = vector.broadcast %gt3A_1282 : f32 to vector<16xf32>
      %gt3A_1284 = arith.cmpf ogt, %scan3A_1198, %gt3A_1283 : vector<16xf32>
      tpu.vector_store_idx %arg9[%scan3A_1199], %add3A_1281 masked %gt3A_1284 : memref<8128xi32, #tpu.memory_space<vmem>>[vector<16xi32>], vector<16xi32>, vector<16xi1>
      %mul3A_1285 = arith.constant 128 : i32
      %mul3A_1286 = arith.muli %scan3A_1195, %mul3A_1285 : i32
      %add3A_1287 = arith.constant 65536 : i32
      %add3A_1288 = arith.addi %add3A_1287, %mul3A_1286 : i32
      %add3A_1289 = arith.constant 32 : i32
      %add3A_1290 = arith.addi %add3A_1288, %add3A_1289 : i32
      %add3A_1291 = vector.broadcast %add3A_1290 : i32 to vector<16xi32>
      %add3A_1292 = arith.addi %add3A_30, %add3A_1291 : vector<16xi32>
      %gt3A_1293 = arith.constant 5.000000e-01 : f32
      %gt3A_1294 = vector.broadcast %gt3A_1293 : f32 to vector<16xf32>
      %gt3A_1295 = arith.cmpf ogt, %scan3A_1200, %gt3A_1294 : vector<16xf32>
      tpu.vector_store_idx %arg9[%scan3A_1201], %add3A_1292 masked %gt3A_1295 : memref<8128xi32, #tpu.memory_space<vmem>>[vector<16xi32>], vector<16xi32>, vector<16xi1>
      %mul3A_1296 = arith.constant 128 : i32
      %mul3A_1297 = arith.muli %scan3A_1195, %mul3A_1296 : i32
      %add3A_1298 = arith.constant 65536 : i32
      %add3A_1299 = arith.addi %add3A_1298, %mul3A_1297 : i32
      %add3A_1300 = arith.constant 48 : i32
      %add3A_1301 = arith.addi %add3A_1299, %add3A_1300 : i32
      %add3A_1302 = vector.broadcast %add3A_1301 : i32 to vector<16xi32>
      %add3A_1303 = arith.addi %add3A_30, %add3A_1302 : vector<16xi32>
      %gt3A_1304 = arith.constant 5.000000e-01 : f32
      %gt3A_1305 = vector.broadcast %gt3A_1304 : f32 to vector<16xf32>
      %gt3A_1306 = arith.cmpf ogt, %scan3A_1202, %gt3A_1305 : vector<16xf32>
      tpu.vector_store_idx %arg9[%scan3A_1203], %add3A_1303 masked %gt3A_1306 : memref<8128xi32, #tpu.memory_space<vmem>>[vector<16xi32>], vector<16xi32>, vector<16xi1>
      %mul3A_1307 = arith.constant 128 : i32
      %mul3A_1308 = arith.muli %scan3A_1195, %mul3A_1307 : i32
      %add3A_1309 = arith.constant 65536 : i32
      %add3A_1310 = arith.addi %add3A_1309, %mul3A_1308 : i32
      %add3A_1311 = arith.constant 64 : i32
      %add3A_1312 = arith.addi %add3A_1310, %add3A_1311 : i32
      %add3A_1313 = vector.broadcast %add3A_1312 : i32 to vector<16xi32>
      %add3A_1314 = arith.addi %add3A_30, %add3A_1313 : vector<16xi32>
      %gt3A_1315 = arith.constant 5.000000e-01 : f32
      %gt3A_1316 = vector.broadcast %gt3A_1315 : f32 to vector<16xf32>
      %gt3A_1317 = arith.cmpf ogt, %scan3A_1204, %gt3A_1316 : vector<16xf32>
      tpu.vector_store_idx %arg9[%scan3A_1205], %add3A_1314 masked %gt3A_1317 : memref<8128xi32, #tpu.memory_space<vmem>>[vector<16xi32>], vector<16xi32>, vector<16xi1>
      %mul3A_1318 = arith.constant 128 : i32
      %mul3A_1319 = arith.muli %scan3A_1195, %mul3A_1318 : i32
      %add3A_1320 = arith.constant 65536 : i32
      %add3A_1321 = arith.addi %add3A_1320, %mul3A_1319 : i32
      %add3A_1322 = arith.constant 80 : i32
      %add3A_1323 = arith.addi %add3A_1321, %add3A_1322 : i32
      %add3A_1324 = vector.broadcast %add3A_1323 : i32 to vector<16xi32>
      %add3A_1325 = arith.addi %add3A_30, %add3A_1324 : vector<16xi32>
      %gt3A_1326 = arith.constant 5.000000e-01 : f32
      %gt3A_1327 = vector.broadcast %gt3A_1326 : f32 to vector<16xf32>
      %gt3A_1328 = arith.cmpf ogt, %scan3A_1206, %gt3A_1327 : vector<16xf32>
      tpu.vector_store_idx %arg9[%scan3A_1207], %add3A_1325 masked %gt3A_1328 : memref<8128xi32, #tpu.memory_space<vmem>>[vector<16xi32>], vector<16xi32>, vector<16xi1>
      %mul3A_1329 = arith.constant 128 : i32
      %mul3A_1330 = arith.muli %scan3A_1195, %mul3A_1329 : i32
      %add3A_1331 = arith.constant 65536 : i32
      %add3A_1332 = arith.addi %add3A_1331, %mul3A_1330 : i32
      %add3A_1333 = arith.constant 96 : i32
      %add3A_1334 = arith.addi %add3A_1332, %add3A_1333 : i32
      %add3A_1335 = vector.broadcast %add3A_1334 : i32 to vector<16xi32>
      %add3A_1336 = arith.addi %add3A_30, %add3A_1335 : vector<16xi32>
      %gt3A_1337 = arith.constant 5.000000e-01 : f32
      %gt3A_1338 = vector.broadcast %gt3A_1337 : f32 to vector<16xf32>
      %gt3A_1339 = arith.cmpf ogt, %scan3A_1208, %gt3A_1338 : vector<16xf32>
      tpu.vector_store_idx %arg9[%scan3A_1209], %add3A_1336 masked %gt3A_1339 : memref<8128xi32, #tpu.memory_space<vmem>>[vector<16xi32>], vector<16xi32>, vector<16xi1>
      %mul3A_1340 = arith.constant 128 : i32
      %mul3A_1341 = arith.muli %scan3A_1195, %mul3A_1340 : i32
      %add3A_1342 = arith.constant 65536 : i32
      %add3A_1343 = arith.addi %add3A_1342, %mul3A_1341 : i32
      %add3A_1344 = arith.constant 112 : i32
      %add3A_1345 = arith.addi %add3A_1343, %add3A_1344 : i32
      %add3A_1346 = vector.broadcast %add3A_1345 : i32 to vector<16xi32>
      %add3A_1347 = arith.addi %add3A_30, %add3A_1346 : vector<16xi32>
      %gt3A_1348 = arith.constant 5.000000e-01 : f32
      %gt3A_1349 = vector.broadcast %gt3A_1348 : f32 to vector<16xf32>
      %gt3A_1350 = arith.cmpf ogt, %scan3A_1210, %gt3A_1349 : vector<16xf32>
      tpu.vector_store_idx %arg9[%scan3A_1211], %add3A_1347 masked %gt3A_1350 : memref<8128xi32, #tpu.memory_space<vmem>>[vector<16xi32>], vector<16xi32>, vector<16xi1>
      scf.yield %get3A_1219, %get3A_1221, %get3A_1225, %get3A_1227, %get3A_1231, %get3A_1233, %get3A_1237, %get3A_1239, %get3A_1243, %get3A_1245, %get3A_1249, %get3A_1251, %get3A_1255, %get3A_1257, %get3A_1261, %get3A_1263 : vector<16xf32>, vector<16xi32>, vector<16xf32>, vector<16xi32>, vector<16xf32>, vector<16xi32>, vector<16xf32>, vector<16xi32>, vector<16xf32>, vector<16xi32>, vector<16xf32>, vector<16xi32>, vector<16xf32>, vector<16xi32>, vector<16xf32>, vector<16xi32>
    }
    %scan3A_398 = arith.constant 128 : i32
    %dma_wait3A_399 = arith.constant 0 : i32
    %dma_wait3A_400 = tpu.memref_slice %arg6[%dma_wait3A_399] : memref<16512xf32, #tpu.memory_space<vmem>> -> memref<16384xf32, #tpu.memory_space<vmem>>
    %dma_wait3A_401 = arith.constant 81920 : i32
    %dma_wait3A_402 = tpu.memref_slice %arg2[%add3A_5, %dma_wait3A_401] : memref<32x262144xf32, #tpu.memory_space<hbm>> -> memref<1x16384xf32, #tpu.memory_space<hbm>>
    %dma_wait3A_403 = tpu.memref_squeeze %dma_wait3A_402 : memref<1x16384xf32, #tpu.memory_space<hbm>> -> memref<16384xf32, #tpu.memory_space<hbm>>
    %dma_wait3A_404 = arith.constant 0 : i32
    %dma_wait3A_405 = tpu.memref_slice %arg6[%dma_wait3A_404] : memref<16512xf32, #tpu.memory_space<vmem>> -> memref<16384xf32, #tpu.memory_space<vmem>>
    %dma_wait3A_406 = arith.constant 81920 : i32
    %dma_wait3A_407 = tpu.memref_slice %arg2[%add3A_5, %dma_wait3A_406] : memref<32x262144xf32, #tpu.memory_space<hbm>> -> memref<1x16384xf32, #tpu.memory_space<hbm>>
    %dma_wait3A_408 = tpu.memref_squeeze %dma_wait3A_407 : memref<1x16384xf32, #tpu.memory_space<hbm>> -> memref<16384xf32, #tpu.memory_space<hbm>>
    tpu.wait_dma2 semaphore(%arg11 : memref<!tpu.dma_semaphore, #tpu.memory_space<semaphore_mem>>) src(%dma_wait3A_408 : memref<16384xf32, #tpu.memory_space<hbm>>) dst(%dma_wait3A_405 : memref<16384xf32, #tpu.memory_space<vmem>>)
    %dma_wait3A_409 = arith.constant 0 : i32
    %dma_wait3A_410 = tpu.memref_slice %arg8[%dma_wait3A_409] : memref<16512xi32, #tpu.memory_space<vmem>> -> memref<16384xi32, #tpu.memory_space<vmem>>
    %dma_wait3A_411 = arith.constant 81920 : i32
    %dma_wait3A_412 = tpu.memref_slice %arg3[%dma_wait3A_411] : memref<262144xi32, #tpu.memory_space<hbm>> -> memref<16384xi32, #tpu.memory_space<hbm>>
    %dma_wait3A_413 = arith.constant 0 : i32
    %dma_wait3A_414 = tpu.memref_slice %arg8[%dma_wait3A_413] : memref<16512xi32, #tpu.memory_space<vmem>> -> memref<16384xi32, #tpu.memory_space<vmem>>
    %dma_wait3A_415 = arith.constant 81920 : i32
    %dma_wait3A_416 = tpu.memref_slice %arg3[%dma_wait3A_415] : memref<262144xi32, #tpu.memory_space<hbm>> -> memref<16384xi32, #tpu.memory_space<hbm>>
    tpu.wait_dma2 semaphore(%arg11 : memref<!tpu.dma_semaphore, #tpu.memory_space<semaphore_mem>>) src(%dma_wait3A_416 : memref<16384xi32, #tpu.memory_space<hbm>>) dst(%dma_wait3A_414 : memref<16384xi32, #tpu.memory_space<vmem>>)
    %dma_start3A_417 = arith.constant 0 : i32
    %dma_start3A_418 = tpu.memref_slice %arg5[%dma_start3A_417] : memref<16512xf32, #tpu.memory_space<vmem>> -> memref<16384xf32, #tpu.memory_space<vmem>>
    %dma_start3A_419 = arith.constant 98304 : i32
    %dma_start3A_420 = tpu.memref_slice %arg2[%add3A_5, %dma_start3A_419] : memref<32x262144xf32, #tpu.memory_space<hbm>> -> memref<1x16384xf32, #tpu.memory_space<hbm>>
    %dma_start3A_421 = tpu.memref_squeeze %dma_start3A_420 : memref<1x16384xf32, #tpu.memory_space<hbm>> -> memref<16384xf32, #tpu.memory_space<hbm>>
    %dma_start3A_422 = arith.constant 0 : i32
    %dma_start3A_423 = tpu.memref_slice %arg5[%dma_start3A_422] : memref<16512xf32, #tpu.memory_space<vmem>> -> memref<16384xf32, #tpu.memory_space<vmem>>
    %dma_start3A_424 = arith.constant 98304 : i32
    %dma_start3A_425 = tpu.memref_slice %arg2[%add3A_5, %dma_start3A_424] : memref<32x262144xf32, #tpu.memory_space<hbm>> -> memref<1x16384xf32, #tpu.memory_space<hbm>>
    %dma_start3A_426 = tpu.memref_squeeze %dma_start3A_425 : memref<1x16384xf32, #tpu.memory_space<hbm>> -> memref<16384xf32, #tpu.memory_space<hbm>>
    tpu.enqueue_dma source(%dma_start3A_426 : memref<16384xf32, #tpu.memory_space<hbm>>) target(%dma_start3A_423 : memref<16384xf32, #tpu.memory_space<vmem>>) target_semaphore(%arg10 : memref<!tpu.dma_semaphore, #tpu.memory_space<semaphore_mem>>)
    %dma_start3A_427 = arith.constant 0 : i32
    %dma_start3A_428 = tpu.memref_slice %arg7[%dma_start3A_427] : memref<16512xi32, #tpu.memory_space<vmem>> -> memref<16384xi32, #tpu.memory_space<vmem>>
    %dma_start3A_429 = arith.constant 98304 : i32
    %dma_start3A_430 = tpu.memref_slice %arg3[%dma_start3A_429] : memref<262144xi32, #tpu.memory_space<hbm>> -> memref<16384xi32, #tpu.memory_space<hbm>>
    %dma_start3A_431 = arith.constant 0 : i32
    %dma_start3A_432 = tpu.memref_slice %arg7[%dma_start3A_431] : memref<16512xi32, #tpu.memory_space<vmem>> -> memref<16384xi32, #tpu.memory_space<vmem>>
    %dma_start3A_433 = arith.constant 98304 : i32
    %dma_start3A_434 = tpu.memref_slice %arg3[%dma_start3A_433] : memref<262144xi32, #tpu.memory_space<hbm>> -> memref<16384xi32, #tpu.memory_space<hbm>>
    tpu.enqueue_dma source(%dma_start3A_434 : memref<16384xi32, #tpu.memory_space<hbm>>) target(%dma_start3A_432 : memref<16384xi32, #tpu.memory_space<vmem>>) target_semaphore(%arg10 : memref<!tpu.dma_semaphore, #tpu.memory_space<semaphore_mem>>)
    %get3A_435 = arith.constant 0 : index
    %get3A_436 = tpu.vector_load %arg6[%get3A_435] {strides = array<i32>} : memref<16512xf32, #tpu.memory_space<vmem>>, vector<16xf32>,
    %get3A_437 = arith.constant 0 : index
    %get3A_438 = tpu.vector_load %arg8[%get3A_437] {strides = array<i32>} : memref<16512xi32, #tpu.memory_space<vmem>>, vector<16xi32>,
    %get3A_439 = arith.constant 16 : index
    %get3A_440 = tpu.vector_load %arg6[%get3A_439] {strides = array<i32>} : memref<16512xf32, #tpu.memory_space<vmem>>, vector<16xf32>,
    %get3A_441 = arith.constant 16 : index
    %get3A_442 = tpu.vector_load %arg8[%get3A_441] {strides = array<i32>} : memref<16512xi32, #tpu.memory_space<vmem>>, vector<16xi32>,
    %get3A_443 = arith.constant 32 : index
    %get3A_444 = tpu.vector_load %arg6[%get3A_443] {strides = array<i32>} : memref<16512xf32, #tpu.memory_space<vmem>>, vector<16xf32>,
    %get3A_445 = arith.constant 32 : index
    %get3A_446 = tpu.vector_load %arg8[%get3A_445] {strides = array<i32>} : memref<16512xi32, #tpu.memory_space<vmem>>, vector<16xi32>,
    %get3A_447 = arith.constant 48 : index
    %get3A_448 = tpu.vector_load %arg6[%get3A_447] {strides = array<i32>} : memref<16512xf32, #tpu.memory_space<vmem>>, vector<16xf32>,
    %get3A_449 = arith.constant 48 : index
    %get3A_450 = tpu.vector_load %arg8[%get3A_449] {strides = array<i32>} : memref<16512xi32, #tpu.memory_space<vmem>>, vector<16xi32>,
    %get3A_451 = arith.constant 64 : index
    %get3A_452 = tpu.vector_load %arg6[%get3A_451] {strides = array<i32>} : memref<16512xf32, #tpu.memory_space<vmem>>, vector<16xf32>,
    %get3A_453 = arith.constant 64 : index
    %get3A_454 = tpu.vector_load %arg8[%get3A_453] {strides = array<i32>} : memref<16512xi32, #tpu.memory_space<vmem>>, vector<16xi32>,
    %get3A_455 = arith.constant 80 : index
    %get3A_456 = tpu.vector_load %arg6[%get3A_455] {strides = array<i32>} : memref<16512xf32, #tpu.memory_space<vmem>>, vector<16xf32>,
    %get3A_457 = arith.constant 80 : index
    %get3A_458 = tpu.vector_load %arg8[%get3A_457] {strides = array<i32>} : memref<16512xi32, #tpu.memory_space<vmem>>, vector<16xi32>,
    %get3A_459 = arith.constant 96 : index
    %get3A_460 = tpu.vector_load %arg6[%get3A_459] {strides = array<i32>} : memref<16512xf32, #tpu.memory_space<vmem>>, vector<16xf32>,
    %get3A_461 = arith.constant 96 : index
    %get3A_462 = tpu.vector_load %arg8[%get3A_461] {strides = array<i32>} : memref<16512xi32, #tpu.memory_space<vmem>>, vector<16xi32>,
    %get3A_463 = arith.constant 112 : index
    %get3A_464 = tpu.vector_load %arg6[%get3A_463] {strides = array<i32>} : memref<16512xf32, #tpu.memory_space<vmem>>, vector<16xf32>,
    %get3A_465 = arith.constant 112 : index
    %get3A_466 = tpu.vector_load %arg8[%get3A_465] {strides = array<i32>} : memref<16512xi32, #tpu.memory_space<vmem>>, vector<16xi32>,
    %scan3A_467 = arith.constant 0 : i32
    %scan3A_468 = arith.constant 128 : i32
    %scan3A_469 = arith.addi %scan3A_467, %scan3A_468 : i32
    %scan3A_470 = arith.constant 1 : i32
    %scan3A_471:16 = scf.for %scan3A_1195 = %scan3A_467 to %scan3A_469 step %scan3A_470 iter_args(%scan3A_1196 = %get3A_436, %scan3A_1197 = %get3A_438, %scan3A_1198 = %get3A_440, %scan3A_1199 = %get3A_442, %scan3A_1200 = %get3A_444, %scan3A_1201 = %get3A_446, %scan3A_1202 = %get3A_448, %scan3A_1203 = %get3A_450, %scan3A_1204 = %get3A_452, %scan3A_1205 = %get3A_454, %scan3A_1206 = %get3A_456, %scan3A_1207 = %get3A_458, %scan3A_1208 = %get3A_460, %scan3A_1209 = %get3A_462, %scan3A_1210 = %get3A_464, %scan3A_1211 = %get3A_466) -> (vector<16xf32>, vector<16xi32>, vector<16xf32>, vector<16xi32>, vector<16xf32>, vector<16xi32>, vector<16xf32>, vector<16xi32>, vector<16xf32>, vector<16xi32>, vector<16xf32>, vector<16xi32>, vector<16xf32>, vector<16xi32>, vector<16xf32>, vector<16xi32>)  : i32 {
      %add3A_1212 = arith.constant 1 : i32
      %add3A_1213 = arith.addi %scan3A_1195, %add3A_1212 : i32
      %mul3A_1214 = arith.constant 128 : i32
      %mul3A_1215 = arith.muli %add3A_1213, %mul3A_1214 : i32
      %add3A_1216 = arith.constant 0 : i32
      %add3A_1217 = arith.addi %mul3A_1215, %add3A_1216 : i32
      %get3A_1218 = arith.index_cast %add3A_1217 : i32 to index
      %get3A_1219 = tpu.vector_load %arg6[%get3A_1218] {strides = array<i32>} : memref<16512xf32, #tpu.memory_space<vmem>>, vector<16xf32>,
      %get3A_1220 = arith.index_cast %add3A_1217 : i32 to index
      %get3A_1221 = tpu.vector_load %arg8[%get3A_1220] {strides = array<i32>} : memref<16512xi32, #tpu.memory_space<vmem>>, vector<16xi32>,
      %add3A_1222 = arith.constant 16 : i32
      %add3A_1223 = arith.addi %mul3A_1215, %add3A_1222 : i32
      %get3A_1224 = arith.index_cast %add3A_1223 : i32 to index
      %get3A_1225 = tpu.vector_load %arg6[%get3A_1224] {strides = array<i32>} : memref<16512xf32, #tpu.memory_space<vmem>>, vector<16xf32>,
      %get3A_1226 = arith.index_cast %add3A_1223 : i32 to index
      %get3A_1227 = tpu.vector_load %arg8[%get3A_1226] {strides = array<i32>} : memref<16512xi32, #tpu.memory_space<vmem>>, vector<16xi32>,
      %add3A_1228 = arith.constant 32 : i32
      %add3A_1229 = arith.addi %mul3A_1215, %add3A_1228 : i32
      %get3A_1230 = arith.index_cast %add3A_1229 : i32 to index
      %get3A_1231 = tpu.vector_load %arg6[%get3A_1230] {strides = array<i32>} : memref<16512xf32, #tpu.memory_space<vmem>>, vector<16xf32>,
      %get3A_1232 = arith.index_cast %add3A_1229 : i32 to index
      %get3A_1233 = tpu.vector_load %arg8[%get3A_1232] {strides = array<i32>} : memref<16512xi32, #tpu.memory_space<vmem>>, vector<16xi32>,
      %add3A_1234 = arith.constant 48 : i32
      %add3A_1235 = arith.addi %mul3A_1215, %add3A_1234 : i32
      %get3A_1236 = arith.index_cast %add3A_1235 : i32 to index
      %get3A_1237 = tpu.vector_load %arg6[%get3A_1236] {strides = array<i32>} : memref<16512xf32, #tpu.memory_space<vmem>>, vector<16xf32>,
      %get3A_1238 = arith.index_cast %add3A_1235 : i32 to index
      %get3A_1239 = tpu.vector_load %arg8[%get3A_1238] {strides = array<i32>} : memref<16512xi32, #tpu.memory_space<vmem>>, vector<16xi32>,
      %add3A_1240 = arith.constant 64 : i32
      %add3A_1241 = arith.addi %mul3A_1215, %add3A_1240 : i32
      %get3A_1242 = arith.index_cast %add3A_1241 : i32 to index
      %get3A_1243 = tpu.vector_load %arg6[%get3A_1242] {strides = array<i32>} : memref<16512xf32, #tpu.memory_space<vmem>>, vector<16xf32>,
      %get3A_1244 = arith.index_cast %add3A_1241 : i32 to index
      %get3A_1245 = tpu.vector_load %arg8[%get3A_1244] {strides = array<i32>} : memref<16512xi32, #tpu.memory_space<vmem>>, vector<16xi32>,
      %add3A_1246 = arith.constant 80 : i32
      %add3A_1247 = arith.addi %mul3A_1215, %add3A_1246 : i32
      %get3A_1248 = arith.index_cast %add3A_1247 : i32 to index
      %get3A_1249 = tpu.vector_load %arg6[%get3A_1248] {strides = array<i32>} : memref<16512xf32, #tpu.memory_space<vmem>>, vector<16xf32>,
      %get3A_1250 = arith.index_cast %add3A_1247 : i32 to index
      %get3A_1251 = tpu.vector_load %arg8[%get3A_1250] {strides = array<i32>} : memref<16512xi32, #tpu.memory_space<vmem>>, vector<16xi32>,
      %add3A_1252 = arith.constant 96 : i32
      %add3A_1253 = arith.addi %mul3A_1215, %add3A_1252 : i32
      %get3A_1254 = arith.index_cast %add3A_1253 : i32 to index
      %get3A_1255 = tpu.vector_load %arg6[%get3A_1254] {strides = array<i32>} : memref<16512xf32, #tpu.memory_space<vmem>>, vector<16xf32>,
      %get3A_1256 = arith.index_cast %add3A_1253 : i32 to index
      %get3A_1257 = tpu.vector_load %arg8[%get3A_1256] {strides = array<i32>} : memref<16512xi32, #tpu.memory_space<vmem>>, vector<16xi32>,
      %add3A_1258 = arith.constant 112 : i32
      %add3A_1259 = arith.addi %mul3A_1215, %add3A_1258 : i32
      %get3A_1260 = arith.index_cast %add3A_1259 : i32 to index
      %get3A_1261 = tpu.vector_load %arg6[%get3A_1260] {strides = array<i32>} : memref<16512xf32, #tpu.memory_space<vmem>>, vector<16xf32>,
      %get3A_1262 = arith.index_cast %add3A_1259 : i32 to index
      %get3A_1263 = tpu.vector_load %arg8[%get3A_1262] {strides = array<i32>} : memref<16512xi32, #tpu.memory_space<vmem>>, vector<16xi32>,
      %mul3A_1264 = arith.constant 128 : i32
      %mul3A_1265 = arith.muli %scan3A_1195, %mul3A_1264 : i32
      %add3A_1266 = arith.constant 81920 : i32
      %add3A_1267 = arith.addi %add3A_1266, %mul3A_1265 : i32
      %add3A_1268 = arith.constant 0 : i32
      %add3A_1269 = arith.addi %add3A_1267, %add3A_1268 : i32
      %add3A_1270 = vector.broadcast %add3A_1269 : i32 to vector<16xi32>
      %add3A_1271 = arith.addi %add3A_30, %add3A_1270 : vector<16xi32>
      %gt3A = arith.constant 5.000000e-01 : f32
      %gt3A_1272 = vector.broadcast %gt3A : f32 to vector<16xf32>
      %gt3A_1273 = arith.cmpf ogt, %scan3A_1196, %gt3A_1272 : vector<16xf32>
      tpu.vector_store_idx %arg9[%scan3A_1197], %add3A_1271 masked %gt3A_1273 : memref<8128xi32, #tpu.memory_space<vmem>>[vector<16xi32>], vector<16xi32>, vector<16xi1>
      %mul3A_1274 = arith.constant 128 : i32
      %mul3A_1275 = arith.muli %scan3A_1195, %mul3A_1274 : i32
      %add3A_1276 = arith.constant 81920 : i32
      %add3A_1277 = arith.addi %add3A_1276, %mul3A_1275 : i32
      %add3A_1278 = arith.constant 16 : i32
      %add3A_1279 = arith.addi %add3A_1277, %add3A_1278 : i32
      %add3A_1280 = vector.broadcast %add3A_1279 : i32 to vector<16xi32>
      %add3A_1281 = arith.addi %add3A_30, %add3A_1280 : vector<16xi32>
      %gt3A_1282 = arith.constant 5.000000e-01 : f32
      %gt3A_1283 = vector.broadcast %gt3A_1282 : f32 to vector<16xf32>
      %gt3A_1284 = arith.cmpf ogt, %scan3A_1198, %gt3A_1283 : vector<16xf32>
      tpu.vector_store_idx %arg9[%scan3A_1199], %add3A_1281 masked %gt3A_1284 : memref<8128xi32, #tpu.memory_space<vmem>>[vector<16xi32>], vector<16xi32>, vector<16xi1>
      %mul3A_1285 = arith.constant 128 : i32
      %mul3A_1286 = arith.muli %scan3A_1195, %mul3A_1285 : i32
      %add3A_1287 = arith.constant 81920 : i32
      %add3A_1288 = arith.addi %add3A_1287, %mul3A_1286 : i32
      %add3A_1289 = arith.constant 32 : i32
      %add3A_1290 = arith.addi %add3A_1288, %add3A_1289 : i32
      %add3A_1291 = vector.broadcast %add3A_1290 : i32 to vector<16xi32>
      %add3A_1292 = arith.addi %add3A_30, %add3A_1291 : vector<16xi32>
      %gt3A_1293 = arith.constant 5.000000e-01 : f32
      %gt3A_1294 = vector.broadcast %gt3A_1293 : f32 to vector<16xf32>
      %gt3A_1295 = arith.cmpf ogt, %scan3A_1200, %gt3A_1294 : vector<16xf32>
      tpu.vector_store_idx %arg9[%scan3A_1201], %add3A_1292 masked %gt3A_1295 : memref<8128xi32, #tpu.memory_space<vmem>>[vector<16xi32>], vector<16xi32>, vector<16xi1>
      %mul3A_1296 = arith.constant 128 : i32
      %mul3A_1297 = arith.muli %scan3A_1195, %mul3A_1296 : i32
      %add3A_1298 = arith.constant 81920 : i32
      %add3A_1299 = arith.addi %add3A_1298, %mul3A_1297 : i32
      %add3A_1300 = arith.constant 48 : i32
      %add3A_1301 = arith.addi %add3A_1299, %add3A_1300 : i32
      %add3A_1302 = vector.broadcast %add3A_1301 : i32 to vector<16xi32>
      %add3A_1303 = arith.addi %add3A_30, %add3A_1302 : vector<16xi32>
      %gt3A_1304 = arith.constant 5.000000e-01 : f32
      %gt3A_1305 = vector.broadcast %gt3A_1304 : f32 to vector<16xf32>
      %gt3A_1306 = arith.cmpf ogt, %scan3A_1202, %gt3A_1305 : vector<16xf32>
      tpu.vector_store_idx %arg9[%scan3A_1203], %add3A_1303 masked %gt3A_1306 : memref<8128xi32, #tpu.memory_space<vmem>>[vector<16xi32>], vector<16xi32>, vector<16xi1>
      %mul3A_1307 = arith.constant 128 : i32
      %mul3A_1308 = arith.muli %scan3A_1195, %mul3A_1307 : i32
      %add3A_1309 = arith.constant 81920 : i32
      %add3A_1310 = arith.addi %add3A_1309, %mul3A_1308 : i32
      %add3A_1311 = arith.constant 64 : i32
      %add3A_1312 = arith.addi %add3A_1310, %add3A_1311 : i32
      %add3A_1313 = vector.broadcast %add3A_1312 : i32 to vector<16xi32>
      %add3A_1314 = arith.addi %add3A_30, %add3A_1313 : vector<16xi32>
      %gt3A_1315 = arith.constant 5.000000e-01 : f32
      %gt3A_1316 = vector.broadcast %gt3A_1315 : f32 to vector<16xf32>
      %gt3A_1317 = arith.cmpf ogt, %scan3A_1204, %gt3A_1316 : vector<16xf32>
      tpu.vector_store_idx %arg9[%scan3A_1205], %add3A_1314 masked %gt3A_1317 : memref<8128xi32, #tpu.memory_space<vmem>>[vector<16xi32>], vector<16xi32>, vector<16xi1>
      %mul3A_1318 = arith.constant 128 : i32
      %mul3A_1319 = arith.muli %scan3A_1195, %mul3A_1318 : i32
      %add3A_1320 = arith.constant 81920 : i32
      %add3A_1321 = arith.addi %add3A_1320, %mul3A_1319 : i32
      %add3A_1322 = arith.constant 80 : i32
      %add3A_1323 = arith.addi %add3A_1321, %add3A_1322 : i32
      %add3A_1324 = vector.broadcast %add3A_1323 : i32 to vector<16xi32>
      %add3A_1325 = arith.addi %add3A_30, %add3A_1324 : vector<16xi32>
      %gt3A_1326 = arith.constant 5.000000e-01 : f32
      %gt3A_1327 = vector.broadcast %gt3A_1326 : f32 to vector<16xf32>
      %gt3A_1328 = arith.cmpf ogt, %scan3A_1206, %gt3A_1327 : vector<16xf32>
      tpu.vector_store_idx %arg9[%scan3A_1207], %add3A_1325 masked %gt3A_1328 : memref<8128xi32, #tpu.memory_space<vmem>>[vector<16xi32>], vector<16xi32>, vector<16xi1>
      %mul3A_1329 = arith.constant 128 : i32
      %mul3A_1330 = arith.muli %scan3A_1195, %mul3A_1329 : i32
      %add3A_1331 = arith.constant 81920 : i32
      %add3A_1332 = arith.addi %add3A_1331, %mul3A_1330 : i32
      %add3A_1333 = arith.constant 96 : i32
      %add3A_1334 = arith.addi %add3A_1332, %add3A_1333 : i32
      %add3A_1335 = vector.broadcast %add3A_1334 : i32 to vector<16xi32>
      %add3A_1336 = arith.addi %add3A_30, %add3A_1335 : vector<16xi32>
      %gt3A_1337 = arith.constant 5.000000e-01 : f32
      %gt3A_1338 = vector.broadcast %gt3A_1337 : f32 to vector<16xf32>
      %gt3A_1339 = arith.cmpf ogt, %scan3A_1208, %gt3A_1338 : vector<16xf32>
      tpu.vector_store_idx %arg9[%scan3A_1209], %add3A_1336 masked %gt3A_1339 : memref<8128xi32, #tpu.memory_space<vmem>>[vector<16xi32>], vector<16xi32>, vector<16xi1>
      %mul3A_1340 = arith.constant 128 : i32
      %mul3A_1341 = arith.muli %scan3A_1195, %mul3A_1340 : i32
      %add3A_1342 = arith.constant 81920 : i32
      %add3A_1343 = arith.addi %add3A_1342, %mul3A_1341 : i32
      %add3A_1344 = arith.constant 112 : i32
      %add3A_1345 = arith.addi %add3A_1343, %add3A_1344 : i32
      %add3A_1346 = vector.broadcast %add3A_1345 : i32 to vector<16xi32>
      %add3A_1347 = arith.addi %add3A_30, %add3A_1346 : vector<16xi32>
      %gt3A_1348 = arith.constant 5.000000e-01 : f32
      %gt3A_1349 = vector.broadcast %gt3A_1348 : f32 to vector<16xf32>
      %gt3A_1350 = arith.cmpf ogt, %scan3A_1210, %gt3A_1349 : vector<16xf32>
      tpu.vector_store_idx %arg9[%scan3A_1211], %add3A_1347 masked %gt3A_1350 : memref<8128xi32, #tpu.memory_space<vmem>>[vector<16xi32>], vector<16xi32>, vector<16xi1>
      scf.yield %get3A_1219, %get3A_1221, %get3A_1225, %get3A_1227, %get3A_1231, %get3A_1233, %get3A_1237, %get3A_1239, %get3A_1243, %get3A_1245, %get3A_1249, %get3A_1251, %get3A_1255, %get3A_1257, %get3A_1261, %get3A_1263 : vector<16xf32>, vector<16xi32>, vector<16xf32>, vector<16xi32>, vector<16xf32>, vector<16xi32>, vector<16xf32>, vector<16xi32>, vector<16xf32>, vector<16xi32>, vector<16xf32>, vector<16xi32>, vector<16xf32>, vector<16xi32>, vector<16xf32>, vector<16xi32>
    }
    %scan3A_472 = arith.constant 128 : i32
    %dma_wait3A_473 = arith.constant 0 : i32
    %dma_wait3A_474 = tpu.memref_slice %arg5[%dma_wait3A_473] : memref<16512xf32, #tpu.memory_space<vmem>> -> memref<16384xf32, #tpu.memory_space<vmem>>
    %dma_wait3A_475 = arith.constant 98304 : i32
    %dma_wait3A_476 = tpu.memref_slice %arg2[%add3A_5, %dma_wait3A_475] : memref<32x262144xf32, #tpu.memory_space<hbm>> -> memref<1x16384xf32, #tpu.memory_space<hbm>>
    %dma_wait3A_477 = tpu.memref_squeeze %dma_wait3A_476 : memref<1x16384xf32, #tpu.memory_space<hbm>> -> memref<16384xf32, #tpu.memory_space<hbm>>
    %dma_wait3A_478 = arith.constant 0 : i32
    %dma_wait3A_479 = tpu.memref_slice %arg5[%dma_wait3A_478] : memref<16512xf32, #tpu.memory_space<vmem>> -> memref<16384xf32, #tpu.memory_space<vmem>>
    %dma_wait3A_480 = arith.constant 98304 : i32
    %dma_wait3A_481 = tpu.memref_slice %arg2[%add3A_5, %dma_wait3A_480] : memref<32x262144xf32, #tpu.memory_space<hbm>> -> memref<1x16384xf32, #tpu.memory_space<hbm>>
    %dma_wait3A_482 = tpu.memref_squeeze %dma_wait3A_481 : memref<1x16384xf32, #tpu.memory_space<hbm>> -> memref<16384xf32, #tpu.memory_space<hbm>>
    tpu.wait_dma2 semaphore(%arg10 : memref<!tpu.dma_semaphore, #tpu.memory_space<semaphore_mem>>) src(%dma_wait3A_482 : memref<16384xf32, #tpu.memory_space<hbm>>) dst(%dma_wait3A_479 : memref<16384xf32, #tpu.memory_space<vmem>>)
    %dma_wait3A_483 = arith.constant 0 : i32
    %dma_wait3A_484 = tpu.memref_slice %arg7[%dma_wait3A_483] : memref<16512xi32, #tpu.memory_space<vmem>> -> memref<16384xi32, #tpu.memory_space<vmem>>
    %dma_wait3A_485 = arith.constant 98304 : i32
    %dma_wait3A_486 = tpu.memref_slice %arg3[%dma_wait3A_485] : memref<262144xi32, #tpu.memory_space<hbm>> -> memref<16384xi32, #tpu.memory_space<hbm>>
    %dma_wait3A_487 = arith.constant 0 : i32
    %dma_wait3A_488 = tpu.memref_slice %arg7[%dma_wait3A_487] : memref<16512xi32, #tpu.memory_space<vmem>> -> memref<16384xi32, #tpu.memory_space<vmem>>
    %dma_wait3A_489 = arith.constant 98304 : i32
    %dma_wait3A_490 = tpu.memref_slice %arg3[%dma_wait3A_489] : memref<262144xi32, #tpu.memory_space<hbm>> -> memref<16384xi32, #tpu.memory_space<hbm>>
    tpu.wait_dma2 semaphore(%arg10 : memref<!tpu.dma_semaphore, #tpu.memory_space<semaphore_mem>>) src(%dma_wait3A_490 : memref<16384xi32, #tpu.memory_space<hbm>>) dst(%dma_wait3A_488 : memref<16384xi32, #tpu.memory_space<vmem>>)
    %dma_start3A_491 = arith.constant 0 : i32
    %dma_start3A_492 = tpu.memref_slice %arg6[%dma_start3A_491] : memref<16512xf32, #tpu.memory_space<vmem>> -> memref<16384xf32, #tpu.memory_space<vmem>>
    %dma_start3A_493 = arith.constant 114688 : i32
    %dma_start3A_494 = tpu.memref_slice %arg2[%add3A_5, %dma_start3A_493] : memref<32x262144xf32, #tpu.memory_space<hbm>> -> memref<1x16384xf32, #tpu.memory_space<hbm>>
    %dma_start3A_495 = tpu.memref_squeeze %dma_start3A_494 : memref<1x16384xf32, #tpu.memory_space<hbm>> -> memref<16384xf32, #tpu.memory_space<hbm>>
    %dma_start3A_496 = arith.constant 0 : i32
    %dma_start3A_497 = tpu.memref_slice %arg6[%dma_start3A_496] : memref<16512xf32, #tpu.memory_space<vmem>> -> memref<16384xf32, #tpu.memory_space<vmem>>
    %dma_start3A_498 = arith.constant 114688 : i32
    %dma_start3A_499 = tpu.memref_slice %arg2[%add3A_5, %dma_start3A_498] : memref<32x262144xf32, #tpu.memory_space<hbm>> -> memref<1x16384xf32, #tpu.memory_space<hbm>>
    %dma_start3A_500 = tpu.memref_squeeze %dma_start3A_499 : memref<1x16384xf32, #tpu.memory_space<hbm>> -> memref<16384xf32, #tpu.memory_space<hbm>>
    tpu.enqueue_dma source(%dma_start3A_500 : memref<16384xf32, #tpu.memory_space<hbm>>) target(%dma_start3A_497 : memref<16384xf32, #tpu.memory_space<vmem>>) target_semaphore(%arg11 : memref<!tpu.dma_semaphore, #tpu.memory_space<semaphore_mem>>)
    %dma_start3A_501 = arith.constant 0 : i32
    %dma_start3A_502 = tpu.memref_slice %arg8[%dma_start3A_501] : memref<16512xi32, #tpu.memory_space<vmem>> -> memref<16384xi32, #tpu.memory_space<vmem>>
    %dma_start3A_503 = arith.constant 114688 : i32
    %dma_start3A_504 = tpu.memref_slice %arg3[%dma_start3A_503] : memref<262144xi32, #tpu.memory_space<hbm>> -> memref<16384xi32, #tpu.memory_space<hbm>>
    %dma_start3A_505 = arith.constant 0 : i32
    %dma_start3A_506 = tpu.memref_slice %arg8[%dma_start3A_505] : memref<16512xi32, #tpu.memory_space<vmem>> -> memref<16384xi32, #tpu.memory_space<vmem>>
    %dma_start3A_507 = arith.constant 114688 : i32
    %dma_start3A_508 = tpu.memref_slice %arg3[%dma_start3A_507] : memref<262144xi32, #tpu.memory_space<hbm>> -> memref<16384xi32, #tpu.memory_space<hbm>>
    tpu.enqueue_dma source(%dma_start3A_508 : memref<16384xi32, #tpu.memory_space<hbm>>) target(%dma_start3A_506 : memref<16384xi32, #tpu.memory_space<vmem>>) target_semaphore(%arg11 : memref<!tpu.dma_semaphore, #tpu.memory_space<semaphore_mem>>)
    %get3A_509 = arith.constant 0 : index
    %get3A_510 = tpu.vector_load %arg5[%get3A_509] {strides = array<i32>} : memref<16512xf32, #tpu.memory_space<vmem>>, vector<16xf32>,
    %get3A_511 = arith.constant 0 : index
    %get3A_512 = tpu.vector_load %arg7[%get3A_511] {strides = array<i32>} : memref<16512xi32, #tpu.memory_space<vmem>>, vector<16xi32>,
    %get3A_513 = arith.constant 16 : index
    %get3A_514 = tpu.vector_load %arg5[%get3A_513] {strides = array<i32>} : memref<16512xf32, #tpu.memory_space<vmem>>, vector<16xf32>,
    %get3A_515 = arith.constant 16 : index
    %get3A_516 = tpu.vector_load %arg7[%get3A_515] {strides = array<i32>} : memref<16512xi32, #tpu.memory_space<vmem>>, vector<16xi32>,
    %get3A_517 = arith.constant 32 : index
    %get3A_518 = tpu.vector_load %arg5[%get3A_517] {strides = array<i32>} : memref<16512xf32, #tpu.memory_space<vmem>>, vector<16xf32>,
    %get3A_519 = arith.constant 32 : index
    %get3A_520 = tpu.vector_load %arg7[%get3A_519] {strides = array<i32>} : memref<16512xi32, #tpu.memory_space<vmem>>, vector<16xi32>,
    %get3A_521 = arith.constant 48 : index
    %get3A_522 = tpu.vector_load %arg5[%get3A_521] {strides = array<i32>} : memref<16512xf32, #tpu.memory_space<vmem>>, vector<16xf32>,
    %get3A_523 = arith.constant 48 : index
    %get3A_524 = tpu.vector_load %arg7[%get3A_523] {strides = array<i32>} : memref<16512xi32, #tpu.memory_space<vmem>>, vector<16xi32>,
    %get3A_525 = arith.constant 64 : index
    %get3A_526 = tpu.vector_load %arg5[%get3A_525] {strides = array<i32>} : memref<16512xf32, #tpu.memory_space<vmem>>, vector<16xf32>,
    %get3A_527 = arith.constant 64 : index
    %get3A_528 = tpu.vector_load %arg7[%get3A_527] {strides = array<i32>} : memref<16512xi32, #tpu.memory_space<vmem>>, vector<16xi32>,
    %get3A_529 = arith.constant 80 : index
    %get3A_530 = tpu.vector_load %arg5[%get3A_529] {strides = array<i32>} : memref<16512xf32, #tpu.memory_space<vmem>>, vector<16xf32>,
    %get3A_531 = arith.constant 80 : index
    %get3A_532 = tpu.vector_load %arg7[%get3A_531] {strides = array<i32>} : memref<16512xi32, #tpu.memory_space<vmem>>, vector<16xi32>,
    %get3A_533 = arith.constant 96 : index
    %get3A_534 = tpu.vector_load %arg5[%get3A_533] {strides = array<i32>} : memref<16512xf32, #tpu.memory_space<vmem>>, vector<16xf32>,
    %get3A_535 = arith.constant 96 : index
    %get3A_536 = tpu.vector_load %arg7[%get3A_535] {strides = array<i32>} : memref<16512xi32, #tpu.memory_space<vmem>>, vector<16xi32>,
    %get3A_537 = arith.constant 112 : index
    %get3A_538 = tpu.vector_load %arg5[%get3A_537] {strides = array<i32>} : memref<16512xf32, #tpu.memory_space<vmem>>, vector<16xf32>,
    %get3A_539 = arith.constant 112 : index
    %get3A_540 = tpu.vector_load %arg7[%get3A_539] {strides = array<i32>} : memref<16512xi32, #tpu.memory_space<vmem>>, vector<16xi32>,
    %scan3A_541 = arith.constant 0 : i32
    %scan3A_542 = arith.constant 128 : i32
    %scan3A_543 = arith.addi %scan3A_541, %scan3A_542 : i32
    %scan3A_544 = arith.constant 1 : i32
    %scan3A_545:16 = scf.for %scan3A_1195 = %scan3A_541 to %scan3A_543 step %scan3A_544 iter_args(%scan3A_1196 = %get3A_510, %scan3A_1197 = %get3A_512, %scan3A_1198 = %get3A_514, %scan3A_1199 = %get3A_516, %scan3A_1200 = %get3A_518, %scan3A_1201 = %get3A_520, %scan3A_1202 = %get3A_522, %scan3A_1203 = %get3A_524, %scan3A_1204 = %get3A_526, %scan3A_1205 = %get3A_528, %scan3A_1206 = %get3A_530, %scan3A_1207 = %get3A_532, %scan3A_1208 = %get3A_534, %scan3A_1209 = %get3A_536, %scan3A_1210 = %get3A_538, %scan3A_1211 = %get3A_540) -> (vector<16xf32>, vector<16xi32>, vector<16xf32>, vector<16xi32>, vector<16xf32>, vector<16xi32>, vector<16xf32>, vector<16xi32>, vector<16xf32>, vector<16xi32>, vector<16xf32>, vector<16xi32>, vector<16xf32>, vector<16xi32>, vector<16xf32>, vector<16xi32>)  : i32 {
      %add3A_1212 = arith.constant 1 : i32
      %add3A_1213 = arith.addi %scan3A_1195, %add3A_1212 : i32
      %mul3A_1214 = arith.constant 128 : i32
      %mul3A_1215 = arith.muli %add3A_1213, %mul3A_1214 : i32
      %add3A_1216 = arith.constant 0 : i32
      %add3A_1217 = arith.addi %mul3A_1215, %add3A_1216 : i32
      %get3A_1218 = arith.index_cast %add3A_1217 : i32 to index
      %get3A_1219 = tpu.vector_load %arg5[%get3A_1218] {strides = array<i32>} : memref<16512xf32, #tpu.memory_space<vmem>>, vector<16xf32>,
      %get3A_1220 = arith.index_cast %add3A_1217 : i32 to index
      %get3A_1221 = tpu.vector_load %arg7[%get3A_1220] {strides = array<i32>} : memref<16512xi32, #tpu.memory_space<vmem>>, vector<16xi32>,
      %add3A_1222 = arith.constant 16 : i32
      %add3A_1223 = arith.addi %mul3A_1215, %add3A_1222 : i32
      %get3A_1224 = arith.index_cast %add3A_1223 : i32 to index
      %get3A_1225 = tpu.vector_load %arg5[%get3A_1224] {strides = array<i32>} : memref<16512xf32, #tpu.memory_space<vmem>>, vector<16xf32>,
      %get3A_1226 = arith.index_cast %add3A_1223 : i32 to index
      %get3A_1227 = tpu.vector_load %arg7[%get3A_1226] {strides = array<i32>} : memref<16512xi32, #tpu.memory_space<vmem>>, vector<16xi32>,
      %add3A_1228 = arith.constant 32 : i32
      %add3A_1229 = arith.addi %mul3A_1215, %add3A_1228 : i32
      %get3A_1230 = arith.index_cast %add3A_1229 : i32 to index
      %get3A_1231 = tpu.vector_load %arg5[%get3A_1230] {strides = array<i32>} : memref<16512xf32, #tpu.memory_space<vmem>>, vector<16xf32>,
      %get3A_1232 = arith.index_cast %add3A_1229 : i32 to index
      %get3A_1233 = tpu.vector_load %arg7[%get3A_1232] {strides = array<i32>} : memref<16512xi32, #tpu.memory_space<vmem>>, vector<16xi32>,
      %add3A_1234 = arith.constant 48 : i32
      %add3A_1235 = arith.addi %mul3A_1215, %add3A_1234 : i32
      %get3A_1236 = arith.index_cast %add3A_1235 : i32 to index
      %get3A_1237 = tpu.vector_load %arg5[%get3A_1236] {strides = array<i32>} : memref<16512xf32, #tpu.memory_space<vmem>>, vector<16xf32>,
      %get3A_1238 = arith.index_cast %add3A_1235 : i32 to index
      %get3A_1239 = tpu.vector_load %arg7[%get3A_1238] {strides = array<i32>} : memref<16512xi32, #tpu.memory_space<vmem>>, vector<16xi32>,
      %add3A_1240 = arith.constant 64 : i32
      %add3A_1241 = arith.addi %mul3A_1215, %add3A_1240 : i32
      %get3A_1242 = arith.index_cast %add3A_1241 : i32 to index
      %get3A_1243 = tpu.vector_load %arg5[%get3A_1242] {strides = array<i32>} : memref<16512xf32, #tpu.memory_space<vmem>>, vector<16xf32>,
      %get3A_1244 = arith.index_cast %add3A_1241 : i32 to index
      %get3A_1245 = tpu.vector_load %arg7[%get3A_1244] {strides = array<i32>} : memref<16512xi32, #tpu.memory_space<vmem>>, vector<16xi32>,
      %add3A_1246 = arith.constant 80 : i32
      %add3A_1247 = arith.addi %mul3A_1215, %add3A_1246 : i32
      %get3A_1248 = arith.index_cast %add3A_1247 : i32 to index
      %get3A_1249 = tpu.vector_load %arg5[%get3A_1248] {strides = array<i32>} : memref<16512xf32, #tpu.memory_space<vmem>>, vector<16xf32>,
      %get3A_1250 = arith.index_cast %add3A_1247 : i32 to index
      %get3A_1251 = tpu.vector_load %arg7[%get3A_1250] {strides = array<i32>} : memref<16512xi32, #tpu.memory_space<vmem>>, vector<16xi32>,
      %add3A_1252 = arith.constant 96 : i32
      %add3A_1253 = arith.addi %mul3A_1215, %add3A_1252 : i32
      %get3A_1254 = arith.index_cast %add3A_1253 : i32 to index
      %get3A_1255 = tpu.vector_load %arg5[%get3A_1254] {strides = array<i32>} : memref<16512xf32, #tpu.memory_space<vmem>>, vector<16xf32>,
      %get3A_1256 = arith.index_cast %add3A_1253 : i32 to index
      %get3A_1257 = tpu.vector_load %arg7[%get3A_1256] {strides = array<i32>} : memref<16512xi32, #tpu.memory_space<vmem>>, vector<16xi32>,
      %add3A_1258 = arith.constant 112 : i32
      %add3A_1259 = arith.addi %mul3A_1215, %add3A_1258 : i32
      %get3A_1260 = arith.index_cast %add3A_1259 : i32 to index
      %get3A_1261 = tpu.vector_load %arg5[%get3A_1260] {strides = array<i32>} : memref<16512xf32, #tpu.memory_space<vmem>>, vector<16xf32>,
      %get3A_1262 = arith.index_cast %add3A_1259 : i32 to index
      %get3A_1263 = tpu.vector_load %arg7[%get3A_1262] {strides = array<i32>} : memref<16512xi32, #tpu.memory_space<vmem>>, vector<16xi32>,
      %mul3A_1264 = arith.constant 128 : i32
      %mul3A_1265 = arith.muli %scan3A_1195, %mul3A_1264 : i32
      %add3A_1266 = arith.constant 98304 : i32
      %add3A_1267 = arith.addi %add3A_1266, %mul3A_1265 : i32
      %add3A_1268 = arith.constant 0 : i32
      %add3A_1269 = arith.addi %add3A_1267, %add3A_1268 : i32
      %add3A_1270 = vector.broadcast %add3A_1269 : i32 to vector<16xi32>
      %add3A_1271 = arith.addi %add3A_30, %add3A_1270 : vector<16xi32>
      %gt3A = arith.constant 5.000000e-01 : f32
      %gt3A_1272 = vector.broadcast %gt3A : f32 to vector<16xf32>
      %gt3A_1273 = arith.cmpf ogt, %scan3A_1196, %gt3A_1272 : vector<16xf32>
      tpu.vector_store_idx %arg9[%scan3A_1197], %add3A_1271 masked %gt3A_1273 : memref<8128xi32, #tpu.memory_space<vmem>>[vector<16xi32>], vector<16xi32>, vector<16xi1>
      %mul3A_1274 = arith.constant 128 : i32
      %mul3A_1275 = arith.muli %scan3A_1195, %mul3A_1274 : i32
      %add3A_1276 = arith.constant 98304 : i32
      %add3A_1277 = arith.addi %add3A_1276, %mul3A_1275 : i32
      %add3A_1278 = arith.constant 16 : i32
      %add3A_1279 = arith.addi %add3A_1277, %add3A_1278 : i32
      %add3A_1280 = vector.broadcast %add3A_1279 : i32 to vector<16xi32>
      %add3A_1281 = arith.addi %add3A_30, %add3A_1280 : vector<16xi32>
      %gt3A_1282 = arith.constant 5.000000e-01 : f32
      %gt3A_1283 = vector.broadcast %gt3A_1282 : f32 to vector<16xf32>
      %gt3A_1284 = arith.cmpf ogt, %scan3A_1198, %gt3A_1283 : vector<16xf32>
      tpu.vector_store_idx %arg9[%scan3A_1199], %add3A_1281 masked %gt3A_1284 : memref<8128xi32, #tpu.memory_space<vmem>>[vector<16xi32>], vector<16xi32>, vector<16xi1>
      %mul3A_1285 = arith.constant 128 : i32
      %mul3A_1286 = arith.muli %scan3A_1195, %mul3A_1285 : i32
      %add3A_1287 = arith.constant 98304 : i32
      %add3A_1288 = arith.addi %add3A_1287, %mul3A_1286 : i32
      %add3A_1289 = arith.constant 32 : i32
      %add3A_1290 = arith.addi %add3A_1288, %add3A_1289 : i32
      %add3A_1291 = vector.broadcast %add3A_1290 : i32 to vector<16xi32>
      %add3A_1292 = arith.addi %add3A_30, %add3A_1291 : vector<16xi32>
      %gt3A_1293 = arith.constant 5.000000e-01 : f32
      %gt3A_1294 = vector.broadcast %gt3A_1293 : f32 to vector<16xf32>
      %gt3A_1295 = arith.cmpf ogt, %scan3A_1200, %gt3A_1294 : vector<16xf32>
      tpu.vector_store_idx %arg9[%scan3A_1201], %add3A_1292 masked %gt3A_1295 : memref<8128xi32, #tpu.memory_space<vmem>>[vector<16xi32>], vector<16xi32>, vector<16xi1>
      %mul3A_1296 = arith.constant 128 : i32
      %mul3A_1297 = arith.muli %scan3A_1195, %mul3A_1296 : i32
      %add3A_1298 = arith.constant 98304 : i32
      %add3A_1299 = arith.addi %add3A_1298, %mul3A_1297 : i32
      %add3A_1300 = arith.constant 48 : i32
      %add3A_1301 = arith.addi %add3A_1299, %add3A_1300 : i32
      %add3A_1302 = vector.broadcast %add3A_1301 : i32 to vector<16xi32>
      %add3A_1303 = arith.addi %add3A_30, %add3A_1302 : vector<16xi32>
      %gt3A_1304 = arith.constant 5.000000e-01 : f32
      %gt3A_1305 = vector.broadcast %gt3A_1304 : f32 to vector<16xf32>
      %gt3A_1306 = arith.cmpf ogt, %scan3A_1202, %gt3A_1305 : vector<16xf32>
      tpu.vector_store_idx %arg9[%scan3A_1203], %add3A_1303 masked %gt3A_1306 : memref<8128xi32, #tpu.memory_space<vmem>>[vector<16xi32>], vector<16xi32>, vector<16xi1>
      %mul3A_1307 = arith.constant 128 : i32
      %mul3A_1308 = arith.muli %scan3A_1195, %mul3A_1307 : i32
      %add3A_1309 = arith.constant 98304 : i32
      %add3A_1310 = arith.addi %add3A_1309, %mul3A_1308 : i32
      %add3A_1311 = arith.constant 64 : i32
      %add3A_1312 = arith.addi %add3A_1310, %add3A_1311 : i32
      %add3A_1313 = vector.broadcast %add3A_1312 : i32 to vector<16xi32>
      %add3A_1314 = arith.addi %add3A_30, %add3A_1313 : vector<16xi32>
      %gt3A_1315 = arith.constant 5.000000e-01 : f32
      %gt3A_1316 = vector.broadcast %gt3A_1315 : f32 to vector<16xf32>
      %gt3A_1317 = arith.cmpf ogt, %scan3A_1204, %gt3A_1316 : vector<16xf32>
      tpu.vector_store_idx %arg9[%scan3A_1205], %add3A_1314 masked %gt3A_1317 : memref<8128xi32, #tpu.memory_space<vmem>>[vector<16xi32>], vector<16xi32>, vector<16xi1>
      %mul3A_1318 = arith.constant 128 : i32
      %mul3A_1319 = arith.muli %scan3A_1195, %mul3A_1318 : i32
      %add3A_1320 = arith.constant 98304 : i32
      %add3A_1321 = arith.addi %add3A_1320, %mul3A_1319 : i32
      %add3A_1322 = arith.constant 80 : i32
      %add3A_1323 = arith.addi %add3A_1321, %add3A_1322 : i32
      %add3A_1324 = vector.broadcast %add3A_1323 : i32 to vector<16xi32>
      %add3A_1325 = arith.addi %add3A_30, %add3A_1324 : vector<16xi32>
      %gt3A_1326 = arith.constant 5.000000e-01 : f32
      %gt3A_1327 = vector.broadcast %gt3A_1326 : f32 to vector<16xf32>
      %gt3A_1328 = arith.cmpf ogt, %scan3A_1206, %gt3A_1327 : vector<16xf32>
      tpu.vector_store_idx %arg9[%scan3A_1207], %add3A_1325 masked %gt3A_1328 : memref<8128xi32, #tpu.memory_space<vmem>>[vector<16xi32>], vector<16xi32>, vector<16xi1>
      %mul3A_1329 = arith.constant 128 : i32
      %mul3A_1330 = arith.muli %scan3A_1195, %mul3A_1329 : i32
      %add3A_1331 = arith.constant 98304 : i32
      %add3A_1332 = arith.addi %add3A_1331, %mul3A_1330 : i32
      %add3A_1333 = arith.constant 96 : i32
      %add3A_1334 = arith.addi %add3A_1332, %add3A_1333 : i32
      %add3A_1335 = vector.broadcast %add3A_1334 : i32 to vector<16xi32>
      %add3A_1336 = arith.addi %add3A_30, %add3A_1335 : vector<16xi32>
      %gt3A_1337 = arith.constant 5.000000e-01 : f32
      %gt3A_1338 = vector.broadcast %gt3A_1337 : f32 to vector<16xf32>
      %gt3A_1339 = arith.cmpf ogt, %scan3A_1208, %gt3A_1338 : vector<16xf32>
      tpu.vector_store_idx %arg9[%scan3A_1209], %add3A_1336 masked %gt3A_1339 : memref<8128xi32, #tpu.memory_space<vmem>>[vector<16xi32>], vector<16xi32>, vector<16xi1>
      %mul3A_1340 = arith.constant 128 : i32
      %mul3A_1341 = arith.muli %scan3A_1195, %mul3A_1340 : i32
      %add3A_1342 = arith.constant 98304 : i32
      %add3A_1343 = arith.addi %add3A_1342, %mul3A_1341 : i32
      %add3A_1344 = arith.constant 112 : i32
      %add3A_1345 = arith.addi %add3A_1343, %add3A_1344 : i32
      %add3A_1346 = vector.broadcast %add3A_1345 : i32 to vector<16xi32>
      %add3A_1347 = arith.addi %add3A_30, %add3A_1346 : vector<16xi32>
      %gt3A_1348 = arith.constant 5.000000e-01 : f32
      %gt3A_1349 = vector.broadcast %gt3A_1348 : f32 to vector<16xf32>
      %gt3A_1350 = arith.cmpf ogt, %scan3A_1210, %gt3A_1349 : vector<16xf32>
      tpu.vector_store_idx %arg9[%scan3A_1211], %add3A_1347 masked %gt3A_1350 : memref<8128xi32, #tpu.memory_space<vmem>>[vector<16xi32>], vector<16xi32>, vector<16xi1>
      scf.yield %get3A_1219, %get3A_1221, %get3A_1225, %get3A_1227, %get3A_1231, %get3A_1233, %get3A_1237, %get3A_1239, %get3A_1243, %get3A_1245, %get3A_1249, %get3A_1251, %get3A_1255, %get3A_1257, %get3A_1261, %get3A_1263 : vector<16xf32>, vector<16xi32>, vector<16xf32>, vector<16xi32>, vector<16xf32>, vector<16xi32>, vector<16xf32>, vector<16xi32>, vector<16xf32>, vector<16xi32>, vector<16xf32>, vector<16xi32>, vector<16xf32>, vector<16xi32>, vector<16xf32>, vector<16xi32>
    }
    %scan3A_546 = arith.constant 128 : i32
    %dma_wait3A_547 = arith.constant 0 : i32
    %dma_wait3A_548 = tpu.memref_slice %arg6[%dma_wait3A_547] : memref<16512xf32, #tpu.memory_space<vmem>> -> memref<16384xf32, #tpu.memory_space<vmem>>
    %dma_wait3A_549 = arith.constant 114688 : i32
    %dma_wait3A_550 = tpu.memref_slice %arg2[%add3A_5, %dma_wait3A_549] : memref<32x262144xf32, #tpu.memory_space<hbm>> -> memref<1x16384xf32, #tpu.memory_space<hbm>>
    %dma_wait3A_551 = tpu.memref_squeeze %dma_wait3A_550 : memref<1x16384xf32, #tpu.memory_space<hbm>> -> memref<16384xf32, #tpu.memory_space<hbm>>
    %dma_wait3A_552 = arith.constant 0 : i32
    %dma_wait3A_553 = tpu.memref_slice %arg6[%dma_wait3A_552] : memref<16512xf32, #tpu.memory_space<vmem>> -> memref<16384xf32, #tpu.memory_space<vmem>>
    %dma_wait3A_554 = arith.constant 114688 : i32
    %dma_wait3A_555 = tpu.memref_slice %arg2[%add3A_5, %dma_wait3A_554] : memref<32x262144xf32, #tpu.memory_space<hbm>> -> memref<1x16384xf32, #tpu.memory_space<hbm>>
    %dma_wait3A_556 = tpu.memref_squeeze %dma_wait3A_555 : memref<1x16384xf32, #tpu.memory_space<hbm>> -> memref<16384xf32, #tpu.memory_space<hbm>>
    tpu.wait_dma2 semaphore(%arg11 : memref<!tpu.dma_semaphore, #tpu.memory_space<semaphore_mem>>) src(%dma_wait3A_556 : memref<16384xf32, #tpu.memory_space<hbm>>) dst(%dma_wait3A_553 : memref<16384xf32, #tpu.memory_space<vmem>>)
    %dma_wait3A_557 = arith.constant 0 : i32
    %dma_wait3A_558 = tpu.memref_slice %arg8[%dma_wait3A_557] : memref<16512xi32, #tpu.memory_space<vmem>> -> memref<16384xi32, #tpu.memory_space<vmem>>
    %dma_wait3A_559 = arith.constant 114688 : i32
    %dma_wait3A_560 = tpu.memref_slice %arg3[%dma_wait3A_559] : memref<262144xi32, #tpu.memory_space<hbm>> -> memref<16384xi32, #tpu.memory_space<hbm>>
    %dma_wait3A_561 = arith.constant 0 : i32
    %dma_wait3A_562 = tpu.memref_slice %arg8[%dma_wait3A_561] : memref<16512xi32, #tpu.memory_space<vmem>> -> memref<16384xi32, #tpu.memory_space<vmem>>
    %dma_wait3A_563 = arith.constant 114688 : i32
    %dma_wait3A_564 = tpu.memref_slice %arg3[%dma_wait3A_563] : memref<262144xi32, #tpu.memory_space<hbm>> -> memref<16384xi32, #tpu.memory_space<hbm>>
    tpu.wait_dma2 semaphore(%arg11 : memref<!tpu.dma_semaphore, #tpu.memory_space<semaphore_mem>>) src(%dma_wait3A_564 : memref<16384xi32, #tpu.memory_space<hbm>>) dst(%dma_wait3A_562 : memref<16384xi32, #tpu.memory_space<vmem>>)
    %dma_start3A_565 = arith.constant 0 : i32
    %dma_start3A_566 = tpu.memref_slice %arg5[%dma_start3A_565] : memref<16512xf32, #tpu.memory_space<vmem>> -> memref<16384xf32, #tpu.memory_space<vmem>>
    %dma_start3A_567 = arith.constant 131072 : i32
    %dma_start3A_568 = tpu.memref_slice %arg2[%add3A_5, %dma_start3A_567] : memref<32x262144xf32, #tpu.memory_space<hbm>> -> memref<1x16384xf32, #tpu.memory_space<hbm>>
    %dma_start3A_569 = tpu.memref_squeeze %dma_start3A_568 : memref<1x16384xf32, #tpu.memory_space<hbm>> -> memref<16384xf32, #tpu.memory_space<hbm>>
    %dma_start3A_570 = arith.constant 0 : i32
    %dma_start3A_571 = tpu.memref_slice %arg5[%dma_start3A_570] : memref<16512xf32, #tpu.memory_space<vmem>> -> memref<16384xf32, #tpu.memory_space<vmem>>
    %dma_start3A_572 = arith.constant 131072 : i32
    %dma_start3A_573 = tpu.memref_slice %arg2[%add3A_5, %dma_start3A_572] : memref<32x262144xf32, #tpu.memory_space<hbm>> -> memref<1x16384xf32, #tpu.memory_space<hbm>>
    %dma_start3A_574 = tpu.memref_squeeze %dma_start3A_573 : memref<1x16384xf32, #tpu.memory_space<hbm>> -> memref<16384xf32, #tpu.memory_space<hbm>>
    tpu.enqueue_dma source(%dma_start3A_574 : memref<16384xf32, #tpu.memory_space<hbm>>) target(%dma_start3A_571 : memref<16384xf32, #tpu.memory_space<vmem>>) target_semaphore(%arg10 : memref<!tpu.dma_semaphore, #tpu.memory_space<semaphore_mem>>)
    %dma_start3A_575 = arith.constant 0 : i32
    %dma_start3A_576 = tpu.memref_slice %arg7[%dma_start3A_575] : memref<16512xi32, #tpu.memory_space<vmem>> -> memref<16384xi32, #tpu.memory_space<vmem>>
    %dma_start3A_577 = arith.constant 131072 : i32
    %dma_start3A_578 = tpu.memref_slice %arg3[%dma_start3A_577] : memref<262144xi32, #tpu.memory_space<hbm>> -> memref<16384xi32, #tpu.memory_space<hbm>>
    %dma_start3A_579 = arith.constant 0 : i32
    %dma_start3A_580 = tpu.memref_slice %arg7[%dma_start3A_579] : memref<16512xi32, #tpu.memory_space<vmem>> -> memref<16384xi32, #tpu.memory_space<vmem>>
    %dma_start3A_581 = arith.constant 131072 : i32
    %dma_start3A_582 = tpu.memref_slice %arg3[%dma_start3A_581] : memref<262144xi32, #tpu.memory_space<hbm>> -> memref<16384xi32, #tpu.memory_space<hbm>>
    tpu.enqueue_dma source(%dma_start3A_582 : memref<16384xi32, #tpu.memory_space<hbm>>) target(%dma_start3A_580 : memref<16384xi32, #tpu.memory_space<vmem>>) target_semaphore(%arg10 : memref<!tpu.dma_semaphore, #tpu.memory_space<semaphore_mem>>)
    %get3A_583 = arith.constant 0 : index
    %get3A_584 = tpu.vector_load %arg6[%get3A_583] {strides = array<i32>} : memref<16512xf32, #tpu.memory_space<vmem>>, vector<16xf32>,
    %get3A_585 = arith.constant 0 : index
    %get3A_586 = tpu.vector_load %arg8[%get3A_585] {strides = array<i32>} : memref<16512xi32, #tpu.memory_space<vmem>>, vector<16xi32>,
    %get3A_587 = arith.constant 16 : index
    %get3A_588 = tpu.vector_load %arg6[%get3A_587] {strides = array<i32>} : memref<16512xf32, #tpu.memory_space<vmem>>, vector<16xf32>,
    %get3A_589 = arith.constant 16 : index
    %get3A_590 = tpu.vector_load %arg8[%get3A_589] {strides = array<i32>} : memref<16512xi32, #tpu.memory_space<vmem>>, vector<16xi32>,
    %get3A_591 = arith.constant 32 : index
    %get3A_592 = tpu.vector_load %arg6[%get3A_591] {strides = array<i32>} : memref<16512xf32, #tpu.memory_space<vmem>>, vector<16xf32>,
    %get3A_593 = arith.constant 32 : index
    %get3A_594 = tpu.vector_load %arg8[%get3A_593] {strides = array<i32>} : memref<16512xi32, #tpu.memory_space<vmem>>, vector<16xi32>,
    %get3A_595 = arith.constant 48 : index
    %get3A_596 = tpu.vector_load %arg6[%get3A_595] {strides = array<i32>} : memref<16512xf32, #tpu.memory_space<vmem>>, vector<16xf32>,
    %get3A_597 = arith.constant 48 : index
    %get3A_598 = tpu.vector_load %arg8[%get3A_597] {strides = array<i32>} : memref<16512xi32, #tpu.memory_space<vmem>>, vector<16xi32>,
    %get3A_599 = arith.constant 64 : index
    %get3A_600 = tpu.vector_load %arg6[%get3A_599] {strides = array<i32>} : memref<16512xf32, #tpu.memory_space<vmem>>, vector<16xf32>,
    %get3A_601 = arith.constant 64 : index
    %get3A_602 = tpu.vector_load %arg8[%get3A_601] {strides = array<i32>} : memref<16512xi32, #tpu.memory_space<vmem>>, vector<16xi32>,
    %get3A_603 = arith.constant 80 : index
    %get3A_604 = tpu.vector_load %arg6[%get3A_603] {strides = array<i32>} : memref<16512xf32, #tpu.memory_space<vmem>>, vector<16xf32>,
    %get3A_605 = arith.constant 80 : index
    %get3A_606 = tpu.vector_load %arg8[%get3A_605] {strides = array<i32>} : memref<16512xi32, #tpu.memory_space<vmem>>, vector<16xi32>,
    %get3A_607 = arith.constant 96 : index
    %get3A_608 = tpu.vector_load %arg6[%get3A_607] {strides = array<i32>} : memref<16512xf32, #tpu.memory_space<vmem>>, vector<16xf32>,
    %get3A_609 = arith.constant 96 : index
    %get3A_610 = tpu.vector_load %arg8[%get3A_609] {strides = array<i32>} : memref<16512xi32, #tpu.memory_space<vmem>>, vector<16xi32>,
    %get3A_611 = arith.constant 112 : index
    %get3A_612 = tpu.vector_load %arg6[%get3A_611] {strides = array<i32>} : memref<16512xf32, #tpu.memory_space<vmem>>, vector<16xf32>,
    %get3A_613 = arith.constant 112 : index
    %get3A_614 = tpu.vector_load %arg8[%get3A_613] {strides = array<i32>} : memref<16512xi32, #tpu.memory_space<vmem>>, vector<16xi32>,
    %scan3A_615 = arith.constant 0 : i32
    %scan3A_616 = arith.constant 128 : i32
    %scan3A_617 = arith.addi %scan3A_615, %scan3A_616 : i32
    %scan3A_618 = arith.constant 1 : i32
    %scan3A_619:16 = scf.for %scan3A_1195 = %scan3A_615 to %scan3A_617 step %scan3A_618 iter_args(%scan3A_1196 = %get3A_584, %scan3A_1197 = %get3A_586, %scan3A_1198 = %get3A_588, %scan3A_1199 = %get3A_590, %scan3A_1200 = %get3A_592, %scan3A_1201 = %get3A_594, %scan3A_1202 = %get3A_596, %scan3A_1203 = %get3A_598, %scan3A_1204 = %get3A_600, %scan3A_1205 = %get3A_602, %scan3A_1206 = %get3A_604, %scan3A_1207 = %get3A_606, %scan3A_1208 = %get3A_608, %scan3A_1209 = %get3A_610, %scan3A_1210 = %get3A_612, %scan3A_1211 = %get3A_614) -> (vector<16xf32>, vector<16xi32>, vector<16xf32>, vector<16xi32>, vector<16xf32>, vector<16xi32>, vector<16xf32>, vector<16xi32>, vector<16xf32>, vector<16xi32>, vector<16xf32>, vector<16xi32>, vector<16xf32>, vector<16xi32>, vector<16xf32>, vector<16xi32>)  : i32 {
      %add3A_1212 = arith.constant 1 : i32
      %add3A_1213 = arith.addi %scan3A_1195, %add3A_1212 : i32
      %mul3A_1214 = arith.constant 128 : i32
      %mul3A_1215 = arith.muli %add3A_1213, %mul3A_1214 : i32
      %add3A_1216 = arith.constant 0 : i32
      %add3A_1217 = arith.addi %mul3A_1215, %add3A_1216 : i32
      %get3A_1218 = arith.index_cast %add3A_1217 : i32 to index
      %get3A_1219 = tpu.vector_load %arg6[%get3A_1218] {strides = array<i32>} : memref<16512xf32, #tpu.memory_space<vmem>>, vector<16xf32>,
      %get3A_1220 = arith.index_cast %add3A_1217 : i32 to index
      %get3A_1221 = tpu.vector_load %arg8[%get3A_1220] {strides = array<i32>} : memref<16512xi32, #tpu.memory_space<vmem>>, vector<16xi32>,
      %add3A_1222 = arith.constant 16 : i32
      %add3A_1223 = arith.addi %mul3A_1215, %add3A_1222 : i32
      %get3A_1224 = arith.index_cast %add3A_1223 : i32 to index
      %get3A_1225 = tpu.vector_load %arg6[%get3A_1224] {strides = array<i32>} : memref<16512xf32, #tpu.memory_space<vmem>>, vector<16xf32>,
      %get3A_1226 = arith.index_cast %add3A_1223 : i32 to index
      %get3A_1227 = tpu.vector_load %arg8[%get3A_1226] {strides = array<i32>} : memref<16512xi32, #tpu.memory_space<vmem>>, vector<16xi32>,
      %add3A_1228 = arith.constant 32 : i32
      %add3A_1229 = arith.addi %mul3A_1215, %add3A_1228 : i32
      %get3A_1230 = arith.index_cast %add3A_1229 : i32 to index
      %get3A_1231 = tpu.vector_load %arg6[%get3A_1230] {strides = array<i32>} : memref<16512xf32, #tpu.memory_space<vmem>>, vector<16xf32>,
      %get3A_1232 = arith.index_cast %add3A_1229 : i32 to index
      %get3A_1233 = tpu.vector_load %arg8[%get3A_1232] {strides = array<i32>} : memref<16512xi32, #tpu.memory_space<vmem>>, vector<16xi32>,
      %add3A_1234 = arith.constant 48 : i32
      %add3A_1235 = arith.addi %mul3A_1215, %add3A_1234 : i32
      %get3A_1236 = arith.index_cast %add3A_1235 : i32 to index
      %get3A_1237 = tpu.vector_load %arg6[%get3A_1236] {strides = array<i32>} : memref<16512xf32, #tpu.memory_space<vmem>>, vector<16xf32>,
      %get3A_1238 = arith.index_cast %add3A_1235 : i32 to index
      %get3A_1239 = tpu.vector_load %arg8[%get3A_1238] {strides = array<i32>} : memref<16512xi32, #tpu.memory_space<vmem>>, vector<16xi32>,
      %add3A_1240 = arith.constant 64 : i32
      %add3A_1241 = arith.addi %mul3A_1215, %add3A_1240 : i32
      %get3A_1242 = arith.index_cast %add3A_1241 : i32 to index
      %get3A_1243 = tpu.vector_load %arg6[%get3A_1242] {strides = array<i32>} : memref<16512xf32, #tpu.memory_space<vmem>>, vector<16xf32>,
      %get3A_1244 = arith.index_cast %add3A_1241 : i32 to index
      %get3A_1245 = tpu.vector_load %arg8[%get3A_1244] {strides = array<i32>} : memref<16512xi32, #tpu.memory_space<vmem>>, vector<16xi32>,
      %add3A_1246 = arith.constant 80 : i32
      %add3A_1247 = arith.addi %mul3A_1215, %add3A_1246 : i32
      %get3A_1248 = arith.index_cast %add3A_1247 : i32 to index
      %get3A_1249 = tpu.vector_load %arg6[%get3A_1248] {strides = array<i32>} : memref<16512xf32, #tpu.memory_space<vmem>>, vector<16xf32>,
      %get3A_1250 = arith.index_cast %add3A_1247 : i32 to index
      %get3A_1251 = tpu.vector_load %arg8[%get3A_1250] {strides = array<i32>} : memref<16512xi32, #tpu.memory_space<vmem>>, vector<16xi32>,
      %add3A_1252 = arith.constant 96 : i32
      %add3A_1253 = arith.addi %mul3A_1215, %add3A_1252 : i32
      %get3A_1254 = arith.index_cast %add3A_1253 : i32 to index
      %get3A_1255 = tpu.vector_load %arg6[%get3A_1254] {strides = array<i32>} : memref<16512xf32, #tpu.memory_space<vmem>>, vector<16xf32>,
      %get3A_1256 = arith.index_cast %add3A_1253 : i32 to index
      %get3A_1257 = tpu.vector_load %arg8[%get3A_1256] {strides = array<i32>} : memref<16512xi32, #tpu.memory_space<vmem>>, vector<16xi32>,
      %add3A_1258 = arith.constant 112 : i32
      %add3A_1259 = arith.addi %mul3A_1215, %add3A_1258 : i32
      %get3A_1260 = arith.index_cast %add3A_1259 : i32 to index
      %get3A_1261 = tpu.vector_load %arg6[%get3A_1260] {strides = array<i32>} : memref<16512xf32, #tpu.memory_space<vmem>>, vector<16xf32>,
      %get3A_1262 = arith.index_cast %add3A_1259 : i32 to index
      %get3A_1263 = tpu.vector_load %arg8[%get3A_1262] {strides = array<i32>} : memref<16512xi32, #tpu.memory_space<vmem>>, vector<16xi32>,
      %mul3A_1264 = arith.constant 128 : i32
      %mul3A_1265 = arith.muli %scan3A_1195, %mul3A_1264 : i32
      %add3A_1266 = arith.constant 114688 : i32
      %add3A_1267 = arith.addi %add3A_1266, %mul3A_1265 : i32
      %add3A_1268 = arith.constant 0 : i32
      %add3A_1269 = arith.addi %add3A_1267, %add3A_1268 : i32
      %add3A_1270 = vector.broadcast %add3A_1269 : i32 to vector<16xi32>
      %add3A_1271 = arith.addi %add3A_30, %add3A_1270 : vector<16xi32>
      %gt3A = arith.constant 5.000000e-01 : f32
      %gt3A_1272 = vector.broadcast %gt3A : f32 to vector<16xf32>
      %gt3A_1273 = arith.cmpf ogt, %scan3A_1196, %gt3A_1272 : vector<16xf32>
      tpu.vector_store_idx %arg9[%scan3A_1197], %add3A_1271 masked %gt3A_1273 : memref<8128xi32, #tpu.memory_space<vmem>>[vector<16xi32>], vector<16xi32>, vector<16xi1>
      %mul3A_1274 = arith.constant 128 : i32
      %mul3A_1275 = arith.muli %scan3A_1195, %mul3A_1274 : i32
      %add3A_1276 = arith.constant 114688 : i32
      %add3A_1277 = arith.addi %add3A_1276, %mul3A_1275 : i32
      %add3A_1278 = arith.constant 16 : i32
      %add3A_1279 = arith.addi %add3A_1277, %add3A_1278 : i32
      %add3A_1280 = vector.broadcast %add3A_1279 : i32 to vector<16xi32>
      %add3A_1281 = arith.addi %add3A_30, %add3A_1280 : vector<16xi32>
      %gt3A_1282 = arith.constant 5.000000e-01 : f32
      %gt3A_1283 = vector.broadcast %gt3A_1282 : f32 to vector<16xf32>
      %gt3A_1284 = arith.cmpf ogt, %scan3A_1198, %gt3A_1283 : vector<16xf32>
      tpu.vector_store_idx %arg9[%scan3A_1199], %add3A_1281 masked %gt3A_1284 : memref<8128xi32, #tpu.memory_space<vmem>>[vector<16xi32>], vector<16xi32>, vector<16xi1>
      %mul3A_1285 = arith.constant 128 : i32
      %mul3A_1286 = arith.muli %scan3A_1195, %mul3A_1285 : i32
      %add3A_1287 = arith.constant 114688 : i32
      %add3A_1288 = arith.addi %add3A_1287, %mul3A_1286 : i32
      %add3A_1289 = arith.constant 32 : i32
      %add3A_1290 = arith.addi %add3A_1288, %add3A_1289 : i32
      %add3A_1291 = vector.broadcast %add3A_1290 : i32 to vector<16xi32>
      %add3A_1292 = arith.addi %add3A_30, %add3A_1291 : vector<16xi32>
      %gt3A_1293 = arith.constant 5.000000e-01 : f32
      %gt3A_1294 = vector.broadcast %gt3A_1293 : f32 to vector<16xf32>
      %gt3A_1295 = arith.cmpf ogt, %scan3A_1200, %gt3A_1294 : vector<16xf32>
      tpu.vector_store_idx %arg9[%scan3A_1201], %add3A_1292 masked %gt3A_1295 : memref<8128xi32, #tpu.memory_space<vmem>>[vector<16xi32>], vector<16xi32>, vector<16xi1>
      %mul3A_1296 = arith.constant 128 : i32
      %mul3A_1297 = arith.muli %scan3A_1195, %mul3A_1296 : i32
      %add3A_1298 = arith.constant 114688 : i32
      %add3A_1299 = arith.addi %add3A_1298, %mul3A_1297 : i32
      %add3A_1300 = arith.constant 48 : i32
      %add3A_1301 = arith.addi %add3A_1299, %add3A_1300 : i32
      %add3A_1302 = vector.broadcast %add3A_1301 : i32 to vector<16xi32>
      %add3A_1303 = arith.addi %add3A_30, %add3A_1302 : vector<16xi32>
      %gt3A_1304 = arith.constant 5.000000e-01 : f32
      %gt3A_1305 = vector.broadcast %gt3A_1304 : f32 to vector<16xf32>
      %gt3A_1306 = arith.cmpf ogt, %scan3A_1202, %gt3A_1305 : vector<16xf32>
      tpu.vector_store_idx %arg9[%scan3A_1203], %add3A_1303 masked %gt3A_1306 : memref<8128xi32, #tpu.memory_space<vmem>>[vector<16xi32>], vector<16xi32>, vector<16xi1>
      %mul3A_1307 = arith.constant 128 : i32
      %mul3A_1308 = arith.muli %scan3A_1195, %mul3A_1307 : i32
      %add3A_1309 = arith.constant 114688 : i32
      %add3A_1310 = arith.addi %add3A_1309, %mul3A_1308 : i32
      %add3A_1311 = arith.constant 64 : i32
      %add3A_1312 = arith.addi %add3A_1310, %add3A_1311 : i32
      %add3A_1313 = vector.broadcast %add3A_1312 : i32 to vector<16xi32>
      %add3A_1314 = arith.addi %add3A_30, %add3A_1313 : vector<16xi32>
      %gt3A_1315 = arith.constant 5.000000e-01 : f32
      %gt3A_1316 = vector.broadcast %gt3A_1315 : f32 to vector<16xf32>
      %gt3A_1317 = arith.cmpf ogt, %scan3A_1204, %gt3A_1316 : vector<16xf32>
      tpu.vector_store_idx %arg9[%scan3A_1205], %add3A_1314 masked %gt3A_1317 : memref<8128xi32, #tpu.memory_space<vmem>>[vector<16xi32>], vector<16xi32>, vector<16xi1>
      %mul3A_1318 = arith.constant 128 : i32
      %mul3A_1319 = arith.muli %scan3A_1195, %mul3A_1318 : i32
      %add3A_1320 = arith.constant 114688 : i32
      %add3A_1321 = arith.addi %add3A_1320, %mul3A_1319 : i32
      %add3A_1322 = arith.constant 80 : i32
      %add3A_1323 = arith.addi %add3A_1321, %add3A_1322 : i32
      %add3A_1324 = vector.broadcast %add3A_1323 : i32 to vector<16xi32>
      %add3A_1325 = arith.addi %add3A_30, %add3A_1324 : vector<16xi32>
      %gt3A_1326 = arith.constant 5.000000e-01 : f32
      %gt3A_1327 = vector.broadcast %gt3A_1326 : f32 to vector<16xf32>
      %gt3A_1328 = arith.cmpf ogt, %scan3A_1206, %gt3A_1327 : vector<16xf32>
      tpu.vector_store_idx %arg9[%scan3A_1207], %add3A_1325 masked %gt3A_1328 : memref<8128xi32, #tpu.memory_space<vmem>>[vector<16xi32>], vector<16xi32>, vector<16xi1>
      %mul3A_1329 = arith.constant 128 : i32
      %mul3A_1330 = arith.muli %scan3A_1195, %mul3A_1329 : i32
      %add3A_1331 = arith.constant 114688 : i32
      %add3A_1332 = arith.addi %add3A_1331, %mul3A_1330 : i32
      %add3A_1333 = arith.constant 96 : i32
      %add3A_1334 = arith.addi %add3A_1332, %add3A_1333 : i32
      %add3A_1335 = vector.broadcast %add3A_1334 : i32 to vector<16xi32>
      %add3A_1336 = arith.addi %add3A_30, %add3A_1335 : vector<16xi32>
      %gt3A_1337 = arith.constant 5.000000e-01 : f32
      %gt3A_1338 = vector.broadcast %gt3A_1337 : f32 to vector<16xf32>
      %gt3A_1339 = arith.cmpf ogt, %scan3A_1208, %gt3A_1338 : vector<16xf32>
      tpu.vector_store_idx %arg9[%scan3A_1209], %add3A_1336 masked %gt3A_1339 : memref<8128xi32, #tpu.memory_space<vmem>>[vector<16xi32>], vector<16xi32>, vector<16xi1>
      %mul3A_1340 = arith.constant 128 : i32
      %mul3A_1341 = arith.muli %scan3A_1195, %mul3A_1340 : i32
      %add3A_1342 = arith.constant 114688 : i32
      %add3A_1343 = arith.addi %add3A_1342, %mul3A_1341 : i32
      %add3A_1344 = arith.constant 112 : i32
      %add3A_1345 = arith.addi %add3A_1343, %add3A_1344 : i32
      %add3A_1346 = vector.broadcast %add3A_1345 : i32 to vector<16xi32>
      %add3A_1347 = arith.addi %add3A_30, %add3A_1346 : vector<16xi32>
      %gt3A_1348 = arith.constant 5.000000e-01 : f32
      %gt3A_1349 = vector.broadcast %gt3A_1348 : f32 to vector<16xf32>
      %gt3A_1350 = arith.cmpf ogt, %scan3A_1210, %gt3A_1349 : vector<16xf32>
      tpu.vector_store_idx %arg9[%scan3A_1211], %add3A_1347 masked %gt3A_1350 : memref<8128xi32, #tpu.memory_space<vmem>>[vector<16xi32>], vector<16xi32>, vector<16xi1>
      scf.yield %get3A_1219, %get3A_1221, %get3A_1225, %get3A_1227, %get3A_1231, %get3A_1233, %get3A_1237, %get3A_1239, %get3A_1243, %get3A_1245, %get3A_1249, %get3A_1251, %get3A_1255, %get3A_1257, %get3A_1261, %get3A_1263 : vector<16xf32>, vector<16xi32>, vector<16xf32>, vector<16xi32>, vector<16xf32>, vector<16xi32>, vector<16xf32>, vector<16xi32>, vector<16xf32>, vector<16xi32>, vector<16xf32>, vector<16xi32>, vector<16xf32>, vector<16xi32>, vector<16xf32>, vector<16xi32>
    }
    %scan3A_620 = arith.constant 128 : i32
    %dma_wait3A_621 = arith.constant 0 : i32
    %dma_wait3A_622 = tpu.memref_slice %arg5[%dma_wait3A_621] : memref<16512xf32, #tpu.memory_space<vmem>> -> memref<16384xf32, #tpu.memory_space<vmem>>
    %dma_wait3A_623 = arith.constant 131072 : i32
    %dma_wait3A_624 = tpu.memref_slice %arg2[%add3A_5, %dma_wait3A_623] : memref<32x262144xf32, #tpu.memory_space<hbm>> -> memref<1x16384xf32, #tpu.memory_space<hbm>>
    %dma_wait3A_625 = tpu.memref_squeeze %dma_wait3A_624 : memref<1x16384xf32, #tpu.memory_space<hbm>> -> memref<16384xf32, #tpu.memory_space<hbm>>
    %dma_wait3A_626 = arith.constant 0 : i32
    %dma_wait3A_627 = tpu.memref_slice %arg5[%dma_wait3A_626] : memref<16512xf32, #tpu.memory_space<vmem>> -> memref<16384xf32, #tpu.memory_space<vmem>>
    %dma_wait3A_628 = arith.constant 131072 : i32
    %dma_wait3A_629 = tpu.memref_slice %arg2[%add3A_5, %dma_wait3A_628] : memref<32x262144xf32, #tpu.memory_space<hbm>> -> memref<1x16384xf32, #tpu.memory_space<hbm>>
    %dma_wait3A_630 = tpu.memref_squeeze %dma_wait3A_629 : memref<1x16384xf32, #tpu.memory_space<hbm>> -> memref<16384xf32, #tpu.memory_space<hbm>>
    tpu.wait_dma2 semaphore(%arg10 : memref<!tpu.dma_semaphore, #tpu.memory_space<semaphore_mem>>) src(%dma_wait3A_630 : memref<16384xf32, #tpu.memory_space<hbm>>) dst(%dma_wait3A_627 : memref<16384xf32, #tpu.memory_space<vmem>>)
    %dma_wait3A_631 = arith.constant 0 : i32
    %dma_wait3A_632 = tpu.memref_slice %arg7[%dma_wait3A_631] : memref<16512xi32, #tpu.memory_space<vmem>> -> memref<16384xi32, #tpu.memory_space<vmem>>
    %dma_wait3A_633 = arith.constant 131072 : i32
    %dma_wait3A_634 = tpu.memref_slice %arg3[%dma_wait3A_633] : memref<262144xi32, #tpu.memory_space<hbm>> -> memref<16384xi32, #tpu.memory_space<hbm>>
    %dma_wait3A_635 = arith.constant 0 : i32
    %dma_wait3A_636 = tpu.memref_slice %arg7[%dma_wait3A_635] : memref<16512xi32, #tpu.memory_space<vmem>> -> memref<16384xi32, #tpu.memory_space<vmem>>
    %dma_wait3A_637 = arith.constant 131072 : i32
    %dma_wait3A_638 = tpu.memref_slice %arg3[%dma_wait3A_637] : memref<262144xi32, #tpu.memory_space<hbm>> -> memref<16384xi32, #tpu.memory_space<hbm>>
    tpu.wait_dma2 semaphore(%arg10 : memref<!tpu.dma_semaphore, #tpu.memory_space<semaphore_mem>>) src(%dma_wait3A_638 : memref<16384xi32, #tpu.memory_space<hbm>>) dst(%dma_wait3A_636 : memref<16384xi32, #tpu.memory_space<vmem>>)
    %dma_start3A_639 = arith.constant 0 : i32
    %dma_start3A_640 = tpu.memref_slice %arg6[%dma_start3A_639] : memref<16512xf32, #tpu.memory_space<vmem>> -> memref<16384xf32, #tpu.memory_space<vmem>>
    %dma_start3A_641 = arith.constant 147456 : i32
    %dma_start3A_642 = tpu.memref_slice %arg2[%add3A_5, %dma_start3A_641] : memref<32x262144xf32, #tpu.memory_space<hbm>> -> memref<1x16384xf32, #tpu.memory_space<hbm>>
    %dma_start3A_643 = tpu.memref_squeeze %dma_start3A_642 : memref<1x16384xf32, #tpu.memory_space<hbm>> -> memref<16384xf32, #tpu.memory_space<hbm>>
    %dma_start3A_644 = arith.constant 0 : i32
    %dma_start3A_645 = tpu.memref_slice %arg6[%dma_start3A_644] : memref<16512xf32, #tpu.memory_space<vmem>> -> memref<16384xf32, #tpu.memory_space<vmem>>
    %dma_start3A_646 = arith.constant 147456 : i32
    %dma_start3A_647 = tpu.memref_slice %arg2[%add3A_5, %dma_start3A_646] : memref<32x262144xf32, #tpu.memory_space<hbm>> -> memref<1x16384xf32, #tpu.memory_space<hbm>>
    %dma_start3A_648 = tpu.memref_squeeze %dma_start3A_647 : memref<1x16384xf32, #tpu.memory_space<hbm>> -> memref<16384xf32, #tpu.memory_space<hbm>>
    tpu.enqueue_dma source(%dma_start3A_648 : memref<16384xf32, #tpu.memory_space<hbm>>) target(%dma_start3A_645 : memref<16384xf32, #tpu.memory_space<vmem>>) target_semaphore(%arg11 : memref<!tpu.dma_semaphore, #tpu.memory_space<semaphore_mem>>)
    %dma_start3A_649 = arith.constant 0 : i32
    %dma_start3A_650 = tpu.memref_slice %arg8[%dma_start3A_649] : memref<16512xi32, #tpu.memory_space<vmem>> -> memref<16384xi32, #tpu.memory_space<vmem>>
    %dma_start3A_651 = arith.constant 147456 : i32
    %dma_start3A_652 = tpu.memref_slice %arg3[%dma_start3A_651] : memref<262144xi32, #tpu.memory_space<hbm>> -> memref<16384xi32, #tpu.memory_space<hbm>>
    %dma_start3A_653 = arith.constant 0 : i32
    %dma_start3A_654 = tpu.memref_slice %arg8[%dma_start3A_653] : memref<16512xi32, #tpu.memory_space<vmem>> -> memref<16384xi32, #tpu.memory_space<vmem>>
    %dma_start3A_655 = arith.constant 147456 : i32
    %dma_start3A_656 = tpu.memref_slice %arg3[%dma_start3A_655] : memref<262144xi32, #tpu.memory_space<hbm>> -> memref<16384xi32, #tpu.memory_space<hbm>>
    tpu.enqueue_dma source(%dma_start3A_656 : memref<16384xi32, #tpu.memory_space<hbm>>) target(%dma_start3A_654 : memref<16384xi32, #tpu.memory_space<vmem>>) target_semaphore(%arg11 : memref<!tpu.dma_semaphore, #tpu.memory_space<semaphore_mem>>)
    %get3A_657 = arith.constant 0 : index
    %get3A_658 = tpu.vector_load %arg5[%get3A_657] {strides = array<i32>} : memref<16512xf32, #tpu.memory_space<vmem>>, vector<16xf32>,
    %get3A_659 = arith.constant 0 : index
    %get3A_660 = tpu.vector_load %arg7[%get3A_659] {strides = array<i32>} : memref<16512xi32, #tpu.memory_space<vmem>>, vector<16xi32>,
    %get3A_661 = arith.constant 16 : index
    %get3A_662 = tpu.vector_load %arg5[%get3A_661] {strides = array<i32>} : memref<16512xf32, #tpu.memory_space<vmem>>, vector<16xf32>,
    %get3A_663 = arith.constant 16 : index
    %get3A_664 = tpu.vector_load %arg7[%get3A_663] {strides = array<i32>} : memref<16512xi32, #tpu.memory_space<vmem>>, vector<16xi32>,
    %get3A_665 = arith.constant 32 : index
    %get3A_666 = tpu.vector_load %arg5[%get3A_665] {strides = array<i32>} : memref<16512xf32, #tpu.memory_space<vmem>>, vector<16xf32>,
    %get3A_667 = arith.constant 32 : index
    %get3A_668 = tpu.vector_load %arg7[%get3A_667] {strides = array<i32>} : memref<16512xi32, #tpu.memory_space<vmem>>, vector<16xi32>,
    %get3A_669 = arith.constant 48 : index
    %get3A_670 = tpu.vector_load %arg5[%get3A_669] {strides = array<i32>} : memref<16512xf32, #tpu.memory_space<vmem>>, vector<16xf32>,
    %get3A_671 = arith.constant 48 : index
    %get3A_672 = tpu.vector_load %arg7[%get3A_671] {strides = array<i32>} : memref<16512xi32, #tpu.memory_space<vmem>>, vector<16xi32>,
    %get3A_673 = arith.constant 64 : index
    %get3A_674 = tpu.vector_load %arg5[%get3A_673] {strides = array<i32>} : memref<16512xf32, #tpu.memory_space<vmem>>, vector<16xf32>,
    %get3A_675 = arith.constant 64 : index
    %get3A_676 = tpu.vector_load %arg7[%get3A_675] {strides = array<i32>} : memref<16512xi32, #tpu.memory_space<vmem>>, vector<16xi32>,
    %get3A_677 = arith.constant 80 : index
    %get3A_678 = tpu.vector_load %arg5[%get3A_677] {strides = array<i32>} : memref<16512xf32, #tpu.memory_space<vmem>>, vector<16xf32>,
    %get3A_679 = arith.constant 80 : index
    %get3A_680 = tpu.vector_load %arg7[%get3A_679] {strides = array<i32>} : memref<16512xi32, #tpu.memory_space<vmem>>, vector<16xi32>,
    %get3A_681 = arith.constant 96 : index
    %get3A_682 = tpu.vector_load %arg5[%get3A_681] {strides = array<i32>} : memref<16512xf32, #tpu.memory_space<vmem>>, vector<16xf32>,
    %get3A_683 = arith.constant 96 : index
    %get3A_684 = tpu.vector_load %arg7[%get3A_683] {strides = array<i32>} : memref<16512xi32, #tpu.memory_space<vmem>>, vector<16xi32>,
    %get3A_685 = arith.constant 112 : index
    %get3A_686 = tpu.vector_load %arg5[%get3A_685] {strides = array<i32>} : memref<16512xf32, #tpu.memory_space<vmem>>, vector<16xf32>,
    %get3A_687 = arith.constant 112 : index
    %get3A_688 = tpu.vector_load %arg7[%get3A_687] {strides = array<i32>} : memref<16512xi32, #tpu.memory_space<vmem>>, vector<16xi32>,
    %scan3A_689 = arith.constant 0 : i32
    %scan3A_690 = arith.constant 128 : i32
    %scan3A_691 = arith.addi %scan3A_689, %scan3A_690 : i32
    %scan3A_692 = arith.constant 1 : i32
    %scan3A_693:16 = scf.for %scan3A_1195 = %scan3A_689 to %scan3A_691 step %scan3A_692 iter_args(%scan3A_1196 = %get3A_658, %scan3A_1197 = %get3A_660, %scan3A_1198 = %get3A_662, %scan3A_1199 = %get3A_664, %scan3A_1200 = %get3A_666, %scan3A_1201 = %get3A_668, %scan3A_1202 = %get3A_670, %scan3A_1203 = %get3A_672, %scan3A_1204 = %get3A_674, %scan3A_1205 = %get3A_676, %scan3A_1206 = %get3A_678, %scan3A_1207 = %get3A_680, %scan3A_1208 = %get3A_682, %scan3A_1209 = %get3A_684, %scan3A_1210 = %get3A_686, %scan3A_1211 = %get3A_688) -> (vector<16xf32>, vector<16xi32>, vector<16xf32>, vector<16xi32>, vector<16xf32>, vector<16xi32>, vector<16xf32>, vector<16xi32>, vector<16xf32>, vector<16xi32>, vector<16xf32>, vector<16xi32>, vector<16xf32>, vector<16xi32>, vector<16xf32>, vector<16xi32>)  : i32 {
      %add3A_1212 = arith.constant 1 : i32
      %add3A_1213 = arith.addi %scan3A_1195, %add3A_1212 : i32
      %mul3A_1214 = arith.constant 128 : i32
      %mul3A_1215 = arith.muli %add3A_1213, %mul3A_1214 : i32
      %add3A_1216 = arith.constant 0 : i32
      %add3A_1217 = arith.addi %mul3A_1215, %add3A_1216 : i32
      %get3A_1218 = arith.index_cast %add3A_1217 : i32 to index
      %get3A_1219 = tpu.vector_load %arg5[%get3A_1218] {strides = array<i32>} : memref<16512xf32, #tpu.memory_space<vmem>>, vector<16xf32>,
      %get3A_1220 = arith.index_cast %add3A_1217 : i32 to index
      %get3A_1221 = tpu.vector_load %arg7[%get3A_1220] {strides = array<i32>} : memref<16512xi32, #tpu.memory_space<vmem>>, vector<16xi32>,
      %add3A_1222 = arith.constant 16 : i32
      %add3A_1223 = arith.addi %mul3A_1215, %add3A_1222 : i32
      %get3A_1224 = arith.index_cast %add3A_1223 : i32 to index
      %get3A_1225 = tpu.vector_load %arg5[%get3A_1224] {strides = array<i32>} : memref<16512xf32, #tpu.memory_space<vmem>>, vector<16xf32>,
      %get3A_1226 = arith.index_cast %add3A_1223 : i32 to index
      %get3A_1227 = tpu.vector_load %arg7[%get3A_1226] {strides = array<i32>} : memref<16512xi32, #tpu.memory_space<vmem>>, vector<16xi32>,
      %add3A_1228 = arith.constant 32 : i32
      %add3A_1229 = arith.addi %mul3A_1215, %add3A_1228 : i32
      %get3A_1230 = arith.index_cast %add3A_1229 : i32 to index
      %get3A_1231 = tpu.vector_load %arg5[%get3A_1230] {strides = array<i32>} : memref<16512xf32, #tpu.memory_space<vmem>>, vector<16xf32>,
      %get3A_1232 = arith.index_cast %add3A_1229 : i32 to index
      %get3A_1233 = tpu.vector_load %arg7[%get3A_1232] {strides = array<i32>} : memref<16512xi32, #tpu.memory_space<vmem>>, vector<16xi32>,
      %add3A_1234 = arith.constant 48 : i32
      %add3A_1235 = arith.addi %mul3A_1215, %add3A_1234 : i32
      %get3A_1236 = arith.index_cast %add3A_1235 : i32 to index
      %get3A_1237 = tpu.vector_load %arg5[%get3A_1236] {strides = array<i32>} : memref<16512xf32, #tpu.memory_space<vmem>>, vector<16xf32>,
      %get3A_1238 = arith.index_cast %add3A_1235 : i32 to index
      %get3A_1239 = tpu.vector_load %arg7[%get3A_1238] {strides = array<i32>} : memref<16512xi32, #tpu.memory_space<vmem>>, vector<16xi32>,
      %add3A_1240 = arith.constant 64 : i32
      %add3A_1241 = arith.addi %mul3A_1215, %add3A_1240 : i32
      %get3A_1242 = arith.index_cast %add3A_1241 : i32 to index
      %get3A_1243 = tpu.vector_load %arg5[%get3A_1242] {strides = array<i32>} : memref<16512xf32, #tpu.memory_space<vmem>>, vector<16xf32>,
      %get3A_1244 = arith.index_cast %add3A_1241 : i32 to index
      %get3A_1245 = tpu.vector_load %arg7[%get3A_1244] {strides = array<i32>} : memref<16512xi32, #tpu.memory_space<vmem>>, vector<16xi32>,
      %add3A_1246 = arith.constant 80 : i32
      %add3A_1247 = arith.addi %mul3A_1215, %add3A_1246 : i32
      %get3A_1248 = arith.index_cast %add3A_1247 : i32 to index
      %get3A_1249 = tpu.vector_load %arg5[%get3A_1248] {strides = array<i32>} : memref<16512xf32, #tpu.memory_space<vmem>>, vector<16xf32>,
      %get3A_1250 = arith.index_cast %add3A_1247 : i32 to index
      %get3A_1251 = tpu.vector_load %arg7[%get3A_1250] {strides = array<i32>} : memref<16512xi32, #tpu.memory_space<vmem>>, vector<16xi32>,
      %add3A_1252 = arith.constant 96 : i32
      %add3A_1253 = arith.addi %mul3A_1215, %add3A_1252 : i32
      %get3A_1254 = arith.index_cast %add3A_1253 : i32 to index
      %get3A_1255 = tpu.vector_load %arg5[%get3A_1254] {strides = array<i32>} : memref<16512xf32, #tpu.memory_space<vmem>>, vector<16xf32>,
      %get3A_1256 = arith.index_cast %add3A_1253 : i32 to index
      %get3A_1257 = tpu.vector_load %arg7[%get3A_1256] {strides = array<i32>} : memref<16512xi32, #tpu.memory_space<vmem>>, vector<16xi32>,
      %add3A_1258 = arith.constant 112 : i32
      %add3A_1259 = arith.addi %mul3A_1215, %add3A_1258 : i32
      %get3A_1260 = arith.index_cast %add3A_1259 : i32 to index
      %get3A_1261 = tpu.vector_load %arg5[%get3A_1260] {strides = array<i32>} : memref<16512xf32, #tpu.memory_space<vmem>>, vector<16xf32>,
      %get3A_1262 = arith.index_cast %add3A_1259 : i32 to index
      %get3A_1263 = tpu.vector_load %arg7[%get3A_1262] {strides = array<i32>} : memref<16512xi32, #tpu.memory_space<vmem>>, vector<16xi32>,
      %mul3A_1264 = arith.constant 128 : i32
      %mul3A_1265 = arith.muli %scan3A_1195, %mul3A_1264 : i32
      %add3A_1266 = arith.constant 131072 : i32
      %add3A_1267 = arith.addi %add3A_1266, %mul3A_1265 : i32
      %add3A_1268 = arith.constant 0 : i32
      %add3A_1269 = arith.addi %add3A_1267, %add3A_1268 : i32
      %add3A_1270 = vector.broadcast %add3A_1269 : i32 to vector<16xi32>
      %add3A_1271 = arith.addi %add3A_30, %add3A_1270 : vector<16xi32>
      %gt3A = arith.constant 5.000000e-01 : f32
      %gt3A_1272 = vector.broadcast %gt3A : f32 to vector<16xf32>
      %gt3A_1273 = arith.cmpf ogt, %scan3A_1196, %gt3A_1272 : vector<16xf32>
      tpu.vector_store_idx %arg9[%scan3A_1197], %add3A_1271 masked %gt3A_1273 : memref<8128xi32, #tpu.memory_space<vmem>>[vector<16xi32>], vector<16xi32>, vector<16xi1>
      %mul3A_1274 = arith.constant 128 : i32
      %mul3A_1275 = arith.muli %scan3A_1195, %mul3A_1274 : i32
      %add3A_1276 = arith.constant 131072 : i32
      %add3A_1277 = arith.addi %add3A_1276, %mul3A_1275 : i32
      %add3A_1278 = arith.constant 16 : i32
      %add3A_1279 = arith.addi %add3A_1277, %add3A_1278 : i32
      %add3A_1280 = vector.broadcast %add3A_1279 : i32 to vector<16xi32>
      %add3A_1281 = arith.addi %add3A_30, %add3A_1280 : vector<16xi32>
      %gt3A_1282 = arith.constant 5.000000e-01 : f32
      %gt3A_1283 = vector.broadcast %gt3A_1282 : f32 to vector<16xf32>
      %gt3A_1284 = arith.cmpf ogt, %scan3A_1198, %gt3A_1283 : vector<16xf32>
      tpu.vector_store_idx %arg9[%scan3A_1199], %add3A_1281 masked %gt3A_1284 : memref<8128xi32, #tpu.memory_space<vmem>>[vector<16xi32>], vector<16xi32>, vector<16xi1>
      %mul3A_1285 = arith.constant 128 : i32
      %mul3A_1286 = arith.muli %scan3A_1195, %mul3A_1285 : i32
      %add3A_1287 = arith.constant 131072 : i32
      %add3A_1288 = arith.addi %add3A_1287, %mul3A_1286 : i32
      %add3A_1289 = arith.constant 32 : i32
      %add3A_1290 = arith.addi %add3A_1288, %add3A_1289 : i32
      %add3A_1291 = vector.broadcast %add3A_1290 : i32 to vector<16xi32>
      %add3A_1292 = arith.addi %add3A_30, %add3A_1291 : vector<16xi32>
      %gt3A_1293 = arith.constant 5.000000e-01 : f32
      %gt3A_1294 = vector.broadcast %gt3A_1293 : f32 to vector<16xf32>
      %gt3A_1295 = arith.cmpf ogt, %scan3A_1200, %gt3A_1294 : vector<16xf32>
      tpu.vector_store_idx %arg9[%scan3A_1201], %add3A_1292 masked %gt3A_1295 : memref<8128xi32, #tpu.memory_space<vmem>>[vector<16xi32>], vector<16xi32>, vector<16xi1>
      %mul3A_1296 = arith.constant 128 : i32
      %mul3A_1297 = arith.muli %scan3A_1195, %mul3A_1296 : i32
      %add3A_1298 = arith.constant 131072 : i32
      %add3A_1299 = arith.addi %add3A_1298, %mul3A_1297 : i32
      %add3A_1300 = arith.constant 48 : i32
      %add3A_1301 = arith.addi %add3A_1299, %add3A_1300 : i32
      %add3A_1302 = vector.broadcast %add3A_1301 : i32 to vector<16xi32>
      %add3A_1303 = arith.addi %add3A_30, %add3A_1302 : vector<16xi32>
      %gt3A_1304 = arith.constant 5.000000e-01 : f32
      %gt3A_1305 = vector.broadcast %gt3A_1304 : f32 to vector<16xf32>
      %gt3A_1306 = arith.cmpf ogt, %scan3A_1202, %gt3A_1305 : vector<16xf32>
      tpu.vector_store_idx %arg9[%scan3A_1203], %add3A_1303 masked %gt3A_1306 : memref<8128xi32, #tpu.memory_space<vmem>>[vector<16xi32>], vector<16xi32>, vector<16xi1>
      %mul3A_1307 = arith.constant 128 : i32
      %mul3A_1308 = arith.muli %scan3A_1195, %mul3A_1307 : i32
      %add3A_1309 = arith.constant 131072 : i32
      %add3A_1310 = arith.addi %add3A_1309, %mul3A_1308 : i32
      %add3A_1311 = arith.constant 64 : i32
      %add3A_1312 = arith.addi %add3A_1310, %add3A_1311 : i32
      %add3A_1313 = vector.broadcast %add3A_1312 : i32 to vector<16xi32>
      %add3A_1314 = arith.addi %add3A_30, %add3A_1313 : vector<16xi32>
      %gt3A_1315 = arith.constant 5.000000e-01 : f32
      %gt3A_1316 = vector.broadcast %gt3A_1315 : f32 to vector<16xf32>
      %gt3A_1317 = arith.cmpf ogt, %scan3A_1204, %gt3A_1316 : vector<16xf32>
      tpu.vector_store_idx %arg9[%scan3A_1205], %add3A_1314 masked %gt3A_1317 : memref<8128xi32, #tpu.memory_space<vmem>>[vector<16xi32>], vector<16xi32>, vector<16xi1>
      %mul3A_1318 = arith.constant 128 : i32
      %mul3A_1319 = arith.muli %scan3A_1195, %mul3A_1318 : i32
      %add3A_1320 = arith.constant 131072 : i32
      %add3A_1321 = arith.addi %add3A_1320, %mul3A_1319 : i32
      %add3A_1322 = arith.constant 80 : i32
      %add3A_1323 = arith.addi %add3A_1321, %add3A_1322 : i32
      %add3A_1324 = vector.broadcast %add3A_1323 : i32 to vector<16xi32>
      %add3A_1325 = arith.addi %add3A_30, %add3A_1324 : vector<16xi32>
      %gt3A_1326 = arith.constant 5.000000e-01 : f32
      %gt3A_1327 = vector.broadcast %gt3A_1326 : f32 to vector<16xf32>
      %gt3A_1328 = arith.cmpf ogt, %scan3A_1206, %gt3A_1327 : vector<16xf32>
      tpu.vector_store_idx %arg9[%scan3A_1207], %add3A_1325 masked %gt3A_1328 : memref<8128xi32, #tpu.memory_space<vmem>>[vector<16xi32>], vector<16xi32>, vector<16xi1>
      %mul3A_1329 = arith.constant 128 : i32
      %mul3A_1330 = arith.muli %scan3A_1195, %mul3A_1329 : i32
      %add3A_1331 = arith.constant 131072 : i32
      %add3A_1332 = arith.addi %add3A_1331, %mul3A_1330 : i32
      %add3A_1333 = arith.constant 96 : i32
      %add3A_1334 = arith.addi %add3A_1332, %add3A_1333 : i32
      %add3A_1335 = vector.broadcast %add3A_1334 : i32 to vector<16xi32>
      %add3A_1336 = arith.addi %add3A_30, %add3A_1335 : vector<16xi32>
      %gt3A_1337 = arith.constant 5.000000e-01 : f32
      %gt3A_1338 = vector.broadcast %gt3A_1337 : f32 to vector<16xf32>
      %gt3A_1339 = arith.cmpf ogt, %scan3A_1208, %gt3A_1338 : vector<16xf32>
      tpu.vector_store_idx %arg9[%scan3A_1209], %add3A_1336 masked %gt3A_1339 : memref<8128xi32, #tpu.memory_space<vmem>>[vector<16xi32>], vector<16xi32>, vector<16xi1>
      %mul3A_1340 = arith.constant 128 : i32
      %mul3A_1341 = arith.muli %scan3A_1195, %mul3A_1340 : i32
      %add3A_1342 = arith.constant 131072 : i32
      %add3A_1343 = arith.addi %add3A_1342, %mul3A_1341 : i32
      %add3A_1344 = arith.constant 112 : i32
      %add3A_1345 = arith.addi %add3A_1343, %add3A_1344 : i32
      %add3A_1346 = vector.broadcast %add3A_1345 : i32 to vector<16xi32>
      %add3A_1347 = arith.addi %add3A_30, %add3A_1346 : vector<16xi32>
      %gt3A_1348 = arith.constant 5.000000e-01 : f32
      %gt3A_1349 = vector.broadcast %gt3A_1348 : f32 to vector<16xf32>
      %gt3A_1350 = arith.cmpf ogt, %scan3A_1210, %gt3A_1349 : vector<16xf32>
      tpu.vector_store_idx %arg9[%scan3A_1211], %add3A_1347 masked %gt3A_1350 : memref<8128xi32, #tpu.memory_space<vmem>>[vector<16xi32>], vector<16xi32>, vector<16xi1>
      scf.yield %get3A_1219, %get3A_1221, %get3A_1225, %get3A_1227, %get3A_1231, %get3A_1233, %get3A_1237, %get3A_1239, %get3A_1243, %get3A_1245, %get3A_1249, %get3A_1251, %get3A_1255, %get3A_1257, %get3A_1261, %get3A_1263 : vector<16xf32>, vector<16xi32>, vector<16xf32>, vector<16xi32>, vector<16xf32>, vector<16xi32>, vector<16xf32>, vector<16xi32>, vector<16xf32>, vector<16xi32>, vector<16xf32>, vector<16xi32>, vector<16xf32>, vector<16xi32>, vector<16xf32>, vector<16xi32>
    }
    %scan3A_694 = arith.constant 128 : i32
    %dma_wait3A_695 = arith.constant 0 : i32
    %dma_wait3A_696 = tpu.memref_slice %arg6[%dma_wait3A_695] : memref<16512xf32, #tpu.memory_space<vmem>> -> memref<16384xf32, #tpu.memory_space<vmem>>
    %dma_wait3A_697 = arith.constant 147456 : i32
    %dma_wait3A_698 = tpu.memref_slice %arg2[%add3A_5, %dma_wait3A_697] : memref<32x262144xf32, #tpu.memory_space<hbm>> -> memref<1x16384xf32, #tpu.memory_space<hbm>>
    %dma_wait3A_699 = tpu.memref_squeeze %dma_wait3A_698 : memref<1x16384xf32, #tpu.memory_space<hbm>> -> memref<16384xf32, #tpu.memory_space<hbm>>
    %dma_wait3A_700 = arith.constant 0 : i32
    %dma_wait3A_701 = tpu.memref_slice %arg6[%dma_wait3A_700] : memref<16512xf32, #tpu.memory_space<vmem>> -> memref<16384xf32, #tpu.memory_space<vmem>>
    %dma_wait3A_702 = arith.constant 147456 : i32
    %dma_wait3A_703 = tpu.memref_slice %arg2[%add3A_5, %dma_wait3A_702] : memref<32x262144xf32, #tpu.memory_space<hbm>> -> memref<1x16384xf32, #tpu.memory_space<hbm>>
    %dma_wait3A_704 = tpu.memref_squeeze %dma_wait3A_703 : memref<1x16384xf32, #tpu.memory_space<hbm>> -> memref<16384xf32, #tpu.memory_space<hbm>>
    tpu.wait_dma2 semaphore(%arg11 : memref<!tpu.dma_semaphore, #tpu.memory_space<semaphore_mem>>) src(%dma_wait3A_704 : memref<16384xf32, #tpu.memory_space<hbm>>) dst(%dma_wait3A_701 : memref<16384xf32, #tpu.memory_space<vmem>>)
    %dma_wait3A_705 = arith.constant 0 : i32
    %dma_wait3A_706 = tpu.memref_slice %arg8[%dma_wait3A_705] : memref<16512xi32, #tpu.memory_space<vmem>> -> memref<16384xi32, #tpu.memory_space<vmem>>
    %dma_wait3A_707 = arith.constant 147456 : i32
    %dma_wait3A_708 = tpu.memref_slice %arg3[%dma_wait3A_707] : memref<262144xi32, #tpu.memory_space<hbm>> -> memref<16384xi32, #tpu.memory_space<hbm>>
    %dma_wait3A_709 = arith.constant 0 : i32
    %dma_wait3A_710 = tpu.memref_slice %arg8[%dma_wait3A_709] : memref<16512xi32, #tpu.memory_space<vmem>> -> memref<16384xi32, #tpu.memory_space<vmem>>
    %dma_wait3A_711 = arith.constant 147456 : i32
    %dma_wait3A_712 = tpu.memref_slice %arg3[%dma_wait3A_711] : memref<262144xi32, #tpu.memory_space<hbm>> -> memref<16384xi32, #tpu.memory_space<hbm>>
    tpu.wait_dma2 semaphore(%arg11 : memref<!tpu.dma_semaphore, #tpu.memory_space<semaphore_mem>>) src(%dma_wait3A_712 : memref<16384xi32, #tpu.memory_space<hbm>>) dst(%dma_wait3A_710 : memref<16384xi32, #tpu.memory_space<vmem>>)
    %dma_start3A_713 = arith.constant 0 : i32
    %dma_start3A_714 = tpu.memref_slice %arg5[%dma_start3A_713] : memref<16512xf32, #tpu.memory_space<vmem>> -> memref<16384xf32, #tpu.memory_space<vmem>>
    %dma_start3A_715 = arith.constant 163840 : i32
    %dma_start3A_716 = tpu.memref_slice %arg2[%add3A_5, %dma_start3A_715] : memref<32x262144xf32, #tpu.memory_space<hbm>> -> memref<1x16384xf32, #tpu.memory_space<hbm>>
    %dma_start3A_717 = tpu.memref_squeeze %dma_start3A_716 : memref<1x16384xf32, #tpu.memory_space<hbm>> -> memref<16384xf32, #tpu.memory_space<hbm>>
    %dma_start3A_718 = arith.constant 0 : i32
    %dma_start3A_719 = tpu.memref_slice %arg5[%dma_start3A_718] : memref<16512xf32, #tpu.memory_space<vmem>> -> memref<16384xf32, #tpu.memory_space<vmem>>
    %dma_start3A_720 = arith.constant 163840 : i32
    %dma_start3A_721 = tpu.memref_slice %arg2[%add3A_5, %dma_start3A_720] : memref<32x262144xf32, #tpu.memory_space<hbm>> -> memref<1x16384xf32, #tpu.memory_space<hbm>>
    %dma_start3A_722 = tpu.memref_squeeze %dma_start3A_721 : memref<1x16384xf32, #tpu.memory_space<hbm>> -> memref<16384xf32, #tpu.memory_space<hbm>>
    tpu.enqueue_dma source(%dma_start3A_722 : memref<16384xf32, #tpu.memory_space<hbm>>) target(%dma_start3A_719 : memref<16384xf32, #tpu.memory_space<vmem>>) target_semaphore(%arg10 : memref<!tpu.dma_semaphore, #tpu.memory_space<semaphore_mem>>)
    %dma_start3A_723 = arith.constant 0 : i32
    %dma_start3A_724 = tpu.memref_slice %arg7[%dma_start3A_723] : memref<16512xi32, #tpu.memory_space<vmem>> -> memref<16384xi32, #tpu.memory_space<vmem>>
    %dma_start3A_725 = arith.constant 163840 : i32
    %dma_start3A_726 = tpu.memref_slice %arg3[%dma_start3A_725] : memref<262144xi32, #tpu.memory_space<hbm>> -> memref<16384xi32, #tpu.memory_space<hbm>>
    %dma_start3A_727 = arith.constant 0 : i32
    %dma_start3A_728 = tpu.memref_slice %arg7[%dma_start3A_727] : memref<16512xi32, #tpu.memory_space<vmem>> -> memref<16384xi32, #tpu.memory_space<vmem>>
    %dma_start3A_729 = arith.constant 163840 : i32
    %dma_start3A_730 = tpu.memref_slice %arg3[%dma_start3A_729] : memref<262144xi32, #tpu.memory_space<hbm>> -> memref<16384xi32, #tpu.memory_space<hbm>>
    tpu.enqueue_dma source(%dma_start3A_730 : memref<16384xi32, #tpu.memory_space<hbm>>) target(%dma_start3A_728 : memref<16384xi32, #tpu.memory_space<vmem>>) target_semaphore(%arg10 : memref<!tpu.dma_semaphore, #tpu.memory_space<semaphore_mem>>)
    %get3A_731 = arith.constant 0 : index
    %get3A_732 = tpu.vector_load %arg6[%get3A_731] {strides = array<i32>} : memref<16512xf32, #tpu.memory_space<vmem>>, vector<16xf32>,
    %get3A_733 = arith.constant 0 : index
    %get3A_734 = tpu.vector_load %arg8[%get3A_733] {strides = array<i32>} : memref<16512xi32, #tpu.memory_space<vmem>>, vector<16xi32>,
    %get3A_735 = arith.constant 16 : index
    %get3A_736 = tpu.vector_load %arg6[%get3A_735] {strides = array<i32>} : memref<16512xf32, #tpu.memory_space<vmem>>, vector<16xf32>,
    %get3A_737 = arith.constant 16 : index
    %get3A_738 = tpu.vector_load %arg8[%get3A_737] {strides = array<i32>} : memref<16512xi32, #tpu.memory_space<vmem>>, vector<16xi32>,
    %get3A_739 = arith.constant 32 : index
    %get3A_740 = tpu.vector_load %arg6[%get3A_739] {strides = array<i32>} : memref<16512xf32, #tpu.memory_space<vmem>>, vector<16xf32>,
    %get3A_741 = arith.constant 32 : index
    %get3A_742 = tpu.vector_load %arg8[%get3A_741] {strides = array<i32>} : memref<16512xi32, #tpu.memory_space<vmem>>, vector<16xi32>,
    %get3A_743 = arith.constant 48 : index
    %get3A_744 = tpu.vector_load %arg6[%get3A_743] {strides = array<i32>} : memref<16512xf32, #tpu.memory_space<vmem>>, vector<16xf32>,
    %get3A_745 = arith.constant 48 : index
    %get3A_746 = tpu.vector_load %arg8[%get3A_745] {strides = array<i32>} : memref<16512xi32, #tpu.memory_space<vmem>>, vector<16xi32>,
    %get3A_747 = arith.constant 64 : index
    %get3A_748 = tpu.vector_load %arg6[%get3A_747] {strides = array<i32>} : memref<16512xf32, #tpu.memory_space<vmem>>, vector<16xf32>,
    %get3A_749 = arith.constant 64 : index
    %get3A_750 = tpu.vector_load %arg8[%get3A_749] {strides = array<i32>} : memref<16512xi32, #tpu.memory_space<vmem>>, vector<16xi32>,
    %get3A_751 = arith.constant 80 : index
    %get3A_752 = tpu.vector_load %arg6[%get3A_751] {strides = array<i32>} : memref<16512xf32, #tpu.memory_space<vmem>>, vector<16xf32>,
    %get3A_753 = arith.constant 80 : index
    %get3A_754 = tpu.vector_load %arg8[%get3A_753] {strides = array<i32>} : memref<16512xi32, #tpu.memory_space<vmem>>, vector<16xi32>,
    %get3A_755 = arith.constant 96 : index
    %get3A_756 = tpu.vector_load %arg6[%get3A_755] {strides = array<i32>} : memref<16512xf32, #tpu.memory_space<vmem>>, vector<16xf32>,
    %get3A_757 = arith.constant 96 : index
    %get3A_758 = tpu.vector_load %arg8[%get3A_757] {strides = array<i32>} : memref<16512xi32, #tpu.memory_space<vmem>>, vector<16xi32>,
    %get3A_759 = arith.constant 112 : index
    %get3A_760 = tpu.vector_load %arg6[%get3A_759] {strides = array<i32>} : memref<16512xf32, #tpu.memory_space<vmem>>, vector<16xf32>,
    %get3A_761 = arith.constant 112 : index
    %get3A_762 = tpu.vector_load %arg8[%get3A_761] {strides = array<i32>} : memref<16512xi32, #tpu.memory_space<vmem>>, vector<16xi32>,
    %scan3A_763 = arith.constant 0 : i32
    %scan3A_764 = arith.constant 128 : i32
    %scan3A_765 = arith.addi %scan3A_763, %scan3A_764 : i32
    %scan3A_766 = arith.constant 1 : i32
    %scan3A_767:16 = scf.for %scan3A_1195 = %scan3A_763 to %scan3A_765 step %scan3A_766 iter_args(%scan3A_1196 = %get3A_732, %scan3A_1197 = %get3A_734, %scan3A_1198 = %get3A_736, %scan3A_1199 = %get3A_738, %scan3A_1200 = %get3A_740, %scan3A_1201 = %get3A_742, %scan3A_1202 = %get3A_744, %scan3A_1203 = %get3A_746, %scan3A_1204 = %get3A_748, %scan3A_1205 = %get3A_750, %scan3A_1206 = %get3A_752, %scan3A_1207 = %get3A_754, %scan3A_1208 = %get3A_756, %scan3A_1209 = %get3A_758, %scan3A_1210 = %get3A_760, %scan3A_1211 = %get3A_762) -> (vector<16xf32>, vector<16xi32>, vector<16xf32>, vector<16xi32>, vector<16xf32>, vector<16xi32>, vector<16xf32>, vector<16xi32>, vector<16xf32>, vector<16xi32>, vector<16xf32>, vector<16xi32>, vector<16xf32>, vector<16xi32>, vector<16xf32>, vector<16xi32>)  : i32 {
      %add3A_1212 = arith.constant 1 : i32
      %add3A_1213 = arith.addi %scan3A_1195, %add3A_1212 : i32
      %mul3A_1214 = arith.constant 128 : i32
      %mul3A_1215 = arith.muli %add3A_1213, %mul3A_1214 : i32
      %add3A_1216 = arith.constant 0 : i32
      %add3A_1217 = arith.addi %mul3A_1215, %add3A_1216 : i32
      %get3A_1218 = arith.index_cast %add3A_1217 : i32 to index
      %get3A_1219 = tpu.vector_load %arg6[%get3A_1218] {strides = array<i32>} : memref<16512xf32, #tpu.memory_space<vmem>>, vector<16xf32>,
      %get3A_1220 = arith.index_cast %add3A_1217 : i32 to index
      %get3A_1221 = tpu.vector_load %arg8[%get3A_1220] {strides = array<i32>} : memref<16512xi32, #tpu.memory_space<vmem>>, vector<16xi32>,
      %add3A_1222 = arith.constant 16 : i32
      %add3A_1223 = arith.addi %mul3A_1215, %add3A_1222 : i32
      %get3A_1224 = arith.index_cast %add3A_1223 : i32 to index
      %get3A_1225 = tpu.vector_load %arg6[%get3A_1224] {strides = array<i32>} : memref<16512xf32, #tpu.memory_space<vmem>>, vector<16xf32>,
      %get3A_1226 = arith.index_cast %add3A_1223 : i32 to index
      %get3A_1227 = tpu.vector_load %arg8[%get3A_1226] {strides = array<i32>} : memref<16512xi32, #tpu.memory_space<vmem>>, vector<16xi32>,
      %add3A_1228 = arith.constant 32 : i32
      %add3A_1229 = arith.addi %mul3A_1215, %add3A_1228 : i32
      %get3A_1230 = arith.index_cast %add3A_1229 : i32 to index
      %get3A_1231 = tpu.vector_load %arg6[%get3A_1230] {strides = array<i32>} : memref<16512xf32, #tpu.memory_space<vmem>>, vector<16xf32>,
      %get3A_1232 = arith.index_cast %add3A_1229 : i32 to index
      %get3A_1233 = tpu.vector_load %arg8[%get3A_1232] {strides = array<i32>} : memref<16512xi32, #tpu.memory_space<vmem>>, vector<16xi32>,
      %add3A_1234 = arith.constant 48 : i32
      %add3A_1235 = arith.addi %mul3A_1215, %add3A_1234 : i32
      %get3A_1236 = arith.index_cast %add3A_1235 : i32 to index
      %get3A_1237 = tpu.vector_load %arg6[%get3A_1236] {strides = array<i32>} : memref<16512xf32, #tpu.memory_space<vmem>>, vector<16xf32>,
      %get3A_1238 = arith.index_cast %add3A_1235 : i32 to index
      %get3A_1239 = tpu.vector_load %arg8[%get3A_1238] {strides = array<i32>} : memref<16512xi32, #tpu.memory_space<vmem>>, vector<16xi32>,
      %add3A_1240 = arith.constant 64 : i32
      %add3A_1241 = arith.addi %mul3A_1215, %add3A_1240 : i32
      %get3A_1242 = arith.index_cast %add3A_1241 : i32 to index
      %get3A_1243 = tpu.vector_load %arg6[%get3A_1242] {strides = array<i32>} : memref<16512xf32, #tpu.memory_space<vmem>>, vector<16xf32>,
      %get3A_1244 = arith.index_cast %add3A_1241 : i32 to index
      %get3A_1245 = tpu.vector_load %arg8[%get3A_1244] {strides = array<i32>} : memref<16512xi32, #tpu.memory_space<vmem>>, vector<16xi32>,
      %add3A_1246 = arith.constant 80 : i32
      %add3A_1247 = arith.addi %mul3A_1215, %add3A_1246 : i32
      %get3A_1248 = arith.index_cast %add3A_1247 : i32 to index
      %get3A_1249 = tpu.vector_load %arg6[%get3A_1248] {strides = array<i32>} : memref<16512xf32, #tpu.memory_space<vmem>>, vector<16xf32>,
      %get3A_1250 = arith.index_cast %add3A_1247 : i32 to index
      %get3A_1251 = tpu.vector_load %arg8[%get3A_1250] {strides = array<i32>} : memref<16512xi32, #tpu.memory_space<vmem>>, vector<16xi32>,
      %add3A_1252 = arith.constant 96 : i32
      %add3A_1253 = arith.addi %mul3A_1215, %add3A_1252 : i32
      %get3A_1254 = arith.index_cast %add3A_1253 : i32 to index
      %get3A_1255 = tpu.vector_load %arg6[%get3A_1254] {strides = array<i32>} : memref<16512xf32, #tpu.memory_space<vmem>>, vector<16xf32>,
      %get3A_1256 = arith.index_cast %add3A_1253 : i32 to index
      %get3A_1257 = tpu.vector_load %arg8[%get3A_1256] {strides = array<i32>} : memref<16512xi32, #tpu.memory_space<vmem>>, vector<16xi32>,
      %add3A_1258 = arith.constant 112 : i32
      %add3A_1259 = arith.addi %mul3A_1215, %add3A_1258 : i32
      %get3A_1260 = arith.index_cast %add3A_1259 : i32 to index
      %get3A_1261 = tpu.vector_load %arg6[%get3A_1260] {strides = array<i32>} : memref<16512xf32, #tpu.memory_space<vmem>>, vector<16xf32>,
      %get3A_1262 = arith.index_cast %add3A_1259 : i32 to index
      %get3A_1263 = tpu.vector_load %arg8[%get3A_1262] {strides = array<i32>} : memref<16512xi32, #tpu.memory_space<vmem>>, vector<16xi32>,
      %mul3A_1264 = arith.constant 128 : i32
      %mul3A_1265 = arith.muli %scan3A_1195, %mul3A_1264 : i32
      %add3A_1266 = arith.constant 147456 : i32
      %add3A_1267 = arith.addi %add3A_1266, %mul3A_1265 : i32
      %add3A_1268 = arith.constant 0 : i32
      %add3A_1269 = arith.addi %add3A_1267, %add3A_1268 : i32
      %add3A_1270 = vector.broadcast %add3A_1269 : i32 to vector<16xi32>
      %add3A_1271 = arith.addi %add3A_30, %add3A_1270 : vector<16xi32>
      %gt3A = arith.constant 5.000000e-01 : f32
      %gt3A_1272 = vector.broadcast %gt3A : f32 to vector<16xf32>
      %gt3A_1273 = arith.cmpf ogt, %scan3A_1196, %gt3A_1272 : vector<16xf32>
      tpu.vector_store_idx %arg9[%scan3A_1197], %add3A_1271 masked %gt3A_1273 : memref<8128xi32, #tpu.memory_space<vmem>>[vector<16xi32>], vector<16xi32>, vector<16xi1>
      %mul3A_1274 = arith.constant 128 : i32
      %mul3A_1275 = arith.muli %scan3A_1195, %mul3A_1274 : i32
      %add3A_1276 = arith.constant 147456 : i32
      %add3A_1277 = arith.addi %add3A_1276, %mul3A_1275 : i32
      %add3A_1278 = arith.constant 16 : i32
      %add3A_1279 = arith.addi %add3A_1277, %add3A_1278 : i32
      %add3A_1280 = vector.broadcast %add3A_1279 : i32 to vector<16xi32>
      %add3A_1281 = arith.addi %add3A_30, %add3A_1280 : vector<16xi32>
      %gt3A_1282 = arith.constant 5.000000e-01 : f32
      %gt3A_1283 = vector.broadcast %gt3A_1282 : f32 to vector<16xf32>
      %gt3A_1284 = arith.cmpf ogt, %scan3A_1198, %gt3A_1283 : vector<16xf32>
      tpu.vector_store_idx %arg9[%scan3A_1199], %add3A_1281 masked %gt3A_1284 : memref<8128xi32, #tpu.memory_space<vmem>>[vector<16xi32>], vector<16xi32>, vector<16xi1>
      %mul3A_1285 = arith.constant 128 : i32
      %mul3A_1286 = arith.muli %scan3A_1195, %mul3A_1285 : i32
      %add3A_1287 = arith.constant 147456 : i32
      %add3A_1288 = arith.addi %add3A_1287, %mul3A_1286 : i32
      %add3A_1289 = arith.constant 32 : i32
      %add3A_1290 = arith.addi %add3A_1288, %add3A_1289 : i32
      %add3A_1291 = vector.broadcast %add3A_1290 : i32 to vector<16xi32>
      %add3A_1292 = arith.addi %add3A_30, %add3A_1291 : vector<16xi32>
      %gt3A_1293 = arith.constant 5.000000e-01 : f32
      %gt3A_1294 = vector.broadcast %gt3A_1293 : f32 to vector<16xf32>
      %gt3A_1295 = arith.cmpf ogt, %scan3A_1200, %gt3A_1294 : vector<16xf32>
      tpu.vector_store_idx %arg9[%scan3A_1201], %add3A_1292 masked %gt3A_1295 : memref<8128xi32, #tpu.memory_space<vmem>>[vector<16xi32>], vector<16xi32>, vector<16xi1>
      %mul3A_1296 = arith.constant 128 : i32
      %mul3A_1297 = arith.muli %scan3A_1195, %mul3A_1296 : i32
      %add3A_1298 = arith.constant 147456 : i32
      %add3A_1299 = arith.addi %add3A_1298, %mul3A_1297 : i32
      %add3A_1300 = arith.constant 48 : i32
      %add3A_1301 = arith.addi %add3A_1299, %add3A_1300 : i32
      %add3A_1302 = vector.broadcast %add3A_1301 : i32 to vector<16xi32>
      %add3A_1303 = arith.addi %add3A_30, %add3A_1302 : vector<16xi32>
      %gt3A_1304 = arith.constant 5.000000e-01 : f32
      %gt3A_1305 = vector.broadcast %gt3A_1304 : f32 to vector<16xf32>
      %gt3A_1306 = arith.cmpf ogt, %scan3A_1202, %gt3A_1305 : vector<16xf32>
      tpu.vector_store_idx %arg9[%scan3A_1203], %add3A_1303 masked %gt3A_1306 : memref<8128xi32, #tpu.memory_space<vmem>>[vector<16xi32>], vector<16xi32>, vector<16xi1>
      %mul3A_1307 = arith.constant 128 : i32
      %mul3A_1308 = arith.muli %scan3A_1195, %mul3A_1307 : i32
      %add3A_1309 = arith.constant 147456 : i32
      %add3A_1310 = arith.addi %add3A_1309, %mul3A_1308 : i32
      %add3A_1311 = arith.constant 64 : i32
      %add3A_1312 = arith.addi %add3A_1310, %add3A_1311 : i32
      %add3A_1313 = vector.broadcast %add3A_1312 : i32 to vector<16xi32>
      %add3A_1314 = arith.addi %add3A_30, %add3A_1313 : vector<16xi32>
      %gt3A_1315 = arith.constant 5.000000e-01 : f32
      %gt3A_1316 = vector.broadcast %gt3A_1315 : f32 to vector<16xf32>
      %gt3A_1317 = arith.cmpf ogt, %scan3A_1204, %gt3A_1316 : vector<16xf32>
      tpu.vector_store_idx %arg9[%scan3A_1205], %add3A_1314 masked %gt3A_1317 : memref<8128xi32, #tpu.memory_space<vmem>>[vector<16xi32>], vector<16xi32>, vector<16xi1>
      %mul3A_1318 = arith.constant 128 : i32
      %mul3A_1319 = arith.muli %scan3A_1195, %mul3A_1318 : i32
      %add3A_1320 = arith.constant 147456 : i32
      %add3A_1321 = arith.addi %add3A_1320, %mul3A_1319 : i32
      %add3A_1322 = arith.constant 80 : i32
      %add3A_1323 = arith.addi %add3A_1321, %add3A_1322 : i32
      %add3A_1324 = vector.broadcast %add3A_1323 : i32 to vector<16xi32>
      %add3A_1325 = arith.addi %add3A_30, %add3A_1324 : vector<16xi32>
      %gt3A_1326 = arith.constant 5.000000e-01 : f32
      %gt3A_1327 = vector.broadcast %gt3A_1326 : f32 to vector<16xf32>
      %gt3A_1328 = arith.cmpf ogt, %scan3A_1206, %gt3A_1327 : vector<16xf32>
      tpu.vector_store_idx %arg9[%scan3A_1207], %add3A_1325 masked %gt3A_1328 : memref<8128xi32, #tpu.memory_space<vmem>>[vector<16xi32>], vector<16xi32>, vector<16xi1>
      %mul3A_1329 = arith.constant 128 : i32
      %mul3A_1330 = arith.muli %scan3A_1195, %mul3A_1329 : i32
      %add3A_1331 = arith.constant 147456 : i32
      %add3A_1332 = arith.addi %add3A_1331, %mul3A_1330 : i32
      %add3A_1333 = arith.constant 96 : i32
      %add3A_1334 = arith.addi %add3A_1332, %add3A_1333 : i32
      %add3A_1335 = vector.broadcast %add3A_1334 : i32 to vector<16xi32>
      %add3A_1336 = arith.addi %add3A_30, %add3A_1335 : vector<16xi32>
      %gt3A_1337 = arith.constant 5.000000e-01 : f32
      %gt3A_1338 = vector.broadcast %gt3A_1337 : f32 to vector<16xf32>
      %gt3A_1339 = arith.cmpf ogt, %scan3A_1208, %gt3A_1338 : vector<16xf32>
      tpu.vector_store_idx %arg9[%scan3A_1209], %add3A_1336 masked %gt3A_1339 : memref<8128xi32, #tpu.memory_space<vmem>>[vector<16xi32>], vector<16xi32>, vector<16xi1>
      %mul3A_1340 = arith.constant 128 : i32
      %mul3A_1341 = arith.muli %scan3A_1195, %mul3A_1340 : i32
      %add3A_1342 = arith.constant 147456 : i32
      %add3A_1343 = arith.addi %add3A_1342, %mul3A_1341 : i32
      %add3A_1344 = arith.constant 112 : i32
      %add3A_1345 = arith.addi %add3A_1343, %add3A_1344 : i32
      %add3A_1346 = vector.broadcast %add3A_1345 : i32 to vector<16xi32>
      %add3A_1347 = arith.addi %add3A_30, %add3A_1346 : vector<16xi32>
      %gt3A_1348 = arith.constant 5.000000e-01 : f32
      %gt3A_1349 = vector.broadcast %gt3A_1348 : f32 to vector<16xf32>
      %gt3A_1350 = arith.cmpf ogt, %scan3A_1210, %gt3A_1349 : vector<16xf32>
      tpu.vector_store_idx %arg9[%scan3A_1211], %add3A_1347 masked %gt3A_1350 : memref<8128xi32, #tpu.memory_space<vmem>>[vector<16xi32>], vector<16xi32>, vector<16xi1>
      scf.yield %get3A_1219, %get3A_1221, %get3A_1225, %get3A_1227, %get3A_1231, %get3A_1233, %get3A_1237, %get3A_1239, %get3A_1243, %get3A_1245, %get3A_1249, %get3A_1251, %get3A_1255, %get3A_1257, %get3A_1261, %get3A_1263 : vector<16xf32>, vector<16xi32>, vector<16xf32>, vector<16xi32>, vector<16xf32>, vector<16xi32>, vector<16xf32>, vector<16xi32>, vector<16xf32>, vector<16xi32>, vector<16xf32>, vector<16xi32>, vector<16xf32>, vector<16xi32>, vector<16xf32>, vector<16xi32>
    }
    %scan3A_768 = arith.constant 128 : i32
    %dma_wait3A_769 = arith.constant 0 : i32
    %dma_wait3A_770 = tpu.memref_slice %arg5[%dma_wait3A_769] : memref<16512xf32, #tpu.memory_space<vmem>> -> memref<16384xf32, #tpu.memory_space<vmem>>
    %dma_wait3A_771 = arith.constant 163840 : i32
    %dma_wait3A_772 = tpu.memref_slice %arg2[%add3A_5, %dma_wait3A_771] : memref<32x262144xf32, #tpu.memory_space<hbm>> -> memref<1x16384xf32, #tpu.memory_space<hbm>>
    %dma_wait3A_773 = tpu.memref_squeeze %dma_wait3A_772 : memref<1x16384xf32, #tpu.memory_space<hbm>> -> memref<16384xf32, #tpu.memory_space<hbm>>
    %dma_wait3A_774 = arith.constant 0 : i32
    %dma_wait3A_775 = tpu.memref_slice %arg5[%dma_wait3A_774] : memref<16512xf32, #tpu.memory_space<vmem>> -> memref<16384xf32, #tpu.memory_space<vmem>>
    %dma_wait3A_776 = arith.constant 163840 : i32
    %dma_wait3A_777 = tpu.memref_slice %arg2[%add3A_5, %dma_wait3A_776] : memref<32x262144xf32, #tpu.memory_space<hbm>> -> memref<1x16384xf32, #tpu.memory_space<hbm>>
    %dma_wait3A_778 = tpu.memref_squeeze %dma_wait3A_777 : memref<1x16384xf32, #tpu.memory_space<hbm>> -> memref<16384xf32, #tpu.memory_space<hbm>>
    tpu.wait_dma2 semaphore(%arg10 : memref<!tpu.dma_semaphore, #tpu.memory_space<semaphore_mem>>) src(%dma_wait3A_778 : memref<16384xf32, #tpu.memory_space<hbm>>) dst(%dma_wait3A_775 : memref<16384xf32, #tpu.memory_space<vmem>>)
    %dma_wait3A_779 = arith.constant 0 : i32
    %dma_wait3A_780 = tpu.memref_slice %arg7[%dma_wait3A_779] : memref<16512xi32, #tpu.memory_space<vmem>> -> memref<16384xi32, #tpu.memory_space<vmem>>
    %dma_wait3A_781 = arith.constant 163840 : i32
    %dma_wait3A_782 = tpu.memref_slice %arg3[%dma_wait3A_781] : memref<262144xi32, #tpu.memory_space<hbm>> -> memref<16384xi32, #tpu.memory_space<hbm>>
    %dma_wait3A_783 = arith.constant 0 : i32
    %dma_wait3A_784 = tpu.memref_slice %arg7[%dma_wait3A_783] : memref<16512xi32, #tpu.memory_space<vmem>> -> memref<16384xi32, #tpu.memory_space<vmem>>
    %dma_wait3A_785 = arith.constant 163840 : i32
    %dma_wait3A_786 = tpu.memref_slice %arg3[%dma_wait3A_785] : memref<262144xi32, #tpu.memory_space<hbm>> -> memref<16384xi32, #tpu.memory_space<hbm>>
    tpu.wait_dma2 semaphore(%arg10 : memref<!tpu.dma_semaphore, #tpu.memory_space<semaphore_mem>>) src(%dma_wait3A_786 : memref<16384xi32, #tpu.memory_space<hbm>>) dst(%dma_wait3A_784 : memref<16384xi32, #tpu.memory_space<vmem>>)
    %dma_start3A_787 = arith.constant 0 : i32
    %dma_start3A_788 = tpu.memref_slice %arg6[%dma_start3A_787] : memref<16512xf32, #tpu.memory_space<vmem>> -> memref<16384xf32, #tpu.memory_space<vmem>>
    %dma_start3A_789 = arith.constant 180224 : i32
    %dma_start3A_790 = tpu.memref_slice %arg2[%add3A_5, %dma_start3A_789] : memref<32x262144xf32, #tpu.memory_space<hbm>> -> memref<1x16384xf32, #tpu.memory_space<hbm>>
    %dma_start3A_791 = tpu.memref_squeeze %dma_start3A_790 : memref<1x16384xf32, #tpu.memory_space<hbm>> -> memref<16384xf32, #tpu.memory_space<hbm>>
    %dma_start3A_792 = arith.constant 0 : i32
    %dma_start3A_793 = tpu.memref_slice %arg6[%dma_start3A_792] : memref<16512xf32, #tpu.memory_space<vmem>> -> memref<16384xf32, #tpu.memory_space<vmem>>
    %dma_start3A_794 = arith.constant 180224 : i32
    %dma_start3A_795 = tpu.memref_slice %arg2[%add3A_5, %dma_start3A_794] : memref<32x262144xf32, #tpu.memory_space<hbm>> -> memref<1x16384xf32, #tpu.memory_space<hbm>>
    %dma_start3A_796 = tpu.memref_squeeze %dma_start3A_795 : memref<1x16384xf32, #tpu.memory_space<hbm>> -> memref<16384xf32, #tpu.memory_space<hbm>>
    tpu.enqueue_dma source(%dma_start3A_796 : memref<16384xf32, #tpu.memory_space<hbm>>) target(%dma_start3A_793 : memref<16384xf32, #tpu.memory_space<vmem>>) target_semaphore(%arg11 : memref<!tpu.dma_semaphore, #tpu.memory_space<semaphore_mem>>)
    %dma_start3A_797 = arith.constant 0 : i32
    %dma_start3A_798 = tpu.memref_slice %arg8[%dma_start3A_797] : memref<16512xi32, #tpu.memory_space<vmem>> -> memref<16384xi32, #tpu.memory_space<vmem>>
    %dma_start3A_799 = arith.constant 180224 : i32
    %dma_start3A_800 = tpu.memref_slice %arg3[%dma_start3A_799] : memref<262144xi32, #tpu.memory_space<hbm>> -> memref<16384xi32, #tpu.memory_space<hbm>>
    %dma_start3A_801 = arith.constant 0 : i32
    %dma_start3A_802 = tpu.memref_slice %arg8[%dma_start3A_801] : memref<16512xi32, #tpu.memory_space<vmem>> -> memref<16384xi32, #tpu.memory_space<vmem>>
    %dma_start3A_803 = arith.constant 180224 : i32
    %dma_start3A_804 = tpu.memref_slice %arg3[%dma_start3A_803] : memref<262144xi32, #tpu.memory_space<hbm>> -> memref<16384xi32, #tpu.memory_space<hbm>>
    tpu.enqueue_dma source(%dma_start3A_804 : memref<16384xi32, #tpu.memory_space<hbm>>) target(%dma_start3A_802 : memref<16384xi32, #tpu.memory_space<vmem>>) target_semaphore(%arg11 : memref<!tpu.dma_semaphore, #tpu.memory_space<semaphore_mem>>)
    %get3A_805 = arith.constant 0 : index
    %get3A_806 = tpu.vector_load %arg5[%get3A_805] {strides = array<i32>} : memref<16512xf32, #tpu.memory_space<vmem>>, vector<16xf32>,
    %get3A_807 = arith.constant 0 : index
    %get3A_808 = tpu.vector_load %arg7[%get3A_807] {strides = array<i32>} : memref<16512xi32, #tpu.memory_space<vmem>>, vector<16xi32>,
    %get3A_809 = arith.constant 16 : index
    %get3A_810 = tpu.vector_load %arg5[%get3A_809] {strides = array<i32>} : memref<16512xf32, #tpu.memory_space<vmem>>, vector<16xf32>,
    %get3A_811 = arith.constant 16 : index
    %get3A_812 = tpu.vector_load %arg7[%get3A_811] {strides = array<i32>} : memref<16512xi32, #tpu.memory_space<vmem>>, vector<16xi32>,
    %get3A_813 = arith.constant 32 : index
    %get3A_814 = tpu.vector_load %arg5[%get3A_813] {strides = array<i32>} : memref<16512xf32, #tpu.memory_space<vmem>>, vector<16xf32>,
    %get3A_815 = arith.constant 32 : index
    %get3A_816 = tpu.vector_load %arg7[%get3A_815] {strides = array<i32>} : memref<16512xi32, #tpu.memory_space<vmem>>, vector<16xi32>,
    %get3A_817 = arith.constant 48 : index
    %get3A_818 = tpu.vector_load %arg5[%get3A_817] {strides = array<i32>} : memref<16512xf32, #tpu.memory_space<vmem>>, vector<16xf32>,
    %get3A_819 = arith.constant 48 : index
    %get3A_820 = tpu.vector_load %arg7[%get3A_819] {strides = array<i32>} : memref<16512xi32, #tpu.memory_space<vmem>>, vector<16xi32>,
    %get3A_821 = arith.constant 64 : index
    %get3A_822 = tpu.vector_load %arg5[%get3A_821] {strides = array<i32>} : memref<16512xf32, #tpu.memory_space<vmem>>, vector<16xf32>,
    %get3A_823 = arith.constant 64 : index
    %get3A_824 = tpu.vector_load %arg7[%get3A_823] {strides = array<i32>} : memref<16512xi32, #tpu.memory_space<vmem>>, vector<16xi32>,
    %get3A_825 = arith.constant 80 : index
    %get3A_826 = tpu.vector_load %arg5[%get3A_825] {strides = array<i32>} : memref<16512xf32, #tpu.memory_space<vmem>>, vector<16xf32>,
    %get3A_827 = arith.constant 80 : index
    %get3A_828 = tpu.vector_load %arg7[%get3A_827] {strides = array<i32>} : memref<16512xi32, #tpu.memory_space<vmem>>, vector<16xi32>,
    %get3A_829 = arith.constant 96 : index
    %get3A_830 = tpu.vector_load %arg5[%get3A_829] {strides = array<i32>} : memref<16512xf32, #tpu.memory_space<vmem>>, vector<16xf32>,
    %get3A_831 = arith.constant 96 : index
    %get3A_832 = tpu.vector_load %arg7[%get3A_831] {strides = array<i32>} : memref<16512xi32, #tpu.memory_space<vmem>>, vector<16xi32>,
    %get3A_833 = arith.constant 112 : index
    %get3A_834 = tpu.vector_load %arg5[%get3A_833] {strides = array<i32>} : memref<16512xf32, #tpu.memory_space<vmem>>, vector<16xf32>,
    %get3A_835 = arith.constant 112 : index
    %get3A_836 = tpu.vector_load %arg7[%get3A_835] {strides = array<i32>} : memref<16512xi32, #tpu.memory_space<vmem>>, vector<16xi32>,
    %scan3A_837 = arith.constant 0 : i32
    %scan3A_838 = arith.constant 128 : i32
    %scan3A_839 = arith.addi %scan3A_837, %scan3A_838 : i32
    %scan3A_840 = arith.constant 1 : i32
    %scan3A_841:16 = scf.for %scan3A_1195 = %scan3A_837 to %scan3A_839 step %scan3A_840 iter_args(%scan3A_1196 = %get3A_806, %scan3A_1197 = %get3A_808, %scan3A_1198 = %get3A_810, %scan3A_1199 = %get3A_812, %scan3A_1200 = %get3A_814, %scan3A_1201 = %get3A_816, %scan3A_1202 = %get3A_818, %scan3A_1203 = %get3A_820, %scan3A_1204 = %get3A_822, %scan3A_1205 = %get3A_824, %scan3A_1206 = %get3A_826, %scan3A_1207 = %get3A_828, %scan3A_1208 = %get3A_830, %scan3A_1209 = %get3A_832, %scan3A_1210 = %get3A_834, %scan3A_1211 = %get3A_836) -> (vector<16xf32>, vector<16xi32>, vector<16xf32>, vector<16xi32>, vector<16xf32>, vector<16xi32>, vector<16xf32>, vector<16xi32>, vector<16xf32>, vector<16xi32>, vector<16xf32>, vector<16xi32>, vector<16xf32>, vector<16xi32>, vector<16xf32>, vector<16xi32>)  : i32 {
      %add3A_1212 = arith.constant 1 : i32
      %add3A_1213 = arith.addi %scan3A_1195, %add3A_1212 : i32
      %mul3A_1214 = arith.constant 128 : i32
      %mul3A_1215 = arith.muli %add3A_1213, %mul3A_1214 : i32
      %add3A_1216 = arith.constant 0 : i32
      %add3A_1217 = arith.addi %mul3A_1215, %add3A_1216 : i32
      %get3A_1218 = arith.index_cast %add3A_1217 : i32 to index
      %get3A_1219 = tpu.vector_load %arg5[%get3A_1218] {strides = array<i32>} : memref<16512xf32, #tpu.memory_space<vmem>>, vector<16xf32>,
      %get3A_1220 = arith.index_cast %add3A_1217 : i32 to index
      %get3A_1221 = tpu.vector_load %arg7[%get3A_1220] {strides = array<i32>} : memref<16512xi32, #tpu.memory_space<vmem>>, vector<16xi32>,
      %add3A_1222 = arith.constant 16 : i32
      %add3A_1223 = arith.addi %mul3A_1215, %add3A_1222 : i32
      %get3A_1224 = arith.index_cast %add3A_1223 : i32 to index
      %get3A_1225 = tpu.vector_load %arg5[%get3A_1224] {strides = array<i32>} : memref<16512xf32, #tpu.memory_space<vmem>>, vector<16xf32>,
      %get3A_1226 = arith.index_cast %add3A_1223 : i32 to index
      %get3A_1227 = tpu.vector_load %arg7[%get3A_1226] {strides = array<i32>} : memref<16512xi32, #tpu.memory_space<vmem>>, vector<16xi32>,
      %add3A_1228 = arith.constant 32 : i32
      %add3A_1229 = arith.addi %mul3A_1215, %add3A_1228 : i32
      %get3A_1230 = arith.index_cast %add3A_1229 : i32 to index
      %get3A_1231 = tpu.vector_load %arg5[%get3A_1230] {strides = array<i32>} : memref<16512xf32, #tpu.memory_space<vmem>>, vector<16xf32>,
      %get3A_1232 = arith.index_cast %add3A_1229 : i32 to index
      %get3A_1233 = tpu.vector_load %arg7[%get3A_1232] {strides = array<i32>} : memref<16512xi32, #tpu.memory_space<vmem>>, vector<16xi32>,
      %add3A_1234 = arith.constant 48 : i32
      %add3A_1235 = arith.addi %mul3A_1215, %add3A_1234 : i32
      %get3A_1236 = arith.index_cast %add3A_1235 : i32 to index
      %get3A_1237 = tpu.vector_load %arg5[%get3A_1236] {strides = array<i32>} : memref<16512xf32, #tpu.memory_space<vmem>>, vector<16xf32>,
      %get3A_1238 = arith.index_cast %add3A_1235 : i32 to index
      %get3A_1239 = tpu.vector_load %arg7[%get3A_1238] {strides = array<i32>} : memref<16512xi32, #tpu.memory_space<vmem>>, vector<16xi32>,
      %add3A_1240 = arith.constant 64 : i32
      %add3A_1241 = arith.addi %mul3A_1215, %add3A_1240 : i32
      %get3A_1242 = arith.index_cast %add3A_1241 : i32 to index
      %get3A_1243 = tpu.vector_load %arg5[%get3A_1242] {strides = array<i32>} : memref<16512xf32, #tpu.memory_space<vmem>>, vector<16xf32>,
      %get3A_1244 = arith.index_cast %add3A_1241 : i32 to index
      %get3A_1245 = tpu.vector_load %arg7[%get3A_1244] {strides = array<i32>} : memref<16512xi32, #tpu.memory_space<vmem>>, vector<16xi32>,
      %add3A_1246 = arith.constant 80 : i32
      %add3A_1247 = arith.addi %mul3A_1215, %add3A_1246 : i32
      %get3A_1248 = arith.index_cast %add3A_1247 : i32 to index
      %get3A_1249 = tpu.vector_load %arg5[%get3A_1248] {strides = array<i32>} : memref<16512xf32, #tpu.memory_space<vmem>>, vector<16xf32>,
      %get3A_1250 = arith.index_cast %add3A_1247 : i32 to index
      %get3A_1251 = tpu.vector_load %arg7[%get3A_1250] {strides = array<i32>} : memref<16512xi32, #tpu.memory_space<vmem>>, vector<16xi32>,
      %add3A_1252 = arith.constant 96 : i32
      %add3A_1253 = arith.addi %mul3A_1215, %add3A_1252 : i32
      %get3A_1254 = arith.index_cast %add3A_1253 : i32 to index
      %get3A_1255 = tpu.vector_load %arg5[%get3A_1254] {strides = array<i32>} : memref<16512xf32, #tpu.memory_space<vmem>>, vector<16xf32>,
      %get3A_1256 = arith.index_cast %add3A_1253 : i32 to index
      %get3A_1257 = tpu.vector_load %arg7[%get3A_1256] {strides = array<i32>} : memref<16512xi32, #tpu.memory_space<vmem>>, vector<16xi32>,
      %add3A_1258 = arith.constant 112 : i32
      %add3A_1259 = arith.addi %mul3A_1215, %add3A_1258 : i32
      %get3A_1260 = arith.index_cast %add3A_1259 : i32 to index
      %get3A_1261 = tpu.vector_load %arg5[%get3A_1260] {strides = array<i32>} : memref<16512xf32, #tpu.memory_space<vmem>>, vector<16xf32>,
      %get3A_1262 = arith.index_cast %add3A_1259 : i32 to index
      %get3A_1263 = tpu.vector_load %arg7[%get3A_1262] {strides = array<i32>} : memref<16512xi32, #tpu.memory_space<vmem>>, vector<16xi32>,
      %mul3A_1264 = arith.constant 128 : i32
      %mul3A_1265 = arith.muli %scan3A_1195, %mul3A_1264 : i32
      %add3A_1266 = arith.constant 163840 : i32
      %add3A_1267 = arith.addi %add3A_1266, %mul3A_1265 : i32
      %add3A_1268 = arith.constant 0 : i32
      %add3A_1269 = arith.addi %add3A_1267, %add3A_1268 : i32
      %add3A_1270 = vector.broadcast %add3A_1269 : i32 to vector<16xi32>
      %add3A_1271 = arith.addi %add3A_30, %add3A_1270 : vector<16xi32>
      %gt3A = arith.constant 5.000000e-01 : f32
      %gt3A_1272 = vector.broadcast %gt3A : f32 to vector<16xf32>
      %gt3A_1273 = arith.cmpf ogt, %scan3A_1196, %gt3A_1272 : vector<16xf32>
      tpu.vector_store_idx %arg9[%scan3A_1197], %add3A_1271 masked %gt3A_1273 : memref<8128xi32, #tpu.memory_space<vmem>>[vector<16xi32>], vector<16xi32>, vector<16xi1>
      %mul3A_1274 = arith.constant 128 : i32
      %mul3A_1275 = arith.muli %scan3A_1195, %mul3A_1274 : i32
      %add3A_1276 = arith.constant 163840 : i32
      %add3A_1277 = arith.addi %add3A_1276, %mul3A_1275 : i32
      %add3A_1278 = arith.constant 16 : i32
      %add3A_1279 = arith.addi %add3A_1277, %add3A_1278 : i32
      %add3A_1280 = vector.broadcast %add3A_1279 : i32 to vector<16xi32>
      %add3A_1281 = arith.addi %add3A_30, %add3A_1280 : vector<16xi32>
      %gt3A_1282 = arith.constant 5.000000e-01 : f32
      %gt3A_1283 = vector.broadcast %gt3A_1282 : f32 to vector<16xf32>
      %gt3A_1284 = arith.cmpf ogt, %scan3A_1198, %gt3A_1283 : vector<16xf32>
      tpu.vector_store_idx %arg9[%scan3A_1199], %add3A_1281 masked %gt3A_1284 : memref<8128xi32, #tpu.memory_space<vmem>>[vector<16xi32>], vector<16xi32>, vector<16xi1>
      %mul3A_1285 = arith.constant 128 : i32
      %mul3A_1286 = arith.muli %scan3A_1195, %mul3A_1285 : i32
      %add3A_1287 = arith.constant 163840 : i32
      %add3A_1288 = arith.addi %add3A_1287, %mul3A_1286 : i32
      %add3A_1289 = arith.constant 32 : i32
      %add3A_1290 = arith.addi %add3A_1288, %add3A_1289 : i32
      %add3A_1291 = vector.broadcast %add3A_1290 : i32 to vector<16xi32>
      %add3A_1292 = arith.addi %add3A_30, %add3A_1291 : vector<16xi32>
      %gt3A_1293 = arith.constant 5.000000e-01 : f32
      %gt3A_1294 = vector.broadcast %gt3A_1293 : f32 to vector<16xf32>
      %gt3A_1295 = arith.cmpf ogt, %scan3A_1200, %gt3A_1294 : vector<16xf32>
      tpu.vector_store_idx %arg9[%scan3A_1201], %add3A_1292 masked %gt3A_1295 : memref<8128xi32, #tpu.memory_space<vmem>>[vector<16xi32>], vector<16xi32>, vector<16xi1>
      %mul3A_1296 = arith.constant 128 : i32
      %mul3A_1297 = arith.muli %scan3A_1195, %mul3A_1296 : i32
      %add3A_1298 = arith.constant 163840 : i32
      %add3A_1299 = arith.addi %add3A_1298, %mul3A_1297 : i32
      %add3A_1300 = arith.constant 48 : i32
      %add3A_1301 = arith.addi %add3A_1299, %add3A_1300 : i32
      %add3A_1302 = vector.broadcast %add3A_1301 : i32 to vector<16xi32>
      %add3A_1303 = arith.addi %add3A_30, %add3A_1302 : vector<16xi32>
      %gt3A_1304 = arith.constant 5.000000e-01 : f32
      %gt3A_1305 = vector.broadcast %gt3A_1304 : f32 to vector<16xf32>
      %gt3A_1306 = arith.cmpf ogt, %scan3A_1202, %gt3A_1305 : vector<16xf32>
      tpu.vector_store_idx %arg9[%scan3A_1203], %add3A_1303 masked %gt3A_1306 : memref<8128xi32, #tpu.memory_space<vmem>>[vector<16xi32>], vector<16xi32>, vector<16xi1>
      %mul3A_1307 = arith.constant 128 : i32
      %mul3A_1308 = arith.muli %scan3A_1195, %mul3A_1307 : i32
      %add3A_1309 = arith.constant 163840 : i32
      %add3A_1310 = arith.addi %add3A_1309, %mul3A_1308 : i32
      %add3A_1311 = arith.constant 64 : i32
      %add3A_1312 = arith.addi %add3A_1310, %add3A_1311 : i32
      %add3A_1313 = vector.broadcast %add3A_1312 : i32 to vector<16xi32>
      %add3A_1314 = arith.addi %add3A_30, %add3A_1313 : vector<16xi32>
      %gt3A_1315 = arith.constant 5.000000e-01 : f32
      %gt3A_1316 = vector.broadcast %gt3A_1315 : f32 to vector<16xf32>
      %gt3A_1317 = arith.cmpf ogt, %scan3A_1204, %gt3A_1316 : vector<16xf32>
      tpu.vector_store_idx %arg9[%scan3A_1205], %add3A_1314 masked %gt3A_1317 : memref<8128xi32, #tpu.memory_space<vmem>>[vector<16xi32>], vector<16xi32>, vector<16xi1>
      %mul3A_1318 = arith.constant 128 : i32
      %mul3A_1319 = arith.muli %scan3A_1195, %mul3A_1318 : i32
      %add3A_1320 = arith.constant 163840 : i32
      %add3A_1321 = arith.addi %add3A_1320, %mul3A_1319 : i32
      %add3A_1322 = arith.constant 80 : i32
      %add3A_1323 = arith.addi %add3A_1321, %add3A_1322 : i32
      %add3A_1324 = vector.broadcast %add3A_1323 : i32 to vector<16xi32>
      %add3A_1325 = arith.addi %add3A_30, %add3A_1324 : vector<16xi32>
      %gt3A_1326 = arith.constant 5.000000e-01 : f32
      %gt3A_1327 = vector.broadcast %gt3A_1326 : f32 to vector<16xf32>
      %gt3A_1328 = arith.cmpf ogt, %scan3A_1206, %gt3A_1327 : vector<16xf32>
      tpu.vector_store_idx %arg9[%scan3A_1207], %add3A_1325 masked %gt3A_1328 : memref<8128xi32, #tpu.memory_space<vmem>>[vector<16xi32>], vector<16xi32>, vector<16xi1>
      %mul3A_1329 = arith.constant 128 : i32
      %mul3A_1330 = arith.muli %scan3A_1195, %mul3A_1329 : i32
      %add3A_1331 = arith.constant 163840 : i32
      %add3A_1332 = arith.addi %add3A_1331, %mul3A_1330 : i32
      %add3A_1333 = arith.constant 96 : i32
      %add3A_1334 = arith.addi %add3A_1332, %add3A_1333 : i32
      %add3A_1335 = vector.broadcast %add3A_1334 : i32 to vector<16xi32>
      %add3A_1336 = arith.addi %add3A_30, %add3A_1335 : vector<16xi32>
      %gt3A_1337 = arith.constant 5.000000e-01 : f32
      %gt3A_1338 = vector.broadcast %gt3A_1337 : f32 to vector<16xf32>
      %gt3A_1339 = arith.cmpf ogt, %scan3A_1208, %gt3A_1338 : vector<16xf32>
      tpu.vector_store_idx %arg9[%scan3A_1209], %add3A_1336 masked %gt3A_1339 : memref<8128xi32, #tpu.memory_space<vmem>>[vector<16xi32>], vector<16xi32>, vector<16xi1>
      %mul3A_1340 = arith.constant 128 : i32
      %mul3A_1341 = arith.muli %scan3A_1195, %mul3A_1340 : i32
      %add3A_1342 = arith.constant 163840 : i32
      %add3A_1343 = arith.addi %add3A_1342, %mul3A_1341 : i32
      %add3A_1344 = arith.constant 112 : i32
      %add3A_1345 = arith.addi %add3A_1343, %add3A_1344 : i32
      %add3A_1346 = vector.broadcast %add3A_1345 : i32 to vector<16xi32>
      %add3A_1347 = arith.addi %add3A_30, %add3A_1346 : vector<16xi32>
      %gt3A_1348 = arith.constant 5.000000e-01 : f32
      %gt3A_1349 = vector.broadcast %gt3A_1348 : f32 to vector<16xf32>
      %gt3A_1350 = arith.cmpf ogt, %scan3A_1210, %gt3A_1349 : vector<16xf32>
      tpu.vector_store_idx %arg9[%scan3A_1211], %add3A_1347 masked %gt3A_1350 : memref<8128xi32, #tpu.memory_space<vmem>>[vector<16xi32>], vector<16xi32>, vector<16xi1>
      scf.yield %get3A_1219, %get3A_1221, %get3A_1225, %get3A_1227, %get3A_1231, %get3A_1233, %get3A_1237, %get3A_1239, %get3A_1243, %get3A_1245, %get3A_1249, %get3A_1251, %get3A_1255, %get3A_1257, %get3A_1261, %get3A_1263 : vector<16xf32>, vector<16xi32>, vector<16xf32>, vector<16xi32>, vector<16xf32>, vector<16xi32>, vector<16xf32>, vector<16xi32>, vector<16xf32>, vector<16xi32>, vector<16xf32>, vector<16xi32>, vector<16xf32>, vector<16xi32>, vector<16xf32>, vector<16xi32>
    }
    %scan3A_842 = arith.constant 128 : i32
    %dma_wait3A_843 = arith.constant 0 : i32
    %dma_wait3A_844 = tpu.memref_slice %arg6[%dma_wait3A_843] : memref<16512xf32, #tpu.memory_space<vmem>> -> memref<16384xf32, #tpu.memory_space<vmem>>
    %dma_wait3A_845 = arith.constant 180224 : i32
    %dma_wait3A_846 = tpu.memref_slice %arg2[%add3A_5, %dma_wait3A_845] : memref<32x262144xf32, #tpu.memory_space<hbm>> -> memref<1x16384xf32, #tpu.memory_space<hbm>>
    %dma_wait3A_847 = tpu.memref_squeeze %dma_wait3A_846 : memref<1x16384xf32, #tpu.memory_space<hbm>> -> memref<16384xf32, #tpu.memory_space<hbm>>
    %dma_wait3A_848 = arith.constant 0 : i32
    %dma_wait3A_849 = tpu.memref_slice %arg6[%dma_wait3A_848] : memref<16512xf32, #tpu.memory_space<vmem>> -> memref<16384xf32, #tpu.memory_space<vmem>>
    %dma_wait3A_850 = arith.constant 180224 : i32
    %dma_wait3A_851 = tpu.memref_slice %arg2[%add3A_5, %dma_wait3A_850] : memref<32x262144xf32, #tpu.memory_space<hbm>> -> memref<1x16384xf32, #tpu.memory_space<hbm>>
    %dma_wait3A_852 = tpu.memref_squeeze %dma_wait3A_851 : memref<1x16384xf32, #tpu.memory_space<hbm>> -> memref<16384xf32, #tpu.memory_space<hbm>>
    tpu.wait_dma2 semaphore(%arg11 : memref<!tpu.dma_semaphore, #tpu.memory_space<semaphore_mem>>) src(%dma_wait3A_852 : memref<16384xf32, #tpu.memory_space<hbm>>) dst(%dma_wait3A_849 : memref<16384xf32, #tpu.memory_space<vmem>>)
    %dma_wait3A_853 = arith.constant 0 : i32
    %dma_wait3A_854 = tpu.memref_slice %arg8[%dma_wait3A_853] : memref<16512xi32, #tpu.memory_space<vmem>> -> memref<16384xi32, #tpu.memory_space<vmem>>
    %dma_wait3A_855 = arith.constant 180224 : i32
    %dma_wait3A_856 = tpu.memref_slice %arg3[%dma_wait3A_855] : memref<262144xi32, #tpu.memory_space<hbm>> -> memref<16384xi32, #tpu.memory_space<hbm>>
    %dma_wait3A_857 = arith.constant 0 : i32
    %dma_wait3A_858 = tpu.memref_slice %arg8[%dma_wait3A_857] : memref<16512xi32, #tpu.memory_space<vmem>> -> memref<16384xi32, #tpu.memory_space<vmem>>
    %dma_wait3A_859 = arith.constant 180224 : i32
    %dma_wait3A_860 = tpu.memref_slice %arg3[%dma_wait3A_859] : memref<262144xi32, #tpu.memory_space<hbm>> -> memref<16384xi32, #tpu.memory_space<hbm>>
    tpu.wait_dma2 semaphore(%arg11 : memref<!tpu.dma_semaphore, #tpu.memory_space<semaphore_mem>>) src(%dma_wait3A_860 : memref<16384xi32, #tpu.memory_space<hbm>>) dst(%dma_wait3A_858 : memref<16384xi32, #tpu.memory_space<vmem>>)
    %dma_start3A_861 = arith.constant 0 : i32
    %dma_start3A_862 = tpu.memref_slice %arg5[%dma_start3A_861] : memref<16512xf32, #tpu.memory_space<vmem>> -> memref<16384xf32, #tpu.memory_space<vmem>>
    %dma_start3A_863 = arith.constant 196608 : i32
    %dma_start3A_864 = tpu.memref_slice %arg2[%add3A_5, %dma_start3A_863] : memref<32x262144xf32, #tpu.memory_space<hbm>> -> memref<1x16384xf32, #tpu.memory_space<hbm>>
    %dma_start3A_865 = tpu.memref_squeeze %dma_start3A_864 : memref<1x16384xf32, #tpu.memory_space<hbm>> -> memref<16384xf32, #tpu.memory_space<hbm>>
    %dma_start3A_866 = arith.constant 0 : i32
    %dma_start3A_867 = tpu.memref_slice %arg5[%dma_start3A_866] : memref<16512xf32, #tpu.memory_space<vmem>> -> memref<16384xf32, #tpu.memory_space<vmem>>
    %dma_start3A_868 = arith.constant 196608 : i32
    %dma_start3A_869 = tpu.memref_slice %arg2[%add3A_5, %dma_start3A_868] : memref<32x262144xf32, #tpu.memory_space<hbm>> -> memref<1x16384xf32, #tpu.memory_space<hbm>>
    %dma_start3A_870 = tpu.memref_squeeze %dma_start3A_869 : memref<1x16384xf32, #tpu.memory_space<hbm>> -> memref<16384xf32, #tpu.memory_space<hbm>>
    tpu.enqueue_dma source(%dma_start3A_870 : memref<16384xf32, #tpu.memory_space<hbm>>) target(%dma_start3A_867 : memref<16384xf32, #tpu.memory_space<vmem>>) target_semaphore(%arg10 : memref<!tpu.dma_semaphore, #tpu.memory_space<semaphore_mem>>)
    %dma_start3A_871 = arith.constant 0 : i32
    %dma_start3A_872 = tpu.memref_slice %arg7[%dma_start3A_871] : memref<16512xi32, #tpu.memory_space<vmem>> -> memref<16384xi32, #tpu.memory_space<vmem>>
    %dma_start3A_873 = arith.constant 196608 : i32
    %dma_start3A_874 = tpu.memref_slice %arg3[%dma_start3A_873] : memref<262144xi32, #tpu.memory_space<hbm>> -> memref<16384xi32, #tpu.memory_space<hbm>>
    %dma_start3A_875 = arith.constant 0 : i32
    %dma_start3A_876 = tpu.memref_slice %arg7[%dma_start3A_875] : memref<16512xi32, #tpu.memory_space<vmem>> -> memref<16384xi32, #tpu.memory_space<vmem>>
    %dma_start3A_877 = arith.constant 196608 : i32
    %dma_start3A_878 = tpu.memref_slice %arg3[%dma_start3A_877] : memref<262144xi32, #tpu.memory_space<hbm>> -> memref<16384xi32, #tpu.memory_space<hbm>>
    tpu.enqueue_dma source(%dma_start3A_878 : memref<16384xi32, #tpu.memory_space<hbm>>) target(%dma_start3A_876 : memref<16384xi32, #tpu.memory_space<vmem>>) target_semaphore(%arg10 : memref<!tpu.dma_semaphore, #tpu.memory_space<semaphore_mem>>)
    %get3A_879 = arith.constant 0 : index
    %get3A_880 = tpu.vector_load %arg6[%get3A_879] {strides = array<i32>} : memref<16512xf32, #tpu.memory_space<vmem>>, vector<16xf32>,
    %get3A_881 = arith.constant 0 : index
    %get3A_882 = tpu.vector_load %arg8[%get3A_881] {strides = array<i32>} : memref<16512xi32, #tpu.memory_space<vmem>>, vector<16xi32>,
    %get3A_883 = arith.constant 16 : index
    %get3A_884 = tpu.vector_load %arg6[%get3A_883] {strides = array<i32>} : memref<16512xf32, #tpu.memory_space<vmem>>, vector<16xf32>,
    %get3A_885 = arith.constant 16 : index
    %get3A_886 = tpu.vector_load %arg8[%get3A_885] {strides = array<i32>} : memref<16512xi32, #tpu.memory_space<vmem>>, vector<16xi32>,
    %get3A_887 = arith.constant 32 : index
    %get3A_888 = tpu.vector_load %arg6[%get3A_887] {strides = array<i32>} : memref<16512xf32, #tpu.memory_space<vmem>>, vector<16xf32>,
    %get3A_889 = arith.constant 32 : index
    %get3A_890 = tpu.vector_load %arg8[%get3A_889] {strides = array<i32>} : memref<16512xi32, #tpu.memory_space<vmem>>, vector<16xi32>,
    %get3A_891 = arith.constant 48 : index
    %get3A_892 = tpu.vector_load %arg6[%get3A_891] {strides = array<i32>} : memref<16512xf32, #tpu.memory_space<vmem>>, vector<16xf32>,
    %get3A_893 = arith.constant 48 : index
    %get3A_894 = tpu.vector_load %arg8[%get3A_893] {strides = array<i32>} : memref<16512xi32, #tpu.memory_space<vmem>>, vector<16xi32>,
    %get3A_895 = arith.constant 64 : index
    %get3A_896 = tpu.vector_load %arg6[%get3A_895] {strides = array<i32>} : memref<16512xf32, #tpu.memory_space<vmem>>, vector<16xf32>,
    %get3A_897 = arith.constant 64 : index
    %get3A_898 = tpu.vector_load %arg8[%get3A_897] {strides = array<i32>} : memref<16512xi32, #tpu.memory_space<vmem>>, vector<16xi32>,
    %get3A_899 = arith.constant 80 : index
    %get3A_900 = tpu.vector_load %arg6[%get3A_899] {strides = array<i32>} : memref<16512xf32, #tpu.memory_space<vmem>>, vector<16xf32>,
    %get3A_901 = arith.constant 80 : index
    %get3A_902 = tpu.vector_load %arg8[%get3A_901] {strides = array<i32>} : memref<16512xi32, #tpu.memory_space<vmem>>, vector<16xi32>,
    %get3A_903 = arith.constant 96 : index
    %get3A_904 = tpu.vector_load %arg6[%get3A_903] {strides = array<i32>} : memref<16512xf32, #tpu.memory_space<vmem>>, vector<16xf32>,
    %get3A_905 = arith.constant 96 : index
    %get3A_906 = tpu.vector_load %arg8[%get3A_905] {strides = array<i32>} : memref<16512xi32, #tpu.memory_space<vmem>>, vector<16xi32>,
    %get3A_907 = arith.constant 112 : index
    %get3A_908 = tpu.vector_load %arg6[%get3A_907] {strides = array<i32>} : memref<16512xf32, #tpu.memory_space<vmem>>, vector<16xf32>,
    %get3A_909 = arith.constant 112 : index
    %get3A_910 = tpu.vector_load %arg8[%get3A_909] {strides = array<i32>} : memref<16512xi32, #tpu.memory_space<vmem>>, vector<16xi32>,
    %scan3A_911 = arith.constant 0 : i32
    %scan3A_912 = arith.constant 128 : i32
    %scan3A_913 = arith.addi %scan3A_911, %scan3A_912 : i32
    %scan3A_914 = arith.constant 1 : i32
    %scan3A_915:16 = scf.for %scan3A_1195 = %scan3A_911 to %scan3A_913 step %scan3A_914 iter_args(%scan3A_1196 = %get3A_880, %scan3A_1197 = %get3A_882, %scan3A_1198 = %get3A_884, %scan3A_1199 = %get3A_886, %scan3A_1200 = %get3A_888, %scan3A_1201 = %get3A_890, %scan3A_1202 = %get3A_892, %scan3A_1203 = %get3A_894, %scan3A_1204 = %get3A_896, %scan3A_1205 = %get3A_898, %scan3A_1206 = %get3A_900, %scan3A_1207 = %get3A_902, %scan3A_1208 = %get3A_904, %scan3A_1209 = %get3A_906, %scan3A_1210 = %get3A_908, %scan3A_1211 = %get3A_910) -> (vector<16xf32>, vector<16xi32>, vector<16xf32>, vector<16xi32>, vector<16xf32>, vector<16xi32>, vector<16xf32>, vector<16xi32>, vector<16xf32>, vector<16xi32>, vector<16xf32>, vector<16xi32>, vector<16xf32>, vector<16xi32>, vector<16xf32>, vector<16xi32>)  : i32 {
      %add3A_1212 = arith.constant 1 : i32
      %add3A_1213 = arith.addi %scan3A_1195, %add3A_1212 : i32
      %mul3A_1214 = arith.constant 128 : i32
      %mul3A_1215 = arith.muli %add3A_1213, %mul3A_1214 : i32
      %add3A_1216 = arith.constant 0 : i32
      %add3A_1217 = arith.addi %mul3A_1215, %add3A_1216 : i32
      %get3A_1218 = arith.index_cast %add3A_1217 : i32 to index
      %get3A_1219 = tpu.vector_load %arg6[%get3A_1218] {strides = array<i32>} : memref<16512xf32, #tpu.memory_space<vmem>>, vector<16xf32>,
      %get3A_1220 = arith.index_cast %add3A_1217 : i32 to index
      %get3A_1221 = tpu.vector_load %arg8[%get3A_1220] {strides = array<i32>} : memref<16512xi32, #tpu.memory_space<vmem>>, vector<16xi32>,
      %add3A_1222 = arith.constant 16 : i32
      %add3A_1223 = arith.addi %mul3A_1215, %add3A_1222 : i32
      %get3A_1224 = arith.index_cast %add3A_1223 : i32 to index
      %get3A_1225 = tpu.vector_load %arg6[%get3A_1224] {strides = array<i32>} : memref<16512xf32, #tpu.memory_space<vmem>>, vector<16xf32>,
      %get3A_1226 = arith.index_cast %add3A_1223 : i32 to index
      %get3A_1227 = tpu.vector_load %arg8[%get3A_1226] {strides = array<i32>} : memref<16512xi32, #tpu.memory_space<vmem>>, vector<16xi32>,
      %add3A_1228 = arith.constant 32 : i32
      %add3A_1229 = arith.addi %mul3A_1215, %add3A_1228 : i32
      %get3A_1230 = arith.index_cast %add3A_1229 : i32 to index
      %get3A_1231 = tpu.vector_load %arg6[%get3A_1230] {strides = array<i32>} : memref<16512xf32, #tpu.memory_space<vmem>>, vector<16xf32>,
      %get3A_1232 = arith.index_cast %add3A_1229 : i32 to index
      %get3A_1233 = tpu.vector_load %arg8[%get3A_1232] {strides = array<i32>} : memref<16512xi32, #tpu.memory_space<vmem>>, vector<16xi32>,
      %add3A_1234 = arith.constant 48 : i32
      %add3A_1235 = arith.addi %mul3A_1215, %add3A_1234 : i32
      %get3A_1236 = arith.index_cast %add3A_1235 : i32 to index
      %get3A_1237 = tpu.vector_load %arg6[%get3A_1236] {strides = array<i32>} : memref<16512xf32, #tpu.memory_space<vmem>>, vector<16xf32>,
      %get3A_1238 = arith.index_cast %add3A_1235 : i32 to index
      %get3A_1239 = tpu.vector_load %arg8[%get3A_1238] {strides = array<i32>} : memref<16512xi32, #tpu.memory_space<vmem>>, vector<16xi32>,
      %add3A_1240 = arith.constant 64 : i32
      %add3A_1241 = arith.addi %mul3A_1215, %add3A_1240 : i32
      %get3A_1242 = arith.index_cast %add3A_1241 : i32 to index
      %get3A_1243 = tpu.vector_load %arg6[%get3A_1242] {strides = array<i32>} : memref<16512xf32, #tpu.memory_space<vmem>>, vector<16xf32>,
      %get3A_1244 = arith.index_cast %add3A_1241 : i32 to index
      %get3A_1245 = tpu.vector_load %arg8[%get3A_1244] {strides = array<i32>} : memref<16512xi32, #tpu.memory_space<vmem>>, vector<16xi32>,
      %add3A_1246 = arith.constant 80 : i32
      %add3A_1247 = arith.addi %mul3A_1215, %add3A_1246 : i32
      %get3A_1248 = arith.index_cast %add3A_1247 : i32 to index
      %get3A_1249 = tpu.vector_load %arg6[%get3A_1248] {strides = array<i32>} : memref<16512xf32, #tpu.memory_space<vmem>>, vector<16xf32>,
      %get3A_1250 = arith.index_cast %add3A_1247 : i32 to index
      %get3A_1251 = tpu.vector_load %arg8[%get3A_1250] {strides = array<i32>} : memref<16512xi32, #tpu.memory_space<vmem>>, vector<16xi32>,
      %add3A_1252 = arith.constant 96 : i32
      %add3A_1253 = arith.addi %mul3A_1215, %add3A_1252 : i32
      %get3A_1254 = arith.index_cast %add3A_1253 : i32 to index
      %get3A_1255 = tpu.vector_load %arg6[%get3A_1254] {strides = array<i32>} : memref<16512xf32, #tpu.memory_space<vmem>>, vector<16xf32>,
      %get3A_1256 = arith.index_cast %add3A_1253 : i32 to index
      %get3A_1257 = tpu.vector_load %arg8[%get3A_1256] {strides = array<i32>} : memref<16512xi32, #tpu.memory_space<vmem>>, vector<16xi32>,
      %add3A_1258 = arith.constant 112 : i32
      %add3A_1259 = arith.addi %mul3A_1215, %add3A_1258 : i32
      %get3A_1260 = arith.index_cast %add3A_1259 : i32 to index
      %get3A_1261 = tpu.vector_load %arg6[%get3A_1260] {strides = array<i32>} : memref<16512xf32, #tpu.memory_space<vmem>>, vector<16xf32>,
      %get3A_1262 = arith.index_cast %add3A_1259 : i32 to index
      %get3A_1263 = tpu.vector_load %arg8[%get3A_1262] {strides = array<i32>} : memref<16512xi32, #tpu.memory_space<vmem>>, vector<16xi32>,
      %mul3A_1264 = arith.constant 128 : i32
      %mul3A_1265 = arith.muli %scan3A_1195, %mul3A_1264 : i32
      %add3A_1266 = arith.constant 180224 : i32
      %add3A_1267 = arith.addi %add3A_1266, %mul3A_1265 : i32
      %add3A_1268 = arith.constant 0 : i32
      %add3A_1269 = arith.addi %add3A_1267, %add3A_1268 : i32
      %add3A_1270 = vector.broadcast %add3A_1269 : i32 to vector<16xi32>
      %add3A_1271 = arith.addi %add3A_30, %add3A_1270 : vector<16xi32>
      %gt3A = arith.constant 5.000000e-01 : f32
      %gt3A_1272 = vector.broadcast %gt3A : f32 to vector<16xf32>
      %gt3A_1273 = arith.cmpf ogt, %scan3A_1196, %gt3A_1272 : vector<16xf32>
      tpu.vector_store_idx %arg9[%scan3A_1197], %add3A_1271 masked %gt3A_1273 : memref<8128xi32, #tpu.memory_space<vmem>>[vector<16xi32>], vector<16xi32>, vector<16xi1>
      %mul3A_1274 = arith.constant 128 : i32
      %mul3A_1275 = arith.muli %scan3A_1195, %mul3A_1274 : i32
      %add3A_1276 = arith.constant 180224 : i32
      %add3A_1277 = arith.addi %add3A_1276, %mul3A_1275 : i32
      %add3A_1278 = arith.constant 16 : i32
      %add3A_1279 = arith.addi %add3A_1277, %add3A_1278 : i32
      %add3A_1280 = vector.broadcast %add3A_1279 : i32 to vector<16xi32>
      %add3A_1281 = arith.addi %add3A_30, %add3A_1280 : vector<16xi32>
      %gt3A_1282 = arith.constant 5.000000e-01 : f32
      %gt3A_1283 = vector.broadcast %gt3A_1282 : f32 to vector<16xf32>
      %gt3A_1284 = arith.cmpf ogt, %scan3A_1198, %gt3A_1283 : vector<16xf32>
      tpu.vector_store_idx %arg9[%scan3A_1199], %add3A_1281 masked %gt3A_1284 : memref<8128xi32, #tpu.memory_space<vmem>>[vector<16xi32>], vector<16xi32>, vector<16xi1>
      %mul3A_1285 = arith.constant 128 : i32
      %mul3A_1286 = arith.muli %scan3A_1195, %mul3A_1285 : i32
      %add3A_1287 = arith.constant 180224 : i32
      %add3A_1288 = arith.addi %add3A_1287, %mul3A_1286 : i32
      %add3A_1289 = arith.constant 32 : i32
      %add3A_1290 = arith.addi %add3A_1288, %add3A_1289 : i32
      %add3A_1291 = vector.broadcast %add3A_1290 : i32 to vector<16xi32>
      %add3A_1292 = arith.addi %add3A_30, %add3A_1291 : vector<16xi32>
      %gt3A_1293 = arith.constant 5.000000e-01 : f32
      %gt3A_1294 = vector.broadcast %gt3A_1293 : f32 to vector<16xf32>
      %gt3A_1295 = arith.cmpf ogt, %scan3A_1200, %gt3A_1294 : vector<16xf32>
      tpu.vector_store_idx %arg9[%scan3A_1201], %add3A_1292 masked %gt3A_1295 : memref<8128xi32, #tpu.memory_space<vmem>>[vector<16xi32>], vector<16xi32>, vector<16xi1>
      %mul3A_1296 = arith.constant 128 : i32
      %mul3A_1297 = arith.muli %scan3A_1195, %mul3A_1296 : i32
      %add3A_1298 = arith.constant 180224 : i32
      %add3A_1299 = arith.addi %add3A_1298, %mul3A_1297 : i32
      %add3A_1300 = arith.constant 48 : i32
      %add3A_1301 = arith.addi %add3A_1299, %add3A_1300 : i32
      %add3A_1302 = vector.broadcast %add3A_1301 : i32 to vector<16xi32>
      %add3A_1303 = arith.addi %add3A_30, %add3A_1302 : vector<16xi32>
      %gt3A_1304 = arith.constant 5.000000e-01 : f32
      %gt3A_1305 = vector.broadcast %gt3A_1304 : f32 to vector<16xf32>
      %gt3A_1306 = arith.cmpf ogt, %scan3A_1202, %gt3A_1305 : vector<16xf32>
      tpu.vector_store_idx %arg9[%scan3A_1203], %add3A_1303 masked %gt3A_1306 : memref<8128xi32, #tpu.memory_space<vmem>>[vector<16xi32>], vector<16xi32>, vector<16xi1>
      %mul3A_1307 = arith.constant 128 : i32
      %mul3A_1308 = arith.muli %scan3A_1195, %mul3A_1307 : i32
      %add3A_1309 = arith.constant 180224 : i32
      %add3A_1310 = arith.addi %add3A_1309, %mul3A_1308 : i32
      %add3A_1311 = arith.constant 64 : i32
      %add3A_1312 = arith.addi %add3A_1310, %add3A_1311 : i32
      %add3A_1313 = vector.broadcast %add3A_1312 : i32 to vector<16xi32>
      %add3A_1314 = arith.addi %add3A_30, %add3A_1313 : vector<16xi32>
      %gt3A_1315 = arith.constant 5.000000e-01 : f32
      %gt3A_1316 = vector.broadcast %gt3A_1315 : f32 to vector<16xf32>
      %gt3A_1317 = arith.cmpf ogt, %scan3A_1204, %gt3A_1316 : vector<16xf32>
      tpu.vector_store_idx %arg9[%scan3A_1205], %add3A_1314 masked %gt3A_1317 : memref<8128xi32, #tpu.memory_space<vmem>>[vector<16xi32>], vector<16xi32>, vector<16xi1>
      %mul3A_1318 = arith.constant 128 : i32
      %mul3A_1319 = arith.muli %scan3A_1195, %mul3A_1318 : i32
      %add3A_1320 = arith.constant 180224 : i32
      %add3A_1321 = arith.addi %add3A_1320, %mul3A_1319 : i32
      %add3A_1322 = arith.constant 80 : i32
      %add3A_1323 = arith.addi %add3A_1321, %add3A_1322 : i32
      %add3A_1324 = vector.broadcast %add3A_1323 : i32 to vector<16xi32>
      %add3A_1325 = arith.addi %add3A_30, %add3A_1324 : vector<16xi32>
      %gt3A_1326 = arith.constant 5.000000e-01 : f32
      %gt3A_1327 = vector.broadcast %gt3A_1326 : f32 to vector<16xf32>
      %gt3A_1328 = arith.cmpf ogt, %scan3A_1206, %gt3A_1327 : vector<16xf32>
      tpu.vector_store_idx %arg9[%scan3A_1207], %add3A_1325 masked %gt3A_1328 : memref<8128xi32, #tpu.memory_space<vmem>>[vector<16xi32>], vector<16xi32>, vector<16xi1>
      %mul3A_1329 = arith.constant 128 : i32
      %mul3A_1330 = arith.muli %scan3A_1195, %mul3A_1329 : i32
      %add3A_1331 = arith.constant 180224 : i32
      %add3A_1332 = arith.addi %add3A_1331, %mul3A_1330 : i32
      %add3A_1333 = arith.constant 96 : i32
      %add3A_1334 = arith.addi %add3A_1332, %add3A_1333 : i32
      %add3A_1335 = vector.broadcast %add3A_1334 : i32 to vector<16xi32>
      %add3A_1336 = arith.addi %add3A_30, %add3A_1335 : vector<16xi32>
      %gt3A_1337 = arith.constant 5.000000e-01 : f32
      %gt3A_1338 = vector.broadcast %gt3A_1337 : f32 to vector<16xf32>
      %gt3A_1339 = arith.cmpf ogt, %scan3A_1208, %gt3A_1338 : vector<16xf32>
      tpu.vector_store_idx %arg9[%scan3A_1209], %add3A_1336 masked %gt3A_1339 : memref<8128xi32, #tpu.memory_space<vmem>>[vector<16xi32>], vector<16xi32>, vector<16xi1>
      %mul3A_1340 = arith.constant 128 : i32
      %mul3A_1341 = arith.muli %scan3A_1195, %mul3A_1340 : i32
      %add3A_1342 = arith.constant 180224 : i32
      %add3A_1343 = arith.addi %add3A_1342, %mul3A_1341 : i32
      %add3A_1344 = arith.constant 112 : i32
      %add3A_1345 = arith.addi %add3A_1343, %add3A_1344 : i32
      %add3A_1346 = vector.broadcast %add3A_1345 : i32 to vector<16xi32>
      %add3A_1347 = arith.addi %add3A_30, %add3A_1346 : vector<16xi32>
      %gt3A_1348 = arith.constant 5.000000e-01 : f32
      %gt3A_1349 = vector.broadcast %gt3A_1348 : f32 to vector<16xf32>
      %gt3A_1350 = arith.cmpf ogt, %scan3A_1210, %gt3A_1349 : vector<16xf32>
      tpu.vector_store_idx %arg9[%scan3A_1211], %add3A_1347 masked %gt3A_1350 : memref<8128xi32, #tpu.memory_space<vmem>>[vector<16xi32>], vector<16xi32>, vector<16xi1>
      scf.yield %get3A_1219, %get3A_1221, %get3A_1225, %get3A_1227, %get3A_1231, %get3A_1233, %get3A_1237, %get3A_1239, %get3A_1243, %get3A_1245, %get3A_1249, %get3A_1251, %get3A_1255, %get3A_1257, %get3A_1261, %get3A_1263 : vector<16xf32>, vector<16xi32>, vector<16xf32>, vector<16xi32>, vector<16xf32>, vector<16xi32>, vector<16xf32>, vector<16xi32>, vector<16xf32>, vector<16xi32>, vector<16xf32>, vector<16xi32>, vector<16xf32>, vector<16xi32>, vector<16xf32>, vector<16xi32>
    }
    %scan3A_916 = arith.constant 128 : i32
    %dma_wait3A_917 = arith.constant 0 : i32
    %dma_wait3A_918 = tpu.memref_slice %arg5[%dma_wait3A_917] : memref<16512xf32, #tpu.memory_space<vmem>> -> memref<16384xf32, #tpu.memory_space<vmem>>
    %dma_wait3A_919 = arith.constant 196608 : i32
    %dma_wait3A_920 = tpu.memref_slice %arg2[%add3A_5, %dma_wait3A_919] : memref<32x262144xf32, #tpu.memory_space<hbm>> -> memref<1x16384xf32, #tpu.memory_space<hbm>>
    %dma_wait3A_921 = tpu.memref_squeeze %dma_wait3A_920 : memref<1x16384xf32, #tpu.memory_space<hbm>> -> memref<16384xf32, #tpu.memory_space<hbm>>
    %dma_wait3A_922 = arith.constant 0 : i32
    %dma_wait3A_923 = tpu.memref_slice %arg5[%dma_wait3A_922] : memref<16512xf32, #tpu.memory_space<vmem>> -> memref<16384xf32, #tpu.memory_space<vmem>>
    %dma_wait3A_924 = arith.constant 196608 : i32
    %dma_wait3A_925 = tpu.memref_slice %arg2[%add3A_5, %dma_wait3A_924] : memref<32x262144xf32, #tpu.memory_space<hbm>> -> memref<1x16384xf32, #tpu.memory_space<hbm>>
    %dma_wait3A_926 = tpu.memref_squeeze %dma_wait3A_925 : memref<1x16384xf32, #tpu.memory_space<hbm>> -> memref<16384xf32, #tpu.memory_space<hbm>>
    tpu.wait_dma2 semaphore(%arg10 : memref<!tpu.dma_semaphore, #tpu.memory_space<semaphore_mem>>) src(%dma_wait3A_926 : memref<16384xf32, #tpu.memory_space<hbm>>) dst(%dma_wait3A_923 : memref<16384xf32, #tpu.memory_space<vmem>>)
    %dma_wait3A_927 = arith.constant 0 : i32
    %dma_wait3A_928 = tpu.memref_slice %arg7[%dma_wait3A_927] : memref<16512xi32, #tpu.memory_space<vmem>> -> memref<16384xi32, #tpu.memory_space<vmem>>
    %dma_wait3A_929 = arith.constant 196608 : i32
    %dma_wait3A_930 = tpu.memref_slice %arg3[%dma_wait3A_929] : memref<262144xi32, #tpu.memory_space<hbm>> -> memref<16384xi32, #tpu.memory_space<hbm>>
    %dma_wait3A_931 = arith.constant 0 : i32
    %dma_wait3A_932 = tpu.memref_slice %arg7[%dma_wait3A_931] : memref<16512xi32, #tpu.memory_space<vmem>> -> memref<16384xi32, #tpu.memory_space<vmem>>
    %dma_wait3A_933 = arith.constant 196608 : i32
    %dma_wait3A_934 = tpu.memref_slice %arg3[%dma_wait3A_933] : memref<262144xi32, #tpu.memory_space<hbm>> -> memref<16384xi32, #tpu.memory_space<hbm>>
    tpu.wait_dma2 semaphore(%arg10 : memref<!tpu.dma_semaphore, #tpu.memory_space<semaphore_mem>>) src(%dma_wait3A_934 : memref<16384xi32, #tpu.memory_space<hbm>>) dst(%dma_wait3A_932 : memref<16384xi32, #tpu.memory_space<vmem>>)
    %dma_start3A_935 = arith.constant 0 : i32
    %dma_start3A_936 = tpu.memref_slice %arg6[%dma_start3A_935] : memref<16512xf32, #tpu.memory_space<vmem>> -> memref<16384xf32, #tpu.memory_space<vmem>>
    %dma_start3A_937 = arith.constant 212992 : i32
    %dma_start3A_938 = tpu.memref_slice %arg2[%add3A_5, %dma_start3A_937] : memref<32x262144xf32, #tpu.memory_space<hbm>> -> memref<1x16384xf32, #tpu.memory_space<hbm>>
    %dma_start3A_939 = tpu.memref_squeeze %dma_start3A_938 : memref<1x16384xf32, #tpu.memory_space<hbm>> -> memref<16384xf32, #tpu.memory_space<hbm>>
    %dma_start3A_940 = arith.constant 0 : i32
    %dma_start3A_941 = tpu.memref_slice %arg6[%dma_start3A_940] : memref<16512xf32, #tpu.memory_space<vmem>> -> memref<16384xf32, #tpu.memory_space<vmem>>
    %dma_start3A_942 = arith.constant 212992 : i32
    %dma_start3A_943 = tpu.memref_slice %arg2[%add3A_5, %dma_start3A_942] : memref<32x262144xf32, #tpu.memory_space<hbm>> -> memref<1x16384xf32, #tpu.memory_space<hbm>>
    %dma_start3A_944 = tpu.memref_squeeze %dma_start3A_943 : memref<1x16384xf32, #tpu.memory_space<hbm>> -> memref<16384xf32, #tpu.memory_space<hbm>>
    tpu.enqueue_dma source(%dma_start3A_944 : memref<16384xf32, #tpu.memory_space<hbm>>) target(%dma_start3A_941 : memref<16384xf32, #tpu.memory_space<vmem>>) target_semaphore(%arg11 : memref<!tpu.dma_semaphore, #tpu.memory_space<semaphore_mem>>)
    %dma_start3A_945 = arith.constant 0 : i32
    %dma_start3A_946 = tpu.memref_slice %arg8[%dma_start3A_945] : memref<16512xi32, #tpu.memory_space<vmem>> -> memref<16384xi32, #tpu.memory_space<vmem>>
    %dma_start3A_947 = arith.constant 212992 : i32
    %dma_start3A_948 = tpu.memref_slice %arg3[%dma_start3A_947] : memref<262144xi32, #tpu.memory_space<hbm>> -> memref<16384xi32, #tpu.memory_space<hbm>>
    %dma_start3A_949 = arith.constant 0 : i32
    %dma_start3A_950 = tpu.memref_slice %arg8[%dma_start3A_949] : memref<16512xi32, #tpu.memory_space<vmem>> -> memref<16384xi32, #tpu.memory_space<vmem>>
    %dma_start3A_951 = arith.constant 212992 : i32
    %dma_start3A_952 = tpu.memref_slice %arg3[%dma_start3A_951] : memref<262144xi32, #tpu.memory_space<hbm>> -> memref<16384xi32, #tpu.memory_space<hbm>>
    tpu.enqueue_dma source(%dma_start3A_952 : memref<16384xi32, #tpu.memory_space<hbm>>) target(%dma_start3A_950 : memref<16384xi32, #tpu.memory_space<vmem>>) target_semaphore(%arg11 : memref<!tpu.dma_semaphore, #tpu.memory_space<semaphore_mem>>)
    %get3A_953 = arith.constant 0 : index
    %get3A_954 = tpu.vector_load %arg5[%get3A_953] {strides = array<i32>} : memref<16512xf32, #tpu.memory_space<vmem>>, vector<16xf32>,
    %get3A_955 = arith.constant 0 : index
    %get3A_956 = tpu.vector_load %arg7[%get3A_955] {strides = array<i32>} : memref<16512xi32, #tpu.memory_space<vmem>>, vector<16xi32>,
    %get3A_957 = arith.constant 16 : index
    %get3A_958 = tpu.vector_load %arg5[%get3A_957] {strides = array<i32>} : memref<16512xf32, #tpu.memory_space<vmem>>, vector<16xf32>,
    %get3A_959 = arith.constant 16 : index
    %get3A_960 = tpu.vector_load %arg7[%get3A_959] {strides = array<i32>} : memref<16512xi32, #tpu.memory_space<vmem>>, vector<16xi32>,
    %get3A_961 = arith.constant 32 : index
    %get3A_962 = tpu.vector_load %arg5[%get3A_961] {strides = array<i32>} : memref<16512xf32, #tpu.memory_space<vmem>>, vector<16xf32>,
    %get3A_963 = arith.constant 32 : index
    %get3A_964 = tpu.vector_load %arg7[%get3A_963] {strides = array<i32>} : memref<16512xi32, #tpu.memory_space<vmem>>, vector<16xi32>,
    %get3A_965 = arith.constant 48 : index
    %get3A_966 = tpu.vector_load %arg5[%get3A_965] {strides = array<i32>} : memref<16512xf32, #tpu.memory_space<vmem>>, vector<16xf32>,
    %get3A_967 = arith.constant 48 : index
    %get3A_968 = tpu.vector_load %arg7[%get3A_967] {strides = array<i32>} : memref<16512xi32, #tpu.memory_space<vmem>>, vector<16xi32>,
    %get3A_969 = arith.constant 64 : index
    %get3A_970 = tpu.vector_load %arg5[%get3A_969] {strides = array<i32>} : memref<16512xf32, #tpu.memory_space<vmem>>, vector<16xf32>,
    %get3A_971 = arith.constant 64 : index
    %get3A_972 = tpu.vector_load %arg7[%get3A_971] {strides = array<i32>} : memref<16512xi32, #tpu.memory_space<vmem>>, vector<16xi32>,
    %get3A_973 = arith.constant 80 : index
    %get3A_974 = tpu.vector_load %arg5[%get3A_973] {strides = array<i32>} : memref<16512xf32, #tpu.memory_space<vmem>>, vector<16xf32>,
    %get3A_975 = arith.constant 80 : index
    %get3A_976 = tpu.vector_load %arg7[%get3A_975] {strides = array<i32>} : memref<16512xi32, #tpu.memory_space<vmem>>, vector<16xi32>,
    %get3A_977 = arith.constant 96 : index
    %get3A_978 = tpu.vector_load %arg5[%get3A_977] {strides = array<i32>} : memref<16512xf32, #tpu.memory_space<vmem>>, vector<16xf32>,
    %get3A_979 = arith.constant 96 : index
    %get3A_980 = tpu.vector_load %arg7[%get3A_979] {strides = array<i32>} : memref<16512xi32, #tpu.memory_space<vmem>>, vector<16xi32>,
    %get3A_981 = arith.constant 112 : index
    %get3A_982 = tpu.vector_load %arg5[%get3A_981] {strides = array<i32>} : memref<16512xf32, #tpu.memory_space<vmem>>, vector<16xf32>,
    %get3A_983 = arith.constant 112 : index
    %get3A_984 = tpu.vector_load %arg7[%get3A_983] {strides = array<i32>} : memref<16512xi32, #tpu.memory_space<vmem>>, vector<16xi32>,
    %scan3A_985 = arith.constant 0 : i32
    %scan3A_986 = arith.constant 128 : i32
    %scan3A_987 = arith.addi %scan3A_985, %scan3A_986 : i32
    %scan3A_988 = arith.constant 1 : i32
    %scan3A_989:16 = scf.for %scan3A_1195 = %scan3A_985 to %scan3A_987 step %scan3A_988 iter_args(%scan3A_1196 = %get3A_954, %scan3A_1197 = %get3A_956, %scan3A_1198 = %get3A_958, %scan3A_1199 = %get3A_960, %scan3A_1200 = %get3A_962, %scan3A_1201 = %get3A_964, %scan3A_1202 = %get3A_966, %scan3A_1203 = %get3A_968, %scan3A_1204 = %get3A_970, %scan3A_1205 = %get3A_972, %scan3A_1206 = %get3A_974, %scan3A_1207 = %get3A_976, %scan3A_1208 = %get3A_978, %scan3A_1209 = %get3A_980, %scan3A_1210 = %get3A_982, %scan3A_1211 = %get3A_984) -> (vector<16xf32>, vector<16xi32>, vector<16xf32>, vector<16xi32>, vector<16xf32>, vector<16xi32>, vector<16xf32>, vector<16xi32>, vector<16xf32>, vector<16xi32>, vector<16xf32>, vector<16xi32>, vector<16xf32>, vector<16xi32>, vector<16xf32>, vector<16xi32>)  : i32 {
      %add3A_1212 = arith.constant 1 : i32
      %add3A_1213 = arith.addi %scan3A_1195, %add3A_1212 : i32
      %mul3A_1214 = arith.constant 128 : i32
      %mul3A_1215 = arith.muli %add3A_1213, %mul3A_1214 : i32
      %add3A_1216 = arith.constant 0 : i32
      %add3A_1217 = arith.addi %mul3A_1215, %add3A_1216 : i32
      %get3A_1218 = arith.index_cast %add3A_1217 : i32 to index
      %get3A_1219 = tpu.vector_load %arg5[%get3A_1218] {strides = array<i32>} : memref<16512xf32, #tpu.memory_space<vmem>>, vector<16xf32>,
      %get3A_1220 = arith.index_cast %add3A_1217 : i32 to index
      %get3A_1221 = tpu.vector_load %arg7[%get3A_1220] {strides = array<i32>} : memref<16512xi32, #tpu.memory_space<vmem>>, vector<16xi32>,
      %add3A_1222 = arith.constant 16 : i32
      %add3A_1223 = arith.addi %mul3A_1215, %add3A_1222 : i32
      %get3A_1224 = arith.index_cast %add3A_1223 : i32 to index
      %get3A_1225 = tpu.vector_load %arg5[%get3A_1224] {strides = array<i32>} : memref<16512xf32, #tpu.memory_space<vmem>>, vector<16xf32>,
      %get3A_1226 = arith.index_cast %add3A_1223 : i32 to index
      %get3A_1227 = tpu.vector_load %arg7[%get3A_1226] {strides = array<i32>} : memref<16512xi32, #tpu.memory_space<vmem>>, vector<16xi32>,
      %add3A_1228 = arith.constant 32 : i32
      %add3A_1229 = arith.addi %mul3A_1215, %add3A_1228 : i32
      %get3A_1230 = arith.index_cast %add3A_1229 : i32 to index
      %get3A_1231 = tpu.vector_load %arg5[%get3A_1230] {strides = array<i32>} : memref<16512xf32, #tpu.memory_space<vmem>>, vector<16xf32>,
      %get3A_1232 = arith.index_cast %add3A_1229 : i32 to index
      %get3A_1233 = tpu.vector_load %arg7[%get3A_1232] {strides = array<i32>} : memref<16512xi32, #tpu.memory_space<vmem>>, vector<16xi32>,
      %add3A_1234 = arith.constant 48 : i32
      %add3A_1235 = arith.addi %mul3A_1215, %add3A_1234 : i32
      %get3A_1236 = arith.index_cast %add3A_1235 : i32 to index
      %get3A_1237 = tpu.vector_load %arg5[%get3A_1236] {strides = array<i32>} : memref<16512xf32, #tpu.memory_space<vmem>>, vector<16xf32>,
      %get3A_1238 = arith.index_cast %add3A_1235 : i32 to index
      %get3A_1239 = tpu.vector_load %arg7[%get3A_1238] {strides = array<i32>} : memref<16512xi32, #tpu.memory_space<vmem>>, vector<16xi32>,
      %add3A_1240 = arith.constant 64 : i32
      %add3A_1241 = arith.addi %mul3A_1215, %add3A_1240 : i32
      %get3A_1242 = arith.index_cast %add3A_1241 : i32 to index
      %get3A_1243 = tpu.vector_load %arg5[%get3A_1242] {strides = array<i32>} : memref<16512xf32, #tpu.memory_space<vmem>>, vector<16xf32>,
      %get3A_1244 = arith.index_cast %add3A_1241 : i32 to index
      %get3A_1245 = tpu.vector_load %arg7[%get3A_1244] {strides = array<i32>} : memref<16512xi32, #tpu.memory_space<vmem>>, vector<16xi32>,
      %add3A_1246 = arith.constant 80 : i32
      %add3A_1247 = arith.addi %mul3A_1215, %add3A_1246 : i32
      %get3A_1248 = arith.index_cast %add3A_1247 : i32 to index
      %get3A_1249 = tpu.vector_load %arg5[%get3A_1248] {strides = array<i32>} : memref<16512xf32, #tpu.memory_space<vmem>>, vector<16xf32>,
      %get3A_1250 = arith.index_cast %add3A_1247 : i32 to index
      %get3A_1251 = tpu.vector_load %arg7[%get3A_1250] {strides = array<i32>} : memref<16512xi32, #tpu.memory_space<vmem>>, vector<16xi32>,
      %add3A_1252 = arith.constant 96 : i32
      %add3A_1253 = arith.addi %mul3A_1215, %add3A_1252 : i32
      %get3A_1254 = arith.index_cast %add3A_1253 : i32 to index
      %get3A_1255 = tpu.vector_load %arg5[%get3A_1254] {strides = array<i32>} : memref<16512xf32, #tpu.memory_space<vmem>>, vector<16xf32>,
      %get3A_1256 = arith.index_cast %add3A_1253 : i32 to index
      %get3A_1257 = tpu.vector_load %arg7[%get3A_1256] {strides = array<i32>} : memref<16512xi32, #tpu.memory_space<vmem>>, vector<16xi32>,
      %add3A_1258 = arith.constant 112 : i32
      %add3A_1259 = arith.addi %mul3A_1215, %add3A_1258 : i32
      %get3A_1260 = arith.index_cast %add3A_1259 : i32 to index
      %get3A_1261 = tpu.vector_load %arg5[%get3A_1260] {strides = array<i32>} : memref<16512xf32, #tpu.memory_space<vmem>>, vector<16xf32>,
      %get3A_1262 = arith.index_cast %add3A_1259 : i32 to index
      %get3A_1263 = tpu.vector_load %arg7[%get3A_1262] {strides = array<i32>} : memref<16512xi32, #tpu.memory_space<vmem>>, vector<16xi32>,
      %mul3A_1264 = arith.constant 128 : i32
      %mul3A_1265 = arith.muli %scan3A_1195, %mul3A_1264 : i32
      %add3A_1266 = arith.constant 196608 : i32
      %add3A_1267 = arith.addi %add3A_1266, %mul3A_1265 : i32
      %add3A_1268 = arith.constant 0 : i32
      %add3A_1269 = arith.addi %add3A_1267, %add3A_1268 : i32
      %add3A_1270 = vector.broadcast %add3A_1269 : i32 to vector<16xi32>
      %add3A_1271 = arith.addi %add3A_30, %add3A_1270 : vector<16xi32>
      %gt3A = arith.constant 5.000000e-01 : f32
      %gt3A_1272 = vector.broadcast %gt3A : f32 to vector<16xf32>
      %gt3A_1273 = arith.cmpf ogt, %scan3A_1196, %gt3A_1272 : vector<16xf32>
      tpu.vector_store_idx %arg9[%scan3A_1197], %add3A_1271 masked %gt3A_1273 : memref<8128xi32, #tpu.memory_space<vmem>>[vector<16xi32>], vector<16xi32>, vector<16xi1>
      %mul3A_1274 = arith.constant 128 : i32
      %mul3A_1275 = arith.muli %scan3A_1195, %mul3A_1274 : i32
      %add3A_1276 = arith.constant 196608 : i32
      %add3A_1277 = arith.addi %add3A_1276, %mul3A_1275 : i32
      %add3A_1278 = arith.constant 16 : i32
      %add3A_1279 = arith.addi %add3A_1277, %add3A_1278 : i32
      %add3A_1280 = vector.broadcast %add3A_1279 : i32 to vector<16xi32>
      %add3A_1281 = arith.addi %add3A_30, %add3A_1280 : vector<16xi32>
      %gt3A_1282 = arith.constant 5.000000e-01 : f32
      %gt3A_1283 = vector.broadcast %gt3A_1282 : f32 to vector<16xf32>
      %gt3A_1284 = arith.cmpf ogt, %scan3A_1198, %gt3A_1283 : vector<16xf32>
      tpu.vector_store_idx %arg9[%scan3A_1199], %add3A_1281 masked %gt3A_1284 : memref<8128xi32, #tpu.memory_space<vmem>>[vector<16xi32>], vector<16xi32>, vector<16xi1>
      %mul3A_1285 = arith.constant 128 : i32
      %mul3A_1286 = arith.muli %scan3A_1195, %mul3A_1285 : i32
      %add3A_1287 = arith.constant 196608 : i32
      %add3A_1288 = arith.addi %add3A_1287, %mul3A_1286 : i32
      %add3A_1289 = arith.constant 32 : i32
      %add3A_1290 = arith.addi %add3A_1288, %add3A_1289 : i32
      %add3A_1291 = vector.broadcast %add3A_1290 : i32 to vector<16xi32>
      %add3A_1292 = arith.addi %add3A_30, %add3A_1291 : vector<16xi32>
      %gt3A_1293 = arith.constant 5.000000e-01 : f32
      %gt3A_1294 = vector.broadcast %gt3A_1293 : f32 to vector<16xf32>
      %gt3A_1295 = arith.cmpf ogt, %scan3A_1200, %gt3A_1294 : vector<16xf32>
      tpu.vector_store_idx %arg9[%scan3A_1201], %add3A_1292 masked %gt3A_1295 : memref<8128xi32, #tpu.memory_space<vmem>>[vector<16xi32>], vector<16xi32>, vector<16xi1>
      %mul3A_1296 = arith.constant 128 : i32
      %mul3A_1297 = arith.muli %scan3A_1195, %mul3A_1296 : i32
      %add3A_1298 = arith.constant 196608 : i32
      %add3A_1299 = arith.addi %add3A_1298, %mul3A_1297 : i32
      %add3A_1300 = arith.constant 48 : i32
      %add3A_1301 = arith.addi %add3A_1299, %add3A_1300 : i32
      %add3A_1302 = vector.broadcast %add3A_1301 : i32 to vector<16xi32>
      %add3A_1303 = arith.addi %add3A_30, %add3A_1302 : vector<16xi32>
      %gt3A_1304 = arith.constant 5.000000e-01 : f32
      %gt3A_1305 = vector.broadcast %gt3A_1304 : f32 to vector<16xf32>
      %gt3A_1306 = arith.cmpf ogt, %scan3A_1202, %gt3A_1305 : vector<16xf32>
      tpu.vector_store_idx %arg9[%scan3A_1203], %add3A_1303 masked %gt3A_1306 : memref<8128xi32, #tpu.memory_space<vmem>>[vector<16xi32>], vector<16xi32>, vector<16xi1>
      %mul3A_1307 = arith.constant 128 : i32
      %mul3A_1308 = arith.muli %scan3A_1195, %mul3A_1307 : i32
      %add3A_1309 = arith.constant 196608 : i32
      %add3A_1310 = arith.addi %add3A_1309, %mul3A_1308 : i32
      %add3A_1311 = arith.constant 64 : i32
      %add3A_1312 = arith.addi %add3A_1310, %add3A_1311 : i32
      %add3A_1313 = vector.broadcast %add3A_1312 : i32 to vector<16xi32>
      %add3A_1314 = arith.addi %add3A_30, %add3A_1313 : vector<16xi32>
      %gt3A_1315 = arith.constant 5.000000e-01 : f32
      %gt3A_1316 = vector.broadcast %gt3A_1315 : f32 to vector<16xf32>
      %gt3A_1317 = arith.cmpf ogt, %scan3A_1204, %gt3A_1316 : vector<16xf32>
      tpu.vector_store_idx %arg9[%scan3A_1205], %add3A_1314 masked %gt3A_1317 : memref<8128xi32, #tpu.memory_space<vmem>>[vector<16xi32>], vector<16xi32>, vector<16xi1>
      %mul3A_1318 = arith.constant 128 : i32
      %mul3A_1319 = arith.muli %scan3A_1195, %mul3A_1318 : i32
      %add3A_1320 = arith.constant 196608 : i32
      %add3A_1321 = arith.addi %add3A_1320, %mul3A_1319 : i32
      %add3A_1322 = arith.constant 80 : i32
      %add3A_1323 = arith.addi %add3A_1321, %add3A_1322 : i32
      %add3A_1324 = vector.broadcast %add3A_1323 : i32 to vector<16xi32>
      %add3A_1325 = arith.addi %add3A_30, %add3A_1324 : vector<16xi32>
      %gt3A_1326 = arith.constant 5.000000e-01 : f32
      %gt3A_1327 = vector.broadcast %gt3A_1326 : f32 to vector<16xf32>
      %gt3A_1328 = arith.cmpf ogt, %scan3A_1206, %gt3A_1327 : vector<16xf32>
      tpu.vector_store_idx %arg9[%scan3A_1207], %add3A_1325 masked %gt3A_1328 : memref<8128xi32, #tpu.memory_space<vmem>>[vector<16xi32>], vector<16xi32>, vector<16xi1>
      %mul3A_1329 = arith.constant 128 : i32
      %mul3A_1330 = arith.muli %scan3A_1195, %mul3A_1329 : i32
      %add3A_1331 = arith.constant 196608 : i32
      %add3A_1332 = arith.addi %add3A_1331, %mul3A_1330 : i32
      %add3A_1333 = arith.constant 96 : i32
      %add3A_1334 = arith.addi %add3A_1332, %add3A_1333 : i32
      %add3A_1335 = vector.broadcast %add3A_1334 : i32 to vector<16xi32>
      %add3A_1336 = arith.addi %add3A_30, %add3A_1335 : vector<16xi32>
      %gt3A_1337 = arith.constant 5.000000e-01 : f32
      %gt3A_1338 = vector.broadcast %gt3A_1337 : f32 to vector<16xf32>
      %gt3A_1339 = arith.cmpf ogt, %scan3A_1208, %gt3A_1338 : vector<16xf32>
      tpu.vector_store_idx %arg9[%scan3A_1209], %add3A_1336 masked %gt3A_1339 : memref<8128xi32, #tpu.memory_space<vmem>>[vector<16xi32>], vector<16xi32>, vector<16xi1>
      %mul3A_1340 = arith.constant 128 : i32
      %mul3A_1341 = arith.muli %scan3A_1195, %mul3A_1340 : i32
      %add3A_1342 = arith.constant 196608 : i32
      %add3A_1343 = arith.addi %add3A_1342, %mul3A_1341 : i32
      %add3A_1344 = arith.constant 112 : i32
      %add3A_1345 = arith.addi %add3A_1343, %add3A_1344 : i32
      %add3A_1346 = vector.broadcast %add3A_1345 : i32 to vector<16xi32>
      %add3A_1347 = arith.addi %add3A_30, %add3A_1346 : vector<16xi32>
      %gt3A_1348 = arith.constant 5.000000e-01 : f32
      %gt3A_1349 = vector.broadcast %gt3A_1348 : f32 to vector<16xf32>
      %gt3A_1350 = arith.cmpf ogt, %scan3A_1210, %gt3A_1349 : vector<16xf32>
      tpu.vector_store_idx %arg9[%scan3A_1211], %add3A_1347 masked %gt3A_1350 : memref<8128xi32, #tpu.memory_space<vmem>>[vector<16xi32>], vector<16xi32>, vector<16xi1>
      scf.yield %get3A_1219, %get3A_1221, %get3A_1225, %get3A_1227, %get3A_1231, %get3A_1233, %get3A_1237, %get3A_1239, %get3A_1243, %get3A_1245, %get3A_1249, %get3A_1251, %get3A_1255, %get3A_1257, %get3A_1261, %get3A_1263 : vector<16xf32>, vector<16xi32>, vector<16xf32>, vector<16xi32>, vector<16xf32>, vector<16xi32>, vector<16xf32>, vector<16xi32>, vector<16xf32>, vector<16xi32>, vector<16xf32>, vector<16xi32>, vector<16xf32>, vector<16xi32>, vector<16xf32>, vector<16xi32>
    }
    %scan3A_990 = arith.constant 128 : i32
    %dma_wait3A_991 = arith.constant 0 : i32
    %dma_wait3A_992 = tpu.memref_slice %arg6[%dma_wait3A_991] : memref<16512xf32, #tpu.memory_space<vmem>> -> memref<16384xf32, #tpu.memory_space<vmem>>
    %dma_wait3A_993 = arith.constant 212992 : i32
    %dma_wait3A_994 = tpu.memref_slice %arg2[%add3A_5, %dma_wait3A_993] : memref<32x262144xf32, #tpu.memory_space<hbm>> -> memref<1x16384xf32, #tpu.memory_space<hbm>>
    %dma_wait3A_995 = tpu.memref_squeeze %dma_wait3A_994 : memref<1x16384xf32, #tpu.memory_space<hbm>> -> memref<16384xf32, #tpu.memory_space<hbm>>
    %dma_wait3A_996 = arith.constant 0 : i32
    %dma_wait3A_997 = tpu.memref_slice %arg6[%dma_wait3A_996] : memref<16512xf32, #tpu.memory_space<vmem>> -> memref<16384xf32, #tpu.memory_space<vmem>>
    %dma_wait3A_998 = arith.constant 212992 : i32
    %dma_wait3A_999 = tpu.memref_slice %arg2[%add3A_5, %dma_wait3A_998] : memref<32x262144xf32, #tpu.memory_space<hbm>> -> memref<1x16384xf32, #tpu.memory_space<hbm>>
    %dma_wait3A_1000 = tpu.memref_squeeze %dma_wait3A_999 : memref<1x16384xf32, #tpu.memory_space<hbm>> -> memref<16384xf32, #tpu.memory_space<hbm>>
    tpu.wait_dma2 semaphore(%arg11 : memref<!tpu.dma_semaphore, #tpu.memory_space<semaphore_mem>>) src(%dma_wait3A_1000 : memref<16384xf32, #tpu.memory_space<hbm>>) dst(%dma_wait3A_997 : memref<16384xf32, #tpu.memory_space<vmem>>)
    %dma_wait3A_1001 = arith.constant 0 : i32
    %dma_wait3A_1002 = tpu.memref_slice %arg8[%dma_wait3A_1001] : memref<16512xi32, #tpu.memory_space<vmem>> -> memref<16384xi32, #tpu.memory_space<vmem>>
    %dma_wait3A_1003 = arith.constant 212992 : i32
    %dma_wait3A_1004 = tpu.memref_slice %arg3[%dma_wait3A_1003] : memref<262144xi32, #tpu.memory_space<hbm>> -> memref<16384xi32, #tpu.memory_space<hbm>>
    %dma_wait3A_1005 = arith.constant 0 : i32
    %dma_wait3A_1006 = tpu.memref_slice %arg8[%dma_wait3A_1005] : memref<16512xi32, #tpu.memory_space<vmem>> -> memref<16384xi32, #tpu.memory_space<vmem>>
    %dma_wait3A_1007 = arith.constant 212992 : i32
    %dma_wait3A_1008 = tpu.memref_slice %arg3[%dma_wait3A_1007] : memref<262144xi32, #tpu.memory_space<hbm>> -> memref<16384xi32, #tpu.memory_space<hbm>>
    tpu.wait_dma2 semaphore(%arg11 : memref<!tpu.dma_semaphore, #tpu.memory_space<semaphore_mem>>) src(%dma_wait3A_1008 : memref<16384xi32, #tpu.memory_space<hbm>>) dst(%dma_wait3A_1006 : memref<16384xi32, #tpu.memory_space<vmem>>)
    %dma_start3A_1009 = arith.constant 0 : i32
    %dma_start3A_1010 = tpu.memref_slice %arg5[%dma_start3A_1009] : memref<16512xf32, #tpu.memory_space<vmem>> -> memref<16384xf32, #tpu.memory_space<vmem>>
    %dma_start3A_1011 = arith.constant 229376 : i32
    %dma_start3A_1012 = tpu.memref_slice %arg2[%add3A_5, %dma_start3A_1011] : memref<32x262144xf32, #tpu.memory_space<hbm>> -> memref<1x16384xf32, #tpu.memory_space<hbm>>
    %dma_start3A_1013 = tpu.memref_squeeze %dma_start3A_1012 : memref<1x16384xf32, #tpu.memory_space<hbm>> -> memref<16384xf32, #tpu.memory_space<hbm>>
    %dma_start3A_1014 = arith.constant 0 : i32
    %dma_start3A_1015 = tpu.memref_slice %arg5[%dma_start3A_1014] : memref<16512xf32, #tpu.memory_space<vmem>> -> memref<16384xf32, #tpu.memory_space<vmem>>
    %dma_start3A_1016 = arith.constant 229376 : i32
    %dma_start3A_1017 = tpu.memref_slice %arg2[%add3A_5, %dma_start3A_1016] : memref<32x262144xf32, #tpu.memory_space<hbm>> -> memref<1x16384xf32, #tpu.memory_space<hbm>>
    %dma_start3A_1018 = tpu.memref_squeeze %dma_start3A_1017 : memref<1x16384xf32, #tpu.memory_space<hbm>> -> memref<16384xf32, #tpu.memory_space<hbm>>
    tpu.enqueue_dma source(%dma_start3A_1018 : memref<16384xf32, #tpu.memory_space<hbm>>) target(%dma_start3A_1015 : memref<16384xf32, #tpu.memory_space<vmem>>) target_semaphore(%arg10 : memref<!tpu.dma_semaphore, #tpu.memory_space<semaphore_mem>>)
    %dma_start3A_1019 = arith.constant 0 : i32
    %dma_start3A_1020 = tpu.memref_slice %arg7[%dma_start3A_1019] : memref<16512xi32, #tpu.memory_space<vmem>> -> memref<16384xi32, #tpu.memory_space<vmem>>
    %dma_start3A_1021 = arith.constant 229376 : i32
    %dma_start3A_1022 = tpu.memref_slice %arg3[%dma_start3A_1021] : memref<262144xi32, #tpu.memory_space<hbm>> -> memref<16384xi32, #tpu.memory_space<hbm>>
    %dma_start3A_1023 = arith.constant 0 : i32
    %dma_start3A_1024 = tpu.memref_slice %arg7[%dma_start3A_1023] : memref<16512xi32, #tpu.memory_space<vmem>> -> memref<16384xi32, #tpu.memory_space<vmem>>
    %dma_start3A_1025 = arith.constant 229376 : i32
    %dma_start3A_1026 = tpu.memref_slice %arg3[%dma_start3A_1025] : memref<262144xi32, #tpu.memory_space<hbm>> -> memref<16384xi32, #tpu.memory_space<hbm>>
    tpu.enqueue_dma source(%dma_start3A_1026 : memref<16384xi32, #tpu.memory_space<hbm>>) target(%dma_start3A_1024 : memref<16384xi32, #tpu.memory_space<vmem>>) target_semaphore(%arg10 : memref<!tpu.dma_semaphore, #tpu.memory_space<semaphore_mem>>)
    %get3A_1027 = arith.constant 0 : index
    %get3A_1028 = tpu.vector_load %arg6[%get3A_1027] {strides = array<i32>} : memref<16512xf32, #tpu.memory_space<vmem>>, vector<16xf32>,
    %get3A_1029 = arith.constant 0 : index
    %get3A_1030 = tpu.vector_load %arg8[%get3A_1029] {strides = array<i32>} : memref<16512xi32, #tpu.memory_space<vmem>>, vector<16xi32>,
    %get3A_1031 = arith.constant 16 : index
    %get3A_1032 = tpu.vector_load %arg6[%get3A_1031] {strides = array<i32>} : memref<16512xf32, #tpu.memory_space<vmem>>, vector<16xf32>,
    %get3A_1033 = arith.constant 16 : index
    %get3A_1034 = tpu.vector_load %arg8[%get3A_1033] {strides = array<i32>} : memref<16512xi32, #tpu.memory_space<vmem>>, vector<16xi32>,
    %get3A_1035 = arith.constant 32 : index
    %get3A_1036 = tpu.vector_load %arg6[%get3A_1035] {strides = array<i32>} : memref<16512xf32, #tpu.memory_space<vmem>>, vector<16xf32>,
    %get3A_1037 = arith.constant 32 : index
    %get3A_1038 = tpu.vector_load %arg8[%get3A_1037] {strides = array<i32>} : memref<16512xi32, #tpu.memory_space<vmem>>, vector<16xi32>,
    %get3A_1039 = arith.constant 48 : index
    %get3A_1040 = tpu.vector_load %arg6[%get3A_1039] {strides = array<i32>} : memref<16512xf32, #tpu.memory_space<vmem>>, vector<16xf32>,
    %get3A_1041 = arith.constant 48 : index
    %get3A_1042 = tpu.vector_load %arg8[%get3A_1041] {strides = array<i32>} : memref<16512xi32, #tpu.memory_space<vmem>>, vector<16xi32>,
    %get3A_1043 = arith.constant 64 : index
    %get3A_1044 = tpu.vector_load %arg6[%get3A_1043] {strides = array<i32>} : memref<16512xf32, #tpu.memory_space<vmem>>, vector<16xf32>,
    %get3A_1045 = arith.constant 64 : index
    %get3A_1046 = tpu.vector_load %arg8[%get3A_1045] {strides = array<i32>} : memref<16512xi32, #tpu.memory_space<vmem>>, vector<16xi32>,
    %get3A_1047 = arith.constant 80 : index
    %get3A_1048 = tpu.vector_load %arg6[%get3A_1047] {strides = array<i32>} : memref<16512xf32, #tpu.memory_space<vmem>>, vector<16xf32>,
    %get3A_1049 = arith.constant 80 : index
    %get3A_1050 = tpu.vector_load %arg8[%get3A_1049] {strides = array<i32>} : memref<16512xi32, #tpu.memory_space<vmem>>, vector<16xi32>,
    %get3A_1051 = arith.constant 96 : index
    %get3A_1052 = tpu.vector_load %arg6[%get3A_1051] {strides = array<i32>} : memref<16512xf32, #tpu.memory_space<vmem>>, vector<16xf32>,
    %get3A_1053 = arith.constant 96 : index
    %get3A_1054 = tpu.vector_load %arg8[%get3A_1053] {strides = array<i32>} : memref<16512xi32, #tpu.memory_space<vmem>>, vector<16xi32>,
    %get3A_1055 = arith.constant 112 : index
    %get3A_1056 = tpu.vector_load %arg6[%get3A_1055] {strides = array<i32>} : memref<16512xf32, #tpu.memory_space<vmem>>, vector<16xf32>,
    %get3A_1057 = arith.constant 112 : index
    %get3A_1058 = tpu.vector_load %arg8[%get3A_1057] {strides = array<i32>} : memref<16512xi32, #tpu.memory_space<vmem>>, vector<16xi32>,
    %scan3A_1059 = arith.constant 0 : i32
    %scan3A_1060 = arith.constant 128 : i32
    %scan3A_1061 = arith.addi %scan3A_1059, %scan3A_1060 : i32
    %scan3A_1062 = arith.constant 1 : i32
    %scan3A_1063:16 = scf.for %scan3A_1195 = %scan3A_1059 to %scan3A_1061 step %scan3A_1062 iter_args(%scan3A_1196 = %get3A_1028, %scan3A_1197 = %get3A_1030, %scan3A_1198 = %get3A_1032, %scan3A_1199 = %get3A_1034, %scan3A_1200 = %get3A_1036, %scan3A_1201 = %get3A_1038, %scan3A_1202 = %get3A_1040, %scan3A_1203 = %get3A_1042, %scan3A_1204 = %get3A_1044, %scan3A_1205 = %get3A_1046, %scan3A_1206 = %get3A_1048, %scan3A_1207 = %get3A_1050, %scan3A_1208 = %get3A_1052, %scan3A_1209 = %get3A_1054, %scan3A_1210 = %get3A_1056, %scan3A_1211 = %get3A_1058) -> (vector<16xf32>, vector<16xi32>, vector<16xf32>, vector<16xi32>, vector<16xf32>, vector<16xi32>, vector<16xf32>, vector<16xi32>, vector<16xf32>, vector<16xi32>, vector<16xf32>, vector<16xi32>, vector<16xf32>, vector<16xi32>, vector<16xf32>, vector<16xi32>)  : i32 {
      %add3A_1212 = arith.constant 1 : i32
      %add3A_1213 = arith.addi %scan3A_1195, %add3A_1212 : i32
      %mul3A_1214 = arith.constant 128 : i32
      %mul3A_1215 = arith.muli %add3A_1213, %mul3A_1214 : i32
      %add3A_1216 = arith.constant 0 : i32
      %add3A_1217 = arith.addi %mul3A_1215, %add3A_1216 : i32
      %get3A_1218 = arith.index_cast %add3A_1217 : i32 to index
      %get3A_1219 = tpu.vector_load %arg6[%get3A_1218] {strides = array<i32>} : memref<16512xf32, #tpu.memory_space<vmem>>, vector<16xf32>,
      %get3A_1220 = arith.index_cast %add3A_1217 : i32 to index
      %get3A_1221 = tpu.vector_load %arg8[%get3A_1220] {strides = array<i32>} : memref<16512xi32, #tpu.memory_space<vmem>>, vector<16xi32>,
      %add3A_1222 = arith.constant 16 : i32
      %add3A_1223 = arith.addi %mul3A_1215, %add3A_1222 : i32
      %get3A_1224 = arith.index_cast %add3A_1223 : i32 to index
      %get3A_1225 = tpu.vector_load %arg6[%get3A_1224] {strides = array<i32>} : memref<16512xf32, #tpu.memory_space<vmem>>, vector<16xf32>,
      %get3A_1226 = arith.index_cast %add3A_1223 : i32 to index
      %get3A_1227 = tpu.vector_load %arg8[%get3A_1226] {strides = array<i32>} : memref<16512xi32, #tpu.memory_space<vmem>>, vector<16xi32>,
      %add3A_1228 = arith.constant 32 : i32
      %add3A_1229 = arith.addi %mul3A_1215, %add3A_1228 : i32
      %get3A_1230 = arith.index_cast %add3A_1229 : i32 to index
      %get3A_1231 = tpu.vector_load %arg6[%get3A_1230] {strides = array<i32>} : memref<16512xf32, #tpu.memory_space<vmem>>, vector<16xf32>,
      %get3A_1232 = arith.index_cast %add3A_1229 : i32 to index
      %get3A_1233 = tpu.vector_load %arg8[%get3A_1232] {strides = array<i32>} : memref<16512xi32, #tpu.memory_space<vmem>>, vector<16xi32>,
      %add3A_1234 = arith.constant 48 : i32
      %add3A_1235 = arith.addi %mul3A_1215, %add3A_1234 : i32
      %get3A_1236 = arith.index_cast %add3A_1235 : i32 to index
      %get3A_1237 = tpu.vector_load %arg6[%get3A_1236] {strides = array<i32>} : memref<16512xf32, #tpu.memory_space<vmem>>, vector<16xf32>,
      %get3A_1238 = arith.index_cast %add3A_1235 : i32 to index
      %get3A_1239 = tpu.vector_load %arg8[%get3A_1238] {strides = array<i32>} : memref<16512xi32, #tpu.memory_space<vmem>>, vector<16xi32>,
      %add3A_1240 = arith.constant 64 : i32
      %add3A_1241 = arith.addi %mul3A_1215, %add3A_1240 : i32
      %get3A_1242 = arith.index_cast %add3A_1241 : i32 to index
      %get3A_1243 = tpu.vector_load %arg6[%get3A_1242] {strides = array<i32>} : memref<16512xf32, #tpu.memory_space<vmem>>, vector<16xf32>,
      %get3A_1244 = arith.index_cast %add3A_1241 : i32 to index
      %get3A_1245 = tpu.vector_load %arg8[%get3A_1244] {strides = array<i32>} : memref<16512xi32, #tpu.memory_space<vmem>>, vector<16xi32>,
      %add3A_1246 = arith.constant 80 : i32
      %add3A_1247 = arith.addi %mul3A_1215, %add3A_1246 : i32
      %get3A_1248 = arith.index_cast %add3A_1247 : i32 to index
      %get3A_1249 = tpu.vector_load %arg6[%get3A_1248] {strides = array<i32>} : memref<16512xf32, #tpu.memory_space<vmem>>, vector<16xf32>,
      %get3A_1250 = arith.index_cast %add3A_1247 : i32 to index
      %get3A_1251 = tpu.vector_load %arg8[%get3A_1250] {strides = array<i32>} : memref<16512xi32, #tpu.memory_space<vmem>>, vector<16xi32>,
      %add3A_1252 = arith.constant 96 : i32
      %add3A_1253 = arith.addi %mul3A_1215, %add3A_1252 : i32
      %get3A_1254 = arith.index_cast %add3A_1253 : i32 to index
      %get3A_1255 = tpu.vector_load %arg6[%get3A_1254] {strides = array<i32>} : memref<16512xf32, #tpu.memory_space<vmem>>, vector<16xf32>,
      %get3A_1256 = arith.index_cast %add3A_1253 : i32 to index
      %get3A_1257 = tpu.vector_load %arg8[%get3A_1256] {strides = array<i32>} : memref<16512xi32, #tpu.memory_space<vmem>>, vector<16xi32>,
      %add3A_1258 = arith.constant 112 : i32
      %add3A_1259 = arith.addi %mul3A_1215, %add3A_1258 : i32
      %get3A_1260 = arith.index_cast %add3A_1259 : i32 to index
      %get3A_1261 = tpu.vector_load %arg6[%get3A_1260] {strides = array<i32>} : memref<16512xf32, #tpu.memory_space<vmem>>, vector<16xf32>,
      %get3A_1262 = arith.index_cast %add3A_1259 : i32 to index
      %get3A_1263 = tpu.vector_load %arg8[%get3A_1262] {strides = array<i32>} : memref<16512xi32, #tpu.memory_space<vmem>>, vector<16xi32>,
      %mul3A_1264 = arith.constant 128 : i32
      %mul3A_1265 = arith.muli %scan3A_1195, %mul3A_1264 : i32
      %add3A_1266 = arith.constant 212992 : i32
      %add3A_1267 = arith.addi %add3A_1266, %mul3A_1265 : i32
      %add3A_1268 = arith.constant 0 : i32
      %add3A_1269 = arith.addi %add3A_1267, %add3A_1268 : i32
      %add3A_1270 = vector.broadcast %add3A_1269 : i32 to vector<16xi32>
      %add3A_1271 = arith.addi %add3A_30, %add3A_1270 : vector<16xi32>
      %gt3A = arith.constant 5.000000e-01 : f32
      %gt3A_1272 = vector.broadcast %gt3A : f32 to vector<16xf32>
      %gt3A_1273 = arith.cmpf ogt, %scan3A_1196, %gt3A_1272 : vector<16xf32>
      tpu.vector_store_idx %arg9[%scan3A_1197], %add3A_1271 masked %gt3A_1273 : memref<8128xi32, #tpu.memory_space<vmem>>[vector<16xi32>], vector<16xi32>, vector<16xi1>
      %mul3A_1274 = arith.constant 128 : i32
      %mul3A_1275 = arith.muli %scan3A_1195, %mul3A_1274 : i32
      %add3A_1276 = arith.constant 212992 : i32
      %add3A_1277 = arith.addi %add3A_1276, %mul3A_1275 : i32
      %add3A_1278 = arith.constant 16 : i32
      %add3A_1279 = arith.addi %add3A_1277, %add3A_1278 : i32
      %add3A_1280 = vector.broadcast %add3A_1279 : i32 to vector<16xi32>
      %add3A_1281 = arith.addi %add3A_30, %add3A_1280 : vector<16xi32>
      %gt3A_1282 = arith.constant 5.000000e-01 : f32
      %gt3A_1283 = vector.broadcast %gt3A_1282 : f32 to vector<16xf32>
      %gt3A_1284 = arith.cmpf ogt, %scan3A_1198, %gt3A_1283 : vector<16xf32>
      tpu.vector_store_idx %arg9[%scan3A_1199], %add3A_1281 masked %gt3A_1284 : memref<8128xi32, #tpu.memory_space<vmem>>[vector<16xi32>], vector<16xi32>, vector<16xi1>
      %mul3A_1285 = arith.constant 128 : i32
      %mul3A_1286 = arith.muli %scan3A_1195, %mul3A_1285 : i32
      %add3A_1287 = arith.constant 212992 : i32
      %add3A_1288 = arith.addi %add3A_1287, %mul3A_1286 : i32
      %add3A_1289 = arith.constant 32 : i32
      %add3A_1290 = arith.addi %add3A_1288, %add3A_1289 : i32
      %add3A_1291 = vector.broadcast %add3A_1290 : i32 to vector<16xi32>
      %add3A_1292 = arith.addi %add3A_30, %add3A_1291 : vector<16xi32>
      %gt3A_1293 = arith.constant 5.000000e-01 : f32
      %gt3A_1294 = vector.broadcast %gt3A_1293 : f32 to vector<16xf32>
      %gt3A_1295 = arith.cmpf ogt, %scan3A_1200, %gt3A_1294 : vector<16xf32>
      tpu.vector_store_idx %arg9[%scan3A_1201], %add3A_1292 masked %gt3A_1295 : memref<8128xi32, #tpu.memory_space<vmem>>[vector<16xi32>], vector<16xi32>, vector<16xi1>
      %mul3A_1296 = arith.constant 128 : i32
      %mul3A_1297 = arith.muli %scan3A_1195, %mul3A_1296 : i32
      %add3A_1298 = arith.constant 212992 : i32
      %add3A_1299 = arith.addi %add3A_1298, %mul3A_1297 : i32
      %add3A_1300 = arith.constant 48 : i32
      %add3A_1301 = arith.addi %add3A_1299, %add3A_1300 : i32
      %add3A_1302 = vector.broadcast %add3A_1301 : i32 to vector<16xi32>
      %add3A_1303 = arith.addi %add3A_30, %add3A_1302 : vector<16xi32>
      %gt3A_1304 = arith.constant 5.000000e-01 : f32
      %gt3A_1305 = vector.broadcast %gt3A_1304 : f32 to vector<16xf32>
      %gt3A_1306 = arith.cmpf ogt, %scan3A_1202, %gt3A_1305 : vector<16xf32>
      tpu.vector_store_idx %arg9[%scan3A_1203], %add3A_1303 masked %gt3A_1306 : memref<8128xi32, #tpu.memory_space<vmem>>[vector<16xi32>], vector<16xi32>, vector<16xi1>
      %mul3A_1307 = arith.constant 128 : i32
      %mul3A_1308 = arith.muli %scan3A_1195, %mul3A_1307 : i32
      %add3A_1309 = arith.constant 212992 : i32
      %add3A_1310 = arith.addi %add3A_1309, %mul3A_1308 : i32
      %add3A_1311 = arith.constant 64 : i32
      %add3A_1312 = arith.addi %add3A_1310, %add3A_1311 : i32
      %add3A_1313 = vector.broadcast %add3A_1312 : i32 to vector<16xi32>
      %add3A_1314 = arith.addi %add3A_30, %add3A_1313 : vector<16xi32>
      %gt3A_1315 = arith.constant 5.000000e-01 : f32
      %gt3A_1316 = vector.broadcast %gt3A_1315 : f32 to vector<16xf32>
      %gt3A_1317 = arith.cmpf ogt, %scan3A_1204, %gt3A_1316 : vector<16xf32>
      tpu.vector_store_idx %arg9[%scan3A_1205], %add3A_1314 masked %gt3A_1317 : memref<8128xi32, #tpu.memory_space<vmem>>[vector<16xi32>], vector<16xi32>, vector<16xi1>
      %mul3A_1318 = arith.constant 128 : i32
      %mul3A_1319 = arith.muli %scan3A_1195, %mul3A_1318 : i32
      %add3A_1320 = arith.constant 212992 : i32
      %add3A_1321 = arith.addi %add3A_1320, %mul3A_1319 : i32
      %add3A_1322 = arith.constant 80 : i32
      %add3A_1323 = arith.addi %add3A_1321, %add3A_1322 : i32
      %add3A_1324 = vector.broadcast %add3A_1323 : i32 to vector<16xi32>
      %add3A_1325 = arith.addi %add3A_30, %add3A_1324 : vector<16xi32>
      %gt3A_1326 = arith.constant 5.000000e-01 : f32
      %gt3A_1327 = vector.broadcast %gt3A_1326 : f32 to vector<16xf32>
      %gt3A_1328 = arith.cmpf ogt, %scan3A_1206, %gt3A_1327 : vector<16xf32>
      tpu.vector_store_idx %arg9[%scan3A_1207], %add3A_1325 masked %gt3A_1328 : memref<8128xi32, #tpu.memory_space<vmem>>[vector<16xi32>], vector<16xi32>, vector<16xi1>
      %mul3A_1329 = arith.constant 128 : i32
      %mul3A_1330 = arith.muli %scan3A_1195, %mul3A_1329 : i32
      %add3A_1331 = arith.constant 212992 : i32
      %add3A_1332 = arith.addi %add3A_1331, %mul3A_1330 : i32
      %add3A_1333 = arith.constant 96 : i32
      %add3A_1334 = arith.addi %add3A_1332, %add3A_1333 : i32
      %add3A_1335 = vector.broadcast %add3A_1334 : i32 to vector<16xi32>
      %add3A_1336 = arith.addi %add3A_30, %add3A_1335 : vector<16xi32>
      %gt3A_1337 = arith.constant 5.000000e-01 : f32
      %gt3A_1338 = vector.broadcast %gt3A_1337 : f32 to vector<16xf32>
      %gt3A_1339 = arith.cmpf ogt, %scan3A_1208, %gt3A_1338 : vector<16xf32>
      tpu.vector_store_idx %arg9[%scan3A_1209], %add3A_1336 masked %gt3A_1339 : memref<8128xi32, #tpu.memory_space<vmem>>[vector<16xi32>], vector<16xi32>, vector<16xi1>
      %mul3A_1340 = arith.constant 128 : i32
      %mul3A_1341 = arith.muli %scan3A_1195, %mul3A_1340 : i32
      %add3A_1342 = arith.constant 212992 : i32
      %add3A_1343 = arith.addi %add3A_1342, %mul3A_1341 : i32
      %add3A_1344 = arith.constant 112 : i32
      %add3A_1345 = arith.addi %add3A_1343, %add3A_1344 : i32
      %add3A_1346 = vector.broadcast %add3A_1345 : i32 to vector<16xi32>
      %add3A_1347 = arith.addi %add3A_30, %add3A_1346 : vector<16xi32>
      %gt3A_1348 = arith.constant 5.000000e-01 : f32
      %gt3A_1349 = vector.broadcast %gt3A_1348 : f32 to vector<16xf32>
      %gt3A_1350 = arith.cmpf ogt, %scan3A_1210, %gt3A_1349 : vector<16xf32>
      tpu.vector_store_idx %arg9[%scan3A_1211], %add3A_1347 masked %gt3A_1350 : memref<8128xi32, #tpu.memory_space<vmem>>[vector<16xi32>], vector<16xi32>, vector<16xi1>
      scf.yield %get3A_1219, %get3A_1221, %get3A_1225, %get3A_1227, %get3A_1231, %get3A_1233, %get3A_1237, %get3A_1239, %get3A_1243, %get3A_1245, %get3A_1249, %get3A_1251, %get3A_1255, %get3A_1257, %get3A_1261, %get3A_1263 : vector<16xf32>, vector<16xi32>, vector<16xf32>, vector<16xi32>, vector<16xf32>, vector<16xi32>, vector<16xf32>, vector<16xi32>, vector<16xf32>, vector<16xi32>, vector<16xf32>, vector<16xi32>, vector<16xf32>, vector<16xi32>, vector<16xf32>, vector<16xi32>
    }
    %scan3A_1064 = arith.constant 128 : i32
    %dma_wait3A_1065 = arith.constant 0 : i32
    %dma_wait3A_1066 = tpu.memref_slice %arg5[%dma_wait3A_1065] : memref<16512xf32, #tpu.memory_space<vmem>> -> memref<16384xf32, #tpu.memory_space<vmem>>
    %dma_wait3A_1067 = arith.constant 229376 : i32
    %dma_wait3A_1068 = tpu.memref_slice %arg2[%add3A_5, %dma_wait3A_1067] : memref<32x262144xf32, #tpu.memory_space<hbm>> -> memref<1x16384xf32, #tpu.memory_space<hbm>>
    %dma_wait3A_1069 = tpu.memref_squeeze %dma_wait3A_1068 : memref<1x16384xf32, #tpu.memory_space<hbm>> -> memref<16384xf32, #tpu.memory_space<hbm>>
    %dma_wait3A_1070 = arith.constant 0 : i32
    %dma_wait3A_1071 = tpu.memref_slice %arg5[%dma_wait3A_1070] : memref<16512xf32, #tpu.memory_space<vmem>> -> memref<16384xf32, #tpu.memory_space<vmem>>
    %dma_wait3A_1072 = arith.constant 229376 : i32
    %dma_wait3A_1073 = tpu.memref_slice %arg2[%add3A_5, %dma_wait3A_1072] : memref<32x262144xf32, #tpu.memory_space<hbm>> -> memref<1x16384xf32, #tpu.memory_space<hbm>>
    %dma_wait3A_1074 = tpu.memref_squeeze %dma_wait3A_1073 : memref<1x16384xf32, #tpu.memory_space<hbm>> -> memref<16384xf32, #tpu.memory_space<hbm>>
    tpu.wait_dma2 semaphore(%arg10 : memref<!tpu.dma_semaphore, #tpu.memory_space<semaphore_mem>>) src(%dma_wait3A_1074 : memref<16384xf32, #tpu.memory_space<hbm>>) dst(%dma_wait3A_1071 : memref<16384xf32, #tpu.memory_space<vmem>>)
    %dma_wait3A_1075 = arith.constant 0 : i32
    %dma_wait3A_1076 = tpu.memref_slice %arg7[%dma_wait3A_1075] : memref<16512xi32, #tpu.memory_space<vmem>> -> memref<16384xi32, #tpu.memory_space<vmem>>
    %dma_wait3A_1077 = arith.constant 229376 : i32
    %dma_wait3A_1078 = tpu.memref_slice %arg3[%dma_wait3A_1077] : memref<262144xi32, #tpu.memory_space<hbm>> -> memref<16384xi32, #tpu.memory_space<hbm>>
    %dma_wait3A_1079 = arith.constant 0 : i32
    %dma_wait3A_1080 = tpu.memref_slice %arg7[%dma_wait3A_1079] : memref<16512xi32, #tpu.memory_space<vmem>> -> memref<16384xi32, #tpu.memory_space<vmem>>
    %dma_wait3A_1081 = arith.constant 229376 : i32
    %dma_wait3A_1082 = tpu.memref_slice %arg3[%dma_wait3A_1081] : memref<262144xi32, #tpu.memory_space<hbm>> -> memref<16384xi32, #tpu.memory_space<hbm>>
    tpu.wait_dma2 semaphore(%arg10 : memref<!tpu.dma_semaphore, #tpu.memory_space<semaphore_mem>>) src(%dma_wait3A_1082 : memref<16384xi32, #tpu.memory_space<hbm>>) dst(%dma_wait3A_1080 : memref<16384xi32, #tpu.memory_space<vmem>>)
    %dma_start3A_1083 = arith.constant 0 : i32
    %dma_start3A_1084 = tpu.memref_slice %arg6[%dma_start3A_1083] : memref<16512xf32, #tpu.memory_space<vmem>> -> memref<16384xf32, #tpu.memory_space<vmem>>
    %dma_start3A_1085 = arith.constant 245760 : i32
    %dma_start3A_1086 = tpu.memref_slice %arg2[%add3A_5, %dma_start3A_1085] : memref<32x262144xf32, #tpu.memory_space<hbm>> -> memref<1x16384xf32, #tpu.memory_space<hbm>>
    %dma_start3A_1087 = tpu.memref_squeeze %dma_start3A_1086 : memref<1x16384xf32, #tpu.memory_space<hbm>> -> memref<16384xf32, #tpu.memory_space<hbm>>
    %dma_start3A_1088 = arith.constant 0 : i32
    %dma_start3A_1089 = tpu.memref_slice %arg6[%dma_start3A_1088] : memref<16512xf32, #tpu.memory_space<vmem>> -> memref<16384xf32, #tpu.memory_space<vmem>>
    %dma_start3A_1090 = arith.constant 245760 : i32
    %dma_start3A_1091 = tpu.memref_slice %arg2[%add3A_5, %dma_start3A_1090] : memref<32x262144xf32, #tpu.memory_space<hbm>> -> memref<1x16384xf32, #tpu.memory_space<hbm>>
    %dma_start3A_1092 = tpu.memref_squeeze %dma_start3A_1091 : memref<1x16384xf32, #tpu.memory_space<hbm>> -> memref<16384xf32, #tpu.memory_space<hbm>>
    tpu.enqueue_dma source(%dma_start3A_1092 : memref<16384xf32, #tpu.memory_space<hbm>>) target(%dma_start3A_1089 : memref<16384xf32, #tpu.memory_space<vmem>>) target_semaphore(%arg11 : memref<!tpu.dma_semaphore, #tpu.memory_space<semaphore_mem>>)
    %dma_start3A_1093 = arith.constant 0 : i32
    %dma_start3A_1094 = tpu.memref_slice %arg8[%dma_start3A_1093] : memref<16512xi32, #tpu.memory_space<vmem>> -> memref<16384xi32, #tpu.memory_space<vmem>>
    %dma_start3A_1095 = arith.constant 245760 : i32
    %dma_start3A_1096 = tpu.memref_slice %arg3[%dma_start3A_1095] : memref<262144xi32, #tpu.memory_space<hbm>> -> memref<16384xi32, #tpu.memory_space<hbm>>
    %dma_start3A_1097 = arith.constant 0 : i32
    %dma_start3A_1098 = tpu.memref_slice %arg8[%dma_start3A_1097] : memref<16512xi32, #tpu.memory_space<vmem>> -> memref<16384xi32, #tpu.memory_space<vmem>>
    %dma_start3A_1099 = arith.constant 245760 : i32
    %dma_start3A_1100 = tpu.memref_slice %arg3[%dma_start3A_1099] : memref<262144xi32, #tpu.memory_space<hbm>> -> memref<16384xi32, #tpu.memory_space<hbm>>
    tpu.enqueue_dma source(%dma_start3A_1100 : memref<16384xi32, #tpu.memory_space<hbm>>) target(%dma_start3A_1098 : memref<16384xi32, #tpu.memory_space<vmem>>) target_semaphore(%arg11 : memref<!tpu.dma_semaphore, #tpu.memory_space<semaphore_mem>>)
    %get3A_1101 = arith.constant 0 : index
    %get3A_1102 = tpu.vector_load %arg5[%get3A_1101] {strides = array<i32>} : memref<16512xf32, #tpu.memory_space<vmem>>, vector<16xf32>,
    %get3A_1103 = arith.constant 0 : index
    %get3A_1104 = tpu.vector_load %arg7[%get3A_1103] {strides = array<i32>} : memref<16512xi32, #tpu.memory_space<vmem>>, vector<16xi32>,
    %get3A_1105 = arith.constant 16 : index
    %get3A_1106 = tpu.vector_load %arg5[%get3A_1105] {strides = array<i32>} : memref<16512xf32, #tpu.memory_space<vmem>>, vector<16xf32>,
    %get3A_1107 = arith.constant 16 : index
    %get3A_1108 = tpu.vector_load %arg7[%get3A_1107] {strides = array<i32>} : memref<16512xi32, #tpu.memory_space<vmem>>, vector<16xi32>,
    %get3A_1109 = arith.constant 32 : index
    %get3A_1110 = tpu.vector_load %arg5[%get3A_1109] {strides = array<i32>} : memref<16512xf32, #tpu.memory_space<vmem>>, vector<16xf32>,
    %get3A_1111 = arith.constant 32 : index
    %get3A_1112 = tpu.vector_load %arg7[%get3A_1111] {strides = array<i32>} : memref<16512xi32, #tpu.memory_space<vmem>>, vector<16xi32>,
    %get3A_1113 = arith.constant 48 : index
    %get3A_1114 = tpu.vector_load %arg5[%get3A_1113] {strides = array<i32>} : memref<16512xf32, #tpu.memory_space<vmem>>, vector<16xf32>,
    %get3A_1115 = arith.constant 48 : index
    %get3A_1116 = tpu.vector_load %arg7[%get3A_1115] {strides = array<i32>} : memref<16512xi32, #tpu.memory_space<vmem>>, vector<16xi32>,
    %get3A_1117 = arith.constant 64 : index
    %get3A_1118 = tpu.vector_load %arg5[%get3A_1117] {strides = array<i32>} : memref<16512xf32, #tpu.memory_space<vmem>>, vector<16xf32>,
    %get3A_1119 = arith.constant 64 : index
    %get3A_1120 = tpu.vector_load %arg7[%get3A_1119] {strides = array<i32>} : memref<16512xi32, #tpu.memory_space<vmem>>, vector<16xi32>,
    %get3A_1121 = arith.constant 80 : index
    %get3A_1122 = tpu.vector_load %arg5[%get3A_1121] {strides = array<i32>} : memref<16512xf32, #tpu.memory_space<vmem>>, vector<16xf32>,
    %get3A_1123 = arith.constant 80 : index
    %get3A_1124 = tpu.vector_load %arg7[%get3A_1123] {strides = array<i32>} : memref<16512xi32, #tpu.memory_space<vmem>>, vector<16xi32>,
    %get3A_1125 = arith.constant 96 : index
    %get3A_1126 = tpu.vector_load %arg5[%get3A_1125] {strides = array<i32>} : memref<16512xf32, #tpu.memory_space<vmem>>, vector<16xf32>,
    %get3A_1127 = arith.constant 96 : index
    %get3A_1128 = tpu.vector_load %arg7[%get3A_1127] {strides = array<i32>} : memref<16512xi32, #tpu.memory_space<vmem>>, vector<16xi32>,
    %get3A_1129 = arith.constant 112 : index
    %get3A_1130 = tpu.vector_load %arg5[%get3A_1129] {strides = array<i32>} : memref<16512xf32, #tpu.memory_space<vmem>>, vector<16xf32>,
    %get3A_1131 = arith.constant 112 : index
    %get3A_1132 = tpu.vector_load %arg7[%get3A_1131] {strides = array<i32>} : memref<16512xi32, #tpu.memory_space<vmem>>, vector<16xi32>,
    %scan3A_1133 = arith.constant 0 : i32
    %scan3A_1134 = arith.constant 128 : i32
    %scan3A_1135 = arith.addi %scan3A_1133, %scan3A_1134 : i32
    %scan3A_1136 = arith.constant 1 : i32
    %scan3A_1137:16 = scf.for %scan3A_1195 = %scan3A_1133 to %scan3A_1135 step %scan3A_1136 iter_args(%scan3A_1196 = %get3A_1102, %scan3A_1197 = %get3A_1104, %scan3A_1198 = %get3A_1106, %scan3A_1199 = %get3A_1108, %scan3A_1200 = %get3A_1110, %scan3A_1201 = %get3A_1112, %scan3A_1202 = %get3A_1114, %scan3A_1203 = %get3A_1116, %scan3A_1204 = %get3A_1118, %scan3A_1205 = %get3A_1120, %scan3A_1206 = %get3A_1122, %scan3A_1207 = %get3A_1124, %scan3A_1208 = %get3A_1126, %scan3A_1209 = %get3A_1128, %scan3A_1210 = %get3A_1130, %scan3A_1211 = %get3A_1132) -> (vector<16xf32>, vector<16xi32>, vector<16xf32>, vector<16xi32>, vector<16xf32>, vector<16xi32>, vector<16xf32>, vector<16xi32>, vector<16xf32>, vector<16xi32>, vector<16xf32>, vector<16xi32>, vector<16xf32>, vector<16xi32>, vector<16xf32>, vector<16xi32>)  : i32 {
      %add3A_1212 = arith.constant 1 : i32
      %add3A_1213 = arith.addi %scan3A_1195, %add3A_1212 : i32
      %mul3A_1214 = arith.constant 128 : i32
      %mul3A_1215 = arith.muli %add3A_1213, %mul3A_1214 : i32
      %add3A_1216 = arith.constant 0 : i32
      %add3A_1217 = arith.addi %mul3A_1215, %add3A_1216 : i32
      %get3A_1218 = arith.index_cast %add3A_1217 : i32 to index
      %get3A_1219 = tpu.vector_load %arg5[%get3A_1218] {strides = array<i32>} : memref<16512xf32, #tpu.memory_space<vmem>>, vector<16xf32>,
      %get3A_1220 = arith.index_cast %add3A_1217 : i32 to index
      %get3A_1221 = tpu.vector_load %arg7[%get3A_1220] {strides = array<i32>} : memref<16512xi32, #tpu.memory_space<vmem>>, vector<16xi32>,
      %add3A_1222 = arith.constant 16 : i32
      %add3A_1223 = arith.addi %mul3A_1215, %add3A_1222 : i32
      %get3A_1224 = arith.index_cast %add3A_1223 : i32 to index
      %get3A_1225 = tpu.vector_load %arg5[%get3A_1224] {strides = array<i32>} : memref<16512xf32, #tpu.memory_space<vmem>>, vector<16xf32>,
      %get3A_1226 = arith.index_cast %add3A_1223 : i32 to index
      %get3A_1227 = tpu.vector_load %arg7[%get3A_1226] {strides = array<i32>} : memref<16512xi32, #tpu.memory_space<vmem>>, vector<16xi32>,
      %add3A_1228 = arith.constant 32 : i32
      %add3A_1229 = arith.addi %mul3A_1215, %add3A_1228 : i32
      %get3A_1230 = arith.index_cast %add3A_1229 : i32 to index
      %get3A_1231 = tpu.vector_load %arg5[%get3A_1230] {strides = array<i32>} : memref<16512xf32, #tpu.memory_space<vmem>>, vector<16xf32>,
      %get3A_1232 = arith.index_cast %add3A_1229 : i32 to index
      %get3A_1233 = tpu.vector_load %arg7[%get3A_1232] {strides = array<i32>} : memref<16512xi32, #tpu.memory_space<vmem>>, vector<16xi32>,
      %add3A_1234 = arith.constant 48 : i32
      %add3A_1235 = arith.addi %mul3A_1215, %add3A_1234 : i32
      %get3A_1236 = arith.index_cast %add3A_1235 : i32 to index
      %get3A_1237 = tpu.vector_load %arg5[%get3A_1236] {strides = array<i32>} : memref<16512xf32, #tpu.memory_space<vmem>>, vector<16xf32>,
      %get3A_1238 = arith.index_cast %add3A_1235 : i32 to index
      %get3A_1239 = tpu.vector_load %arg7[%get3A_1238] {strides = array<i32>} : memref<16512xi32, #tpu.memory_space<vmem>>, vector<16xi32>,
      %add3A_1240 = arith.constant 64 : i32
      %add3A_1241 = arith.addi %mul3A_1215, %add3A_1240 : i32
      %get3A_1242 = arith.index_cast %add3A_1241 : i32 to index
      %get3A_1243 = tpu.vector_load %arg5[%get3A_1242] {strides = array<i32>} : memref<16512xf32, #tpu.memory_space<vmem>>, vector<16xf32>,
      %get3A_1244 = arith.index_cast %add3A_1241 : i32 to index
      %get3A_1245 = tpu.vector_load %arg7[%get3A_1244] {strides = array<i32>} : memref<16512xi32, #tpu.memory_space<vmem>>, vector<16xi32>,
      %add3A_1246 = arith.constant 80 : i32
      %add3A_1247 = arith.addi %mul3A_1215, %add3A_1246 : i32
      %get3A_1248 = arith.index_cast %add3A_1247 : i32 to index
      %get3A_1249 = tpu.vector_load %arg5[%get3A_1248] {strides = array<i32>} : memref<16512xf32, #tpu.memory_space<vmem>>, vector<16xf32>,
      %get3A_1250 = arith.index_cast %add3A_1247 : i32 to index
      %get3A_1251 = tpu.vector_load %arg7[%get3A_1250] {strides = array<i32>} : memref<16512xi32, #tpu.memory_space<vmem>>, vector<16xi32>,
      %add3A_1252 = arith.constant 96 : i32
      %add3A_1253 = arith.addi %mul3A_1215, %add3A_1252 : i32
      %get3A_1254 = arith.index_cast %add3A_1253 : i32 to index
      %get3A_1255 = tpu.vector_load %arg5[%get3A_1254] {strides = array<i32>} : memref<16512xf32, #tpu.memory_space<vmem>>, vector<16xf32>,
      %get3A_1256 = arith.index_cast %add3A_1253 : i32 to index
      %get3A_1257 = tpu.vector_load %arg7[%get3A_1256] {strides = array<i32>} : memref<16512xi32, #tpu.memory_space<vmem>>, vector<16xi32>,
      %add3A_1258 = arith.constant 112 : i32
      %add3A_1259 = arith.addi %mul3A_1215, %add3A_1258 : i32
      %get3A_1260 = arith.index_cast %add3A_1259 : i32 to index
      %get3A_1261 = tpu.vector_load %arg5[%get3A_1260] {strides = array<i32>} : memref<16512xf32, #tpu.memory_space<vmem>>, vector<16xf32>,
      %get3A_1262 = arith.index_cast %add3A_1259 : i32 to index
      %get3A_1263 = tpu.vector_load %arg7[%get3A_1262] {strides = array<i32>} : memref<16512xi32, #tpu.memory_space<vmem>>, vector<16xi32>,
      %mul3A_1264 = arith.constant 128 : i32
      %mul3A_1265 = arith.muli %scan3A_1195, %mul3A_1264 : i32
      %add3A_1266 = arith.constant 229376 : i32
      %add3A_1267 = arith.addi %add3A_1266, %mul3A_1265 : i32
      %add3A_1268 = arith.constant 0 : i32
      %add3A_1269 = arith.addi %add3A_1267, %add3A_1268 : i32
      %add3A_1270 = vector.broadcast %add3A_1269 : i32 to vector<16xi32>
      %add3A_1271 = arith.addi %add3A_30, %add3A_1270 : vector<16xi32>
      %gt3A = arith.constant 5.000000e-01 : f32
      %gt3A_1272 = vector.broadcast %gt3A : f32 to vector<16xf32>
      %gt3A_1273 = arith.cmpf ogt, %scan3A_1196, %gt3A_1272 : vector<16xf32>
      tpu.vector_store_idx %arg9[%scan3A_1197], %add3A_1271 masked %gt3A_1273 : memref<8128xi32, #tpu.memory_space<vmem>>[vector<16xi32>], vector<16xi32>, vector<16xi1>
      %mul3A_1274 = arith.constant 128 : i32
      %mul3A_1275 = arith.muli %scan3A_1195, %mul3A_1274 : i32
      %add3A_1276 = arith.constant 229376 : i32
      %add3A_1277 = arith.addi %add3A_1276, %mul3A_1275 : i32
      %add3A_1278 = arith.constant 16 : i32
      %add3A_1279 = arith.addi %add3A_1277, %add3A_1278 : i32
      %add3A_1280 = vector.broadcast %add3A_1279 : i32 to vector<16xi32>
      %add3A_1281 = arith.addi %add3A_30, %add3A_1280 : vector<16xi32>
      %gt3A_1282 = arith.constant 5.000000e-01 : f32
      %gt3A_1283 = vector.broadcast %gt3A_1282 : f32 to vector<16xf32>
      %gt3A_1284 = arith.cmpf ogt, %scan3A_1198, %gt3A_1283 : vector<16xf32>
      tpu.vector_store_idx %arg9[%scan3A_1199], %add3A_1281 masked %gt3A_1284 : memref<8128xi32, #tpu.memory_space<vmem>>[vector<16xi32>], vector<16xi32>, vector<16xi1>
      %mul3A_1285 = arith.constant 128 : i32
      %mul3A_1286 = arith.muli %scan3A_1195, %mul3A_1285 : i32
      %add3A_1287 = arith.constant 229376 : i32
      %add3A_1288 = arith.addi %add3A_1287, %mul3A_1286 : i32
      %add3A_1289 = arith.constant 32 : i32
      %add3A_1290 = arith.addi %add3A_1288, %add3A_1289 : i32
      %add3A_1291 = vector.broadcast %add3A_1290 : i32 to vector<16xi32>
      %add3A_1292 = arith.addi %add3A_30, %add3A_1291 : vector<16xi32>
      %gt3A_1293 = arith.constant 5.000000e-01 : f32
      %gt3A_1294 = vector.broadcast %gt3A_1293 : f32 to vector<16xf32>
      %gt3A_1295 = arith.cmpf ogt, %scan3A_1200, %gt3A_1294 : vector<16xf32>
      tpu.vector_store_idx %arg9[%scan3A_1201], %add3A_1292 masked %gt3A_1295 : memref<8128xi32, #tpu.memory_space<vmem>>[vector<16xi32>], vector<16xi32>, vector<16xi1>
      %mul3A_1296 = arith.constant 128 : i32
      %mul3A_1297 = arith.muli %scan3A_1195, %mul3A_1296 : i32
      %add3A_1298 = arith.constant 229376 : i32
      %add3A_1299 = arith.addi %add3A_1298, %mul3A_1297 : i32
      %add3A_1300 = arith.constant 48 : i32
      %add3A_1301 = arith.addi %add3A_1299, %add3A_1300 : i32
      %add3A_1302 = vector.broadcast %add3A_1301 : i32 to vector<16xi32>
      %add3A_1303 = arith.addi %add3A_30, %add3A_1302 : vector<16xi32>
      %gt3A_1304 = arith.constant 5.000000e-01 : f32
      %gt3A_1305 = vector.broadcast %gt3A_1304 : f32 to vector<16xf32>
      %gt3A_1306 = arith.cmpf ogt, %scan3A_1202, %gt3A_1305 : vector<16xf32>
      tpu.vector_store_idx %arg9[%scan3A_1203], %add3A_1303 masked %gt3A_1306 : memref<8128xi32, #tpu.memory_space<vmem>>[vector<16xi32>], vector<16xi32>, vector<16xi1>
      %mul3A_1307 = arith.constant 128 : i32
      %mul3A_1308 = arith.muli %scan3A_1195, %mul3A_1307 : i32
      %add3A_1309 = arith.constant 229376 : i32
      %add3A_1310 = arith.addi %add3A_1309, %mul3A_1308 : i32
      %add3A_1311 = arith.constant 64 : i32
      %add3A_1312 = arith.addi %add3A_1310, %add3A_1311 : i32
      %add3A_1313 = vector.broadcast %add3A_1312 : i32 to vector<16xi32>
      %add3A_1314 = arith.addi %add3A_30, %add3A_1313 : vector<16xi32>
      %gt3A_1315 = arith.constant 5.000000e-01 : f32
      %gt3A_1316 = vector.broadcast %gt3A_1315 : f32 to vector<16xf32>
      %gt3A_1317 = arith.cmpf ogt, %scan3A_1204, %gt3A_1316 : vector<16xf32>
      tpu.vector_store_idx %arg9[%scan3A_1205], %add3A_1314 masked %gt3A_1317 : memref<8128xi32, #tpu.memory_space<vmem>>[vector<16xi32>], vector<16xi32>, vector<16xi1>
      %mul3A_1318 = arith.constant 128 : i32
      %mul3A_1319 = arith.muli %scan3A_1195, %mul3A_1318 : i32
      %add3A_1320 = arith.constant 229376 : i32
      %add3A_1321 = arith.addi %add3A_1320, %mul3A_1319 : i32
      %add3A_1322 = arith.constant 80 : i32
      %add3A_1323 = arith.addi %add3A_1321, %add3A_1322 : i32
      %add3A_1324 = vector.broadcast %add3A_1323 : i32 to vector<16xi32>
      %add3A_1325 = arith.addi %add3A_30, %add3A_1324 : vector<16xi32>
      %gt3A_1326 = arith.constant 5.000000e-01 : f32
      %gt3A_1327 = vector.broadcast %gt3A_1326 : f32 to vector<16xf32>
      %gt3A_1328 = arith.cmpf ogt, %scan3A_1206, %gt3A_1327 : vector<16xf32>
      tpu.vector_store_idx %arg9[%scan3A_1207], %add3A_1325 masked %gt3A_1328 : memref<8128xi32, #tpu.memory_space<vmem>>[vector<16xi32>], vector<16xi32>, vector<16xi1>
      %mul3A_1329 = arith.constant 128 : i32
      %mul3A_1330 = arith.muli %scan3A_1195, %mul3A_1329 : i32
      %add3A_1331 = arith.constant 229376 : i32
      %add3A_1332 = arith.addi %add3A_1331, %mul3A_1330 : i32
      %add3A_1333 = arith.constant 96 : i32
      %add3A_1334 = arith.addi %add3A_1332, %add3A_1333 : i32
      %add3A_1335 = vector.broadcast %add3A_1334 : i32 to vector<16xi32>
      %add3A_1336 = arith.addi %add3A_30, %add3A_1335 : vector<16xi32>
      %gt3A_1337 = arith.constant 5.000000e-01 : f32
      %gt3A_1338 = vector.broadcast %gt3A_1337 : f32 to vector<16xf32>
      %gt3A_1339 = arith.cmpf ogt, %scan3A_1208, %gt3A_1338 : vector<16xf32>
      tpu.vector_store_idx %arg9[%scan3A_1209], %add3A_1336 masked %gt3A_1339 : memref<8128xi32, #tpu.memory_space<vmem>>[vector<16xi32>], vector<16xi32>, vector<16xi1>
      %mul3A_1340 = arith.constant 128 : i32
      %mul3A_1341 = arith.muli %scan3A_1195, %mul3A_1340 : i32
      %add3A_1342 = arith.constant 229376 : i32
      %add3A_1343 = arith.addi %add3A_1342, %mul3A_1341 : i32
      %add3A_1344 = arith.constant 112 : i32
      %add3A_1345 = arith.addi %add3A_1343, %add3A_1344 : i32
      %add3A_1346 = vector.broadcast %add3A_1345 : i32 to vector<16xi32>
      %add3A_1347 = arith.addi %add3A_30, %add3A_1346 : vector<16xi32>
      %gt3A_1348 = arith.constant 5.000000e-01 : f32
      %gt3A_1349 = vector.broadcast %gt3A_1348 : f32 to vector<16xf32>
      %gt3A_1350 = arith.cmpf ogt, %scan3A_1210, %gt3A_1349 : vector<16xf32>
      tpu.vector_store_idx %arg9[%scan3A_1211], %add3A_1347 masked %gt3A_1350 : memref<8128xi32, #tpu.memory_space<vmem>>[vector<16xi32>], vector<16xi32>, vector<16xi1>
      scf.yield %get3A_1219, %get3A_1221, %get3A_1225, %get3A_1227, %get3A_1231, %get3A_1233, %get3A_1237, %get3A_1239, %get3A_1243, %get3A_1245, %get3A_1249, %get3A_1251, %get3A_1255, %get3A_1257, %get3A_1261, %get3A_1263 : vector<16xf32>, vector<16xi32>, vector<16xf32>, vector<16xi32>, vector<16xf32>, vector<16xi32>, vector<16xf32>, vector<16xi32>, vector<16xf32>, vector<16xi32>, vector<16xf32>, vector<16xi32>, vector<16xf32>, vector<16xi32>, vector<16xf32>, vector<16xi32>
    }
    %scan3A_1138 = arith.constant 128 : i32
    %dma_wait3A_1139 = arith.constant 0 : i32
    %dma_wait3A_1140 = tpu.memref_slice %arg6[%dma_wait3A_1139] : memref<16512xf32, #tpu.memory_space<vmem>> -> memref<16384xf32, #tpu.memory_space<vmem>>
    %dma_wait3A_1141 = arith.constant 245760 : i32
    %dma_wait3A_1142 = tpu.memref_slice %arg2[%add3A_5, %dma_wait3A_1141] : memref<32x262144xf32, #tpu.memory_space<hbm>> -> memref<1x16384xf32, #tpu.memory_space<hbm>>
    %dma_wait3A_1143 = tpu.memref_squeeze %dma_wait3A_1142 : memref<1x16384xf32, #tpu.memory_space<hbm>> -> memref<16384xf32, #tpu.memory_space<hbm>>
    %dma_wait3A_1144 = arith.constant 0 : i32
    %dma_wait3A_1145 = tpu.memref_slice %arg6[%dma_wait3A_1144] : memref<16512xf32, #tpu.memory_space<vmem>> -> memref<16384xf32, #tpu.memory_space<vmem>>
    %dma_wait3A_1146 = arith.constant 245760 : i32
    %dma_wait3A_1147 = tpu.memref_slice %arg2[%add3A_5, %dma_wait3A_1146] : memref<32x262144xf32, #tpu.memory_space<hbm>> -> memref<1x16384xf32, #tpu.memory_space<hbm>>
    %dma_wait3A_1148 = tpu.memref_squeeze %dma_wait3A_1147 : memref<1x16384xf32, #tpu.memory_space<hbm>> -> memref<16384xf32, #tpu.memory_space<hbm>>
    tpu.wait_dma2 semaphore(%arg11 : memref<!tpu.dma_semaphore, #tpu.memory_space<semaphore_mem>>) src(%dma_wait3A_1148 : memref<16384xf32, #tpu.memory_space<hbm>>) dst(%dma_wait3A_1145 : memref<16384xf32, #tpu.memory_space<vmem>>)
    %dma_wait3A_1149 = arith.constant 0 : i32
    %dma_wait3A_1150 = tpu.memref_slice %arg8[%dma_wait3A_1149] : memref<16512xi32, #tpu.memory_space<vmem>> -> memref<16384xi32, #tpu.memory_space<vmem>>
    %dma_wait3A_1151 = arith.constant 245760 : i32
    %dma_wait3A_1152 = tpu.memref_slice %arg3[%dma_wait3A_1151] : memref<262144xi32, #tpu.memory_space<hbm>> -> memref<16384xi32, #tpu.memory_space<hbm>>
    %dma_wait3A_1153 = arith.constant 0 : i32
    %dma_wait3A_1154 = tpu.memref_slice %arg8[%dma_wait3A_1153] : memref<16512xi32, #tpu.memory_space<vmem>> -> memref<16384xi32, #tpu.memory_space<vmem>>
    %dma_wait3A_1155 = arith.constant 245760 : i32
    %dma_wait3A_1156 = tpu.memref_slice %arg3[%dma_wait3A_1155] : memref<262144xi32, #tpu.memory_space<hbm>> -> memref<16384xi32, #tpu.memory_space<hbm>>
    tpu.wait_dma2 semaphore(%arg11 : memref<!tpu.dma_semaphore, #tpu.memory_space<semaphore_mem>>) src(%dma_wait3A_1156 : memref<16384xi32, #tpu.memory_space<hbm>>) dst(%dma_wait3A_1154 : memref<16384xi32, #tpu.memory_space<vmem>>)
    %get3A_1157 = arith.constant 0 : index
    %get3A_1158 = tpu.vector_load %arg6[%get3A_1157] {strides = array<i32>} : memref<16512xf32, #tpu.memory_space<vmem>>, vector<16xf32>,
    %get3A_1159 = arith.constant 0 : index
    %get3A_1160 = tpu.vector_load %arg8[%get3A_1159] {strides = array<i32>} : memref<16512xi32, #tpu.memory_space<vmem>>, vector<16xi32>,
    %get3A_1161 = arith.constant 16 : index
    %get3A_1162 = tpu.vector_load %arg6[%get3A_1161] {strides = array<i32>} : memref<16512xf32, #tpu.memory_space<vmem>>, vector<16xf32>,
    %get3A_1163 = arith.constant 16 : index
    %get3A_1164 = tpu.vector_load %arg8[%get3A_1163] {strides = array<i32>} : memref<16512xi32, #tpu.memory_space<vmem>>, vector<16xi32>,
    %get3A_1165 = arith.constant 32 : index
    %get3A_1166 = tpu.vector_load %arg6[%get3A_1165] {strides = array<i32>} : memref<16512xf32, #tpu.memory_space<vmem>>, vector<16xf32>,
    %get3A_1167 = arith.constant 32 : index
    %get3A_1168 = tpu.vector_load %arg8[%get3A_1167] {strides = array<i32>} : memref<16512xi32, #tpu.memory_space<vmem>>, vector<16xi32>,
    %get3A_1169 = arith.constant 48 : index
    %get3A_1170 = tpu.vector_load %arg6[%get3A_1169] {strides = array<i32>} : memref<16512xf32, #tpu.memory_space<vmem>>, vector<16xf32>,
    %get3A_1171 = arith.constant 48 : index
    %get3A_1172 = tpu.vector_load %arg8[%get3A_1171] {strides = array<i32>} : memref<16512xi32, #tpu.memory_space<vmem>>, vector<16xi32>,
    %get3A_1173 = arith.constant 64 : index
    %get3A_1174 = tpu.vector_load %arg6[%get3A_1173] {strides = array<i32>} : memref<16512xf32, #tpu.memory_space<vmem>>, vector<16xf32>,
    %get3A_1175 = arith.constant 64 : index
    %get3A_1176 = tpu.vector_load %arg8[%get3A_1175] {strides = array<i32>} : memref<16512xi32, #tpu.memory_space<vmem>>, vector<16xi32>,
    %get3A_1177 = arith.constant 80 : index
    %get3A_1178 = tpu.vector_load %arg6[%get3A_1177] {strides = array<i32>} : memref<16512xf32, #tpu.memory_space<vmem>>, vector<16xf32>,
    %get3A_1179 = arith.constant 80 : index
    %get3A_1180 = tpu.vector_load %arg8[%get3A_1179] {strides = array<i32>} : memref<16512xi32, #tpu.memory_space<vmem>>, vector<16xi32>,
    %get3A_1181 = arith.constant 96 : index
    %get3A_1182 = tpu.vector_load %arg6[%get3A_1181] {strides = array<i32>} : memref<16512xf32, #tpu.memory_space<vmem>>, vector<16xf32>,
    %get3A_1183 = arith.constant 96 : index
    %get3A_1184 = tpu.vector_load %arg8[%get3A_1183] {strides = array<i32>} : memref<16512xi32, #tpu.memory_space<vmem>>, vector<16xi32>,
    %get3A_1185 = arith.constant 112 : index
    %get3A_1186 = tpu.vector_load %arg6[%get3A_1185] {strides = array<i32>} : memref<16512xf32, #tpu.memory_space<vmem>>, vector<16xf32>,
    %get3A_1187 = arith.constant 112 : index
    %get3A_1188 = tpu.vector_load %arg8[%get3A_1187] {strides = array<i32>} : memref<16512xi32, #tpu.memory_space<vmem>>, vector<16xi32>,
    %scan3A_1189 = arith.constant 0 : i32
    %scan3A_1190 = arith.constant 128 : i32
    %scan3A_1191 = arith.addi %scan3A_1189, %scan3A_1190 : i32
    %scan3A_1192 = arith.constant 1 : i32
    %scan3A_1193:16 = scf.for %scan3A_1195 = %scan3A_1189 to %scan3A_1191 step %scan3A_1192 iter_args(%scan3A_1196 = %get3A_1158, %scan3A_1197 = %get3A_1160, %scan3A_1198 = %get3A_1162, %scan3A_1199 = %get3A_1164, %scan3A_1200 = %get3A_1166, %scan3A_1201 = %get3A_1168, %scan3A_1202 = %get3A_1170, %scan3A_1203 = %get3A_1172, %scan3A_1204 = %get3A_1174, %scan3A_1205 = %get3A_1176, %scan3A_1206 = %get3A_1178, %scan3A_1207 = %get3A_1180, %scan3A_1208 = %get3A_1182, %scan3A_1209 = %get3A_1184, %scan3A_1210 = %get3A_1186, %scan3A_1211 = %get3A_1188) -> (vector<16xf32>, vector<16xi32>, vector<16xf32>, vector<16xi32>, vector<16xf32>, vector<16xi32>, vector<16xf32>, vector<16xi32>, vector<16xf32>, vector<16xi32>, vector<16xf32>, vector<16xi32>, vector<16xf32>, vector<16xi32>, vector<16xf32>, vector<16xi32>)  : i32 {
      %add3A_1212 = arith.constant 1 : i32
      %add3A_1213 = arith.addi %scan3A_1195, %add3A_1212 : i32
      %mul3A_1214 = arith.constant 128 : i32
      %mul3A_1215 = arith.muli %add3A_1213, %mul3A_1214 : i32
      %add3A_1216 = arith.constant 0 : i32
      %add3A_1217 = arith.addi %mul3A_1215, %add3A_1216 : i32
      %get3A_1218 = arith.index_cast %add3A_1217 : i32 to index
      %get3A_1219 = tpu.vector_load %arg6[%get3A_1218] {strides = array<i32>} : memref<16512xf32, #tpu.memory_space<vmem>>, vector<16xf32>,
      %get3A_1220 = arith.index_cast %add3A_1217 : i32 to index
      %get3A_1221 = tpu.vector_load %arg8[%get3A_1220] {strides = array<i32>} : memref<16512xi32, #tpu.memory_space<vmem>>, vector<16xi32>,
      %add3A_1222 = arith.constant 16 : i32
      %add3A_1223 = arith.addi %mul3A_1215, %add3A_1222 : i32
      %get3A_1224 = arith.index_cast %add3A_1223 : i32 to index
      %get3A_1225 = tpu.vector_load %arg6[%get3A_1224] {strides = array<i32>} : memref<16512xf32, #tpu.memory_space<vmem>>, vector<16xf32>,
      %get3A_1226 = arith.index_cast %add3A_1223 : i32 to index
      %get3A_1227 = tpu.vector_load %arg8[%get3A_1226] {strides = array<i32>} : memref<16512xi32, #tpu.memory_space<vmem>>, vector<16xi32>,
      %add3A_1228 = arith.constant 32 : i32
      %add3A_1229 = arith.addi %mul3A_1215, %add3A_1228 : i32
      %get3A_1230 = arith.index_cast %add3A_1229 : i32 to index
      %get3A_1231 = tpu.vector_load %arg6[%get3A_1230] {strides = array<i32>} : memref<16512xf32, #tpu.memory_space<vmem>>, vector<16xf32>,
      %get3A_1232 = arith.index_cast %add3A_1229 : i32 to index
      %get3A_1233 = tpu.vector_load %arg8[%get3A_1232] {strides = array<i32>} : memref<16512xi32, #tpu.memory_space<vmem>>, vector<16xi32>,
      %add3A_1234 = arith.constant 48 : i32
      %add3A_1235 = arith.addi %mul3A_1215, %add3A_1234 : i32
      %get3A_1236 = arith.index_cast %add3A_1235 : i32 to index
      %get3A_1237 = tpu.vector_load %arg6[%get3A_1236] {strides = array<i32>} : memref<16512xf32, #tpu.memory_space<vmem>>, vector<16xf32>,
      %get3A_1238 = arith.index_cast %add3A_1235 : i32 to index
      %get3A_1239 = tpu.vector_load %arg8[%get3A_1238] {strides = array<i32>} : memref<16512xi32, #tpu.memory_space<vmem>>, vector<16xi32>,
      %add3A_1240 = arith.constant 64 : i32
      %add3A_1241 = arith.addi %mul3A_1215, %add3A_1240 : i32
      %get3A_1242 = arith.index_cast %add3A_1241 : i32 to index
      %get3A_1243 = tpu.vector_load %arg6[%get3A_1242] {strides = array<i32>} : memref<16512xf32, #tpu.memory_space<vmem>>, vector<16xf32>,
      %get3A_1244 = arith.index_cast %add3A_1241 : i32 to index
      %get3A_1245 = tpu.vector_load %arg8[%get3A_1244] {strides = array<i32>} : memref<16512xi32, #tpu.memory_space<vmem>>, vector<16xi32>,
      %add3A_1246 = arith.constant 80 : i32
      %add3A_1247 = arith.addi %mul3A_1215, %add3A_1246 : i32
      %get3A_1248 = arith.index_cast %add3A_1247 : i32 to index
      %get3A_1249 = tpu.vector_load %arg6[%get3A_1248] {strides = array<i32>} : memref<16512xf32, #tpu.memory_space<vmem>>, vector<16xf32>,
      %get3A_1250 = arith.index_cast %add3A_1247 : i32 to index
      %get3A_1251 = tpu.vector_load %arg8[%get3A_1250] {strides = array<i32>} : memref<16512xi32, #tpu.memory_space<vmem>>, vector<16xi32>,
      %add3A_1252 = arith.constant 96 : i32
      %add3A_1253 = arith.addi %mul3A_1215, %add3A_1252 : i32
      %get3A_1254 = arith.index_cast %add3A_1253 : i32 to index
      %get3A_1255 = tpu.vector_load %arg6[%get3A_1254] {strides = array<i32>} : memref<16512xf32, #tpu.memory_space<vmem>>, vector<16xf32>,
      %get3A_1256 = arith.index_cast %add3A_1253 : i32 to index
      %get3A_1257 = tpu.vector_load %arg8[%get3A_1256] {strides = array<i32>} : memref<16512xi32, #tpu.memory_space<vmem>>, vector<16xi32>,
      %add3A_1258 = arith.constant 112 : i32
      %add3A_1259 = arith.addi %mul3A_1215, %add3A_1258 : i32
      %get3A_1260 = arith.index_cast %add3A_1259 : i32 to index
      %get3A_1261 = tpu.vector_load %arg6[%get3A_1260] {strides = array<i32>} : memref<16512xf32, #tpu.memory_space<vmem>>, vector<16xf32>,
      %get3A_1262 = arith.index_cast %add3A_1259 : i32 to index
      %get3A_1263 = tpu.vector_load %arg8[%get3A_1262] {strides = array<i32>} : memref<16512xi32, #tpu.memory_space<vmem>>, vector<16xi32>,
      %mul3A_1264 = arith.constant 128 : i32
      %mul3A_1265 = arith.muli %scan3A_1195, %mul3A_1264 : i32
      %add3A_1266 = arith.constant 245760 : i32
      %add3A_1267 = arith.addi %add3A_1266, %mul3A_1265 : i32
      %add3A_1268 = arith.constant 0 : i32
      %add3A_1269 = arith.addi %add3A_1267, %add3A_1268 : i32
      %add3A_1270 = vector.broadcast %add3A_1269 : i32 to vector<16xi32>
      %add3A_1271 = arith.addi %add3A_30, %add3A_1270 : vector<16xi32>
      %gt3A = arith.constant 5.000000e-01 : f32
      %gt3A_1272 = vector.broadcast %gt3A : f32 to vector<16xf32>
      %gt3A_1273 = arith.cmpf ogt, %scan3A_1196, %gt3A_1272 : vector<16xf32>
      tpu.vector_store_idx %arg9[%scan3A_1197], %add3A_1271 masked %gt3A_1273 : memref<8128xi32, #tpu.memory_space<vmem>>[vector<16xi32>], vector<16xi32>, vector<16xi1>
      %mul3A_1274 = arith.constant 128 : i32
      %mul3A_1275 = arith.muli %scan3A_1195, %mul3A_1274 : i32
      %add3A_1276 = arith.constant 245760 : i32
      %add3A_1277 = arith.addi %add3A_1276, %mul3A_1275 : i32
      %add3A_1278 = arith.constant 16 : i32
      %add3A_1279 = arith.addi %add3A_1277, %add3A_1278 : i32
      %add3A_1280 = vector.broadcast %add3A_1279 : i32 to vector<16xi32>
      %add3A_1281 = arith.addi %add3A_30, %add3A_1280 : vector<16xi32>
      %gt3A_1282 = arith.constant 5.000000e-01 : f32
      %gt3A_1283 = vector.broadcast %gt3A_1282 : f32 to vector<16xf32>
      %gt3A_1284 = arith.cmpf ogt, %scan3A_1198, %gt3A_1283 : vector<16xf32>
      tpu.vector_store_idx %arg9[%scan3A_1199], %add3A_1281 masked %gt3A_1284 : memref<8128xi32, #tpu.memory_space<vmem>>[vector<16xi32>], vector<16xi32>, vector<16xi1>
      %mul3A_1285 = arith.constant 128 : i32
      %mul3A_1286 = arith.muli %scan3A_1195, %mul3A_1285 : i32
      %add3A_1287 = arith.constant 245760 : i32
      %add3A_1288 = arith.addi %add3A_1287, %mul3A_1286 : i32
      %add3A_1289 = arith.constant 32 : i32
      %add3A_1290 = arith.addi %add3A_1288, %add3A_1289 : i32
      %add3A_1291 = vector.broadcast %add3A_1290 : i32 to vector<16xi32>
      %add3A_1292 = arith.addi %add3A_30, %add3A_1291 : vector<16xi32>
      %gt3A_1293 = arith.constant 5.000000e-01 : f32
      %gt3A_1294 = vector.broadcast %gt3A_1293 : f32 to vector<16xf32>
      %gt3A_1295 = arith.cmpf ogt, %scan3A_1200, %gt3A_1294 : vector<16xf32>
      tpu.vector_store_idx %arg9[%scan3A_1201], %add3A_1292 masked %gt3A_1295 : memref<8128xi32, #tpu.memory_space<vmem>>[vector<16xi32>], vector<16xi32>, vector<16xi1>
      %mul3A_1296 = arith.constant 128 : i32
      %mul3A_1297 = arith.muli %scan3A_1195, %mul3A_1296 : i32
      %add3A_1298 = arith.constant 245760 : i32
      %add3A_1299 = arith.addi %add3A_1298, %mul3A_1297 : i32
      %add3A_1300 = arith.constant 48 : i32
      %add3A_1301 = arith.addi %add3A_1299, %add3A_1300 : i32
      %add3A_1302 = vector.broadcast %add3A_1301 : i32 to vector<16xi32>
      %add3A_1303 = arith.addi %add3A_30, %add3A_1302 : vector<16xi32>
      %gt3A_1304 = arith.constant 5.000000e-01 : f32
      %gt3A_1305 = vector.broadcast %gt3A_1304 : f32 to vector<16xf32>
      %gt3A_1306 = arith.cmpf ogt, %scan3A_1202, %gt3A_1305 : vector<16xf32>
      tpu.vector_store_idx %arg9[%scan3A_1203], %add3A_1303 masked %gt3A_1306 : memref<8128xi32, #tpu.memory_space<vmem>>[vector<16xi32>], vector<16xi32>, vector<16xi1>
      %mul3A_1307 = arith.constant 128 : i32
      %mul3A_1308 = arith.muli %scan3A_1195, %mul3A_1307 : i32
      %add3A_1309 = arith.constant 245760 : i32
      %add3A_1310 = arith.addi %add3A_1309, %mul3A_1308 : i32
      %add3A_1311 = arith.constant 64 : i32
      %add3A_1312 = arith.addi %add3A_1310, %add3A_1311 : i32
      %add3A_1313 = vector.broadcast %add3A_1312 : i32 to vector<16xi32>
      %add3A_1314 = arith.addi %add3A_30, %add3A_1313 : vector<16xi32>
      %gt3A_1315 = arith.constant 5.000000e-01 : f32
      %gt3A_1316 = vector.broadcast %gt3A_1315 : f32 to vector<16xf32>
      %gt3A_1317 = arith.cmpf ogt, %scan3A_1204, %gt3A_1316 : vector<16xf32>
      tpu.vector_store_idx %arg9[%scan3A_1205], %add3A_1314 masked %gt3A_1317 : memref<8128xi32, #tpu.memory_space<vmem>>[vector<16xi32>], vector<16xi32>, vector<16xi1>
      %mul3A_1318 = arith.constant 128 : i32
      %mul3A_1319 = arith.muli %scan3A_1195, %mul3A_1318 : i32
      %add3A_1320 = arith.constant 245760 : i32
      %add3A_1321 = arith.addi %add3A_1320, %mul3A_1319 : i32
      %add3A_1322 = arith.constant 80 : i32
      %add3A_1323 = arith.addi %add3A_1321, %add3A_1322 : i32
      %add3A_1324 = vector.broadcast %add3A_1323 : i32 to vector<16xi32>
      %add3A_1325 = arith.addi %add3A_30, %add3A_1324 : vector<16xi32>
      %gt3A_1326 = arith.constant 5.000000e-01 : f32
      %gt3A_1327 = vector.broadcast %gt3A_1326 : f32 to vector<16xf32>
      %gt3A_1328 = arith.cmpf ogt, %scan3A_1206, %gt3A_1327 : vector<16xf32>
      tpu.vector_store_idx %arg9[%scan3A_1207], %add3A_1325 masked %gt3A_1328 : memref<8128xi32, #tpu.memory_space<vmem>>[vector<16xi32>], vector<16xi32>, vector<16xi1>
      %mul3A_1329 = arith.constant 128 : i32
      %mul3A_1330 = arith.muli %scan3A_1195, %mul3A_1329 : i32
      %add3A_1331 = arith.constant 245760 : i32
      %add3A_1332 = arith.addi %add3A_1331, %mul3A_1330 : i32
      %add3A_1333 = arith.constant 96 : i32
      %add3A_1334 = arith.addi %add3A_1332, %add3A_1333 : i32
      %add3A_1335 = vector.broadcast %add3A_1334 : i32 to vector<16xi32>
      %add3A_1336 = arith.addi %add3A_30, %add3A_1335 : vector<16xi32>
      %gt3A_1337 = arith.constant 5.000000e-01 : f32
      %gt3A_1338 = vector.broadcast %gt3A_1337 : f32 to vector<16xf32>
      %gt3A_1339 = arith.cmpf ogt, %scan3A_1208, %gt3A_1338 : vector<16xf32>
      tpu.vector_store_idx %arg9[%scan3A_1209], %add3A_1336 masked %gt3A_1339 : memref<8128xi32, #tpu.memory_space<vmem>>[vector<16xi32>], vector<16xi32>, vector<16xi1>
      %mul3A_1340 = arith.constant 128 : i32
      %mul3A_1341 = arith.muli %scan3A_1195, %mul3A_1340 : i32
      %add3A_1342 = arith.constant 245760 : i32
      %add3A_1343 = arith.addi %add3A_1342, %mul3A_1341 : i32
      %add3A_1344 = arith.constant 112 : i32
      %add3A_1345 = arith.addi %add3A_1343, %add3A_1344 : i32
      %add3A_1346 = vector.broadcast %add3A_1345 : i32 to vector<16xi32>
      %add3A_1347 = arith.addi %add3A_30, %add3A_1346 : vector<16xi32>
      %gt3A_1348 = arith.constant 5.000000e-01 : f32
      %gt3A_1349 = vector.broadcast %gt3A_1348 : f32 to vector<16xf32>
      %gt3A_1350 = arith.cmpf ogt, %scan3A_1210, %gt3A_1349 : vector<16xf32>
      tpu.vector_store_idx %arg9[%scan3A_1211], %add3A_1347 masked %gt3A_1350 : memref<8128xi32, #tpu.memory_space<vmem>>[vector<16xi32>], vector<16xi32>, vector<16xi1>
      scf.yield %get3A_1219, %get3A_1221, %get3A_1225, %get3A_1227, %get3A_1231, %get3A_1233, %get3A_1237, %get3A_1239, %get3A_1243, %get3A_1245, %get3A_1249, %get3A_1251, %get3A_1255, %get3A_1257, %get3A_1261, %get3A_1263 : vector<16xf32>, vector<16xi32>, vector<16xf32>, vector<16xi32>, vector<16xf32>, vector<16xi32>, vector<16xf32>, vector<16xi32>, vector<16xf32>, vector<16xi32>, vector<16xf32>, vector<16xi32>, vector<16xf32>, vector<16xi32>, vector<16xf32>, vector<16xi32>
    }
    %scan3A_1194 = arith.constant 128 : i32
    "tpu.region"() ({
      %run_scoped3A = tpu.sem_alloc : memref<!tpu.dma_semaphore, #tpu.memory_space<semaphore_mem>>
      %dma_start3A_1195 = arith.constant 0 : i32
      %dma_start3A_1196 = tpu.memref_slice %arg4[%add3A, %dma_start3A_1195] : memref<32x8128xi32, #tpu.memory_space<hbm>> -> memref<1x8128xi32, #tpu.memory_space<hbm>>
      %dma_start3A_1197 = tpu.memref_squeeze %dma_start3A_1196 : memref<1x8128xi32, #tpu.memory_space<hbm>> -> memref<8128xi32, #tpu.memory_space<hbm>>
      %dma_start3A_1198 = arith.constant 0 : i32
      %dma_start3A_1199 = tpu.memref_slice %arg4[%add3A, %dma_start3A_1198] : memref<32x8128xi32, #tpu.memory_space<hbm>> -> memref<1x8128xi32, #tpu.memory_space<hbm>>
      %dma_start3A_1200 = tpu.memref_squeeze %dma_start3A_1199 : memref<1x8128xi32, #tpu.memory_space<hbm>> -> memref<8128xi32, #tpu.memory_space<hbm>>
      tpu.enqueue_dma source(%arg9 : memref<8128xi32, #tpu.memory_space<vmem>>) target(%dma_start3A_1200 : memref<8128xi32, #tpu.memory_space<hbm>>) target_semaphore(%run_scoped3A : memref<!tpu.dma_semaphore, #tpu.memory_space<semaphore_mem>>)
      %dma_wait3A_1201 = arith.constant 0 : i32
      %dma_wait3A_1202 = tpu.memref_slice %arg4[%add3A, %dma_wait3A_1201] : memref<32x8128xi32, #tpu.memory_space<hbm>> -> memref<1x8128xi32, #tpu.memory_space<hbm>>
      %dma_wait3A_1203 = tpu.memref_squeeze %dma_wait3A_1202 : memref<1x8128xi32, #tpu.memory_space<hbm>> -> memref<8128xi32, #tpu.memory_space<hbm>>
      %dma_wait3A_1204 = arith.constant 0 : i32
      %dma_wait3A_1205 = tpu.memref_slice %arg4[%add3A, %dma_wait3A_1204] : memref<32x8128xi32, #tpu.memory_space<hbm>> -> memref<1x8128xi32, #tpu.memory_space<hbm>>
      %dma_wait3A_1206 = tpu.memref_squeeze %dma_wait3A_1205 : memref<1x8128xi32, #tpu.memory_space<hbm>> -> memref<8128xi32, #tpu.memory_space<hbm>>
      tpu.wait_dma2 semaphore(%run_scoped3A : memref<!tpu.dma_semaphore, #tpu.memory_space<semaphore_mem>>) src(%arg9 : memref<8128xi32, #tpu.memory_space<vmem>>) dst(%dma_wait3A_1206 : memref<8128xi32, #tpu.memory_space<hbm>>)
      tpu.yield
    }) : () -> ()
    return
  }
}

</mosaic_0001>

<sc_bundles>
// kernel: _sc_scatter.3.cloned.1.call-start
scs
__scs_entry_jumppad:
0x0: {  	(pc) =	sbr.rel $0x88, $3  }
0x1: {  	(tag) =	ssettag $0x0;
	lr =	simm.s32 $0x1  }
0x2: {  	[smem:$0x3F9F] =	sst lr;
	_ =	strace $0xD0000000  }
0x3: {  	_ = 	snop  }
0x4: {  	_ = 	snop  }
0x5: {  	_ = 	snop  }
0x6: {  	_ = 	snop  }
0x7: {  	_ = 	snop  }
__scs_overlays_trampoline_lowered:
0x8: {  	[smem:$0x3FAE] =	sst s0  }
0x9: {  	[smem:$0x3FAF] =	sst s1  }
0xa: {  	[smem:$0x3FB0] =	sst s2  }
0xb: {  	[smem:$0x3FB1] =	sst s3  }
0xc: {  	[smem:$0x3FB2] =	sst s4  }
0xd: {  	[smem:$0x3FB3] =	sst s5  }
0xe: {  	[smem:$0x3FB4] =	sst s6  }
0xf: {  	[smem:$0x3FB5] =	sst s7  }
0x10: {  	[smem:$0x3FB6] =	sst s8  }
0x11: {  	[smem:$0x3FB7] =	sst s9;
	s0 =	simm.s32 @!p0 $0x0  }
0x12: {  	s1 =	sld [smem:$0x3F9D];
	s0 =	simm.s32 @p0 $0x1  }
0x13: {  	[smem:$0x3FB8] =	sst s0;
	s0 =	simm.s32 @!p1 $0x0  }
0x14: {  	s2 =	sld [smem:$0x3F9C];
	s0 =	simm.s32 @p1 $0x1  }
0x15: {  	[smem:$0x3FB9] =	sst s0;
	s0 =	simm.s32 @!p2 $0x0  }
0x16: {  	s3 =	sld [smem:$0x3FDB];
	s0 =	simm.s32 @p2 $0x1  }
0x17: {  	s4 =	simm.s32 $0x1BF5;
	[smem:$0x3FBB] =	sst s0  }
0x18: {  	s0 =	sld [smem:$0x3F9E];
	_ =	swait.ge [sflag:s4], $0x0  }
0x19: {  	s7 =	sld [smem:$0x3F9F]  }
0x1a: {  	s8 =	sadd.s32 $0xFFFFE003, lr  }
0x1b: {  	s9 =	sadd.s32 $0xFFFFFEF7, lr;
	s5 =	simm.s32 $0xFFFFFFFF;
	p2 =	slt.u32 s8, $0xFFFFF086  }
0x1c: {  	p1 =	slt.u32 s9, $0xF7A;
	s5 =	simm.s32 @!p2 $0x0  }
0x1d: {  	s5 =	simm.s32 @p1 $0x1;
	p0 =	seq.s32 s7, s2  }
0x1e: {  	s7 =	smul.u32 @!p0 $0xF7A, s2;
	p2 =	seq.s32 @!p0 s5, $0x0  }
0x1f: {  	s9 =	smul.u32 $0xF7A, s1;
	s8 =	simm.s32 @!p0 $0x1BF5;
	p2 =	por !p2, p0  }
0x20: {  	[sflag:s8] =	ssyncset.s32 @!p0 $0xFFFFF086;
	s6 =	sadd.s32 @!p0 s3, s7;
	s7 =	simm.s32 @!p0 $0x108  }
0x21: {  	s3 =	sadd.s32 s3, s9;
	s6 =	sadd.s32 @!p0 $0x88, s6;
	s7 =	simm.s32 @p2 $0x1082  }
0x22: {  	[simem:s7], [sflag:s8] =	dma.local @!p0 [hbm:s6], $0xF7A  }
0x23: {  	s9 =	sor.u32 $0xD0000000, s2;
	s6 =	simm.s32 $0x108;
	_ =	swait.ge @!p0 [sflag:s8], $0x0  }
0x24: {  	s3 =	sadd.s32 $0x88, s3;
	s6 =	simm.s32 @!p1 $0x1082;
	[sflag:s4] =	ssyncset.s32 $0xFFFFF086  }
0x25: {  	[simem:s6], [sflag:s4] =	dma.local [hbm:s3], $0xF7A  }
0x26: {  	[smem:$0x3F9F] =	sst s1;
	(tag) =	ssettag s2;
	_ =	strace s9  }
0x27: {  	s1 =	sld [smem:$0x3FAF]  }
0x28: {  	s2 =	sld [smem:$0x3FB0]  }
0x29: {  	s4 =	sld [smem:$0x3FB2]  }
0x2a: {  	p0 =	seq.s32 s5, $0x0;
	s5 =	sld [smem:$0x3FB3]  }
0x2b: {  	s6 =	sld [smem:$0x3FB4]  }
0x2c: {  	s7 =	sld [smem:$0x3FB5]  }
0x2d: {  	s3 =	simm.s32 $0x108;
	s8 =	sld [smem:$0x3FB6]  }
0x2e: {  	s3 =	simm.s32 @!p0 $0x1082;
	s9 =	sld [smem:$0x3FB7]  }
0x2f: {  	lr =	sadd.s32 s0, s3;
	s0 =	sld [smem:$0x3FAE]  }
0x30: {  	s3 =	sld [smem:$0x3FB1]  }
0x31: {  	[smem:$0x3FBA] =	sst s10  }
0x32: {  	s10 =	sld [smem:$0x3FB8];
	_ =	sdelay $0x3  }
0x33: {  	p0 =	seq.s32 s10, $0x1;
	s10 =	sld [smem:$0x3FBA];
	_ =	sdelay $0x3  }
0x34: {  	[smem:$0x3FBA] =	sst s10  }
0x35: {  	s10 =	sld [smem:$0x3FB9];
	_ =	sdelay $0x3  }
0x36: {  	p1 =	seq.s32 s10, $0x1;
	s10 =	sld [smem:$0x3FBA];
	_ =	sdelay $0x3  }
0x37: {  	[smem:$0x3FBA] =	sst s10  }
0x38: {  	s10 =	sld [smem:$0x3FBB]  }
0x39: {  	_ = 	snop;
	(pc) =	sbr.ind lr, $3  }
0x3a: {  	_ = 	snop  }
0x3b: {  	_ = 	snop  }
0x3c: {  	p2 =	seq.s32 s10, $0x1;
	s10 =	sld [smem:$0x3FBA]  }
0x3d: {  	_ =	shalt  }
0x3e: {  	_ =	shalt  }
0x3f: {  	_ =	shalt  }
0x40: {  	_ =	shalt  }
0x41: {  	_ =	shalt  }
0x42: {  	_ =	shalt  }
0x43: {  	_ =	shalt  }
0x44: {  	_ =	shalt  }
0x45: {  	_ =	shalt  }
0x46: {  	_ =	shalt  }
0x47: {  	_ =	shalt  }
0x48: {  	_ =	shalt  }
0x49: {  	_ =	shalt  }
0x4a: {  	_ =	shalt  }
0x4b: {  	_ =	shalt  }
0x4c: {  	_ =	shalt  }
0x4d: {  	_ =	shalt  }
0x4e: {  	_ =	shalt  }
0x4f: {  	_ =	shalt  }
0x50: {  	_ =	shalt  }
0x51: {  	_ =	shalt  }
0x52: {  	_ =	shalt  }
0x53: {  	_ =	shalt  }
0x54: {  	_ =	shalt  }
0x55: {  	_ =	shalt  }
0x56: {  	_ =	shalt  }
0x57: {  	_ =	shalt  }
0x58: {  	_ =	shalt  }
0x59: {  	_ =	shalt  }
0x5a: {  	_ =	shalt  }
0x5b: {  	_ =	shalt  }
0x5c: {  	_ =	shalt  }
0x5d: {  	_ =	shalt  }
0x5e: {  	_ =	shalt  }
0x5f: {  	_ =	shalt  }
0x60: {  	_ =	shalt  }
0x61: {  	_ =	shalt  }
0x62: {  	_ =	shalt  }
0x63: {  	_ =	shalt  }
0x64: {  	_ =	shalt  }
0x65: {  	_ =	shalt  }
0x66: {  	_ =	shalt  }
0x67: {  	_ =	shalt  }
0x68: {  	_ =	shalt  }
0x69: {  	_ =	shalt  }
0x6a: {  	_ =	shalt  }
0x6b: {  	_ =	shalt  }
0x6c: {  	_ =	shalt  }
0x6d: {  	_ =	shalt  }
0x6e: {  	_ =	shalt  }
0x6f: {  	_ =	shalt  }
0x70: {  	_ =	shalt  }
0x71: {  	_ =	shalt  }
0x72: {  	_ =	shalt  }
0x73: {  	_ =	shalt  }
0x74: {  	_ =	shalt  }
0x75: {  	_ =	shalt  }
0x76: {  	_ =	shalt  }
0x77: {  	_ =	shalt  }
0x78: {  	_ =	shalt  }
0x79: {  	_ =	shalt  }
0x7a: {  	_ =	shalt  }
0x7b: {  	_ =	shalt  }
0x7c: {  	_ =	shalt  }
0x7d: {  	_ =	shalt  }
0x7e: {  	_ =	shalt  }
0x7f: {  	_ =	shalt  }
0x80: {  	_ =	shalt  }
0x81: {  	_ =	shalt  }
0x82: {  	_ =	shalt  }
0x83: {  	_ =	shalt  }
0x84: {  	_ =	shalt  }
0x85: {  	_ =	shalt  }
0x86: {  	_ =	shalt  }
0x87: {  	_ =	shalt  }
.Lfunc_end0:
.L_simem_size_0:
called_computation_lowered:
.L_overlay_start_0:
0x88: {  	s2 =	sld [smem:$0x3FD9]  }
0x89: {  	s3 =	sld [smem:$0x3FFE];
	_ =	sdelay $0x1  }
0x8a: {  	s1 =	srdreg.scid  }
0x8b: {  	s0 =	sand.u32 $0x1, s1  }
0x8c: {  	s18 =	sshll.u32 s0, $0xA;
	s2 =	sadd.s32 s3, s2  }
0x8d: {  	s2 =	sadd.s32 s2, s18  }
0x8e: {  	[smem:$0x3FC6] =	sst s2  }
0x8f: {  	_ = 	snop  }
0x90: {  	s2 =	sld [smem:$0x3FC9]  }
0x91: {  	s19 =	sld [smem:$0x3FC8]  }
0x92: {  	s4 =	sld [smem:$0x3FD0];
	(tm) =	ssettm $0x1  }
0x93: {  	s5 =	sld [smem:$0x3FFB];
	_ =	sdelay $0x3  }
0x94: {  	_ =	strace s5  }
0x95: {  	s5 =	sld [smem:$0x3FFC];
	_ =	sdelay $0x3  }
0x96: {  	_ =	strace s5  }
0x97: {  	s5 =	sld [smem:$0x3FFD];
	_ =	sdelay $0x3  }
0x98: {  	_ =	strace s5  }
0x99: {  	_ =	strace $0x8FFFFFFF  }
0x9a: {  	s20 =	sld [smem:$0x3FDB];
	_ =	sdelay $0x1  }
0x9b: {  	s6 =	simm.s32 $_scs_section_size  }
0x9c: {  	s7 =	simm.s32 $_size__tile_overlayer_lowered;
	s8 =	simm.s32 $_tile_overlayer_lowered  }
0x9d: {  	s23 =	simm.s32 $0x1BFF;
	s22 =	sshll.u32 s8, $0x1;
	s5 =	sadd.s32 s6, s20  }
0x9e: {  	s9 =	simm.s32 $0x0;
	s21 =	sshll.u32 s7, $0x1;
	s7 =	sadd.s32 s22, s5  }
0x9f: {  	[timem:s9], [sflag:s23] =	dma.local [hbm:s7], s21  }
0xa0: {  	_ =	swait.ge [sflag:s23], s21  }
0xa1: {  	s6 =	ssub.s32 $0x0, s21;
	[sflag:s23] =	ssyncset.done $0x0  }
0xa2: {  	[sflag:s23] =	ssyncadd.s32 s6;
	_ =	sdelay $0x1  }
0xa3: {  	s24 =	simm.s32 $0x1B8B  }
0xa4: {  	_ =	swait.ge [sflag:s24], $0x1  }
0xa5: {  	[sflag:s24] =	ssyncset.done $0x0  }
0xa6: {  	s25 =	simm.s32 $0x1B8E;
	[sflag:s24] =	ssyncadd.s32 $0xFFFFFFFF  }
0xa7: {  	s26 =	simm.s32 $execute0_lowered;
	[smem:$0x3FD2] =	sst s25  }
0xa8: {  	s6 =	sshll.u32 s26, $0x1;
	_ =	strace $0x80000046;
	[dreg:$0x1] =	wrdreg $0xFFFFFFFF  }
0xa9: {  	s28 =	simm.s32 $_size_execute0_lowered;
	s5 =	sadd.s32 s5, s6;
	[dreg:$0x0] =	wrdreg $0x0  }
0xaa: {  	s6 =	sshll.u32 s28, $0x1;
	[dreg:$0x2] =	wrdreg s5  }
0xab: {  	[dreg:$0x3] =	wrdreg s6  }
0xac: {  	[dreg:$0x4] =	wrdreg $0xC0  }
0xad: {  	_ =	task [dreg:s9], $0x5FFFF  }
0xae: {  	[dreg:$0x1] =	wrdreg $0xFFFFFFFF  }
0xaf: {  	[dreg:$0x0] =	wrdreg $0x60  }
0xb0: {  	[dreg:$0x2] =	wrdreg s2  }
0xb1: {  	[dreg:$0x3] =	wrdreg s19  }
0xb2: {  	[dreg:$0x4] =	wrdreg s4  }
0xb3: {  	[dreg:$0x5] =	wrdreg $0x9  }
0xb4: {  	_ =	task.clear_ibuf [dreg:s9], $0x6FFFF;
	_ =	strace $0x90000046  }
0xb5: {  	s29 =	simm.s32 $0x9;
	_ =	strace $0x80000048  }
0xb6: {  	_ =	swait.ge [sflag:s29], $0x1  }
0xb7: {  	[sflag:s29] =	ssyncadd.s32 $0xFFFFFFFF  }
0xb8: {  	_ =	strace $0x90000048  }
0xb9: {  	_ =	sfence  }
0xba: {  	s30 =	sld [smem:$0x0];
	_ =	sdelay $0x2  }
0xbb: {  	s31 =	sshll.u32 s1, $0xD;
	s1 =	sshrl.u32 s1, $0x2  }
0xbc: {  	s3 =	sand.u32 $0x4000, s31;
	s1 =	sadd.s32 s1, s30  }
0xbd: {  	s0 =	sor.u32 s3, s0;
	s1 =	sshll.u32 s1, $0x11  }
0xbe: {  	s0 =	sor.u32 s1, s0  }
0xbf: {  	s0 =	sadd.s32 $0x8F2B, s0  }
0xc0: {  	[sflag:s0] =	ssyncadd.remote.s32 $0x1  }
0xc1: {  	_ =	sfence.sel $0xFFFF  }
0xc2: {  	[dreg:$0x0] =	wrdreg $0xFFFFFFFF;
	(pc) =	sbr.abs _section_cstart, $3  }
0xc3: {  	[dreg:$0x1] =	wrdreg $0xFFFFFFFF  }
0xc4: {  	_ =	task.clear_ibuf [dreg:s9], $0x2FFFF;
	_ =	strace $0x9FFFFFFF  }
0xc5: {  	(tm) =	ssettm $0x7FFFFFFF  }
tec
execute0_lowered:
.L_overlay_start_1:
0x0: {  	(tag) =	ssettag $0x1  }
0x1: {  	s0 =	srdreg.scid;
	s5 =	rddreg [dreg:$0x0]  }
0x2: {  	s9 =	stileid.u32;
	s10 =	rddreg [dreg:$0x1]  }
0x3: {  	s6 =	rddreg [dreg:$0x2];
	s0 =	sand.u32 $0x1, s0;
	s1 =	sshll.u32 s9, $0x1  }
0x4: {  	s3 =	sshrl.u32 s9, $0x2;
	s26 =	sadd.s32 $0x800, s10;
	s12 =	sadd.s32 $0x1000, s10  }
0x5: {  	s14 =	sadd.s32 $0x1800, s10;
	s16 =	sadd.s32 $0x2000, s10;
	s1 =	sor.u32 s0, s1  }
0x6: {  	s18 =	sadd.s32 $0x2800, s10;
	s20 =	sadd.s32 $0x3000, s10;
	s2 =	sshll.u32 s1, $0x2  }
0x7: {  	s22 =	sadd.s32 $0x3800, s10;
	s24 =	sshll.u32 s9, $0xB;
	s2 =	sand.u32 $0x1C, s2  }
0x8: {  	s29 =	sadd.s32 $0x5000, s10;
	s2 =	sor.u32 s3, s2;
	s3 =	simm.s32 $0x0  }
0x9: {  	s31 =	sadd.s32 $0x5800, s10;
	s9 =	simm.s32 $0x400;
	[smem:$0x7FF] =	sst s3  }
0xa: {  	s0 =	ssub.s32 $0x2, s0;
	_ =	strace $0x80000047;
	[dreg:$0x5] =	wrdreg s26  }
0xb: {  	s8 =	sshrl.u32 s0, $0x1;
	s1 =	sshll.u32 s1, $0x4;
	[dreg:$0x7] =	wrdreg s12  }
0xc: {  	s0 =	ssub.s32 s0, s8;
	s1 =	sand.u32 $0x70, s1;
	[dreg:$0x9] =	wrdreg s14  }
0xd: {  	s7 =	sshll.u32 s2, $0x12;
	s2 =	sshll.u32 s2, $0x7;
	[dreg:$0xb] =	wrdreg s16  }
0xe: {  	s8 =	simm.s32 $0x80;
	s4 =	sor.u32 s2, s7;
	[dreg:$0xd] =	wrdreg s18  }
0xf: {  	s2 =	sand.u32 $0x380, s2;
	[dreg:$0xf] =	wrdreg s20;
	s4 =	sand.u32 $0x600380, s4  }
0x10: {  	[dreg:$0x11] =	wrdreg s22;
	s26 =	sadd.s32 $0x4000, s10;
	s4 =	sshrl.u32 s4, $0x3  }
0x11: {  	s12 =	simm.s32 $0x4080;
	s14 =	simm.s32 $0x10200;
	s4 =	sadd.s32 s5, s4  }
0x12: {  	s16 =	simm.s32 $0x3;
	[dreg:$0x15] =	wrdreg s26;
	s25 =	sadd.s32 $0x4000, s4  }
0x13: {  	s2 =	sor.u32 s7, s2;
	s11 =	sadd.s32 $0x8000, s4;
	[dreg:$0x4] =	wrdreg s25  }
0x14: {  	s26 =	sadd.s32 $0x4800, s10;
	s13 =	sadd.s32 $0xC000, s4;
	[dreg:$0x6] =	wrdreg s11  }
0x15: {  	s2 =	sshrl.u32 s2, $0x3;
	s15 =	sadd.s32 $0x10000, s4;
	[dreg:$0x8] =	wrdreg s13  }
0x16: {  	s23 =	sor.u32 $0x38000, s2;
	s17 =	sadd.s32 $0x14000, s4;
	[dreg:$0xa] =	wrdreg s15  }
0x17: {  	s2 =	sor.u32 $0x3C000, s2;
	s19 =	sadd.s32 $0x18000, s4;
	[dreg:$0xc] =	wrdreg s17  }
0x18: {  	s21 =	sadd.s32 $0x1C000, s4;
	s7 =	sadd.s32 s5, s23;
	[dreg:$0xe] =	wrdreg s19  }
0x19: {  	s2 =	sadd.s32 s5, s2;
	s28 =	sadd.s32 $0x28000, s4;
	[dreg:$0x10] =	wrdreg s21  }
0x1a: {  	s30 =	sadd.s32 $0x2C000, s4;
	s5 =	sadd.s32 $0x6800, s10;
	[dreg:$0x12] =	wrdreg s7  }
0x1b: {  	[dreg:$0x13] =	wrdreg s2;
	s25 =	sadd.s32 $0x20000, s4;
	s2 =	sand.u32 $0x6000, s24  }
0x1c: {  	s24 =	sadd.s32 $0x24000, s4;
	s7 =	sadd.s32 $0x7800, s10;
	s11 =	simm.s32 $0x1  }
0x1d: {  	s13 =	simm.s32 $0xC180;
	s15 =	simm.s32 $0x2;
	s17 =	simm.s32 $0x0  }
0x1e: {  	[dreg:$0x14] =	wrdreg s25;
	s2 =	sadd.s32 s6, s2;
	s25 =	smax.u32 s0, $0x1  }
0x1f: {  	v1 =	vlaneseq.u32;
	s0 =	sadd.s32 $0x6000, s10;
	s6 =	sadd.s32 $0x7000, s10;
	s10 =	simm.s32 $0x8100  }
0x20: {  	v0 =	vimm.s32 $0x0;
	v1 =	vadd.s32 $0x1, v1;
	s23 =	sadd.s32 s1, s2;
	s1 =	sadd.s32 $0x30000, s4;
	s2 =	sadd.s32 $0x34000, s4  }
.LBB2_1:
0x21: {  	[tilespmem:s3], [sflag:$0x1] =	stream.strided.gather [hbm4b:s4+s8], $0x4000, s9, s8, $0x38;
	[tilespmem:$0x12200] =	vst v63  }
0x22: {  	s18 =	rddreg [dreg:$0x1]  }
0x23: {  	[tilespmem:s10], [sflag:$0x1] =	stream.linear.gather [hbm4b:s18+s3], $0x4000, $0x38;
	[tilespmem:$0x12200] =	vst v63  }
0x24: {  	s19 =	simm.s32 $0x0;
	s18 =	simm.s32 $0x40  }
.LBB2_2:
0x25: {  	p0 =	sne.s32 s18, $0x7EC0;
	[tilespmem:s19+$0x10200] =	vst v0;
	s19 =	smov.u32 s18;
	s18 =	sadd.s32 $0x40, s18  }
.Ltmp0:
0x26: {  	(pc) =	sbr.rel @p0 .LBB2_2-.Ltmp0, $2  }
0x27: {  	_ =	sdelay $0x2  }
0x28: {  	s19 =	sshra.s32 s19, $0x2  }
0x29: {  	[tilespmem:s19+$0x10200] =	vst v0  }
0x2a: {  	_ =	swait.ge [sflag:s11], $0x4000  }
0x2b: {  	[sflag:s11] =	ssyncset.done $0x0  }
0x2c: {  	[sflag:s11] =	ssyncadd.s32 $0xFFFFC000  }
0x2d: {  	_ =	swait.ge [sflag:s11], $0x4000  }
0x2e: {  	[sflag:s11] =	ssyncset.done $0x0  }
0x2f: {  	s18 =	rddreg [dreg:$0x4];
	[sflag:s11] =	ssyncadd.s32 $0xFFFFC000  }
0x30: {  	[tilespmem:s12], [sflag:$0x2] =	stream.strided.gather [hbm4b:s18+s8], $0x4000, s9, s8, $0x38;
	[tilespmem:$0x12200] =	vst v63  }
0x31: {  	s20 =	rddreg [dreg:$0x5]  }
0x32: {  	[tilespmem:s13], [sflag:$0x2] =	stream.linear.gather [hbm4b:s20+s3], $0x4000, $0x38;
	[tilespmem:$0x12200] =	vst v63  }
0x33: {  	v5 =	vld [tilespmem:$0x0]  }
0x34: {  	v19 =	vld [tilespmem:$0x8100]  }
0x35: {  	v10 =	vld [tilespmem:$0x10]  }
0x36: {  	v20 =	vld [tilespmem:$0x8110]  }
0x37: {  	v17 =	vld [tilespmem:$0x20]  }
0x38: {  	v21 =	vld [tilespmem:$0x8120]  }
0x39: {  	v18 =	vld [tilespmem:$0x30]  }
0x3a: {  	v22 =	vld [tilespmem:$0x8130]  }
0x3b: {  	v23 =	vld [tilespmem:$0x40]  }
0x3c: {  	v24 =	vld [tilespmem:$0x8140]  }
0x3d: {  	v25 =	vld [tilespmem:$0x50]  }
0x3e: {  	v26 =	vld [tilespmem:$0x8150]  }
0x3f: {  	v27 =	vld [tilespmem:$0x60]  }
0x40: {  	v28 =	vld [tilespmem:$0x8160]  }
0x41: {  	v29 =	vld [tilespmem:$0x70]  }
0x42: {  	s18 =	simm.s32 $0xF0;
	v2 =	vld [tilespmem:$0x8170]  }
0x43: {  	s19 =	simm.s32 $0x81F0;
	v3 =	vld [tilespmem:s18+$0xFFFFFF90]  }
0x44: {  	v4 =	vld [tilespmem:s19+$0x0]  }
0x45: {  	v6 =	vld [tilespmem:s18+$0x0]  }
0x46: {  	v7 =	vld [tilespmem:s19+$0xFFFFFFF0]  }
0x47: {  	v8 =	vld [tilespmem:s18+$0xFFFFFFF0]  }
0x48: {  	v9 =	vld [tilespmem:s19+$0xFFFFFFE0]  }
0x49: {  	v11 =	vld [tilespmem:s18+$0xFFFFFFE0]  }
0x4a: {  	v12 =	vld [tilespmem:s19+$0xFFFFFFD0]  }
0x4b: {  	v13 =	vld [tilespmem:s18+$0xFFFFFFD0]  }
0x4c: {  	v15 =	vld [tilespmem:s19+$0xFFFFFFC0];
	vm0 =	vgt.f32 v5, $5.000000000e-01  }
0x4d: {  	v14 =	vld [tilespmem:s18+$0xFFFFFFC0];
	vm1 =	vgt.f32 v10, $5.000000000e-01  }
0x4e: {  	v16 =	vld [tilespmem:s19+$0xFFFFFFB0];
	vm2 =	vgt.f32 v17, $5.000000000e-01  }
0x4f: {  	v5 =	vld [tilespmem:s18+$0xFFFFFFB0];
	vm3 =	vgt.f32 v18, $5.000000000e-01  }
0x50: {  	s20 =	simm.s32 $0x0;
	v17 =	vld [tilespmem:s19+$0xFFFFFFA0];
	vm4 =	vgt.f32 v23, $5.000000000e-01  }
0x51: {  	s21 =	simm.s32 $0x10;
	v63 =	vor.u32 s20, v1;
	v10 =	vld [tilespmem:s18+$0xFFFFFFA0];
	vm5 =	vgt.f32 v25, $5.000000000e-01  }
0x52: {  	s22 =	simm.s32 $0x20;
	v18 =	vld [tilespmem:s19+$0xFFFFFF90];
	vm6 =	vgt.f32 v27, $5.000000000e-01;
	[tilespmem:v19+s14+$0x0] =	vst.idx.msk vm0, v63;
	v19 =	vadd.s32 s21, v1  }
0x53: {  	s21 =	simm.s32 $0x30;
	vm0 =	vgt.f32 v29, $5.000000000e-01;
	[tilespmem:v20+s14+$0x0] =	vst.idx.msk vm1, v19;
	v19 =	vor.u32 s22, v1  }
0x54: {  	s22 =	simm.s32 $0x40;
	[tilespmem:v21+s14+$0x0] =	vst.idx.msk vm2, v19;
	v19 =	vadd.s32 s21, v1  }
0x55: {  	s21 =	simm.s32 $0x50;
	[tilespmem:v22+s14+$0x0] =	vst.idx.msk vm3, v19;
	v19 =	vor.u32 s22, v1  }
0x56: {  	s22 =	simm.s32 $0x60;
	[tilespmem:v24+s14+$0x0] =	vst.idx.msk vm4, v19;
	v19 =	vadd.s32 s21, v1  }
0x57: {  	s21 =	simm.s32 $0x70;
	[tilespmem:v26+s14+$0x0] =	vst.idx.msk vm5, v19;
	v19 =	vor.u32 s22, v1  }
0x58: {  	s20 =	simm.s32 $0xF0;
	[tilespmem:v28+s14+$0x0] =	vst.idx.msk vm6, v19;
	v19 =	vadd.s32 s21, v1  }
.LBB2_4:
0x59: {  	p0 =	sne.s32 s20, $0x3FF0;
	[tilespmem:v2+s14+$0x0] =	vst.idx.msk vm0, v19;
	s18 =	sadd.s32 $0x80, s18;
	s19 =	sadd.s32 $0x80, s19;
	v19 =	vmovc v3;
	v2 =	vmovc v4;
	v20 =	vmov v6;
	v21 =	vmov v7;
	v22 =	vmov v8  }
0x5a: {  	v23 =	vmovc v9;
	v24 =	vmovc v11;
	v25 =	vmov v12;
	v26 =	vmov v13;
	v27 =	vmov v15;
	s21 =	smov.u32 s20;
	s20 =	sadd.s32 $0x80, s20;
	v3 =	vld [tilespmem:s18+$0xFFFFFF90]  }
0x5b: {  	v28 =	vmovc v14;
	v29 =	vmov v16;
	v30 =	vmov v17;
	v31 =	vmov v18;
	v4 =	vld [tilespmem:s19+$0x0]  }
0x5c: {  	v6 =	vld [tilespmem:s18+$0x0]  }
0x5d: {  	v7 =	vld [tilespmem:s19+$0xFFFFFFF0]  }
0x5e: {  	v8 =	vld [tilespmem:s18+$0xFFFFFFF0]  }
0x5f: {  	v9 =	vld [tilespmem:s19+$0xFFFFFFE0]  }
0x60: {  	v11 =	vld [tilespmem:s18+$0xFFFFFFE0]  }
0x61: {  	v12 =	vld [tilespmem:s19+$0xFFFFFFD0]  }
0x62: {  	v13 =	vld [tilespmem:s18+$0xFFFFFFD0]  }
0x63: {  	v15 =	vld [tilespmem:s19+$0xFFFFFFC0]  }
0x64: {  	vm0 =	vgt.f32 v19, $5.000000000e-01;
	v14 =	vld [tilespmem:s18+$0xFFFFFFC0]  }
0x65: {  	vm1 =	vgt.f32 v10, $5.000000000e-01;
	v16 =	vld [tilespmem:s19+$0xFFFFFFB0]  }
0x66: {  	vm2 =	vgt.f32 v5, $5.000000000e-01;
	v5 =	vld [tilespmem:s18+$0xFFFFFFB0]  }
0x67: {  	vm3 =	vgt.f32 v28, $5.000000000e-01;
	v17 =	vld [tilespmem:s19+$0xFFFFFFA0]  }
0x68: {  	s22 =	sadd.s32 $0xFFFFFF90, s21;
	vm4 =	vgt.f32 v26, $5.000000000e-01;
	v10 =	vld [tilespmem:s18+$0xFFFFFFA0]  }
0x69: {  	vm5 =	vgt.f32 v24, $5.000000000e-01;
	v19 =	vor.u32 s22, v1;
	s22 =	sadd.s32 $0xFFFFFFA0, s21;
	v18 =	vld [tilespmem:s19+$0xFFFFFF90]  }
0x6a: {  	vm6 =	vgt.f32 v22, $5.000000000e-01;
	[tilespmem:v31+s14+$0x0] =	vst.idx.msk vm0, v19;
	v19 =	vadd.s32 s22, v1;
	s22 =	sadd.s32 $0xFFFFFFB0, s21  }
0x6b: {  	vm0 =	vgt.f32 v20, $5.000000000e-01;
	[tilespmem:v30+s14+$0x0] =	vst.idx.msk vm1, v19;
	v19 =	vor.u32 s22, v1;
	s22 =	sadd.s32 $0xFFFFFFC0, s21  }
.Ltmp1:
0x6c: {  	[tilespmem:v29+s14+$0x0] =	vst.idx.msk vm2, v19;
	v19 =	vadd.s32 s22, v1;
	s22 =	sadd.s32 $0xFFFFFFD0, s21;
	(pc) =	sbr.rel @p0 .LBB2_4-.Ltmp1, $4  }
0x6d: {  	[tilespmem:v27+s14+$0x0] =	vst.idx.msk vm3, v19;
	v19 =	vor.u32 s22, v1;
	s22 =	sadd.s32 $0xFFFFFFE0, s21  }
0x6e: {  	[tilespmem:v25+s14+$0x0] =	vst.idx.msk vm4, v19;
	v19 =	vadd.s32 s22, v1;
	s22 =	sadd.s32 $0xFFFFFFF0, s21  }
0x6f: {  	[tilespmem:v23+s14+$0x0] =	vst.idx.msk vm5, v19;
	v19 =	vor.u32 s22, v1  }
0x70: {  	[tilespmem:v21+s14+$0x0] =	vst.idx.msk vm6, v19;
	v19 =	vadd.s32 s21, v1  }
0x71: {  	_ =	sdelay $0x4  }
0x72: {  	[tilespmem:v2+s14+$0x0] =	vst.idx.msk vm0, v19  }
0x73: {  	_ =	swait.ge [sflag:s15], $0x4000  }
0x74: {  	[sflag:s15] =	ssyncset.done $0x0  }
0x75: {  	[sflag:s15] =	ssyncadd.s32 $0xFFFFC000  }
0x76: {  	_ =	swait.ge [sflag:s15], $0x4000  }
0x77: {  	[sflag:s15] =	ssyncset.done $0x0  }
0x78: {  	s18 =	rddreg [dreg:$0x6];
	[sflag:s15] =	ssyncadd.s32 $0xFFFFC000  }
0x79: {  	[tilespmem:s3], [sflag:$0x1] =	stream.strided.gather [hbm4b:s18+s8], $0x4000, s9, s8, $0x38;
	[tilespmem:$0x12200] =	vst v63  }
0x7a: {  	s20 =	rddreg [dreg:$0x7]  }
0x7b: {  	[tilespmem:s10], [sflag:$0x1] =	stream.linear.gather [hbm4b:s20+s3], $0x4000, $0x38;
	[tilespmem:$0x12200] =	vst v63  }
0x7c: {  	v5 =	vld [tilespmem:$0x4080]  }
0x7d: {  	v19 =	vld [tilespmem:$0xC180]  }
0x7e: {  	v10 =	vld [tilespmem:$0x4090]  }
0x7f: {  	v20 =	vld [tilespmem:$0xC190]  }
0x80: {  	v17 =	vld [tilespmem:$0x40A0]  }
0x81: {  	v21 =	vld [tilespmem:$0xC1A0]  }
0x82: {  	v18 =	vld [tilespmem:$0x40B0]  }
0x83: {  	v22 =	vld [tilespmem:$0xC1B0]  }
0x84: {  	v23 =	vld [tilespmem:$0x40C0]  }
0x85: {  	v24 =	vld [tilespmem:$0xC1C0]  }
0x86: {  	v25 =	vld [tilespmem:$0x40D0]  }
0x87: {  	v26 =	vld [tilespmem:$0xC1D0]  }
0x88: {  	v27 =	vld [tilespmem:$0x40E0]  }
0x89: {  	v28 =	vld [tilespmem:$0xC1E0]  }
0x8a: {  	v29 =	vld [tilespmem:$0x40F0]  }
0x8b: {  	s18 =	simm.s32 $0x4170;
	v2 =	vld [tilespmem:$0xC1F0]  }
0x8c: {  	s19 =	simm.s32 $0xC270;
	v3 =	vld [tilespmem:s18+$0xFFFFFF90]  }
0x8d: {  	v4 =	vld [tilespmem:s19+$0x0]  }
0x8e: {  	v6 =	vld [tilespmem:s18+$0x0]  }
0x8f: {  	v7 =	vld [tilespmem:s19+$0xFFFFFFF0]  }
0x90: {  	v8 =	vld [tilespmem:s18+$0xFFFFFFF0]  }
0x91: {  	v9 =	vld [tilespmem:s19+$0xFFFFFFE0]  }
0x92: {  	v11 =	vld [tilespmem:s18+$0xFFFFFFE0]  }
0x93: {  	v12 =	vld [tilespmem:s19+$0xFFFFFFD0]  }
0x94: {  	v13 =	vld [tilespmem:s18+$0xFFFFFFD0]  }
0x95: {  	v15 =	vld [tilespmem:s19+$0xFFFFFFC0];
	vm0 =	vgt.f32 v5, $5.000000000e-01  }
0x96: {  	v14 =	vld [tilespmem:s18+$0xFFFFFFC0];
	vm1 =	vgt.f32 v10, $5.000000000e-01  }
0x97: {  	v16 =	vld [tilespmem:s19+$0xFFFFFFB0];
	vm2 =	vgt.f32 v17, $5.000000000e-01  }
0x98: {  	v5 =	vld [tilespmem:s18+$0xFFFFFFB0];
	vm3 =	vgt.f32 v18, $5.000000000e-01  }
0x99: {  	s20 =	simm.s32 $0x4000;
	v17 =	vld [tilespmem:s19+$0xFFFFFFA0];
	vm4 =	vgt.f32 v23, $5.000000000e-01  }
0x9a: {  	s21 =	simm.s32 $0x4010;
	v63 =	vor.u32 s20, v1;
	v10 =	vld [tilespmem:s18+$0xFFFFFFA0];
	vm5 =	vgt.f32 v25, $5.000000000e-01  }
0x9b: {  	s22 =	simm.s32 $0x4020;
	v18 =	vld [tilespmem:s19+$0xFFFFFF90];
	vm6 =	vgt.f32 v27, $5.000000000e-01;
	[tilespmem:v19+s14+$0x0] =	vst.idx.msk vm0, v63;
	v19 =	vadd.s32 s21, v1  }
0x9c: {  	s21 =	simm.s32 $0x4030;
	vm0 =	vgt.f32 v29, $5.000000000e-01;
	[tilespmem:v20+s14+$0x0] =	vst.idx.msk vm1, v19;
	v19 =	vor.u32 s22, v1  }
0x9d: {  	s22 =	simm.s32 $0x4040;
	[tilespmem:v21+s14+$0x0] =	vst.idx.msk vm2, v19;
	v19 =	vadd.s32 s21, v1  }
0x9e: {  	s21 =	simm.s32 $0x4050;
	[tilespmem:v22+s14+$0x0] =	vst.idx.msk vm3, v19;
	v19 =	vor.u32 s22, v1  }
0x9f: {  	s22 =	simm.s32 $0x4060;
	[tilespmem:v24+s14+$0x0] =	vst.idx.msk vm4, v19;
	v19 =	vadd.s32 s21, v1  }
0xa0: {  	s21 =	simm.s32 $0x4070;
	[tilespmem:v26+s14+$0x0] =	vst.idx.msk vm5, v19;
	v19 =	vor.u32 s22, v1  }
0xa1: {  	s20 =	simm.s32 $0x40F0;
	[tilespmem:v28+s14+$0x0] =	vst.idx.msk vm6, v19;
	v19 =	vadd.s32 s21, v1  }
.LBB2_6:
0xa2: {  	p0 =	sne.s32 s20, $0x7FF0;
	[tilespmem:v2+s14+$0x0] =	vst.idx.msk vm0, v19;
	s18 =	sadd.s32 $0x80, s18;
	s19 =	sadd.s32 $0x80, s19;
	v19 =	vmovc v3;
	v2 =	vmovc v4;
	v20 =	vmov v6;
	v21 =	vmov v7;
	v22 =	vmov v8  }
0xa3: {  	v23 =	vmovc v9;
	v24 =	vmovc v11;
	v25 =	vmov v12;
	v26 =	vmov v13;
	v27 =	vmov v15;
	s21 =	smov.u32 s20;
	s20 =	sadd.s32 $0x80, s20;
	v3 =	vld [tilespmem:s18+$0xFFFFFF90]  }
0xa4: {  	v28 =	vmovc v14;
	v29 =	vmov v16;
	v30 =	vmov v17;
	v31 =	vmov v18;
	v4 =	vld [tilespmem:s19+$0x0]  }
0xa5: {  	v6 =	vld [tilespmem:s18+$0x0]  }
0xa6: {  	v7 =	vld [tilespmem:s19+$0xFFFFFFF0]  }
0xa7: {  	v8 =	vld [tilespmem:s18+$0xFFFFFFF0]  }
0xa8: {  	v9 =	vld [tilespmem:s19+$0xFFFFFFE0]  }
0xa9: {  	v11 =	vld [tilespmem:s18+$0xFFFFFFE0]  }
0xaa: {  	v12 =	vld [tilespmem:s19+$0xFFFFFFD0]  }
0xab: {  	v13 =	vld [tilespmem:s18+$0xFFFFFFD0]  }
0xac: {  	v15 =	vld [tilespmem:s19+$0xFFFFFFC0]  }
0xad: {  	vm0 =	vgt.f32 v19, $5.000000000e-01;
	v14 =	vld [tilespmem:s18+$0xFFFFFFC0]  }
0xae: {  	vm1 =	vgt.f32 v10, $5.000000000e-01;
	v16 =	vld [tilespmem:s19+$0xFFFFFFB0]  }
0xaf: {  	vm2 =	vgt.f32 v5, $5.000000000e-01;
	v5 =	vld [tilespmem:s18+$0xFFFFFFB0]  }
0xb0: {  	vm3 =	vgt.f32 v28, $5.000000000e-01;
	v17 =	vld [tilespmem:s19+$0xFFFFFFA0]  }
0xb1: {  	s22 =	sadd.s32 $0xFFFFFF90, s21;
	vm4 =	vgt.f32 v26, $5.000000000e-01;
	v10 =	vld [tilespmem:s18+$0xFFFFFFA0]  }
0xb2: {  	vm5 =	vgt.f32 v24, $5.000000000e-01;
	v19 =	vor.u32 s22, v1;
	s22 =	sadd.s32 $0xFFFFFFA0, s21;
	v18 =	vld [tilespmem:s19+$0xFFFFFF90]  }
0xb3: {  	vm6 =	vgt.f32 v22, $5.000000000e-01;
	[tilespmem:v31+s14+$0x0] =	vst.idx.msk vm0, v19;
	v19 =	vadd.s32 s22, v1;
	s22 =	sadd.s32 $0xFFFFFFB0, s21  }
0xb4: {  	vm0 =	vgt.f32 v20, $5.000000000e-01;
	[tilespmem:v30+s14+$0x0] =	vst.idx.msk vm1, v19;
	v19 =	vor.u32 s22, v1;
	s22 =	sadd.s32 $0xFFFFFFC0, s21  }
.Ltmp2:
0xb5: {  	[tilespmem:v29+s14+$0x0] =	vst.idx.msk vm2, v19;
	v19 =	vadd.s32 s22, v1;
	s22 =	sadd.s32 $0xFFFFFFD0, s21;
	(pc) =	sbr.rel @p0 .LBB2_6-.Ltmp2, $4  }
0xb6: {  	[tilespmem:v27+s14+$0x0] =	vst.idx.msk vm3, v19;
	v19 =	vor.u32 s22, v1;
	s22 =	sadd.s32 $0xFFFFFFE0, s21  }
0xb7: {  	[tilespmem:v25+s14+$0x0] =	vst.idx.msk vm4, v19;
	v19 =	vadd.s32 s22, v1;
	s22 =	sadd.s32 $0xFFFFFFF0, s21  }
0xb8: {  	[tilespmem:v23+s14+$0x0] =	vst.idx.msk vm5, v19;
	v19 =	vor.u32 s22, v1  }
0xb9: {  	[tilespmem:v21+s14+$0x0] =	vst.idx.msk vm6, v19;
	v19 =	vadd.s32 s21, v1  }
0xba: {  	_ =	sdelay $0x4  }
0xbb: {  	[tilespmem:v2+s14+$0x0] =	vst.idx.msk vm0, v19  }
0xbc: {  	_ =	swait.ge [sflag:s11], $0x4000  }
0xbd: {  	[sflag:s11] =	ssyncset.done $0x0  }
0xbe: {  	[sflag:s11] =	ssyncadd.s32 $0xFFFFC000  }
0xbf: {  	_ =	swait.ge [sflag:s11], $0x4000  }
0xc0: {  	[sflag:s11] =	ssyncset.done $0x0  }
0xc1: {  	s18 =	rddreg [dreg:$0x8];
	[sflag:s11] =	ssyncadd.s32 $0xFFFFC000  }
0xc2: {  	[tilespmem:s12], [sflag:$0x2] =	stream.strided.gather [hbm4b:s18+s8], $0x4000, s9, s8, $0x38;
	[tilespmem:$0x12200] =	vst v63  }
0xc3: {  	s20 =	rddreg [dreg:$0x9]  }
0xc4: {  	[tilespmem:s13], [sflag:$0x2] =	stream.linear.gather [hbm4b:s20+s3], $0x4000, $0x38;
	[tilespmem:$0x12200] =	vst v63  }
0xc5: {  	v5 =	vld [tilespmem:$0x0]  }
0xc6: {  	v19 =	vld [tilespmem:$0x8100]  }
0xc7: {  	v10 =	vld [tilespmem:$0x10]  }
0xc8: {  	v20 =	vld [tilespmem:$0x8110]  }
0xc9: {  	v17 =	vld [tilespmem:$0x20]  }
0xca: {  	v21 =	vld [tilespmem:$0x8120]  }
0xcb: {  	v18 =	vld [tilespmem:$0x30]  }
0xcc: {  	v22 =	vld [tilespmem:$0x8130]  }
0xcd: {  	v23 =	vld [tilespmem:$0x40]  }
0xce: {  	v24 =	vld [tilespmem:$0x8140]  }
0xcf: {  	v25 =	vld [tilespmem:$0x50]  }
0xd0: {  	v26 =	vld [tilespmem:$0x8150]  }
0xd1: {  	v27 =	vld [tilespmem:$0x60]  }
0xd2: {  	v28 =	vld [tilespmem:$0x8160]  }
0xd3: {  	v29 =	vld [tilespmem:$0x70]  }
0xd4: {  	s18 =	simm.s32 $0xF0;
	v2 =	vld [tilespmem:$0x8170]  }
0xd5: {  	s19 =	simm.s32 $0x81F0;
	v3 =	vld [tilespmem:s18+$0xFFFFFF90]  }
0xd6: {  	v4 =	vld [tilespmem:s19+$0x0]  }
0xd7: {  	v6 =	vld [tilespmem:s18+$0x0]  }
0xd8: {  	v7 =	vld [tilespmem:s19+$0xFFFFFFF0]  }
0xd9: {  	v8 =	vld [tilespmem:s18+$0xFFFFFFF0]  }
0xda: {  	v9 =	vld [tilespmem:s19+$0xFFFFFFE0]  }
0xdb: {  	v11 =	vld [tilespmem:s18+$0xFFFFFFE0]  }
0xdc: {  	v12 =	vld [tilespmem:s19+$0xFFFFFFD0]  }
0xdd: {  	v13 =	vld [tilespmem:s18+$0xFFFFFFD0]  }
0xde: {  	v15 =	vld [tilespmem:s19+$0xFFFFFFC0];
	vm0 =	vgt.f32 v5, $5.000000000e-01  }
0xdf: {  	v14 =	vld [tilespmem:s18+$0xFFFFFFC0];
	vm1 =	vgt.f32 v10, $5.000000000e-01  }
0xe0: {  	v16 =	vld [tilespmem:s19+$0xFFFFFFB0];
	vm2 =	vgt.f32 v17, $5.000000000e-01  }
0xe1: {  	v5 =	vld [tilespmem:s18+$0xFFFFFFB0];
	vm3 =	vgt.f32 v18, $5.000000000e-01  }
0xe2: {  	s20 =	simm.s32 $0x8000;
	v17 =	vld [tilespmem:s19+$0xFFFFFFA0];
	vm4 =	vgt.f32 v23, $5.000000000e-01  }
0xe3: {  	s21 =	simm.s32 $0x8010;
	v63 =	vor.u32 s20, v1;
	v10 =	vld [tilespmem:s18+$0xFFFFFFA0];
	vm5 =	vgt.f32 v25, $5.000000000e-01  }
0xe4: {  	s22 =	simm.s32 $0x8020;
	v18 =	vld [tilespmem:s19+$0xFFFFFF90];
	vm6 =	vgt.f32 v27, $5.000000000e-01;
	[tilespmem:v19+s14+$0x0] =	vst.idx.msk vm0, v63;
	v19 =	vadd.s32 s21, v1  }
0xe5: {  	s21 =	simm.s32 $0x8030;
	vm0 =	vgt.f32 v29, $5.000000000e-01;
	[tilespmem:v20+s14+$0x0] =	vst.idx.msk vm1, v19;
	v19 =	vor.u32 s22, v1  }
0xe6: {  	s22 =	simm.s32 $0x8040;
	[tilespmem:v21+s14+$0x0] =	vst.idx.msk vm2, v19;
	v19 =	vadd.s32 s21, v1  }
0xe7: {  	s21 =	simm.s32 $0x8050;
	[tilespmem:v22+s14+$0x0] =	vst.idx.msk vm3, v19;
	v19 =	vor.u32 s22, v1  }
0xe8: {  	s22 =	simm.s32 $0x8060;
	[tilespmem:v24+s14+$0x0] =	vst.idx.msk vm4, v19;
	v19 =	vadd.s32 s21, v1  }
0xe9: {  	s21 =	simm.s32 $0x8070;
	[tilespmem:v26+s14+$0x0] =	vst.idx.msk vm5, v19;
	v19 =	vor.u32 s22, v1  }
0xea: {  	s20 =	simm.s32 $0x80F0;
	[tilespmem:v28+s14+$0x0] =	vst.idx.msk vm6, v19;
	v19 =	vadd.s32 s21, v1  }
.LBB2_8:
0xeb: {  	p0 =	sne.s32 s20, $0xBFF0;
	[tilespmem:v2+s14+$0x0] =	vst.idx.msk vm0, v19;
	s18 =	sadd.s32 $0x80, s18;
	s19 =	sadd.s32 $0x80, s19;
	v19 =	vmovc v3;
	v2 =	vmovc v4;
	v20 =	vmov v6;
	v21 =	vmov v7;
	v22 =	vmov v8  }
0xec: {  	v23 =	vmovc v9;
	v24 =	vmovc v11;
	v25 =	vmov v12;
	v26 =	vmov v13;
	v27 =	vmov v15;
	s21 =	smov.u32 s20;
	s20 =	sadd.s32 $0x80, s20;
	v3 =	vld [tilespmem:s18+$0xFFFFFF90]  }
0xed: {  	v28 =	vmovc v14;
	v29 =	vmov v16;
	v30 =	vmov v17;
	v31 =	vmov v18;
	v4 =	vld [tilespmem:s19+$0x0]  }
0xee: {  	v6 =	vld [tilespmem:s18+$0x0]  }
0xef: {  	v7 =	vld [tilespmem:s19+$0xFFFFFFF0]  }
0xf0: {  	v8 =	vld [tilespmem:s18+$0xFFFFFFF0]  }
0xf1: {  	v9 =	vld [tilespmem:s19+$0xFFFFFFE0]  }
0xf2: {  	v11 =	vld [tilespmem:s18+$0xFFFFFFE0]  }
0xf3: {  	v12 =	vld [tilespmem:s19+$0xFFFFFFD0]  }
0xf4: {  	v13 =	vld [tilespmem:s18+$0xFFFFFFD0]  }
0xf5: {  	v15 =	vld [tilespmem:s19+$0xFFFFFFC0]  }
0xf6: {  	vm0 =	vgt.f32 v19, $5.000000000e-01;
	v14 =	vld [tilespmem:s18+$0xFFFFFFC0]  }
0xf7: {  	vm1 =	vgt.f32 v10, $5.000000000e-01;
	v16 =	vld [tilespmem:s19+$0xFFFFFFB0]  }
0xf8: {  	vm2 =	vgt.f32 v5, $5.000000000e-01;
	v5 =	vld [tilespmem:s18+$0xFFFFFFB0]  }
0xf9: {  	vm3 =	vgt.f32 v28, $5.000000000e-01;
	v17 =	vld [tilespmem:s19+$0xFFFFFFA0]  }
0xfa: {  	s22 =	sadd.s32 $0xFFFFFF90, s21;
	vm4 =	vgt.f32 v26, $5.000000000e-01;
	v10 =	vld [tilespmem:s18+$0xFFFFFFA0]  }
0xfb: {  	vm5 =	vgt.f32 v24, $5.000000000e-01;
	v19 =	vor.u32 s22, v1;
	s22 =	sadd.s32 $0xFFFFFFA0, s21;
	v18 =	vld [tilespmem:s19+$0xFFFFFF90]  }
0xfc: {  	vm6 =	vgt.f32 v22, $5.000000000e-01;
	[tilespmem:v31+s14+$0x0] =	vst.idx.msk vm0, v19;
	v19 =	vadd.s32 s22, v1;
	s22 =	sadd.s32 $0xFFFFFFB0, s21  }
0xfd: {  	vm0 =	vgt.f32 v20, $5.000000000e-01;
	[tilespmem:v30+s14+$0x0] =	vst.idx.msk vm1, v19;
	v19 =	vor.u32 s22, v1;
	s22 =	sadd.s32 $0xFFFFFFC0, s21  }
.Ltmp3:
0xfe: {  	[tilespmem:v29+s14+$0x0] =	vst.idx.msk vm2, v19;
	v19 =	vadd.s32 s22, v1;
	s22 =	sadd.s32 $0xFFFFFFD0, s21;
	(pc) =	sbr.rel @p0 .LBB2_8-.Ltmp3, $4  }
0xff: {  	[tilespmem:v27+s14+$0x0] =	vst.idx.msk vm3, v19;
	v19 =	vor.u32 s22, v1;
	s22 =	sadd.s32 $0xFFFFFFE0, s21  }
0x100: {  	[tilespmem:v25+s14+$0x0] =	vst.idx.msk vm4, v19;
	v19 =	vadd.s32 s22, v1;
	s22 =	sadd.s32 $0xFFFFFFF0, s21  }
0x101: {  	[tilespmem:v23+s14+$0x0] =	vst.idx.msk vm5, v19;
	v19 =	vor.u32 s22, v1  }
0x102: {  	[tilespmem:v21+s14+$0x0] =	vst.idx.msk vm6, v19;
	v19 =	vadd.s32 s21, v1  }
0x103: {  	_ =	sdelay $0x4  }
0x104: {  	[tilespmem:v2+s14+$0x0] =	vst.idx.msk vm0, v19  }
0x105: {  	_ =	swait.ge [sflag:s15], $0x4000  }
0x106: {  	[sflag:s15] =	ssyncset.done $0x0  }
0x107: {  	[sflag:s15] =	ssyncadd.s32 $0xFFFFC000  }
0x108: {  	_ =	swait.ge [sflag:s15], $0x4000  }
0x109: {  	[sflag:s15] =	ssyncset.done $0x0  }
0x10a: {  	s18 =	rddreg [dreg:$0xa];
	[sflag:s15] =	ssyncadd.s32 $0xFFFFC000  }
0x10b: {  	[tilespmem:s3], [sflag:$0x1] =	stream.strided.gather [hbm4b:s18+s8], $0x4000, s9, s8, $0x38;
	[tilespmem:$0x12200] =	vst v63  }
0x10c: {  	s20 =	rddreg [dreg:$0xb]  }
0x10d: {  	[tilespmem:s10], [sflag:$0x1] =	stream.linear.gather [hbm4b:s20+s3], $0x4000, $0x38;
	[tilespmem:$0x12200] =	vst v63  }
0x10e: {  	v5 =	vld [tilespmem:$0x4080]  }
0x10f: {  	v19 =	vld [tilespmem:$0xC180]  }
0x110: {  	v10 =	vld [tilespmem:$0x4090]  }
0x111: {  	v20 =	vld [tilespmem:$0xC190]  }
0x112: {  	v17 =	vld [tilespmem:$0x40A0]  }
0x113: {  	v21 =	vld [tilespmem:$0xC1A0]  }
0x114: {  	v18 =	vld [tilespmem:$0x40B0]  }
0x115: {  	v22 =	vld [tilespmem:$0xC1B0]  }
0x116: {  	v23 =	vld [tilespmem:$0x40C0]  }
0x117: {  	v24 =	vld [tilespmem:$0xC1C0]  }
0x118: {  	v25 =	vld [tilespmem:$0x40D0]  }
0x119: {  	v26 =	vld [tilespmem:$0xC1D0]  }
0x11a: {  	v27 =	vld [tilespmem:$0x40E0]  }
0x11b: {  	v28 =	vld [tilespmem:$0xC1E0]  }
0x11c: {  	v29 =	vld [tilespmem:$0x40F0]  }
0x11d: {  	s18 =	simm.s32 $0x4170;
	v2 =	vld [tilespmem:$0xC1F0]  }
0x11e: {  	s19 =	simm.s32 $0xC270;
	v3 =	vld [tilespmem:s18+$0xFFFFFF90]  }
0x11f: {  	v4 =	vld [tilespmem:s19+$0x0]  }
0x120: {  	v6 =	vld [tilespmem:s18+$0x0]  }
0x121: {  	v7 =	vld [tilespmem:s19+$0xFFFFFFF0]  }
0x122: {  	v8 =	vld [tilespmem:s18+$0xFFFFFFF0]  }
0x123: {  	v9 =	vld [tilespmem:s19+$0xFFFFFFE0]  }
0x124: {  	v11 =	vld [tilespmem:s18+$0xFFFFFFE0]  }
0x125: {  	v12 =	vld [tilespmem:s19+$0xFFFFFFD0]  }
0x126: {  	v13 =	vld [tilespmem:s18+$0xFFFFFFD0]  }
0x127: {  	v15 =	vld [tilespmem:s19+$0xFFFFFFC0];
	vm0 =	vgt.f32 v5, $5.000000000e-01  }
0x128: {  	v14 =	vld [tilespmem:s18+$0xFFFFFFC0];
	vm1 =	vgt.f32 v10, $5.000000000e-01  }
0x129: {  	v16 =	vld [tilespmem:s19+$0xFFFFFFB0];
	vm2 =	vgt.f32 v17, $5.000000000e-01  }
0x12a: {  	v5 =	vld [tilespmem:s18+$0xFFFFFFB0];
	vm3 =	vgt.f32 v18, $5.000000000e-01  }
0x12b: {  	s20 =	simm.s32 $0xC000;
	v17 =	vld [tilespmem:s19+$0xFFFFFFA0];
	vm4 =	vgt.f32 v23, $5.000000000e-01  }
0x12c: {  	s21 =	simm.s32 $0xC010;
	v63 =	vor.u32 s20, v1;
	v10 =	vld [tilespmem:s18+$0xFFFFFFA0];
	vm5 =	vgt.f32 v25, $5.000000000e-01  }
0x12d: {  	s22 =	simm.s32 $0xC020;
	v18 =	vld [tilespmem:s19+$0xFFFFFF90];
	vm6 =	vgt.f32 v27, $5.000000000e-01;
	[tilespmem:v19+s14+$0x0] =	vst.idx.msk vm0, v63;
	v19 =	vadd.s32 s21, v1  }
0x12e: {  	s21 =	simm.s32 $0xC030;
	vm0 =	vgt.f32 v29, $5.000000000e-01;
	[tilespmem:v20+s14+$0x0] =	vst.idx.msk vm1, v19;
	v19 =	vor.u32 s22, v1  }
0x12f: {  	s22 =	simm.s32 $0xC040;
	[tilespmem:v21+s14+$0x0] =	vst.idx.msk vm2, v19;
	v19 =	vadd.s32 s21, v1  }
0x130: {  	s21 =	simm.s32 $0xC050;
	[tilespmem:v22+s14+$0x0] =	vst.idx.msk vm3, v19;
	v19 =	vor.u32 s22, v1  }
0x131: {  	s22 =	simm.s32 $0xC060;
	[tilespmem:v24+s14+$0x0] =	vst.idx.msk vm4, v19;
	v19 =	vadd.s32 s21, v1  }
0x132: {  	s21 =	simm.s32 $0xC070;
	[tilespmem:v26+s14+$0x0] =	vst.idx.msk vm5, v19;
	v19 =	vor.u32 s22, v1  }
0x133: {  	s20 =	simm.s32 $0xC0F0;
	[tilespmem:v28+s14+$0x0] =	vst.idx.msk vm6, v19;
	v19 =	vadd.s32 s21, v1  }
.LBB2_10:
0x134: {  	p0 =	sne.s32 s20, $0xFFF0;
	[tilespmem:v2+s14+$0x0] =	vst.idx.msk vm0, v19;
	s18 =	sadd.s32 $0x80, s18;
	s19 =	sadd.s32 $0x80, s19;
	v19 =	vmovc v3;
	v2 =	vmovc v4;
	v20 =	vmov v6;
	v21 =	vmov v7;
	v22 =	vmov v8  }
0x135: {  	v23 =	vmovc v9;
	v24 =	vmovc v11;
	v25 =	vmov v12;
	v26 =	vmov v13;
	v27 =	vmov v15;
	s21 =	smov.u32 s20;
	s20 =	sadd.s32 $0x80, s20;
	v3 =	vld [tilespmem:s18+$0xFFFFFF90]  }
0x136: {  	v28 =	vmovc v14;
	v29 =	vmov v16;
	v30 =	vmov v17;
	v31 =	vmov v18;
	v4 =	vld [tilespmem:s19+$0x0]  }
0x137: {  	v6 =	vld [tilespmem:s18+$0x0]  }
0x138: {  	v7 =	vld [tilespmem:s19+$0xFFFFFFF0]  }
0x139: {  	v8 =	vld [tilespmem:s18+$0xFFFFFFF0]  }
0x13a: {  	v9 =	vld [tilespmem:s19+$0xFFFFFFE0]  }
0x13b: {  	v11 =	vld [tilespmem:s18+$0xFFFFFFE0]  }
0x13c: {  	v12 =	vld [tilespmem:s19+$0xFFFFFFD0]  }
0x13d: {  	v13 =	vld [tilespmem:s18+$0xFFFFFFD0]  }
0x13e: {  	v15 =	vld [tilespmem:s19+$0xFFFFFFC0]  }
0x13f: {  	vm0 =	vgt.f32 v19, $5.000000000e-01;
	v14 =	vld [tilespmem:s18+$0xFFFFFFC0]  }
0x140: {  	vm1 =	vgt.f32 v10, $5.000000000e-01;
	v16 =	vld [tilespmem:s19+$0xFFFFFFB0]  }
0x141: {  	vm2 =	vgt.f32 v5, $5.000000000e-01;
	v5 =	vld [tilespmem:s18+$0xFFFFFFB0]  }
0x142: {  	vm3 =	vgt.f32 v28, $5.000000000e-01;
	v17 =	vld [tilespmem:s19+$0xFFFFFFA0]  }
0x143: {  	s22 =	sadd.s32 $0xFFFFFF90, s21;
	vm4 =	vgt.f32 v26, $5.000000000e-01;
	v10 =	vld [tilespmem:s18+$0xFFFFFFA0]  }
0x144: {  	vm5 =	vgt.f32 v24, $5.000000000e-01;
	v19 =	vor.u32 s22, v1;
	s22 =	sadd.s32 $0xFFFFFFA0, s21;
	v18 =	vld [tilespmem:s19+$0xFFFFFF90]  }
0x145: {  	vm6 =	vgt.f32 v22, $5.000000000e-01;
	[tilespmem:v31+s14+$0x0] =	vst.idx.msk vm0, v19;
	v19 =	vadd.s32 s22, v1;
	s22 =	sadd.s32 $0xFFFFFFB0, s21  }
0x146: {  	vm0 =	vgt.f32 v20, $5.000000000e-01;
	[tilespmem:v30+s14+$0x0] =	vst.idx.msk vm1, v19;
	v19 =	vor.u32 s22, v1;
	s22 =	sadd.s32 $0xFFFFFFC0, s21  }
.Ltmp4:
0x147: {  	[tilespmem:v29+s14+$0x0] =	vst.idx.msk vm2, v19;
	v19 =	vadd.s32 s22, v1;
	s22 =	sadd.s32 $0xFFFFFFD0, s21;
	(pc) =	sbr.rel @p0 .LBB2_10-.Ltmp4, $4  }
0x148: {  	[tilespmem:v27+s14+$0x0] =	vst.idx.msk vm3, v19;
	v19 =	vor.u32 s22, v1;
	s22 =	sadd.s32 $0xFFFFFFE0, s21  }
0x149: {  	[tilespmem:v25+s14+$0x0] =	vst.idx.msk vm4, v19;
	v19 =	vadd.s32 s22, v1;
	s22 =	sadd.s32 $0xFFFFFFF0, s21  }
0x14a: {  	[tilespmem:v23+s14+$0x0] =	vst.idx.msk vm5, v19;
	v19 =	vor.u32 s22, v1  }
0x14b: {  	[tilespmem:v21+s14+$0x0] =	vst.idx.msk vm6, v19;
	v19 =	vadd.s32 s21, v1  }
0x14c: {  	_ =	sdelay $0x4  }
0x14d: {  	[tilespmem:v2+s14+$0x0] =	vst.idx.msk vm0, v19  }
0x14e: {  	_ =	swait.ge [sflag:s11], $0x4000  }
0x14f: {  	[sflag:s11] =	ssyncset.done $0x0  }
0x150: {  	[sflag:s11] =	ssyncadd.s32 $0xFFFFC000  }
0x151: {  	_ =	swait.ge [sflag:s11], $0x4000  }
0x152: {  	[sflag:s11] =	ssyncset.done $0x0  }
0x153: {  	s18 =	rddreg [dreg:$0xc];
	[sflag:s11] =	ssyncadd.s32 $0xFFFFC000  }
0x154: {  	[tilespmem:s12], [sflag:$0x2] =	stream.strided.gather [hbm4b:s18+s8], $0x4000, s9, s8, $0x38;
	[tilespmem:$0x12200] =	vst v63  }
0x155: {  	s20 =	rddreg [dreg:$0xd]  }
0x156: {  	[tilespmem:s13], [sflag:$0x2] =	stream.linear.gather [hbm4b:s20+s3], $0x4000, $0x38;
	[tilespmem:$0x12200] =	vst v63  }
0x157: {  	v5 =	vld [tilespmem:$0x0]  }
0x158: {  	v19 =	vld [tilespmem:$0x8100]  }
0x159: {  	v10 =	vld [tilespmem:$0x10]  }
0x15a: {  	v20 =	vld [tilespmem:$0x8110]  }
0x15b: {  	v17 =	vld [tilespmem:$0x20]  }
0x15c: {  	v21 =	vld [tilespmem:$0x8120]  }
0x15d: {  	v18 =	vld [tilespmem:$0x30]  }
0x15e: {  	v22 =	vld [tilespmem:$0x8130]  }
0x15f: {  	v23 =	vld [tilespmem:$0x40]  }
0x160: {  	v24 =	vld [tilespmem:$0x8140]  }
0x161: {  	v25 =	vld [tilespmem:$0x50]  }
0x162: {  	v26 =	vld [tilespmem:$0x8150]  }
0x163: {  	v27 =	vld [tilespmem:$0x60]  }
0x164: {  	v28 =	vld [tilespmem:$0x8160]  }
0x165: {  	v29 =	vld [tilespmem:$0x70]  }
0x166: {  	s18 =	simm.s32 $0xF0;
	v2 =	vld [tilespmem:$0x8170]  }
0x167: {  	s19 =	simm.s32 $0x81F0;
	v3 =	vld [tilespmem:s18+$0xFFFFFF90]  }
0x168: {  	v4 =	vld [tilespmem:s19+$0x0]  }
0x169: {  	v6 =	vld [tilespmem:s18+$0x0]  }
0x16a: {  	v7 =	vld [tilespmem:s19+$0xFFFFFFF0]  }
0x16b: {  	v8 =	vld [tilespmem:s18+$0xFFFFFFF0]  }
0x16c: {  	v9 =	vld [tilespmem:s19+$0xFFFFFFE0]  }
0x16d: {  	v11 =	vld [tilespmem:s18+$0xFFFFFFE0]  }
0x16e: {  	v12 =	vld [tilespmem:s19+$0xFFFFFFD0]  }
0x16f: {  	v13 =	vld [tilespmem:s18+$0xFFFFFFD0]  }
0x170: {  	v15 =	vld [tilespmem:s19+$0xFFFFFFC0];
	vm0 =	vgt.f32 v5, $5.000000000e-01  }
0x171: {  	v14 =	vld [tilespmem:s18+$0xFFFFFFC0];
	vm1 =	vgt.f32 v10, $5.000000000e-01  }
0x172: {  	v16 =	vld [tilespmem:s19+$0xFFFFFFB0];
	vm2 =	vgt.f32 v17, $5.000000000e-01  }
0x173: {  	v5 =	vld [tilespmem:s18+$0xFFFFFFB0];
	vm3 =	vgt.f32 v18, $5.000000000e-01  }
0x174: {  	s20 =	simm.s32 $0x10000;
	v17 =	vld [tilespmem:s19+$0xFFFFFFA0];
	vm4 =	vgt.f32 v23, $5.000000000e-01  }
0x175: {  	s21 =	simm.s32 $0x10010;
	v63 =	vor.u32 s20, v1;
	v10 =	vld [tilespmem:s18+$0xFFFFFFA0];
	vm5 =	vgt.f32 v25, $5.000000000e-01  }
0x176: {  	s22 =	simm.s32 $0x10020;
	v18 =	vld [tilespmem:s19+$0xFFFFFF90];
	vm6 =	vgt.f32 v27, $5.000000000e-01;
	[tilespmem:v19+s14+$0x0] =	vst.idx.msk vm0, v63;
	v19 =	vadd.s32 s21, v1  }
0x177: {  	s21 =	simm.s32 $0x10030;
	vm0 =	vgt.f32 v29, $5.000000000e-01;
	[tilespmem:v20+s14+$0x0] =	vst.idx.msk vm1, v19;
	v19 =	vor.u32 s22, v1  }
0x178: {  	s22 =	simm.s32 $0x10040;
	[tilespmem:v21+s14+$0x0] =	vst.idx.msk vm2, v19;
	v19 =	vadd.s32 s21, v1  }
0x179: {  	s21 =	simm.s32 $0x10050;
	[tilespmem:v22+s14+$0x0] =	vst.idx.msk vm3, v19;
	v19 =	vor.u32 s22, v1  }
0x17a: {  	s22 =	simm.s32 $0x10060;
	[tilespmem:v24+s14+$0x0] =	vst.idx.msk vm4, v19;
	v19 =	vadd.s32 s21, v1  }
0x17b: {  	s21 =	simm.s32 $0x10070;
	[tilespmem:v26+s14+$0x0] =	vst.idx.msk vm5, v19;
	v19 =	vor.u32 s22, v1  }
0x17c: {  	s20 =	simm.s32 $0x100F0;
	[tilespmem:v28+s14+$0x0] =	vst.idx.msk vm6, v19;
	v19 =	vadd.s32 s21, v1  }
.LBB2_12:
0x17d: {  	p0 =	sne.s32 s20, $0x13FF0;
	[tilespmem:v2+s14+$0x0] =	vst.idx.msk vm0, v19;
	s18 =	sadd.s32 $0x80, s18;
	s19 =	sadd.s32 $0x80, s19;
	v19 =	vmovc v3;
	v2 =	vmovc v4;
	v20 =	vmov v6;
	v21 =	vmov v7;
	v22 =	vmov v8  }
0x17e: {  	v23 =	vmovc v9;
	v24 =	vmovc v11;
	v25 =	vmov v12;
	v26 =	vmov v13;
	v27 =	vmov v15;
	s21 =	smov.u32 s20;
	s20 =	sadd.s32 $0x80, s20;
	v3 =	vld [tilespmem:s18+$0xFFFFFF90]  }
0x17f: {  	v28 =	vmovc v14;
	v29 =	vmov v16;
	v30 =	vmov v17;
	v31 =	vmov v18;
	v4 =	vld [tilespmem:s19+$0x0]  }
0x180: {  	v6 =	vld [tilespmem:s18+$0x0]  }
0x181: {  	v7 =	vld [tilespmem:s19+$0xFFFFFFF0]  }
0x182: {  	v8 =	vld [tilespmem:s18+$0xFFFFFFF0]  }
0x183: {  	v9 =	vld [tilespmem:s19+$0xFFFFFFE0]  }
0x184: {  	v11 =	vld [tilespmem:s18+$0xFFFFFFE0]  }
0x185: {  	v12 =	vld [tilespmem:s19+$0xFFFFFFD0]  }
0x186: {  	v13 =	vld [tilespmem:s18+$0xFFFFFFD0]  }
0x187: {  	v15 =	vld [tilespmem:s19+$0xFFFFFFC0]  }
0x188: {  	vm0 =	vgt.f32 v19, $5.000000000e-01;
	v14 =	vld [tilespmem:s18+$0xFFFFFFC0]  }
0x189: {  	vm1 =	vgt.f32 v10, $5.000000000e-01;
	v16 =	vld [tilespmem:s19+$0xFFFFFFB0]  }
0x18a: {  	vm2 =	vgt.f32 v5, $5.000000000e-01;
	v5 =	vld [tilespmem:s18+$0xFFFFFFB0]  }
0x18b: {  	vm3 =	vgt.f32 v28, $5.000000000e-01;
	v17 =	vld [tilespmem:s19+$0xFFFFFFA0]  }
0x18c: {  	s22 =	sadd.s32 $0xFFFFFF90, s21;
	vm4 =	vgt.f32 v26, $5.000000000e-01;
	v10 =	vld [tilespmem:s18+$0xFFFFFFA0]  }
0x18d: {  	vm5 =	vgt.f32 v24, $5.000000000e-01;
	v19 =	vor.u32 s22, v1;
	s22 =	sadd.s32 $0xFFFFFFA0, s21;
	v18 =	vld [tilespmem:s19+$0xFFFFFF90]  }
0x18e: {  	vm6 =	vgt.f32 v22, $5.000000000e-01;
	[tilespmem:v31+s14+$0x0] =	vst.idx.msk vm0, v19;
	v19 =	vadd.s32 s22, v1;
	s22 =	sadd.s32 $0xFFFFFFB0, s21  }
0x18f: {  	vm0 =	vgt.f32 v20, $5.000000000e-01;
	[tilespmem:v30+s14+$0x0] =	vst.idx.msk vm1, v19;
	v19 =	vor.u32 s22, v1;
	s22 =	sadd.s32 $0xFFFFFFC0, s21  }
.Ltmp5:
0x190: {  	[tilespmem:v29+s14+$0x0] =	vst.idx.msk vm2, v19;
	v19 =	vadd.s32 s22, v1;
	s22 =	sadd.s32 $0xFFFFFFD0, s21;
	(pc) =	sbr.rel @p0 .LBB2_12-.Ltmp5, $4  }
0x191: {  	[tilespmem:v27+s14+$0x0] =	vst.idx.msk vm3, v19;
	v19 =	vor.u32 s22, v1;
	s22 =	sadd.s32 $0xFFFFFFE0, s21  }
0x192: {  	[tilespmem:v25+s14+$0x0] =	vst.idx.msk vm4, v19;
	v19 =	vadd.s32 s22, v1;
	s22 =	sadd.s32 $0xFFFFFFF0, s21  }
0x193: {  	[tilespmem:v23+s14+$0x0] =	vst.idx.msk vm5, v19;
	v19 =	vor.u32 s22, v1  }
0x194: {  	[tilespmem:v21+s14+$0x0] =	vst.idx.msk vm6, v19;
	v19 =	vadd.s32 s21, v1  }
0x195: {  	_ =	sdelay $0x4  }
0x196: {  	[tilespmem:v2+s14+$0x0] =	vst.idx.msk vm0, v19  }
0x197: {  	_ =	swait.ge [sflag:s15], $0x4000  }
0x198: {  	[sflag:s15] =	ssyncset.done $0x0  }
0x199: {  	[sflag:s15] =	ssyncadd.s32 $0xFFFFC000  }
0x19a: {  	_ =	swait.ge [sflag:s15], $0x4000  }
0x19b: {  	[sflag:s15] =	ssyncset.done $0x0  }
0x19c: {  	s18 =	rddreg [dreg:$0xe];
	[sflag:s15] =	ssyncadd.s32 $0xFFFFC000  }
0x19d: {  	[tilespmem:s3], [sflag:$0x1] =	stream.strided.gather [hbm4b:s18+s8], $0x4000, s9, s8, $0x38;
	[tilespmem:$0x12200] =	vst v63  }
0x19e: {  	s20 =	rddreg [dreg:$0xf]  }
0x19f: {  	[tilespmem:s10], [sflag:$0x1] =	stream.linear.gather [hbm4b:s20+s3], $0x4000, $0x38;
	[tilespmem:$0x12200] =	vst v63  }
0x1a0: {  	v5 =	vld [tilespmem:$0x4080]  }
0x1a1: {  	v19 =	vld [tilespmem:$0xC180]  }
0x1a2: {  	v10 =	vld [tilespmem:$0x4090]  }
0x1a3: {  	v20 =	vld [tilespmem:$0xC190]  }
0x1a4: {  	v17 =	vld [tilespmem:$0x40A0]  }
0x1a5: {  	v21 =	vld [tilespmem:$0xC1A0]  }
0x1a6: {  	v18 =	vld [tilespmem:$0x40B0]  }
0x1a7: {  	v22 =	vld [tilespmem:$0xC1B0]  }
0x1a8: {  	v23 =	vld [tilespmem:$0x40C0]  }
0x1a9: {  	v24 =	vld [tilespmem:$0xC1C0]  }
0x1aa: {  	v25 =	vld [tilespmem:$0x40D0]  }
0x1ab: {  	v26 =	vld [tilespmem:$0xC1D0]  }
0x1ac: {  	v27 =	vld [tilespmem:$0x40E0]  }
0x1ad: {  	v28 =	vld [tilespmem:$0xC1E0]  }
0x1ae: {  	v29 =	vld [tilespmem:$0x40F0]  }
0x1af: {  	s18 =	simm.s32 $0x4170;
	v2 =	vld [tilespmem:$0xC1F0]  }
0x1b0: {  	s19 =	simm.s32 $0xC270;
	v3 =	vld [tilespmem:s18+$0xFFFFFF90]  }
0x1b1: {  	v4 =	vld [tilespmem:s19+$0x0]  }
0x1b2: {  	v6 =	vld [tilespmem:s18+$0x0]  }
0x1b3: {  	v7 =	vld [tilespmem:s19+$0xFFFFFFF0]  }
0x1b4: {  	v8 =	vld [tilespmem:s18+$0xFFFFFFF0]  }
0x1b5: {  	v9 =	vld [tilespmem:s19+$0xFFFFFFE0]  }
0x1b6: {  	v11 =	vld [tilespmem:s18+$0xFFFFFFE0]  }
0x1b7: {  	v12 =	vld [tilespmem:s19+$0xFFFFFFD0]  }
0x1b8: {  	v13 =	vld [tilespmem:s18+$0xFFFFFFD0]  }
0x1b9: {  	v15 =	vld [tilespmem:s19+$0xFFFFFFC0];
	vm0 =	vgt.f32 v5, $5.000000000e-01  }
0x1ba: {  	v14 =	vld [tilespmem:s18+$0xFFFFFFC0];
	vm1 =	vgt.f32 v10, $5.000000000e-01  }
0x1bb: {  	v16 =	vld [tilespmem:s19+$0xFFFFFFB0];
	vm2 =	vgt.f32 v17, $5.000000000e-01  }
0x1bc: {  	v5 =	vld [tilespmem:s18+$0xFFFFFFB0];
	vm3 =	vgt.f32 v18, $5.000000000e-01  }
0x1bd: {  	s20 =	simm.s32 $0x14000;
	v17 =	vld [tilespmem:s19+$0xFFFFFFA0];
	vm4 =	vgt.f32 v23, $5.000000000e-01  }
0x1be: {  	s21 =	simm.s32 $0x14010;
	v63 =	vor.u32 s20, v1;
	v10 =	vld [tilespmem:s18+$0xFFFFFFA0];
	vm5 =	vgt.f32 v25, $5.000000000e-01  }
0x1bf: {  	s22 =	simm.s32 $0x14020;
	v18 =	vld [tilespmem:s19+$0xFFFFFF90];
	vm6 =	vgt.f32 v27, $5.000000000e-01;
	[tilespmem:v19+s14+$0x0] =	vst.idx.msk vm0, v63;
	v19 =	vadd.s32 s21, v1  }
0x1c0: {  	s21 =	simm.s32 $0x14030;
	vm0 =	vgt.f32 v29, $5.000000000e-01;
	[tilespmem:v20+s14+$0x0] =	vst.idx.msk vm1, v19;
	v19 =	vor.u32 s22, v1  }
0x1c1: {  	s22 =	simm.s32 $0x14040;
	[tilespmem:v21+s14+$0x0] =	vst.idx.msk vm2, v19;
	v19 =	vadd.s32 s21, v1  }
0x1c2: {  	s21 =	simm.s32 $0x14050;
	[tilespmem:v22+s14+$0x0] =	vst.idx.msk vm3, v19;
	v19 =	vor.u32 s22, v1  }
0x1c3: {  	s22 =	simm.s32 $0x14060;
	[tilespmem:v24+s14+$0x0] =	vst.idx.msk vm4, v19;
	v19 =	vadd.s32 s21, v1  }
0x1c4: {  	s21 =	simm.s32 $0x14070;
	[tilespmem:v26+s14+$0x0] =	vst.idx.msk vm5, v19;
	v19 =	vor.u32 s22, v1  }
0x1c5: {  	s20 =	simm.s32 $0x140F0;
	[tilespmem:v28+s14+$0x0] =	vst.idx.msk vm6, v19;
	v19 =	vadd.s32 s21, v1  }
.LBB2_14:
0x1c6: {  	p0 =	sne.s32 s20, $0x17FF0;
	[tilespmem:v2+s14+$0x0] =	vst.idx.msk vm0, v19;
	s18 =	sadd.s32 $0x80, s18;
	s19 =	sadd.s32 $0x80, s19;
	v19 =	vmovc v3;
	v2 =	vmovc v4;
	v20 =	vmov v6;
	v21 =	vmov v7;
	v22 =	vmov v8  }
0x1c7: {  	v23 =	vmovc v9;
	v24 =	vmovc v11;
	v25 =	vmov v12;
	v26 =	vmov v13;
	v27 =	vmov v15;
	s21 =	smov.u32 s20;
	s20 =	sadd.s32 $0x80, s20;
	v3 =	vld [tilespmem:s18+$0xFFFFFF90]  }
0x1c8: {  	v28 =	vmovc v14;
	v29 =	vmov v16;
	v30 =	vmov v17;
	v31 =	vmov v18;
	v4 =	vld [tilespmem:s19+$0x0]  }
0x1c9: {  	v6 =	vld [tilespmem:s18+$0x0]  }
0x1ca: {  	v7 =	vld [tilespmem:s19+$0xFFFFFFF0]  }
0x1cb: {  	v8 =	vld [tilespmem:s18+$0xFFFFFFF0]  }
0x1cc: {  	v9 =	vld [tilespmem:s19+$0xFFFFFFE0]  }
0x1cd: {  	v11 =	vld [tilespmem:s18+$0xFFFFFFE0]  }
0x1ce: {  	v12 =	vld [tilespmem:s19+$0xFFFFFFD0]  }
0x1cf: {  	v13 =	vld [tilespmem:s18+$0xFFFFFFD0]  }
0x1d0: {  	v15 =	vld [tilespmem:s19+$0xFFFFFFC0]  }
0x1d1: {  	vm0 =	vgt.f32 v19, $5.000000000e-01;
	v14 =	vld [tilespmem:s18+$0xFFFFFFC0]  }
0x1d2: {  	vm1 =	vgt.f32 v10, $5.000000000e-01;
	v16 =	vld [tilespmem:s19+$0xFFFFFFB0]  }
0x1d3: {  	vm2 =	vgt.f32 v5, $5.000000000e-01;
	v5 =	vld [tilespmem:s18+$0xFFFFFFB0]  }
0x1d4: {  	vm3 =	vgt.f32 v28, $5.000000000e-01;
	v17 =	vld [tilespmem:s19+$0xFFFFFFA0]  }
0x1d5: {  	s22 =	sadd.s32 $0xFFFFFF90, s21;
	vm4 =	vgt.f32 v26, $5.000000000e-01;
	v10 =	vld [tilespmem:s18+$0xFFFFFFA0]  }
0x1d6: {  	vm5 =	vgt.f32 v24, $5.000000000e-01;
	v19 =	vor.u32 s22, v1;
	s22 =	sadd.s32 $0xFFFFFFA0, s21;
	v18 =	vld [tilespmem:s19+$0xFFFFFF90]  }
0x1d7: {  	vm6 =	vgt.f32 v22, $5.000000000e-01;
	[tilespmem:v31+s14+$0x0] =	vst.idx.msk vm0, v19;
	v19 =	vadd.s32 s22, v1;
	s22 =	sadd.s32 $0xFFFFFFB0, s21  }
0x1d8: {  	vm0 =	vgt.f32 v20, $5.000000000e-01;
	[tilespmem:v30+s14+$0x0] =	vst.idx.msk vm1, v19;
	v19 =	vor.u32 s22, v1;
	s22 =	sadd.s32 $0xFFFFFFC0, s21  }
.Ltmp6:
0x1d9: {  	[tilespmem:v29+s14+$0x0] =	vst.idx.msk vm2, v19;
	v19 =	vadd.s32 s22, v1;
	s22 =	sadd.s32 $0xFFFFFFD0, s21;
	(pc) =	sbr.rel @p0 .LBB2_14-.Ltmp6, $4  }
0x1da: {  	[tilespmem:v27+s14+$0x0] =	vst.idx.msk vm3, v19;
	v19 =	vor.u32 s22, v1;
	s22 =	sadd.s32 $0xFFFFFFE0, s21  }
0x1db: {  	[tilespmem:v25+s14+$0x0] =	vst.idx.msk vm4, v19;
	v19 =	vadd.s32 s22, v1;
	s22 =	sadd.s32 $0xFFFFFFF0, s21  }
0x1dc: {  	[tilespmem:v23+s14+$0x0] =	vst.idx.msk vm5, v19;
	v19 =	vor.u32 s22, v1  }
0x1dd: {  	[tilespmem:v21+s14+$0x0] =	vst.idx.msk vm6, v19;
	v19 =	vadd.s32 s21, v1  }
0x1de: {  	_ =	sdelay $0x4  }
0x1df: {  	[tilespmem:v2+s14+$0x0] =	vst.idx.msk vm0, v19  }
0x1e0: {  	_ =	swait.ge [sflag:s11], $0x4000  }
0x1e1: {  	[sflag:s11] =	ssyncset.done $0x0  }
0x1e2: {  	[sflag:s11] =	ssyncadd.s32 $0xFFFFC000  }
0x1e3: {  	_ =	swait.ge [sflag:s11], $0x4000  }
0x1e4: {  	[sflag:s11] =	ssyncset.done $0x0  }
0x1e5: {  	s18 =	rddreg [dreg:$0x10];
	[sflag:s11] =	ssyncadd.s32 $0xFFFFC000  }
0x1e6: {  	[tilespmem:s12], [sflag:$0x2] =	stream.strided.gather [hbm4b:s18+s8], $0x4000, s9, s8, $0x38;
	[tilespmem:$0x12200] =	vst v63  }
0x1e7: {  	s20 =	rddreg [dreg:$0x11]  }
0x1e8: {  	[tilespmem:s13], [sflag:$0x2] =	stream.linear.gather [hbm4b:s20+s3], $0x4000, $0x38;
	[tilespmem:$0x12200] =	vst v63  }
0x1e9: {  	v5 =	vld [tilespmem:$0x0]  }
0x1ea: {  	v19 =	vld [tilespmem:$0x8100]  }
0x1eb: {  	v10 =	vld [tilespmem:$0x10]  }
0x1ec: {  	v20 =	vld [tilespmem:$0x8110]  }
0x1ed: {  	v17 =	vld [tilespmem:$0x20]  }
0x1ee: {  	v21 =	vld [tilespmem:$0x8120]  }
0x1ef: {  	v18 =	vld [tilespmem:$0x30]  }
0x1f0: {  	v22 =	vld [tilespmem:$0x8130]  }
0x1f1: {  	v23 =	vld [tilespmem:$0x40]  }
0x1f2: {  	v24 =	vld [tilespmem:$0x8140]  }
0x1f3: {  	v25 =	vld [tilespmem:$0x50]  }
0x1f4: {  	v26 =	vld [tilespmem:$0x8150]  }
0x1f5: {  	v27 =	vld [tilespmem:$0x60]  }
0x1f6: {  	v28 =	vld [tilespmem:$0x8160]  }
0x1f7: {  	v29 =	vld [tilespmem:$0x70]  }
0x1f8: {  	s18 =	simm.s32 $0xF0;
	v2 =	vld [tilespmem:$0x8170]  }
0x1f9: {  	s19 =	simm.s32 $0x81F0;
	v3 =	vld [tilespmem:s18+$0xFFFFFF90]  }
0x1fa: {  	v4 =	vld [tilespmem:s19+$0x0]  }
0x1fb: {  	v6 =	vld [tilespmem:s18+$0x0]  }
0x1fc: {  	v7 =	vld [tilespmem:s19+$0xFFFFFFF0]  }
0x1fd: {  	v8 =	vld [tilespmem:s18+$0xFFFFFFF0]  }
0x1fe: {  	v9 =	vld [tilespmem:s19+$0xFFFFFFE0]  }
0x1ff: {  	v11 =	vld [tilespmem:s18+$0xFFFFFFE0]  }
0x200: {  	v12 =	vld [tilespmem:s19+$0xFFFFFFD0]  }
0x201: {  	v13 =	vld [tilespmem:s18+$0xFFFFFFD0]  }
0x202: {  	v15 =	vld [tilespmem:s19+$0xFFFFFFC0];
	vm0 =	vgt.f32 v5, $5.000000000e-01  }
0x203: {  	v14 =	vld [tilespmem:s18+$0xFFFFFFC0];
	vm1 =	vgt.f32 v10, $5.000000000e-01  }
0x204: {  	v16 =	vld [tilespmem:s19+$0xFFFFFFB0];
	vm2 =	vgt.f32 v17, $5.000000000e-01  }
0x205: {  	v5 =	vld [tilespmem:s18+$0xFFFFFFB0];
	vm3 =	vgt.f32 v18, $5.000000000e-01  }
0x206: {  	s20 =	simm.s32 $0x18000;
	v17 =	vld [tilespmem:s19+$0xFFFFFFA0];
	vm4 =	vgt.f32 v23, $5.000000000e-01  }
0x207: {  	s21 =	simm.s32 $0x18010;
	v63 =	vor.u32 s20, v1;
	v10 =	vld [tilespmem:s18+$0xFFFFFFA0];
	vm5 =	vgt.f32 v25, $5.000000000e-01  }
0x208: {  	s22 =	simm.s32 $0x18020;
	v18 =	vld [tilespmem:s19+$0xFFFFFF90];
	vm6 =	vgt.f32 v27, $5.000000000e-01;
	[tilespmem:v19+s14+$0x0] =	vst.idx.msk vm0, v63;
	v19 =	vadd.s32 s21, v1  }
0x209: {  	s21 =	simm.s32 $0x18030;
	vm0 =	vgt.f32 v29, $5.000000000e-01;
	[tilespmem:v20+s14+$0x0] =	vst.idx.msk vm1, v19;
	v19 =	vor.u32 s22, v1  }
0x20a: {  	s22 =	simm.s32 $0x18040;
	[tilespmem:v21+s14+$0x0] =	vst.idx.msk vm2, v19;
	v19 =	vadd.s32 s21, v1  }
0x20b: {  	s21 =	simm.s32 $0x18050;
	[tilespmem:v22+s14+$0x0] =	vst.idx.msk vm3, v19;
	v19 =	vor.u32 s22, v1  }
0x20c: {  	s22 =	simm.s32 $0x18060;
	[tilespmem:v24+s14+$0x0] =	vst.idx.msk vm4, v19;
	v19 =	vadd.s32 s21, v1  }
0x20d: {  	s21 =	simm.s32 $0x18070;
	[tilespmem:v26+s14+$0x0] =	vst.idx.msk vm5, v19;
	v19 =	vor.u32 s22, v1  }
0x20e: {  	s20 =	simm.s32 $0x180F0;
	[tilespmem:v28+s14+$0x0] =	vst.idx.msk vm6, v19;
	v19 =	vadd.s32 s21, v1  }
.LBB2_16:
0x20f: {  	p0 =	sne.s32 s20, $0x1BFF0;
	[tilespmem:v2+s14+$0x0] =	vst.idx.msk vm0, v19;
	s18 =	sadd.s32 $0x80, s18;
	s19 =	sadd.s32 $0x80, s19;
	v19 =	vmovc v3;
	v2 =	vmovc v4;
	v20 =	vmov v6;
	v21 =	vmov v7;
	v22 =	vmov v8  }
0x210: {  	v23 =	vmovc v9;
	v24 =	vmovc v11;
	v25 =	vmov v12;
	v26 =	vmov v13;
	v27 =	vmov v15;
	s21 =	smov.u32 s20;
	s20 =	sadd.s32 $0x80, s20;
	v3 =	vld [tilespmem:s18+$0xFFFFFF90]  }
0x211: {  	v28 =	vmovc v14;
	v29 =	vmov v16;
	v30 =	vmov v17;
	v31 =	vmov v18;
	v4 =	vld [tilespmem:s19+$0x0]  }
0x212: {  	v6 =	vld [tilespmem:s18+$0x0]  }
0x213: {  	v7 =	vld [tilespmem:s19+$0xFFFFFFF0]  }
0x214: {  	v8 =	vld [tilespmem:s18+$0xFFFFFFF0]  }
0x215: {  	v9 =	vld [tilespmem:s19+$0xFFFFFFE0]  }
0x216: {  	v11 =	vld [tilespmem:s18+$0xFFFFFFE0]  }
0x217: {  	v12 =	vld [tilespmem:s19+$0xFFFFFFD0]  }
0x218: {  	v13 =	vld [tilespmem:s18+$0xFFFFFFD0]  }
0x219: {  	v15 =	vld [tilespmem:s19+$0xFFFFFFC0]  }
0x21a: {  	vm0 =	vgt.f32 v19, $5.000000000e-01;
	v14 =	vld [tilespmem:s18+$0xFFFFFFC0]  }
0x21b: {  	vm1 =	vgt.f32 v10, $5.000000000e-01;
	v16 =	vld [tilespmem:s19+$0xFFFFFFB0]  }
0x21c: {  	vm2 =	vgt.f32 v5, $5.000000000e-01;
	v5 =	vld [tilespmem:s18+$0xFFFFFFB0]  }
0x21d: {  	vm3 =	vgt.f32 v28, $5.000000000e-01;
	v17 =	vld [tilespmem:s19+$0xFFFFFFA0]  }
0x21e: {  	s22 =	sadd.s32 $0xFFFFFF90, s21;
	vm4 =	vgt.f32 v26, $5.000000000e-01;
	v10 =	vld [tilespmem:s18+$0xFFFFFFA0]  }
0x21f: {  	vm5 =	vgt.f32 v24, $5.000000000e-01;
	v19 =	vor.u32 s22, v1;
	s22 =	sadd.s32 $0xFFFFFFA0, s21;
	v18 =	vld [tilespmem:s19+$0xFFFFFF90]  }
0x220: {  	vm6 =	vgt.f32 v22, $5.000000000e-01;
	[tilespmem:v31+s14+$0x0] =	vst.idx.msk vm0, v19;
	v19 =	vadd.s32 s22, v1;
	s22 =	sadd.s32 $0xFFFFFFB0, s21  }
0x221: {  	vm0 =	vgt.f32 v20, $5.000000000e-01;
	[tilespmem:v30+s14+$0x0] =	vst.idx.msk vm1, v19;
	v19 =	vor.u32 s22, v1;
	s22 =	sadd.s32 $0xFFFFFFC0, s21  }
.Ltmp7:
0x222: {  	[tilespmem:v29+s14+$0x0] =	vst.idx.msk vm2, v19;
	v19 =	vadd.s32 s22, v1;
	s22 =	sadd.s32 $0xFFFFFFD0, s21;
	(pc) =	sbr.rel @p0 .LBB2_16-.Ltmp7, $4  }
0x223: {  	[tilespmem:v27+s14+$0x0] =	vst.idx.msk vm3, v19;
	v19 =	vor.u32 s22, v1;
	s22 =	sadd.s32 $0xFFFFFFE0, s21  }
0x224: {  	[tilespmem:v25+s14+$0x0] =	vst.idx.msk vm4, v19;
	v19 =	vadd.s32 s22, v1;
	s22 =	sadd.s32 $0xFFFFFFF0, s21  }
0x225: {  	[tilespmem:v23+s14+$0x0] =	vst.idx.msk vm5, v19;
	v19 =	vor.u32 s22, v1  }
0x226: {  	[tilespmem:v21+s14+$0x0] =	vst.idx.msk vm6, v19;
	v19 =	vadd.s32 s21, v1  }
0x227: {  	_ =	sdelay $0x4  }
0x228: {  	[tilespmem:v2+s14+$0x0] =	vst.idx.msk vm0, v19  }
0x229: {  	_ =	swait.ge [sflag:s15], $0x4000  }
0x22a: {  	[sflag:s15] =	ssyncset.done $0x0  }
0x22b: {  	[sflag:s15] =	ssyncadd.s32 $0xFFFFC000  }
0x22c: {  	_ =	swait.ge [sflag:s15], $0x4000  }
0x22d: {  	[sflag:s15] =	ssyncset.done $0x0  }
0x22e: {  	s18 =	rddreg [dreg:$0x14];
	[sflag:s15] =	ssyncadd.s32 $0xFFFFC000  }
0x22f: {  	[tilespmem:s3], [sflag:$0x1] =	stream.strided.gather [hbm4b:s18+s8], $0x4000, s9, s8, $0x38;
	[tilespmem:$0x12200] =	vst v63  }
0x230: {  	s20 =	rddreg [dreg:$0x15]  }
0x231: {  	[tilespmem:s10], [sflag:$0x1] =	stream.linear.gather [hbm4b:s20+s3], $0x4000, $0x38;
	[tilespmem:$0x12200] =	vst v63  }
0x232: {  	v5 =	vld [tilespmem:$0x4080]  }
0x233: {  	v19 =	vld [tilespmem:$0xC180]  }
0x234: {  	v10 =	vld [tilespmem:$0x4090]  }
0x235: {  	v20 =	vld [tilespmem:$0xC190]  }
0x236: {  	v17 =	vld [tilespmem:$0x40A0]  }
0x237: {  	v21 =	vld [tilespmem:$0xC1A0]  }
0x238: {  	v18 =	vld [tilespmem:$0x40B0]  }
0x239: {  	v22 =	vld [tilespmem:$0xC1B0]  }
0x23a: {  	v23 =	vld [tilespmem:$0x40C0]  }
0x23b: {  	v24 =	vld [tilespmem:$0xC1C0]  }
0x23c: {  	v25 =	vld [tilespmem:$0x40D0]  }
0x23d: {  	v26 =	vld [tilespmem:$0xC1D0]  }
0x23e: {  	v27 =	vld [tilespmem:$0x40E0]  }
0x23f: {  	v28 =	vld [tilespmem:$0xC1E0]  }
0x240: {  	v29 =	vld [tilespmem:$0x40F0]  }
0x241: {  	s18 =	simm.s32 $0x4170;
	v2 =	vld [tilespmem:$0xC1F0]  }
0x242: {  	s19 =	simm.s32 $0xC270;
	v3 =	vld [tilespmem:s18+$0xFFFFFF90]  }
0x243: {  	v4 =	vld [tilespmem:s19+$0x0]  }
0x244: {  	v6 =	vld [tilespmem:s18+$0x0]  }
0x245: {  	v7 =	vld [tilespmem:s19+$0xFFFFFFF0]  }
0x246: {  	v8 =	vld [tilespmem:s18+$0xFFFFFFF0]  }
0x247: {  	v9 =	vld [tilespmem:s19+$0xFFFFFFE0]  }
0x248: {  	v11 =	vld [tilespmem:s18+$0xFFFFFFE0]  }
0x249: {  	v12 =	vld [tilespmem:s19+$0xFFFFFFD0]  }
0x24a: {  	v13 =	vld [tilespmem:s18+$0xFFFFFFD0]  }
0x24b: {  	v15 =	vld [tilespmem:s19+$0xFFFFFFC0];
	vm0 =	vgt.f32 v5, $5.000000000e-01  }
0x24c: {  	v14 =	vld [tilespmem:s18+$0xFFFFFFC0];
	vm1 =	vgt.f32 v10, $5.000000000e-01  }
0x24d: {  	v16 =	vld [tilespmem:s19+$0xFFFFFFB0];
	vm2 =	vgt.f32 v17, $5.000000000e-01  }
0x24e: {  	v5 =	vld [tilespmem:s18+$0xFFFFFFB0];
	vm3 =	vgt.f32 v18, $5.000000000e-01  }
0x24f: {  	s20 =	simm.s32 $0x1C000;
	v17 =	vld [tilespmem:s19+$0xFFFFFFA0];
	vm4 =	vgt.f32 v23, $5.000000000e-01  }
0x250: {  	s21 =	simm.s32 $0x1C010;
	v63 =	vor.u32 s20, v1;
	v10 =	vld [tilespmem:s18+$0xFFFFFFA0];
	vm5 =	vgt.f32 v25, $5.000000000e-01  }
0x251: {  	s22 =	simm.s32 $0x1C020;
	v18 =	vld [tilespmem:s19+$0xFFFFFF90];
	vm6 =	vgt.f32 v27, $5.000000000e-01;
	[tilespmem:v19+s14+$0x0] =	vst.idx.msk vm0, v63;
	v19 =	vadd.s32 s21, v1  }
0x252: {  	s21 =	simm.s32 $0x1C030;
	vm0 =	vgt.f32 v29, $5.000000000e-01;
	[tilespmem:v20+s14+$0x0] =	vst.idx.msk vm1, v19;
	v19 =	vor.u32 s22, v1  }
0x253: {  	s22 =	simm.s32 $0x1C040;
	[tilespmem:v21+s14+$0x0] =	vst.idx.msk vm2, v19;
	v19 =	vadd.s32 s21, v1  }
0x254: {  	s21 =	simm.s32 $0x1C050;
	[tilespmem:v22+s14+$0x0] =	vst.idx.msk vm3, v19;
	v19 =	vor.u32 s22, v1  }
0x255: {  	s22 =	simm.s32 $0x1C060;
	[tilespmem:v24+s14+$0x0] =	vst.idx.msk vm4, v19;
	v19 =	vadd.s32 s21, v1  }
0x256: {  	s21 =	simm.s32 $0x1C070;
	[tilespmem:v26+s14+$0x0] =	vst.idx.msk vm5, v19;
	v19 =	vor.u32 s22, v1  }
0x257: {  	s20 =	simm.s32 $0x1C0F0;
	[tilespmem:v28+s14+$0x0] =	vst.idx.msk vm6, v19;
	v19 =	vadd.s32 s21, v1  }
.LBB2_18:
0x258: {  	p0 =	sne.s32 s20, $0x1FFF0;
	[tilespmem:v2+s14+$0x0] =	vst.idx.msk vm0, v19;
	s18 =	sadd.s32 $0x80, s18;
	s19 =	sadd.s32 $0x80, s19;
	v19 =	vmovc v3;
	v2 =	vmovc v4;
	v20 =	vmov v6;
	v21 =	vmov v7;
	v22 =	vmov v8  }
0x259: {  	v23 =	vmovc v9;
	v24 =	vmovc v11;
	v25 =	vmov v12;
	v26 =	vmov v13;
	v27 =	vmov v15;
	s21 =	smov.u32 s20;
	s20 =	sadd.s32 $0x80, s20;
	v3 =	vld [tilespmem:s18+$0xFFFFFF90]  }
0x25a: {  	v28 =	vmovc v14;
	v29 =	vmov v16;
	v30 =	vmov v17;
	v31 =	vmov v18;
	v4 =	vld [tilespmem:s19+$0x0]  }
0x25b: {  	v6 =	vld [tilespmem:s18+$0x0]  }
0x25c: {  	v7 =	vld [tilespmem:s19+$0xFFFFFFF0]  }
0x25d: {  	v8 =	vld [tilespmem:s18+$0xFFFFFFF0]  }
0x25e: {  	v9 =	vld [tilespmem:s19+$0xFFFFFFE0]  }
0x25f: {  	v11 =	vld [tilespmem:s18+$0xFFFFFFE0]  }
0x260: {  	v12 =	vld [tilespmem:s19+$0xFFFFFFD0]  }
0x261: {  	v13 =	vld [tilespmem:s18+$0xFFFFFFD0]  }
0x262: {  	v15 =	vld [tilespmem:s19+$0xFFFFFFC0]  }
0x263: {  	vm0 =	vgt.f32 v19, $5.000000000e-01;
	v14 =	vld [tilespmem:s18+$0xFFFFFFC0]  }
0x264: {  	vm1 =	vgt.f32 v10, $5.000000000e-01;
	v16 =	vld [tilespmem:s19+$0xFFFFFFB0]  }
0x265: {  	vm2 =	vgt.f32 v5, $5.000000000e-01;
	v5 =	vld [tilespmem:s18+$0xFFFFFFB0]  }
0x266: {  	vm3 =	vgt.f32 v28, $5.000000000e-01;
	v17 =	vld [tilespmem:s19+$0xFFFFFFA0]  }
0x267: {  	s22 =	sadd.s32 $0xFFFFFF90, s21;
	vm4 =	vgt.f32 v26, $5.000000000e-01;
	v10 =	vld [tilespmem:s18+$0xFFFFFFA0]  }
0x268: {  	vm5 =	vgt.f32 v24, $5.000000000e-01;
	v19 =	vor.u32 s22, v1;
	s22 =	sadd.s32 $0xFFFFFFA0, s21;
	v18 =	vld [tilespmem:s19+$0xFFFFFF90]  }
0x269: {  	vm6 =	vgt.f32 v22, $5.000000000e-01;
	[tilespmem:v31+s14+$0x0] =	vst.idx.msk vm0, v19;
	v19 =	vadd.s32 s22, v1;
	s22 =	sadd.s32 $0xFFFFFFB0, s21  }
0x26a: {  	vm0 =	vgt.f32 v20, $5.000000000e-01;
	[tilespmem:v30+s14+$0x0] =	vst.idx.msk vm1, v19;
	v19 =	vor.u32 s22, v1;
	s22 =	sadd.s32 $0xFFFFFFC0, s21  }
.Ltmp8:
0x26b: {  	[tilespmem:v29+s14+$0x0] =	vst.idx.msk vm2, v19;
	v19 =	vadd.s32 s22, v1;
	s22 =	sadd.s32 $0xFFFFFFD0, s21;
	(pc) =	sbr.rel @p0 .LBB2_18-.Ltmp8, $4  }
0x26c: {  	[tilespmem:v27+s14+$0x0] =	vst.idx.msk vm3, v19;
	v19 =	vor.u32 s22, v1;
	s22 =	sadd.s32 $0xFFFFFFE0, s21  }
0x26d: {  	[tilespmem:v25+s14+$0x0] =	vst.idx.msk vm4, v19;
	v19 =	vadd.s32 s22, v1;
	s22 =	sadd.s32 $0xFFFFFFF0, s21  }
0x26e: {  	[tilespmem:v23+s14+$0x0] =	vst.idx.msk vm5, v19;
	v19 =	vor.u32 s22, v1  }
0x26f: {  	[tilespmem:v21+s14+$0x0] =	vst.idx.msk vm6, v19;
	v19 =	vadd.s32 s21, v1  }
0x270: {  	_ =	sdelay $0x4  }
0x271: {  	[tilespmem:v2+s14+$0x0] =	vst.idx.msk vm0, v19  }
0x272: {  	_ =	swait.ge [sflag:s11], $0x4000  }
0x273: {  	[sflag:s11] =	ssyncset.done $0x0  }
0x274: {  	[sflag:s11] =	ssyncadd.s32 $0xFFFFC000  }
0x275: {  	_ =	swait.ge [sflag:s11], $0x4000  }
0x276: {  	[sflag:s11] =	ssyncset.done $0x0  }
0x277: {  	[sflag:s11] =	ssyncadd.s32 $0xFFFFC000  }
0x278: {  	[tilespmem:s12], [sflag:$0x2] =	stream.strided.gather [hbm4b:s24+s8], $0x4000, s9, s8, $0x38;
	[tilespmem:$0x12200] =	vst v63  }
0x279: {  	_ = 	snop  }
0x27a: {  	[tilespmem:s13], [sflag:$0x2] =	stream.linear.gather [hbm4b:s26+s3], $0x4000, $0x38;
	[tilespmem:$0x12200] =	vst v63  }
0x27b: {  	v5 =	vld [tilespmem:$0x0]  }
0x27c: {  	v19 =	vld [tilespmem:$0x8100]  }
0x27d: {  	v10 =	vld [tilespmem:$0x10]  }
0x27e: {  	v20 =	vld [tilespmem:$0x8110]  }
0x27f: {  	v17 =	vld [tilespmem:$0x20]  }
0x280: {  	v21 =	vld [tilespmem:$0x8120]  }
0x281: {  	v18 =	vld [tilespmem:$0x30]  }
0x282: {  	v22 =	vld [tilespmem:$0x8130]  }
0x283: {  	v23 =	vld [tilespmem:$0x40]  }
0x284: {  	v24 =	vld [tilespmem:$0x8140]  }
0x285: {  	v25 =	vld [tilespmem:$0x50]  }
0x286: {  	v26 =	vld [tilespmem:$0x8150]  }
0x287: {  	v27 =	vld [tilespmem:$0x60]  }
0x288: {  	v28 =	vld [tilespmem:$0x8160]  }
0x289: {  	v29 =	vld [tilespmem:$0x70]  }
0x28a: {  	s18 =	simm.s32 $0xF0;
	v2 =	vld [tilespmem:$0x8170]  }
0x28b: {  	s19 =	simm.s32 $0x81F0;
	v3 =	vld [tilespmem:s18+$0xFFFFFF90]  }
0x28c: {  	v4 =	vld [tilespmem:s19+$0x0]  }
0x28d: {  	v6 =	vld [tilespmem:s18+$0x0]  }
0x28e: {  	v7 =	vld [tilespmem:s19+$0xFFFFFFF0]  }
0x28f: {  	v8 =	vld [tilespmem:s18+$0xFFFFFFF0]  }
0x290: {  	v9 =	vld [tilespmem:s19+$0xFFFFFFE0]  }
0x291: {  	v11 =	vld [tilespmem:s18+$0xFFFFFFE0]  }
0x292: {  	v12 =	vld [tilespmem:s19+$0xFFFFFFD0]  }
0x293: {  	v13 =	vld [tilespmem:s18+$0xFFFFFFD0]  }
0x294: {  	v15 =	vld [tilespmem:s19+$0xFFFFFFC0];
	vm0 =	vgt.f32 v5, $5.000000000e-01  }
0x295: {  	v14 =	vld [tilespmem:s18+$0xFFFFFFC0];
	vm1 =	vgt.f32 v10, $5.000000000e-01  }
0x296: {  	v16 =	vld [tilespmem:s19+$0xFFFFFFB0];
	vm2 =	vgt.f32 v17, $5.000000000e-01  }
0x297: {  	v5 =	vld [tilespmem:s18+$0xFFFFFFB0];
	vm3 =	vgt.f32 v18, $5.000000000e-01  }
0x298: {  	s20 =	simm.s32 $0x20000;
	v17 =	vld [tilespmem:s19+$0xFFFFFFA0];
	vm4 =	vgt.f32 v23, $5.000000000e-01  }
0x299: {  	s21 =	simm.s32 $0x20010;
	v63 =	vor.u32 s20, v1;
	v10 =	vld [tilespmem:s18+$0xFFFFFFA0];
	vm5 =	vgt.f32 v25, $5.000000000e-01  }
0x29a: {  	s22 =	simm.s32 $0x20020;
	v18 =	vld [tilespmem:s19+$0xFFFFFF90];
	vm6 =	vgt.f32 v27, $5.000000000e-01;
	[tilespmem:v19+s14+$0x0] =	vst.idx.msk vm0, v63;
	v19 =	vadd.s32 s21, v1  }
0x29b: {  	s21 =	simm.s32 $0x20030;
	vm0 =	vgt.f32 v29, $5.000000000e-01;
	[tilespmem:v20+s14+$0x0] =	vst.idx.msk vm1, v19;
	v19 =	vor.u32 s22, v1  }
0x29c: {  	s22 =	simm.s32 $0x20040;
	[tilespmem:v21+s14+$0x0] =	vst.idx.msk vm2, v19;
	v19 =	vadd.s32 s21, v1  }
0x29d: {  	s21 =	simm.s32 $0x20050;
	[tilespmem:v22+s14+$0x0] =	vst.idx.msk vm3, v19;
	v19 =	vor.u32 s22, v1  }
0x29e: {  	s22 =	simm.s32 $0x20060;
	[tilespmem:v24+s14+$0x0] =	vst.idx.msk vm4, v19;
	v19 =	vadd.s32 s21, v1  }
0x29f: {  	s21 =	simm.s32 $0x20070;
	[tilespmem:v26+s14+$0x0] =	vst.idx.msk vm5, v19;
	v19 =	vor.u32 s22, v1  }
0x2a0: {  	s20 =	simm.s32 $0x200F0;
	[tilespmem:v28+s14+$0x0] =	vst.idx.msk vm6, v19;
	v19 =	vadd.s32 s21, v1  }
.LBB2_20:
0x2a1: {  	p0 =	sne.s32 s20, $0x23FF0;
	[tilespmem:v2+s14+$0x0] =	vst.idx.msk vm0, v19;
	s18 =	sadd.s32 $0x80, s18;
	s19 =	sadd.s32 $0x80, s19;
	v19 =	vmovc v3;
	v2 =	vmovc v4;
	v20 =	vmov v6;
	v21 =	vmov v7;
	v22 =	vmov v8  }
0x2a2: {  	v23 =	vmovc v9;
	v24 =	vmovc v11;
	v25 =	vmov v12;
	v26 =	vmov v13;
	v27 =	vmov v15;
	s21 =	smov.u32 s20;
	s20 =	sadd.s32 $0x80, s20;
	v3 =	vld [tilespmem:s18+$0xFFFFFF90]  }
0x2a3: {  	v28 =	vmovc v14;
	v29 =	vmov v16;
	v30 =	vmov v17;
	v31 =	vmov v18;
	v4 =	vld [tilespmem:s19+$0x0]  }
0x2a4: {  	v6 =	vld [tilespmem:s18+$0x0]  }
0x2a5: {  	v7 =	vld [tilespmem:s19+$0xFFFFFFF0]  }
0x2a6: {  	v8 =	vld [tilespmem:s18+$0xFFFFFFF0]  }
0x2a7: {  	v9 =	vld [tilespmem:s19+$0xFFFFFFE0]  }
0x2a8: {  	v11 =	vld [tilespmem:s18+$0xFFFFFFE0]  }
0x2a9: {  	v12 =	vld [tilespmem:s19+$0xFFFFFFD0]  }
0x2aa: {  	v13 =	vld [tilespmem:s18+$0xFFFFFFD0]  }
0x2ab: {  	v15 =	vld [tilespmem:s19+$0xFFFFFFC0]  }
0x2ac: {  	vm0 =	vgt.f32 v19, $5.000000000e-01;
	v14 =	vld [tilespmem:s18+$0xFFFFFFC0]  }
0x2ad: {  	vm1 =	vgt.f32 v10, $5.000000000e-01;
	v16 =	vld [tilespmem:s19+$0xFFFFFFB0]  }
0x2ae: {  	vm2 =	vgt.f32 v5, $5.000000000e-01;
	v5 =	vld [tilespmem:s18+$0xFFFFFFB0]  }
0x2af: {  	vm3 =	vgt.f32 v28, $5.000000000e-01;
	v17 =	vld [tilespmem:s19+$0xFFFFFFA0]  }
0x2b0: {  	s22 =	sadd.s32 $0xFFFFFF90, s21;
	vm4 =	vgt.f32 v26, $5.000000000e-01;
	v10 =	vld [tilespmem:s18+$0xFFFFFFA0]  }
0x2b1: {  	vm5 =	vgt.f32 v24, $5.000000000e-01;
	v19 =	vor.u32 s22, v1;
	s22 =	sadd.s32 $0xFFFFFFA0, s21;
	v18 =	vld [tilespmem:s19+$0xFFFFFF90]  }
0x2b2: {  	vm6 =	vgt.f32 v22, $5.000000000e-01;
	[tilespmem:v31+s14+$0x0] =	vst.idx.msk vm0, v19;
	v19 =	vadd.s32 s22, v1;
	s22 =	sadd.s32 $0xFFFFFFB0, s21  }
0x2b3: {  	vm0 =	vgt.f32 v20, $5.000000000e-01;
	[tilespmem:v30+s14+$0x0] =	vst.idx.msk vm1, v19;
	v19 =	vor.u32 s22, v1;
	s22 =	sadd.s32 $0xFFFFFFC0, s21  }
.Ltmp9:
0x2b4: {  	[tilespmem:v29+s14+$0x0] =	vst.idx.msk vm2, v19;
	v19 =	vadd.s32 s22, v1;
	s22 =	sadd.s32 $0xFFFFFFD0, s21;
	(pc) =	sbr.rel @p0 .LBB2_20-.Ltmp9, $4  }
0x2b5: {  	[tilespmem:v27+s14+$0x0] =	vst.idx.msk vm3, v19;
	v19 =	vor.u32 s22, v1;
	s22 =	sadd.s32 $0xFFFFFFE0, s21  }
0x2b6: {  	[tilespmem:v25+s14+$0x0] =	vst.idx.msk vm4, v19;
	v19 =	vadd.s32 s22, v1;
	s22 =	sadd.s32 $0xFFFFFFF0, s21  }
0x2b7: {  	[tilespmem:v23+s14+$0x0] =	vst.idx.msk vm5, v19;
	v19 =	vor.u32 s22, v1  }
0x2b8: {  	[tilespmem:v21+s14+$0x0] =	vst.idx.msk vm6, v19;
	v19 =	vadd.s32 s21, v1  }
0x2b9: {  	_ =	sdelay $0x4  }
0x2ba: {  	[tilespmem:v2+s14+$0x0] =	vst.idx.msk vm0, v19  }
0x2bb: {  	_ =	swait.ge [sflag:s15], $0x4000  }
0x2bc: {  	[sflag:s15] =	ssyncset.done $0x0  }
0x2bd: {  	[sflag:s15] =	ssyncadd.s32 $0xFFFFC000  }
0x2be: {  	_ =	swait.ge [sflag:s15], $0x4000  }
0x2bf: {  	[sflag:s15] =	ssyncset.done $0x0  }
0x2c0: {  	[sflag:s15] =	ssyncadd.s32 $0xFFFFC000  }
0x2c1: {  	[tilespmem:s3], [sflag:$0x1] =	stream.strided.gather [hbm4b:s28+s8], $0x4000, s9, s8, $0x38;
	[tilespmem:$0x12200] =	vst v63  }
0x2c2: {  	_ = 	snop  }
0x2c3: {  	[tilespmem:s10], [sflag:$0x1] =	stream.linear.gather [hbm4b:s29+s3], $0x4000, $0x38;
	[tilespmem:$0x12200] =	vst v63  }
0x2c4: {  	v5 =	vld [tilespmem:$0x4080]  }
0x2c5: {  	v19 =	vld [tilespmem:$0xC180]  }
0x2c6: {  	v10 =	vld [tilespmem:$0x4090]  }
0x2c7: {  	v20 =	vld [tilespmem:$0xC190]  }
0x2c8: {  	v17 =	vld [tilespmem:$0x40A0]  }
0x2c9: {  	v21 =	vld [tilespmem:$0xC1A0]  }
0x2ca: {  	v18 =	vld [tilespmem:$0x40B0]  }
0x2cb: {  	v22 =	vld [tilespmem:$0xC1B0]  }
0x2cc: {  	v23 =	vld [tilespmem:$0x40C0]  }
0x2cd: {  	v24 =	vld [tilespmem:$0xC1C0]  }
0x2ce: {  	v25 =	vld [tilespmem:$0x40D0]  }
0x2cf: {  	v26 =	vld [tilespmem:$0xC1D0]  }
0x2d0: {  	v27 =	vld [tilespmem:$0x40E0]  }
0x2d1: {  	v28 =	vld [tilespmem:$0xC1E0]  }
0x2d2: {  	v29 =	vld [tilespmem:$0x40F0]  }
0x2d3: {  	s18 =	simm.s32 $0x4170;
	v2 =	vld [tilespmem:$0xC1F0]  }
0x2d4: {  	s19 =	simm.s32 $0xC270;
	v3 =	vld [tilespmem:s18+$0xFFFFFF90]  }
0x2d5: {  	v4 =	vld [tilespmem:s19+$0x0]  }
0x2d6: {  	v6 =	vld [tilespmem:s18+$0x0]  }
0x2d7: {  	v7 =	vld [tilespmem:s19+$0xFFFFFFF0]  }
0x2d8: {  	v8 =	vld [tilespmem:s18+$0xFFFFFFF0]  }
0x2d9: {  	v9 =	vld [tilespmem:s19+$0xFFFFFFE0]  }
0x2da: {  	v11 =	vld [tilespmem:s18+$0xFFFFFFE0]  }
0x2db: {  	v12 =	vld [tilespmem:s19+$0xFFFFFFD0]  }
0x2dc: {  	v13 =	vld [tilespmem:s18+$0xFFFFFFD0]  }
0x2dd: {  	v15 =	vld [tilespmem:s19+$0xFFFFFFC0];
	vm0 =	vgt.f32 v5, $5.000000000e-01  }
0x2de: {  	v14 =	vld [tilespmem:s18+$0xFFFFFFC0];
	vm1 =	vgt.f32 v10, $5.000000000e-01  }
0x2df: {  	v16 =	vld [tilespmem:s19+$0xFFFFFFB0];
	vm2 =	vgt.f32 v17, $5.000000000e-01  }
0x2e0: {  	v5 =	vld [tilespmem:s18+$0xFFFFFFB0];
	vm3 =	vgt.f32 v18, $5.000000000e-01  }
0x2e1: {  	s20 =	simm.s32 $0x24000;
	v17 =	vld [tilespmem:s19+$0xFFFFFFA0];
	vm4 =	vgt.f32 v23, $5.000000000e-01  }
0x2e2: {  	s21 =	simm.s32 $0x24010;
	v63 =	vor.u32 s20, v1;
	v10 =	vld [tilespmem:s18+$0xFFFFFFA0];
	vm5 =	vgt.f32 v25, $5.000000000e-01  }
0x2e3: {  	s22 =	simm.s32 $0x24020;
	v18 =	vld [tilespmem:s19+$0xFFFFFF90];
	vm6 =	vgt.f32 v27, $5.000000000e-01;
	[tilespmem:v19+s14+$0x0] =	vst.idx.msk vm0, v63;
	v19 =	vadd.s32 s21, v1  }
0x2e4: {  	s21 =	simm.s32 $0x24030;
	vm0 =	vgt.f32 v29, $5.000000000e-01;
	[tilespmem:v20+s14+$0x0] =	vst.idx.msk vm1, v19;
	v19 =	vor.u32 s22, v1  }
0x2e5: {  	s22 =	simm.s32 $0x24040;
	[tilespmem:v21+s14+$0x0] =	vst.idx.msk vm2, v19;
	v19 =	vadd.s32 s21, v1  }
0x2e6: {  	s21 =	simm.s32 $0x24050;
	[tilespmem:v22+s14+$0x0] =	vst.idx.msk vm3, v19;
	v19 =	vor.u32 s22, v1  }
0x2e7: {  	s22 =	simm.s32 $0x24060;
	[tilespmem:v24+s14+$0x0] =	vst.idx.msk vm4, v19;
	v19 =	vadd.s32 s21, v1  }
0x2e8: {  	s21 =	simm.s32 $0x24070;
	[tilespmem:v26+s14+$0x0] =	vst.idx.msk vm5, v19;
	v19 =	vor.u32 s22, v1  }
0x2e9: {  	s20 =	simm.s32 $0x240F0;
	[tilespmem:v28+s14+$0x0] =	vst.idx.msk vm6, v19;
	v19 =	vadd.s32 s21, v1  }
.LBB2_22:
0x2ea: {  	p0 =	sne.s32 s20, $0x27FF0;
	[tilespmem:v2+s14+$0x0] =	vst.idx.msk vm0, v19;
	s18 =	sadd.s32 $0x80, s18;
	s19 =	sadd.s32 $0x80, s19;
	v19 =	vmovc v3;
	v2 =	vmovc v4;
	v20 =	vmov v6;
	v21 =	vmov v7;
	v22 =	vmov v8  }
0x2eb: {  	v23 =	vmovc v9;
	v24 =	vmovc v11;
	v25 =	vmov v12;
	v26 =	vmov v13;
	v27 =	vmov v15;
	s21 =	smov.u32 s20;
	s20 =	sadd.s32 $0x80, s20;
	v3 =	vld [tilespmem:s18+$0xFFFFFF90]  }
0x2ec: {  	v28 =	vmovc v14;
	v29 =	vmov v16;
	v30 =	vmov v17;
	v31 =	vmov v18;
	v4 =	vld [tilespmem:s19+$0x0]  }
0x2ed: {  	v6 =	vld [tilespmem:s18+$0x0]  }
0x2ee: {  	v7 =	vld [tilespmem:s19+$0xFFFFFFF0]  }
0x2ef: {  	v8 =	vld [tilespmem:s18+$0xFFFFFFF0]  }
0x2f0: {  	v9 =	vld [tilespmem:s19+$0xFFFFFFE0]  }
0x2f1: {  	v11 =	vld [tilespmem:s18+$0xFFFFFFE0]  }
0x2f2: {  	v12 =	vld [tilespmem:s19+$0xFFFFFFD0]  }
0x2f3: {  	v13 =	vld [tilespmem:s18+$0xFFFFFFD0]  }
0x2f4: {  	v15 =	vld [tilespmem:s19+$0xFFFFFFC0]  }
0x2f5: {  	vm0 =	vgt.f32 v19, $5.000000000e-01;
	v14 =	vld [tilespmem:s18+$0xFFFFFFC0]  }
0x2f6: {  	vm1 =	vgt.f32 v10, $5.000000000e-01;
	v16 =	vld [tilespmem:s19+$0xFFFFFFB0]  }
0x2f7: {  	vm2 =	vgt.f32 v5, $5.000000000e-01;
	v5 =	vld [tilespmem:s18+$0xFFFFFFB0]  }
0x2f8: {  	vm3 =	vgt.f32 v28, $5.000000000e-01;
	v17 =	vld [tilespmem:s19+$0xFFFFFFA0]  }
0x2f9: {  	s22 =	sadd.s32 $0xFFFFFF90, s21;
	vm4 =	vgt.f32 v26, $5.000000000e-01;
	v10 =	vld [tilespmem:s18+$0xFFFFFFA0]  }
0x2fa: {  	vm5 =	vgt.f32 v24, $5.000000000e-01;
	v19 =	vor.u32 s22, v1;
	s22 =	sadd.s32 $0xFFFFFFA0, s21;
	v18 =	vld [tilespmem:s19+$0xFFFFFF90]  }
0x2fb: {  	vm6 =	vgt.f32 v22, $5.000000000e-01;
	[tilespmem:v31+s14+$0x0] =	vst.idx.msk vm0, v19;
	v19 =	vadd.s32 s22, v1;
	s22 =	sadd.s32 $0xFFFFFFB0, s21  }
0x2fc: {  	vm0 =	vgt.f32 v20, $5.000000000e-01;
	[tilespmem:v30+s14+$0x0] =	vst.idx.msk vm1, v19;
	v19 =	vor.u32 s22, v1;
	s22 =	sadd.s32 $0xFFFFFFC0, s21  }
.Ltmp10:
0x2fd: {  	[tilespmem:v29+s14+$0x0] =	vst.idx.msk vm2, v19;
	v19 =	vadd.s32 s22, v1;
	s22 =	sadd.s32 $0xFFFFFFD0, s21;
	(pc) =	sbr.rel @p0 .LBB2_22-.Ltmp10, $4  }
0x2fe: {  	[tilespmem:v27+s14+$0x0] =	vst.idx.msk vm3, v19;
	v19 =	vor.u32 s22, v1;
	s22 =	sadd.s32 $0xFFFFFFE0, s21  }
0x2ff: {  	[tilespmem:v25+s14+$0x0] =	vst.idx.msk vm4, v19;
	v19 =	vadd.s32 s22, v1;
	s22 =	sadd.s32 $0xFFFFFFF0, s21  }
0x300: {  	[tilespmem:v23+s14+$0x0] =	vst.idx.msk vm5, v19;
	v19 =	vor.u32 s22, v1  }
0x301: {  	[tilespmem:v21+s14+$0x0] =	vst.idx.msk vm6, v19;
	v19 =	vadd.s32 s21, v1  }
0x302: {  	_ =	sdelay $0x4  }
0x303: {  	[tilespmem:v2+s14+$0x0] =	vst.idx.msk vm0, v19  }
0x304: {  	_ =	swait.ge [sflag:s11], $0x4000  }
0x305: {  	[sflag:s11] =	ssyncset.done $0x0  }
0x306: {  	[sflag:s11] =	ssyncadd.s32 $0xFFFFC000  }
0x307: {  	_ =	swait.ge [sflag:s11], $0x4000  }
0x308: {  	[sflag:s11] =	ssyncset.done $0x0  }
0x309: {  	[sflag:s11] =	ssyncadd.s32 $0xFFFFC000  }
0x30a: {  	[tilespmem:s12], [sflag:$0x2] =	stream.strided.gather [hbm4b:s30+s8], $0x4000, s9, s8, $0x38;
	[tilespmem:$0x12200] =	vst v63  }
0x30b: {  	_ = 	snop  }
0x30c: {  	[tilespmem:s13], [sflag:$0x2] =	stream.linear.gather [hbm4b:s31+s3], $0x4000, $0x38;
	[tilespmem:$0x12200] =	vst v63  }
0x30d: {  	v5 =	vld [tilespmem:$0x0]  }
0x30e: {  	v19 =	vld [tilespmem:$0x8100]  }
0x30f: {  	v10 =	vld [tilespmem:$0x10]  }
0x310: {  	v20 =	vld [tilespmem:$0x8110]  }
0x311: {  	v17 =	vld [tilespmem:$0x20]  }
0x312: {  	v21 =	vld [tilespmem:$0x8120]  }
0x313: {  	v18 =	vld [tilespmem:$0x30]  }
0x314: {  	v22 =	vld [tilespmem:$0x8130]  }
0x315: {  	v23 =	vld [tilespmem:$0x40]  }
0x316: {  	v24 =	vld [tilespmem:$0x8140]  }
0x317: {  	v25 =	vld [tilespmem:$0x50]  }
0x318: {  	v26 =	vld [tilespmem:$0x8150]  }
0x319: {  	v27 =	vld [tilespmem:$0x60]  }
0x31a: {  	v28 =	vld [tilespmem:$0x8160]  }
0x31b: {  	v29 =	vld [tilespmem:$0x70]  }
0x31c: {  	s18 =	simm.s32 $0xF0;
	v2 =	vld [tilespmem:$0x8170]  }
0x31d: {  	s19 =	simm.s32 $0x81F0;
	v3 =	vld [tilespmem:s18+$0xFFFFFF90]  }
0x31e: {  	v4 =	vld [tilespmem:s19+$0x0]  }
0x31f: {  	v6 =	vld [tilespmem:s18+$0x0]  }
0x320: {  	v7 =	vld [tilespmem:s19+$0xFFFFFFF0]  }
0x321: {  	v8 =	vld [tilespmem:s18+$0xFFFFFFF0]  }
0x322: {  	v9 =	vld [tilespmem:s19+$0xFFFFFFE0]  }
0x323: {  	v11 =	vld [tilespmem:s18+$0xFFFFFFE0]  }
0x324: {  	v12 =	vld [tilespmem:s19+$0xFFFFFFD0]  }
0x325: {  	v13 =	vld [tilespmem:s18+$0xFFFFFFD0]  }
0x326: {  	v15 =	vld [tilespmem:s19+$0xFFFFFFC0];
	vm0 =	vgt.f32 v5, $5.000000000e-01  }
0x327: {  	v14 =	vld [tilespmem:s18+$0xFFFFFFC0];
	vm1 =	vgt.f32 v10, $5.000000000e-01  }
0x328: {  	v16 =	vld [tilespmem:s19+$0xFFFFFFB0];
	vm2 =	vgt.f32 v17, $5.000000000e-01  }
0x329: {  	v5 =	vld [tilespmem:s18+$0xFFFFFFB0];
	vm3 =	vgt.f32 v18, $5.000000000e-01  }
0x32a: {  	s20 =	simm.s32 $0x28000;
	v17 =	vld [tilespmem:s19+$0xFFFFFFA0];
	vm4 =	vgt.f32 v23, $5.000000000e-01  }
0x32b: {  	s21 =	simm.s32 $0x28010;
	v63 =	vor.u32 s20, v1;
	v10 =	vld [tilespmem:s18+$0xFFFFFFA0];
	vm5 =	vgt.f32 v25, $5.000000000e-01  }
0x32c: {  	s22 =	simm.s32 $0x28020;
	v18 =	vld [tilespmem:s19+$0xFFFFFF90];
	vm6 =	vgt.f32 v27, $5.000000000e-01;
	[tilespmem:v19+s14+$0x0] =	vst.idx.msk vm0, v63;
	v19 =	vadd.s32 s21, v1  }
0x32d: {  	s21 =	simm.s32 $0x28030;
	vm0 =	vgt.f32 v29, $5.000000000e-01;
	[tilespmem:v20+s14+$0x0] =	vst.idx.msk vm1, v19;
	v19 =	vor.u32 s22, v1  }
0x32e: {  	s22 =	simm.s32 $0x28040;
	[tilespmem:v21+s14+$0x0] =	vst.idx.msk vm2, v19;
	v19 =	vadd.s32 s21, v1  }
0x32f: {  	s21 =	simm.s32 $0x28050;
	[tilespmem:v22+s14+$0x0] =	vst.idx.msk vm3, v19;
	v19 =	vor.u32 s22, v1  }
0x330: {  	s22 =	simm.s32 $0x28060;
	[tilespmem:v24+s14+$0x0] =	vst.idx.msk vm4, v19;
	v19 =	vadd.s32 s21, v1  }
0x331: {  	s21 =	simm.s32 $0x28070;
	[tilespmem:v26+s14+$0x0] =	vst.idx.msk vm5, v19;
	v19 =	vor.u32 s22, v1  }
0x332: {  	s20 =	simm.s32 $0x280F0;
	[tilespmem:v28+s14+$0x0] =	vst.idx.msk vm6, v19;
	v19 =	vadd.s32 s21, v1  }
.LBB2_24:
0x333: {  	p0 =	sne.s32 s20, $0x2BFF0;
	[tilespmem:v2+s14+$0x0] =	vst.idx.msk vm0, v19;
	s18 =	sadd.s32 $0x80, s18;
	s19 =	sadd.s32 $0x80, s19;
	v19 =	vmovc v3;
	v2 =	vmovc v4;
	v20 =	vmov v6;
	v21 =	vmov v7;
	v22 =	vmov v8  }
0x334: {  	v23 =	vmovc v9;
	v24 =	vmovc v11;
	v25 =	vmov v12;
	v26 =	vmov v13;
	v27 =	vmov v15;
	s21 =	smov.u32 s20;
	s20 =	sadd.s32 $0x80, s20;
	v3 =	vld [tilespmem:s18+$0xFFFFFF90]  }
0x335: {  	v28 =	vmovc v14;
	v29 =	vmov v16;
	v30 =	vmov v17;
	v31 =	vmov v18;
	v4 =	vld [tilespmem:s19+$0x0]  }
0x336: {  	v6 =	vld [tilespmem:s18+$0x0]  }
0x337: {  	v7 =	vld [tilespmem:s19+$0xFFFFFFF0]  }
0x338: {  	v8 =	vld [tilespmem:s18+$0xFFFFFFF0]  }
0x339: {  	v9 =	vld [tilespmem:s19+$0xFFFFFFE0]  }
0x33a: {  	v11 =	vld [tilespmem:s18+$0xFFFFFFE0]  }
0x33b: {  	v12 =	vld [tilespmem:s19+$0xFFFFFFD0]  }
0x33c: {  	v13 =	vld [tilespmem:s18+$0xFFFFFFD0]  }
0x33d: {  	v15 =	vld [tilespmem:s19+$0xFFFFFFC0]  }
0x33e: {  	vm0 =	vgt.f32 v19, $5.000000000e-01;
	v14 =	vld [tilespmem:s18+$0xFFFFFFC0]  }
0x33f: {  	vm1 =	vgt.f32 v10, $5.000000000e-01;
	v16 =	vld [tilespmem:s19+$0xFFFFFFB0]  }
0x340: {  	vm2 =	vgt.f32 v5, $5.000000000e-01;
	v5 =	vld [tilespmem:s18+$0xFFFFFFB0]  }
0x341: {  	vm3 =	vgt.f32 v28, $5.000000000e-01;
	v17 =	vld [tilespmem:s19+$0xFFFFFFA0]  }
0x342: {  	s22 =	sadd.s32 $0xFFFFFF90, s21;
	vm4 =	vgt.f32 v26, $5.000000000e-01;
	v10 =	vld [tilespmem:s18+$0xFFFFFFA0]  }
0x343: {  	vm5 =	vgt.f32 v24, $5.000000000e-01;
	v19 =	vor.u32 s22, v1;
	s22 =	sadd.s32 $0xFFFFFFA0, s21;
	v18 =	vld [tilespmem:s19+$0xFFFFFF90]  }
0x344: {  	vm6 =	vgt.f32 v22, $5.000000000e-01;
	[tilespmem:v31+s14+$0x0] =	vst.idx.msk vm0, v19;
	v19 =	vadd.s32 s22, v1;
	s22 =	sadd.s32 $0xFFFFFFB0, s21  }
0x345: {  	vm0 =	vgt.f32 v20, $5.000000000e-01;
	[tilespmem:v30+s14+$0x0] =	vst.idx.msk vm1, v19;
	v19 =	vor.u32 s22, v1;
	s22 =	sadd.s32 $0xFFFFFFC0, s21  }
.Ltmp11:
0x346: {  	[tilespmem:v29+s14+$0x0] =	vst.idx.msk vm2, v19;
	v19 =	vadd.s32 s22, v1;
	s22 =	sadd.s32 $0xFFFFFFD0, s21;
	(pc) =	sbr.rel @p0 .LBB2_24-.Ltmp11, $4  }
0x347: {  	[tilespmem:v27+s14+$0x0] =	vst.idx.msk vm3, v19;
	v19 =	vor.u32 s22, v1;
	s22 =	sadd.s32 $0xFFFFFFE0, s21  }
0x348: {  	[tilespmem:v25+s14+$0x0] =	vst.idx.msk vm4, v19;
	v19 =	vadd.s32 s22, v1;
	s22 =	sadd.s32 $0xFFFFFFF0, s21  }
0x349: {  	[tilespmem:v23+s14+$0x0] =	vst.idx.msk vm5, v19;
	v19 =	vor.u32 s22, v1  }
0x34a: {  	[tilespmem:v21+s14+$0x0] =	vst.idx.msk vm6, v19;
	v19 =	vadd.s32 s21, v1  }
0x34b: {  	_ =	sdelay $0x4  }
0x34c: {  	[tilespmem:v2+s14+$0x0] =	vst.idx.msk vm0, v19  }
0x34d: {  	_ =	swait.ge [sflag:s15], $0x4000  }
0x34e: {  	[sflag:s15] =	ssyncset.done $0x0  }
0x34f: {  	[sflag:s15] =	ssyncadd.s32 $0xFFFFC000  }
0x350: {  	_ =	swait.ge [sflag:s15], $0x4000  }
0x351: {  	[sflag:s15] =	ssyncset.done $0x0  }
0x352: {  	[sflag:s15] =	ssyncadd.s32 $0xFFFFC000  }
0x353: {  	[tilespmem:s3], [sflag:$0x1] =	stream.strided.gather [hbm4b:s1+s8], $0x4000, s9, s8, $0x38;
	[tilespmem:$0x12200] =	vst v63  }
0x354: {  	_ = 	snop  }
0x355: {  	[tilespmem:s10], [sflag:$0x1] =	stream.linear.gather [hbm4b:s0+s3], $0x4000, $0x38;
	[tilespmem:$0x12200] =	vst v63  }
0x356: {  	v5 =	vld [tilespmem:$0x4080]  }
0x357: {  	v19 =	vld [tilespmem:$0xC180]  }
0x358: {  	v10 =	vld [tilespmem:$0x4090]  }
0x359: {  	v20 =	vld [tilespmem:$0xC190]  }
0x35a: {  	v17 =	vld [tilespmem:$0x40A0]  }
0x35b: {  	v21 =	vld [tilespmem:$0xC1A0]  }
0x35c: {  	v18 =	vld [tilespmem:$0x40B0]  }
0x35d: {  	v22 =	vld [tilespmem:$0xC1B0]  }
0x35e: {  	v23 =	vld [tilespmem:$0x40C0]  }
0x35f: {  	v24 =	vld [tilespmem:$0xC1C0]  }
0x360: {  	v25 =	vld [tilespmem:$0x40D0]  }
0x361: {  	v26 =	vld [tilespmem:$0xC1D0]  }
0x362: {  	v27 =	vld [tilespmem:$0x40E0]  }
0x363: {  	v28 =	vld [tilespmem:$0xC1E0]  }
0x364: {  	v29 =	vld [tilespmem:$0x40F0]  }
0x365: {  	s18 =	simm.s32 $0x4170;
	v2 =	vld [tilespmem:$0xC1F0]  }
0x366: {  	s19 =	simm.s32 $0xC270;
	v3 =	vld [tilespmem:s18+$0xFFFFFF90]  }
0x367: {  	v4 =	vld [tilespmem:s19+$0x0]  }
0x368: {  	v6 =	vld [tilespmem:s18+$0x0]  }
0x369: {  	v7 =	vld [tilespmem:s19+$0xFFFFFFF0]  }
0x36a: {  	v8 =	vld [tilespmem:s18+$0xFFFFFFF0]  }
0x36b: {  	v9 =	vld [tilespmem:s19+$0xFFFFFFE0]  }
0x36c: {  	v11 =	vld [tilespmem:s18+$0xFFFFFFE0]  }
0x36d: {  	v12 =	vld [tilespmem:s19+$0xFFFFFFD0]  }
0x36e: {  	v13 =	vld [tilespmem:s18+$0xFFFFFFD0]  }
0x36f: {  	v15 =	vld [tilespmem:s19+$0xFFFFFFC0];
	vm0 =	vgt.f32 v5, $5.000000000e-01  }
0x370: {  	v14 =	vld [tilespmem:s18+$0xFFFFFFC0];
	vm1 =	vgt.f32 v10, $5.000000000e-01  }
0x371: {  	v16 =	vld [tilespmem:s19+$0xFFFFFFB0];
	vm2 =	vgt.f32 v17, $5.000000000e-01  }
0x372: {  	v5 =	vld [tilespmem:s18+$0xFFFFFFB0];
	vm3 =	vgt.f32 v18, $5.000000000e-01  }
0x373: {  	s20 =	simm.s32 $0x2C000;
	v17 =	vld [tilespmem:s19+$0xFFFFFFA0];
	vm4 =	vgt.f32 v23, $5.000000000e-01  }
0x374: {  	s21 =	simm.s32 $0x2C010;
	v63 =	vor.u32 s20, v1;
	v10 =	vld [tilespmem:s18+$0xFFFFFFA0];
	vm5 =	vgt.f32 v25, $5.000000000e-01  }
0x375: {  	s22 =	simm.s32 $0x2C020;
	v18 =	vld [tilespmem:s19+$0xFFFFFF90];
	vm6 =	vgt.f32 v27, $5.000000000e-01;
	[tilespmem:v19+s14+$0x0] =	vst.idx.msk vm0, v63;
	v19 =	vadd.s32 s21, v1  }
0x376: {  	s21 =	simm.s32 $0x2C030;
	vm0 =	vgt.f32 v29, $5.000000000e-01;
	[tilespmem:v20+s14+$0x0] =	vst.idx.msk vm1, v19;
	v19 =	vor.u32 s22, v1  }
0x377: {  	s22 =	simm.s32 $0x2C040;
	[tilespmem:v21+s14+$0x0] =	vst.idx.msk vm2, v19;
	v19 =	vadd.s32 s21, v1  }
0x378: {  	s21 =	simm.s32 $0x2C050;
	[tilespmem:v22+s14+$0x0] =	vst.idx.msk vm3, v19;
	v19 =	vor.u32 s22, v1  }
0x379: {  	s22 =	simm.s32 $0x2C060;
	[tilespmem:v24+s14+$0x0] =	vst.idx.msk vm4, v19;
	v19 =	vadd.s32 s21, v1  }
0x37a: {  	s21 =	simm.s32 $0x2C070;
	[tilespmem:v26+s14+$0x0] =	vst.idx.msk vm5, v19;
	v19 =	vor.u32 s22, v1  }
0x37b: {  	s20 =	simm.s32 $0x2C0F0;
	[tilespmem:v28+s14+$0x0] =	vst.idx.msk vm6, v19;
	v19 =	vadd.s32 s21, v1  }
.LBB2_26:
0x37c: {  	p0 =	sne.s32 s20, $0x2FFF0;
	[tilespmem:v2+s14+$0x0] =	vst.idx.msk vm0, v19;
	s18 =	sadd.s32 $0x80, s18;
	s19 =	sadd.s32 $0x80, s19;
	v19 =	vmovc v3;
	v2 =	vmovc v4;
	v20 =	vmov v6;
	v21 =	vmov v7;
	v22 =	vmov v8  }
0x37d: {  	v23 =	vmovc v9;
	v24 =	vmovc v11;
	v25 =	vmov v12;
	v26 =	vmov v13;
	v27 =	vmov v15;
	s21 =	smov.u32 s20;
	s20 =	sadd.s32 $0x80, s20;
	v3 =	vld [tilespmem:s18+$0xFFFFFF90]  }
0x37e: {  	v28 =	vmovc v14;
	v29 =	vmov v16;
	v30 =	vmov v17;
	v31 =	vmov v18;
	v4 =	vld [tilespmem:s19+$0x0]  }
0x37f: {  	v6 =	vld [tilespmem:s18+$0x0]  }
0x380: {  	v7 =	vld [tilespmem:s19+$0xFFFFFFF0]  }
0x381: {  	v8 =	vld [tilespmem:s18+$0xFFFFFFF0]  }
0x382: {  	v9 =	vld [tilespmem:s19+$0xFFFFFFE0]  }
0x383: {  	v11 =	vld [tilespmem:s18+$0xFFFFFFE0]  }
0x384: {  	v12 =	vld [tilespmem:s19+$0xFFFFFFD0]  }
0x385: {  	v13 =	vld [tilespmem:s18+$0xFFFFFFD0]  }
0x386: {  	v15 =	vld [tilespmem:s19+$0xFFFFFFC0]  }
0x387: {  	vm0 =	vgt.f32 v19, $5.000000000e-01;
	v14 =	vld [tilespmem:s18+$0xFFFFFFC0]  }
0x388: {  	vm1 =	vgt.f32 v10, $5.000000000e-01;
	v16 =	vld [tilespmem:s19+$0xFFFFFFB0]  }
0x389: {  	vm2 =	vgt.f32 v5, $5.000000000e-01;
	v5 =	vld [tilespmem:s18+$0xFFFFFFB0]  }
0x38a: {  	vm3 =	vgt.f32 v28, $5.000000000e-01;
	v17 =	vld [tilespmem:s19+$0xFFFFFFA0]  }
0x38b: {  	s22 =	sadd.s32 $0xFFFFFF90, s21;
	vm4 =	vgt.f32 v26, $5.000000000e-01;
	v10 =	vld [tilespmem:s18+$0xFFFFFFA0]  }
0x38c: {  	vm5 =	vgt.f32 v24, $5.000000000e-01;
	v19 =	vor.u32 s22, v1;
	s22 =	sadd.s32 $0xFFFFFFA0, s21;
	v18 =	vld [tilespmem:s19+$0xFFFFFF90]  }
0x38d: {  	vm6 =	vgt.f32 v22, $5.000000000e-01;
	[tilespmem:v31+s14+$0x0] =	vst.idx.msk vm0, v19;
	v19 =	vadd.s32 s22, v1;
	s22 =	sadd.s32 $0xFFFFFFB0, s21  }
0x38e: {  	vm0 =	vgt.f32 v20, $5.000000000e-01;
	[tilespmem:v30+s14+$0x0] =	vst.idx.msk vm1, v19;
	v19 =	vor.u32 s22, v1;
	s22 =	sadd.s32 $0xFFFFFFC0, s21  }
.Ltmp12:
0x38f: {  	[tilespmem:v29+s14+$0x0] =	vst.idx.msk vm2, v19;
	v19 =	vadd.s32 s22, v1;
	s22 =	sadd.s32 $0xFFFFFFD0, s21;
	(pc) =	sbr.rel @p0 .LBB2_26-.Ltmp12, $4  }
0x390: {  	[tilespmem:v27+s14+$0x0] =	vst.idx.msk vm3, v19;
	v19 =	vor.u32 s22, v1;
	s22 =	sadd.s32 $0xFFFFFFE0, s21  }
0x391: {  	[tilespmem:v25+s14+$0x0] =	vst.idx.msk vm4, v19;
	v19 =	vadd.s32 s22, v1;
	s22 =	sadd.s32 $0xFFFFFFF0, s21  }
0x392: {  	[tilespmem:v23+s14+$0x0] =	vst.idx.msk vm5, v19;
	v19 =	vor.u32 s22, v1  }
0x393: {  	[tilespmem:v21+s14+$0x0] =	vst.idx.msk vm6, v19;
	v19 =	vadd.s32 s21, v1  }
0x394: {  	_ =	sdelay $0x4  }
0x395: {  	[tilespmem:v2+s14+$0x0] =	vst.idx.msk vm0, v19  }
0x396: {  	_ =	swait.ge [sflag:s11], $0x4000  }
0x397: {  	[sflag:s11] =	ssyncset.done $0x0  }
0x398: {  	[sflag:s11] =	ssyncadd.s32 $0xFFFFC000  }
0x399: {  	_ =	swait.ge [sflag:s11], $0x4000  }
0x39a: {  	[sflag:s11] =	ssyncset.done $0x0  }
0x39b: {  	[sflag:s11] =	ssyncadd.s32 $0xFFFFC000  }
0x39c: {  	[tilespmem:s12], [sflag:$0x2] =	stream.strided.gather [hbm4b:s2+s8], $0x4000, s9, s8, $0x38;
	[tilespmem:$0x12200] =	vst v63  }
0x39d: {  	_ = 	snop  }
0x39e: {  	[tilespmem:s13], [sflag:$0x2] =	stream.linear.gather [hbm4b:s5+s3], $0x4000, $0x38;
	[tilespmem:$0x12200] =	vst v63  }
0x39f: {  	v5 =	vld [tilespmem:$0x0]  }
0x3a0: {  	v19 =	vld [tilespmem:$0x8100]  }
0x3a1: {  	v10 =	vld [tilespmem:$0x10]  }
0x3a2: {  	v20 =	vld [tilespmem:$0x8110]  }
0x3a3: {  	v17 =	vld [tilespmem:$0x20]  }
0x3a4: {  	v21 =	vld [tilespmem:$0x8120]  }
0x3a5: {  	v18 =	vld [tilespmem:$0x30]  }
0x3a6: {  	v22 =	vld [tilespmem:$0x8130]  }
0x3a7: {  	v23 =	vld [tilespmem:$0x40]  }
0x3a8: {  	v24 =	vld [tilespmem:$0x8140]  }
0x3a9: {  	v25 =	vld [tilespmem:$0x50]  }
0x3aa: {  	v26 =	vld [tilespmem:$0x8150]  }
0x3ab: {  	v27 =	vld [tilespmem:$0x60]  }
0x3ac: {  	v28 =	vld [tilespmem:$0x8160]  }
0x3ad: {  	v29 =	vld [tilespmem:$0x70]  }
0x3ae: {  	s18 =	simm.s32 $0xF0;
	v2 =	vld [tilespmem:$0x8170]  }
0x3af: {  	s19 =	simm.s32 $0x81F0;
	v3 =	vld [tilespmem:s18+$0xFFFFFF90]  }
0x3b0: {  	v4 =	vld [tilespmem:s19+$0x0]  }
0x3b1: {  	v6 =	vld [tilespmem:s18+$0x0]  }
0x3b2: {  	v7 =	vld [tilespmem:s19+$0xFFFFFFF0]  }
0x3b3: {  	v8 =	vld [tilespmem:s18+$0xFFFFFFF0]  }
0x3b4: {  	v9 =	vld [tilespmem:s19+$0xFFFFFFE0]  }
0x3b5: {  	v11 =	vld [tilespmem:s18+$0xFFFFFFE0]  }
0x3b6: {  	v12 =	vld [tilespmem:s19+$0xFFFFFFD0]  }
0x3b7: {  	v13 =	vld [tilespmem:s18+$0xFFFFFFD0]  }
0x3b8: {  	v15 =	vld [tilespmem:s19+$0xFFFFFFC0];
	vm0 =	vgt.f32 v5, $5.000000000e-01  }
0x3b9: {  	v14 =	vld [tilespmem:s18+$0xFFFFFFC0];
	vm1 =	vgt.f32 v10, $5.000000000e-01  }
0x3ba: {  	v16 =	vld [tilespmem:s19+$0xFFFFFFB0];
	vm2 =	vgt.f32 v17, $5.000000000e-01  }
0x3bb: {  	v5 =	vld [tilespmem:s18+$0xFFFFFFB0];
	vm3 =	vgt.f32 v18, $5.000000000e-01  }
0x3bc: {  	s20 =	simm.s32 $0x30000;
	v17 =	vld [tilespmem:s19+$0xFFFFFFA0];
	vm4 =	vgt.f32 v23, $5.000000000e-01  }
0x3bd: {  	s21 =	simm.s32 $0x30010;
	v63 =	vor.u32 s20, v1;
	v10 =	vld [tilespmem:s18+$0xFFFFFFA0];
	vm5 =	vgt.f32 v25, $5.000000000e-01  }
0x3be: {  	s22 =	simm.s32 $0x30020;
	v18 =	vld [tilespmem:s19+$0xFFFFFF90];
	vm6 =	vgt.f32 v27, $5.000000000e-01;
	[tilespmem:v19+s14+$0x0] =	vst.idx.msk vm0, v63;
	v19 =	vadd.s32 s21, v1  }
0x3bf: {  	s21 =	simm.s32 $0x30030;
	vm0 =	vgt.f32 v29, $5.000000000e-01;
	[tilespmem:v20+s14+$0x0] =	vst.idx.msk vm1, v19;
	v19 =	vor.u32 s22, v1  }
0x3c0: {  	s22 =	simm.s32 $0x30040;
	[tilespmem:v21+s14+$0x0] =	vst.idx.msk vm2, v19;
	v19 =	vadd.s32 s21, v1  }
0x3c1: {  	s21 =	simm.s32 $0x30050;
	[tilespmem:v22+s14+$0x0] =	vst.idx.msk vm3, v19;
	v19 =	vor.u32 s22, v1  }
0x3c2: {  	s22 =	simm.s32 $0x30060;
	[tilespmem:v24+s14+$0x0] =	vst.idx.msk vm4, v19;
	v19 =	vadd.s32 s21, v1  }
0x3c3: {  	s21 =	simm.s32 $0x30070;
	[tilespmem:v26+s14+$0x0] =	vst.idx.msk vm5, v19;
	v19 =	vor.u32 s22, v1  }
0x3c4: {  	s20 =	simm.s32 $0x300F0;
	[tilespmem:v28+s14+$0x0] =	vst.idx.msk vm6, v19;
	v19 =	vadd.s32 s21, v1  }
.LBB2_28:
0x3c5: {  	p0 =	sne.s32 s20, $0x33FF0;
	[tilespmem:v2+s14+$0x0] =	vst.idx.msk vm0, v19;
	s18 =	sadd.s32 $0x80, s18;
	s19 =	sadd.s32 $0x80, s19;
	v19 =	vmovc v3;
	v2 =	vmovc v4;
	v20 =	vmov v6;
	v21 =	vmov v7;
	v22 =	vmov v8  }
0x3c6: {  	v23 =	vmovc v9;
	v24 =	vmovc v11;
	v25 =	vmov v12;
	v26 =	vmov v13;
	v27 =	vmov v15;
	s21 =	smov.u32 s20;
	s20 =	sadd.s32 $0x80, s20;
	v3 =	vld [tilespmem:s18+$0xFFFFFF90]  }
0x3c7: {  	v28 =	vmovc v14;
	v29 =	vmov v16;
	v30 =	vmov v17;
	v31 =	vmov v18;
	v4 =	vld [tilespmem:s19+$0x0]  }
0x3c8: {  	v6 =	vld [tilespmem:s18+$0x0]  }
0x3c9: {  	v7 =	vld [tilespmem:s19+$0xFFFFFFF0]  }
0x3ca: {  	v8 =	vld [tilespmem:s18+$0xFFFFFFF0]  }
0x3cb: {  	v9 =	vld [tilespmem:s19+$0xFFFFFFE0]  }
0x3cc: {  	v11 =	vld [tilespmem:s18+$0xFFFFFFE0]  }
0x3cd: {  	v12 =	vld [tilespmem:s19+$0xFFFFFFD0]  }
0x3ce: {  	v13 =	vld [tilespmem:s18+$0xFFFFFFD0]  }
0x3cf: {  	v15 =	vld [tilespmem:s19+$0xFFFFFFC0]  }
0x3d0: {  	vm0 =	vgt.f32 v19, $5.000000000e-01;
	v14 =	vld [tilespmem:s18+$0xFFFFFFC0]  }
0x3d1: {  	vm1 =	vgt.f32 v10, $5.000000000e-01;
	v16 =	vld [tilespmem:s19+$0xFFFFFFB0]  }
0x3d2: {  	vm2 =	vgt.f32 v5, $5.000000000e-01;
	v5 =	vld [tilespmem:s18+$0xFFFFFFB0]  }
0x3d3: {  	vm3 =	vgt.f32 v28, $5.000000000e-01;
	v17 =	vld [tilespmem:s19+$0xFFFFFFA0]  }
0x3d4: {  	s22 =	sadd.s32 $0xFFFFFF90, s21;
	vm4 =	vgt.f32 v26, $5.000000000e-01;
	v10 =	vld [tilespmem:s18+$0xFFFFFFA0]  }
0x3d5: {  	vm5 =	vgt.f32 v24, $5.000000000e-01;
	v19 =	vor.u32 s22, v1;
	s22 =	sadd.s32 $0xFFFFFFA0, s21;
	v18 =	vld [tilespmem:s19+$0xFFFFFF90]  }
0x3d6: {  	vm6 =	vgt.f32 v22, $5.000000000e-01;
	[tilespmem:v31+s14+$0x0] =	vst.idx.msk vm0, v19;
	v19 =	vadd.s32 s22, v1;
	s22 =	sadd.s32 $0xFFFFFFB0, s21  }
0x3d7: {  	vm0 =	vgt.f32 v20, $5.000000000e-01;
	[tilespmem:v30+s14+$0x0] =	vst.idx.msk vm1, v19;
	v19 =	vor.u32 s22, v1;
	s22 =	sadd.s32 $0xFFFFFFC0, s21  }
.Ltmp13:
0x3d8: {  	[tilespmem:v29+s14+$0x0] =	vst.idx.msk vm2, v19;
	v19 =	vadd.s32 s22, v1;
	s22 =	sadd.s32 $0xFFFFFFD0, s21;
	(pc) =	sbr.rel @p0 .LBB2_28-.Ltmp13, $4  }
0x3d9: {  	[tilespmem:v27+s14+$0x0] =	vst.idx.msk vm3, v19;
	v19 =	vor.u32 s22, v1;
	s22 =	sadd.s32 $0xFFFFFFE0, s21  }
0x3da: {  	[tilespmem:v25+s14+$0x0] =	vst.idx.msk vm4, v19;
	v19 =	vadd.s32 s22, v1;
	s22 =	sadd.s32 $0xFFFFFFF0, s21  }
0x3db: {  	[tilespmem:v23+s14+$0x0] =	vst.idx.msk vm5, v19;
	v19 =	vor.u32 s22, v1  }
0x3dc: {  	[tilespmem:v21+s14+$0x0] =	vst.idx.msk vm6, v19;
	v19 =	vadd.s32 s21, v1  }
0x3dd: {  	_ =	sdelay $0x4  }
0x3de: {  	[tilespmem:v2+s14+$0x0] =	vst.idx.msk vm0, v19  }
0x3df: {  	_ =	swait.ge [sflag:s15], $0x4000  }
0x3e0: {  	[sflag:s15] =	ssyncset.done $0x0  }
0x3e1: {  	[sflag:s15] =	ssyncadd.s32 $0xFFFFC000  }
0x3e2: {  	_ =	swait.ge [sflag:s15], $0x4000  }
0x3e3: {  	[sflag:s15] =	ssyncset.done $0x0  }
0x3e4: {  	s18 =	rddreg [dreg:$0x12];
	[sflag:s15] =	ssyncadd.s32 $0xFFFFC000  }
0x3e5: {  	[tilespmem:s3], [sflag:$0x1] =	stream.strided.gather [hbm4b:s18+s8], $0x4000, s9, s8, $0x38;
	[tilespmem:$0x12200] =	vst v63  }
0x3e6: {  	_ = 	snop  }
0x3e7: {  	[tilespmem:s10], [sflag:$0x1] =	stream.linear.gather [hbm4b:s6+s3], $0x4000, $0x38;
	[tilespmem:$0x12200] =	vst v63  }
0x3e8: {  	v5 =	vld [tilespmem:$0x4080]  }
0x3e9: {  	v19 =	vld [tilespmem:$0xC180]  }
0x3ea: {  	v10 =	vld [tilespmem:$0x4090]  }
0x3eb: {  	v20 =	vld [tilespmem:$0xC190]  }
0x3ec: {  	v17 =	vld [tilespmem:$0x40A0]  }
0x3ed: {  	v21 =	vld [tilespmem:$0xC1A0]  }
0x3ee: {  	v18 =	vld [tilespmem:$0x40B0]  }
0x3ef: {  	v22 =	vld [tilespmem:$0xC1B0]  }
0x3f0: {  	v23 =	vld [tilespmem:$0x40C0]  }
0x3f1: {  	v24 =	vld [tilespmem:$0xC1C0]  }
0x3f2: {  	v25 =	vld [tilespmem:$0x40D0]  }
0x3f3: {  	v26 =	vld [tilespmem:$0xC1D0]  }
0x3f4: {  	v27 =	vld [tilespmem:$0x40E0]  }
0x3f5: {  	v28 =	vld [tilespmem:$0xC1E0]  }
0x3f6: {  	v29 =	vld [tilespmem:$0x40F0]  }
0x3f7: {  	s18 =	simm.s32 $0x4170;
	v2 =	vld [tilespmem:$0xC1F0]  }
0x3f8: {  	s19 =	simm.s32 $0xC270;
	v3 =	vld [tilespmem:s18+$0xFFFFFF90]  }
0x3f9: {  	v4 =	vld [tilespmem:s19+$0x0]  }
0x3fa: {  	v6 =	vld [tilespmem:s18+$0x0]  }
0x3fb: {  	v7 =	vld [tilespmem:s19+$0xFFFFFFF0]  }
0x3fc: {  	v8 =	vld [tilespmem:s18+$0xFFFFFFF0]  }
0x3fd: {  	v9 =	vld [tilespmem:s19+$0xFFFFFFE0]  }
0x3fe: {  	v11 =	vld [tilespmem:s18+$0xFFFFFFE0]  }
0x3ff: {  	v12 =	vld [tilespmem:s19+$0xFFFFFFD0]  }
0x400: {  	v13 =	vld [tilespmem:s18+$0xFFFFFFD0]  }
0x401: {  	v15 =	vld [tilespmem:s19+$0xFFFFFFC0];
	vm0 =	vgt.f32 v5, $5.000000000e-01  }
0x402: {  	v14 =	vld [tilespmem:s18+$0xFFFFFFC0];
	vm1 =	vgt.f32 v10, $5.000000000e-01  }
0x403: {  	v16 =	vld [tilespmem:s19+$0xFFFFFFB0];
	vm2 =	vgt.f32 v17, $5.000000000e-01  }
0x404: {  	v5 =	vld [tilespmem:s18+$0xFFFFFFB0];
	vm3 =	vgt.f32 v18, $5.000000000e-01  }
0x405: {  	s20 =	simm.s32 $0x34000;
	v17 =	vld [tilespmem:s19+$0xFFFFFFA0];
	vm4 =	vgt.f32 v23, $5.000000000e-01  }
0x406: {  	s21 =	simm.s32 $0x34010;
	v63 =	vor.u32 s20, v1;
	v10 =	vld [tilespmem:s18+$0xFFFFFFA0];
	vm5 =	vgt.f32 v25, $5.000000000e-01  }
0x407: {  	s22 =	simm.s32 $0x34020;
	v18 =	vld [tilespmem:s19+$0xFFFFFF90];
	vm6 =	vgt.f32 v27, $5.000000000e-01;
	[tilespmem:v19+s14+$0x0] =	vst.idx.msk vm0, v63;
	v19 =	vadd.s32 s21, v1  }
0x408: {  	s21 =	simm.s32 $0x34030;
	vm0 =	vgt.f32 v29, $5.000000000e-01;
	[tilespmem:v20+s14+$0x0] =	vst.idx.msk vm1, v19;
	v19 =	vor.u32 s22, v1  }
0x409: {  	s22 =	simm.s32 $0x34040;
	[tilespmem:v21+s14+$0x0] =	vst.idx.msk vm2, v19;
	v19 =	vadd.s32 s21, v1  }
0x40a: {  	s21 =	simm.s32 $0x34050;
	[tilespmem:v22+s14+$0x0] =	vst.idx.msk vm3, v19;
	v19 =	vor.u32 s22, v1  }
0x40b: {  	s22 =	simm.s32 $0x34060;
	[tilespmem:v24+s14+$0x0] =	vst.idx.msk vm4, v19;
	v19 =	vadd.s32 s21, v1  }
0x40c: {  	s21 =	simm.s32 $0x34070;
	[tilespmem:v26+s14+$0x0] =	vst.idx.msk vm5, v19;
	v19 =	vor.u32 s22, v1  }
0x40d: {  	s20 =	simm.s32 $0x340F0;
	[tilespmem:v28+s14+$0x0] =	vst.idx.msk vm6, v19;
	v19 =	vadd.s32 s21, v1  }
.LBB2_30:
0x40e: {  	p0 =	sne.s32 s20, $0x37FF0;
	[tilespmem:v2+s14+$0x0] =	vst.idx.msk vm0, v19;
	s18 =	sadd.s32 $0x80, s18;
	s19 =	sadd.s32 $0x80, s19;
	v19 =	vmovc v3;
	v2 =	vmovc v4;
	v20 =	vmov v6;
	v21 =	vmov v7;
	v22 =	vmov v8  }
0x40f: {  	v23 =	vmovc v9;
	v24 =	vmovc v11;
	v25 =	vmov v12;
	v26 =	vmov v13;
	v27 =	vmov v15;
	s21 =	smov.u32 s20;
	s20 =	sadd.s32 $0x80, s20;
	v3 =	vld [tilespmem:s18+$0xFFFFFF90]  }
0x410: {  	v28 =	vmovc v14;
	v29 =	vmov v16;
	v30 =	vmov v17;
	v31 =	vmov v18;
	v4 =	vld [tilespmem:s19+$0x0]  }
0x411: {  	v6 =	vld [tilespmem:s18+$0x0]  }
0x412: {  	v7 =	vld [tilespmem:s19+$0xFFFFFFF0]  }
0x413: {  	v8 =	vld [tilespmem:s18+$0xFFFFFFF0]  }
0x414: {  	v9 =	vld [tilespmem:s19+$0xFFFFFFE0]  }
0x415: {  	v11 =	vld [tilespmem:s18+$0xFFFFFFE0]  }
0x416: {  	v12 =	vld [tilespmem:s19+$0xFFFFFFD0]  }
0x417: {  	v13 =	vld [tilespmem:s18+$0xFFFFFFD0]  }
0x418: {  	v15 =	vld [tilespmem:s19+$0xFFFFFFC0]  }
0x419: {  	vm0 =	vgt.f32 v19, $5.000000000e-01;
	v14 =	vld [tilespmem:s18+$0xFFFFFFC0]  }
0x41a: {  	vm1 =	vgt.f32 v10, $5.000000000e-01;
	v16 =	vld [tilespmem:s19+$0xFFFFFFB0]  }
0x41b: {  	vm2 =	vgt.f32 v5, $5.000000000e-01;
	v5 =	vld [tilespmem:s18+$0xFFFFFFB0]  }
0x41c: {  	vm3 =	vgt.f32 v28, $5.000000000e-01;
	v17 =	vld [tilespmem:s19+$0xFFFFFFA0]  }
0x41d: {  	s22 =	sadd.s32 $0xFFFFFF90, s21;
	vm4 =	vgt.f32 v26, $5.000000000e-01;
	v10 =	vld [tilespmem:s18+$0xFFFFFFA0]  }
0x41e: {  	vm5 =	vgt.f32 v24, $5.000000000e-01;
	v19 =	vor.u32 s22, v1;
	s22 =	sadd.s32 $0xFFFFFFA0, s21;
	v18 =	vld [tilespmem:s19+$0xFFFFFF90]  }
0x41f: {  	vm6 =	vgt.f32 v22, $5.000000000e-01;
	[tilespmem:v31+s14+$0x0] =	vst.idx.msk vm0, v19;
	v19 =	vadd.s32 s22, v1;
	s22 =	sadd.s32 $0xFFFFFFB0, s21  }
0x420: {  	vm0 =	vgt.f32 v20, $5.000000000e-01;
	[tilespmem:v30+s14+$0x0] =	vst.idx.msk vm1, v19;
	v19 =	vor.u32 s22, v1;
	s22 =	sadd.s32 $0xFFFFFFC0, s21  }
.Ltmp14:
0x421: {  	[tilespmem:v29+s14+$0x0] =	vst.idx.msk vm2, v19;
	v19 =	vadd.s32 s22, v1;
	s22 =	sadd.s32 $0xFFFFFFD0, s21;
	(pc) =	sbr.rel @p0 .LBB2_30-.Ltmp14, $4  }
0x422: {  	[tilespmem:v27+s14+$0x0] =	vst.idx.msk vm3, v19;
	v19 =	vor.u32 s22, v1;
	s22 =	sadd.s32 $0xFFFFFFE0, s21  }
0x423: {  	[tilespmem:v25+s14+$0x0] =	vst.idx.msk vm4, v19;
	v19 =	vadd.s32 s22, v1;
	s22 =	sadd.s32 $0xFFFFFFF0, s21  }
0x424: {  	[tilespmem:v23+s14+$0x0] =	vst.idx.msk vm5, v19;
	v19 =	vor.u32 s22, v1  }
0x425: {  	[tilespmem:v21+s14+$0x0] =	vst.idx.msk vm6, v19;
	v19 =	vadd.s32 s21, v1  }
0x426: {  	_ =	sdelay $0x4  }
0x427: {  	[tilespmem:v2+s14+$0x0] =	vst.idx.msk vm0, v19  }
0x428: {  	_ =	swait.ge [sflag:s11], $0x4000  }
0x429: {  	[sflag:s11] =	ssyncset.done $0x0  }
0x42a: {  	[sflag:s11] =	ssyncadd.s32 $0xFFFFC000  }
0x42b: {  	_ =	swait.ge [sflag:s11], $0x4000  }
0x42c: {  	[sflag:s11] =	ssyncset.done $0x0  }
0x42d: {  	s18 =	rddreg [dreg:$0x13];
	[sflag:s11] =	ssyncadd.s32 $0xFFFFC000  }
0x42e: {  	[tilespmem:s12], [sflag:$0x2] =	stream.strided.gather [hbm4b:s18+s8], $0x4000, s9, s8, $0x38;
	[tilespmem:$0x12200] =	vst v63  }
0x42f: {  	_ = 	snop  }
0x430: {  	[tilespmem:s13], [sflag:$0x2] =	stream.linear.gather [hbm4b:s7+s3], $0x4000, $0x38;
	[tilespmem:$0x12200] =	vst v63  }
0x431: {  	v5 =	vld [tilespmem:$0x0]  }
0x432: {  	v19 =	vld [tilespmem:$0x8100]  }
0x433: {  	v10 =	vld [tilespmem:$0x10]  }
0x434: {  	v20 =	vld [tilespmem:$0x8110]  }
0x435: {  	v17 =	vld [tilespmem:$0x20]  }
0x436: {  	v21 =	vld [tilespmem:$0x8120]  }
0x437: {  	v18 =	vld [tilespmem:$0x30]  }
0x438: {  	v22 =	vld [tilespmem:$0x8130]  }
0x439: {  	v23 =	vld [tilespmem:$0x40]  }
0x43a: {  	v24 =	vld [tilespmem:$0x8140]  }
0x43b: {  	v25 =	vld [tilespmem:$0x50]  }
0x43c: {  	v26 =	vld [tilespmem:$0x8150]  }
0x43d: {  	v27 =	vld [tilespmem:$0x60]  }
0x43e: {  	v28 =	vld [tilespmem:$0x8160]  }
0x43f: {  	v29 =	vld [tilespmem:$0x70]  }
0x440: {  	s18 =	simm.s32 $0xF0;
	v2 =	vld [tilespmem:$0x8170]  }
0x441: {  	s19 =	simm.s32 $0x81F0;
	v3 =	vld [tilespmem:s18+$0xFFFFFF90]  }
0x442: {  	v4 =	vld [tilespmem:s19+$0x0]  }
0x443: {  	v6 =	vld [tilespmem:s18+$0x0]  }
0x444: {  	v7 =	vld [tilespmem:s19+$0xFFFFFFF0]  }
0x445: {  	v8 =	vld [tilespmem:s18+$0xFFFFFFF0]  }
0x446: {  	v9 =	vld [tilespmem:s19+$0xFFFFFFE0]  }
0x447: {  	v11 =	vld [tilespmem:s18+$0xFFFFFFE0]  }
0x448: {  	v12 =	vld [tilespmem:s19+$0xFFFFFFD0]  }
0x449: {  	v13 =	vld [tilespmem:s18+$0xFFFFFFD0]  }
0x44a: {  	v15 =	vld [tilespmem:s19+$0xFFFFFFC0];
	vm0 =	vgt.f32 v5, $5.000000000e-01  }
0x44b: {  	v14 =	vld [tilespmem:s18+$0xFFFFFFC0];
	vm1 =	vgt.f32 v10, $5.000000000e-01  }
0x44c: {  	v16 =	vld [tilespmem:s19+$0xFFFFFFB0];
	vm2 =	vgt.f32 v17, $5.000000000e-01  }
0x44d: {  	v5 =	vld [tilespmem:s18+$0xFFFFFFB0];
	vm3 =	vgt.f32 v18, $5.000000000e-01  }
0x44e: {  	s20 =	simm.s32 $0x38000;
	v17 =	vld [tilespmem:s19+$0xFFFFFFA0];
	vm4 =	vgt.f32 v23, $5.000000000e-01  }
0x44f: {  	s21 =	simm.s32 $0x38010;
	v63 =	vor.u32 s20, v1;
	v10 =	vld [tilespmem:s18+$0xFFFFFFA0];
	vm5 =	vgt.f32 v25, $5.000000000e-01  }
0x450: {  	s22 =	simm.s32 $0x38020;
	v18 =	vld [tilespmem:s19+$0xFFFFFF90];
	vm6 =	vgt.f32 v27, $5.000000000e-01;
	[tilespmem:v19+s14+$0x0] =	vst.idx.msk vm0, v63;
	v19 =	vadd.s32 s21, v1  }
0x451: {  	s21 =	simm.s32 $0x38030;
	vm0 =	vgt.f32 v29, $5.000000000e-01;
	[tilespmem:v20+s14+$0x0] =	vst.idx.msk vm1, v19;
	v19 =	vor.u32 s22, v1  }
0x452: {  	s22 =	simm.s32 $0x38040;
	[tilespmem:v21+s14+$0x0] =	vst.idx.msk vm2, v19;
	v19 =	vadd.s32 s21, v1  }
0x453: {  	s21 =	simm.s32 $0x38050;
	[tilespmem:v22+s14+$0x0] =	vst.idx.msk vm3, v19;
	v19 =	vor.u32 s22, v1  }
0x454: {  	s22 =	simm.s32 $0x38060;
	[tilespmem:v24+s14+$0x0] =	vst.idx.msk vm4, v19;
	v19 =	vadd.s32 s21, v1  }
0x455: {  	s21 =	simm.s32 $0x38070;
	[tilespmem:v26+s14+$0x0] =	vst.idx.msk vm5, v19;
	v19 =	vor.u32 s22, v1  }
0x456: {  	s20 =	simm.s32 $0x380F0;
	[tilespmem:v28+s14+$0x0] =	vst.idx.msk vm6, v19;
	v19 =	vadd.s32 s21, v1  }
.LBB2_32:
0x457: {  	p0 =	sne.s32 s20, $0x3BFF0;
	[tilespmem:v2+s14+$0x0] =	vst.idx.msk vm0, v19;
	s18 =	sadd.s32 $0x80, s18;
	s19 =	sadd.s32 $0x80, s19;
	v19 =	vmovc v3;
	v2 =	vmovc v4;
	v20 =	vmov v6;
	v21 =	vmov v7;
	v22 =	vmov v8  }
0x458: {  	v23 =	vmovc v9;
	v24 =	vmovc v11;
	v25 =	vmov v12;
	v26 =	vmov v13;
	v27 =	vmov v15;
	s21 =	smov.u32 s20;
	s20 =	sadd.s32 $0x80, s20;
	v3 =	vld [tilespmem:s18+$0xFFFFFF90]  }
0x459: {  	v28 =	vmovc v14;
	v29 =	vmov v16;
	v30 =	vmov v17;
	v31 =	vmov v18;
	v4 =	vld [tilespmem:s19+$0x0]  }
0x45a: {  	v6 =	vld [tilespmem:s18+$0x0]  }
0x45b: {  	v7 =	vld [tilespmem:s19+$0xFFFFFFF0]  }
0x45c: {  	v8 =	vld [tilespmem:s18+$0xFFFFFFF0]  }
0x45d: {  	v9 =	vld [tilespmem:s19+$0xFFFFFFE0]  }
0x45e: {  	v11 =	vld [tilespmem:s18+$0xFFFFFFE0]  }
0x45f: {  	v12 =	vld [tilespmem:s19+$0xFFFFFFD0]  }
0x460: {  	v13 =	vld [tilespmem:s18+$0xFFFFFFD0]  }
0x461: {  	v15 =	vld [tilespmem:s19+$0xFFFFFFC0]  }
0x462: {  	vm0 =	vgt.f32 v19, $5.000000000e-01;
	v14 =	vld [tilespmem:s18+$0xFFFFFFC0]  }
0x463: {  	vm1 =	vgt.f32 v10, $5.000000000e-01;
	v16 =	vld [tilespmem:s19+$0xFFFFFFB0]  }
0x464: {  	vm2 =	vgt.f32 v5, $5.000000000e-01;
	v5 =	vld [tilespmem:s18+$0xFFFFFFB0]  }
0x465: {  	vm3 =	vgt.f32 v28, $5.000000000e-01;
	v17 =	vld [tilespmem:s19+$0xFFFFFFA0]  }
0x466: {  	s22 =	sadd.s32 $0xFFFFFF90, s21;
	vm4 =	vgt.f32 v26, $5.000000000e-01;
	v10 =	vld [tilespmem:s18+$0xFFFFFFA0]  }
0x467: {  	vm5 =	vgt.f32 v24, $5.000000000e-01;
	v19 =	vor.u32 s22, v1;
	s22 =	sadd.s32 $0xFFFFFFA0, s21;
	v18 =	vld [tilespmem:s19+$0xFFFFFF90]  }
0x468: {  	vm6 =	vgt.f32 v22, $5.000000000e-01;
	[tilespmem:v31+s14+$0x0] =	vst.idx.msk vm0, v19;
	v19 =	vadd.s32 s22, v1;
	s22 =	sadd.s32 $0xFFFFFFB0, s21  }
0x469: {  	vm0 =	vgt.f32 v20, $5.000000000e-01;
	[tilespmem:v30+s14+$0x0] =	vst.idx.msk vm1, v19;
	v19 =	vor.u32 s22, v1;
	s22 =	sadd.s32 $0xFFFFFFC0, s21  }
.Ltmp15:
0x46a: {  	[tilespmem:v29+s14+$0x0] =	vst.idx.msk vm2, v19;
	v19 =	vadd.s32 s22, v1;
	s22 =	sadd.s32 $0xFFFFFFD0, s21;
	(pc) =	sbr.rel @p0 .LBB2_32-.Ltmp15, $4  }
0x46b: {  	[tilespmem:v27+s14+$0x0] =	vst.idx.msk vm3, v19;
	v19 =	vor.u32 s22, v1;
	s22 =	sadd.s32 $0xFFFFFFE0, s21  }
0x46c: {  	[tilespmem:v25+s14+$0x0] =	vst.idx.msk vm4, v19;
	v19 =	vadd.s32 s22, v1;
	s22 =	sadd.s32 $0xFFFFFFF0, s21  }
0x46d: {  	[tilespmem:v23+s14+$0x0] =	vst.idx.msk vm5, v19;
	v19 =	vor.u32 s22, v1  }
0x46e: {  	[tilespmem:v21+s14+$0x0] =	vst.idx.msk vm6, v19;
	v19 =	vadd.s32 s21, v1  }
0x46f: {  	_ =	sdelay $0x4  }
0x470: {  	[tilespmem:v2+s14+$0x0] =	vst.idx.msk vm0, v19  }
0x471: {  	_ =	swait.ge [sflag:s15], $0x4000  }
0x472: {  	[sflag:s15] =	ssyncset.done $0x0  }
0x473: {  	[sflag:s15] =	ssyncadd.s32 $0xFFFFC000  }
0x474: {  	_ =	swait.ge [sflag:s15], $0x4000  }
0x475: {  	[sflag:s15] =	ssyncset.done $0x0  }
0x476: {  	[sflag:s15] =	ssyncadd.s32 $0xFFFFC000  }
0x477: {  	v5 =	vld [tilespmem:$0x4080]  }
0x478: {  	v19 =	vld [tilespmem:$0xC180]  }
0x479: {  	v10 =	vld [tilespmem:$0x4090]  }
0x47a: {  	v20 =	vld [tilespmem:$0xC190]  }
0x47b: {  	v17 =	vld [tilespmem:$0x40A0]  }
0x47c: {  	v21 =	vld [tilespmem:$0xC1A0]  }
0x47d: {  	v18 =	vld [tilespmem:$0x40B0]  }
0x47e: {  	v22 =	vld [tilespmem:$0xC1B0]  }
0x47f: {  	v23 =	vld [tilespmem:$0x40C0]  }
0x480: {  	v24 =	vld [tilespmem:$0xC1C0]  }
0x481: {  	v25 =	vld [tilespmem:$0x40D0]  }
0x482: {  	v26 =	vld [tilespmem:$0xC1D0]  }
0x483: {  	v27 =	vld [tilespmem:$0x40E0]  }
0x484: {  	v28 =	vld [tilespmem:$0xC1E0]  }
0x485: {  	v29 =	vld [tilespmem:$0x40F0]  }
0x486: {  	s18 =	simm.s32 $0x4170;
	v2 =	vld [tilespmem:$0xC1F0]  }
0x487: {  	s19 =	simm.s32 $0xC270;
	v3 =	vld [tilespmem:s18+$0xFFFFFF90]  }
0x488: {  	v4 =	vld [tilespmem:s19+$0x0]  }
0x489: {  	v6 =	vld [tilespmem:s18+$0x0]  }
0x48a: {  	v7 =	vld [tilespmem:s19+$0xFFFFFFF0]  }
0x48b: {  	v8 =	vld [tilespmem:s18+$0xFFFFFFF0]  }
0x48c: {  	v9 =	vld [tilespmem:s19+$0xFFFFFFE0]  }
0x48d: {  	v11 =	vld [tilespmem:s18+$0xFFFFFFE0]  }
0x48e: {  	v12 =	vld [tilespmem:s19+$0xFFFFFFD0]  }
0x48f: {  	v13 =	vld [tilespmem:s18+$0xFFFFFFD0]  }
0x490: {  	v15 =	vld [tilespmem:s19+$0xFFFFFFC0];
	vm0 =	vgt.f32 v5, $5.000000000e-01  }
0x491: {  	v14 =	vld [tilespmem:s18+$0xFFFFFFC0];
	vm1 =	vgt.f32 v10, $5.000000000e-01  }
0x492: {  	v16 =	vld [tilespmem:s19+$0xFFFFFFB0];
	vm2 =	vgt.f32 v17, $5.000000000e-01  }
0x493: {  	v5 =	vld [tilespmem:s18+$0xFFFFFFB0];
	vm3 =	vgt.f32 v18, $5.000000000e-01  }
0x494: {  	s20 =	simm.s32 $0x3C000;
	v17 =	vld [tilespmem:s19+$0xFFFFFFA0];
	vm4 =	vgt.f32 v23, $5.000000000e-01  }
0x495: {  	s21 =	simm.s32 $0x3C010;
	v63 =	vor.u32 s20, v1;
	v10 =	vld [tilespmem:s18+$0xFFFFFFA0];
	vm5 =	vgt.f32 v25, $5.000000000e-01  }
0x496: {  	s22 =	simm.s32 $0x3C020;
	v18 =	vld [tilespmem:s19+$0xFFFFFF90];
	vm6 =	vgt.f32 v27, $5.000000000e-01;
	[tilespmem:v19+s14+$0x0] =	vst.idx.msk vm0, v63;
	v19 =	vadd.s32 s21, v1  }
0x497: {  	s21 =	simm.s32 $0x3C030;
	vm0 =	vgt.f32 v29, $5.000000000e-01;
	[tilespmem:v20+s14+$0x0] =	vst.idx.msk vm1, v19;
	v19 =	vor.u32 s22, v1  }
0x498: {  	s22 =	simm.s32 $0x3C040;
	[tilespmem:v21+s14+$0x0] =	vst.idx.msk vm2, v19;
	v19 =	vadd.s32 s21, v1  }
0x499: {  	s21 =	simm.s32 $0x3C050;
	[tilespmem:v22+s14+$0x0] =	vst.idx.msk vm3, v19;
	v19 =	vor.u32 s22, v1  }
0x49a: {  	s22 =	simm.s32 $0x3C060;
	[tilespmem:v24+s14+$0x0] =	vst.idx.msk vm4, v19;
	v19 =	vadd.s32 s21, v1  }
0x49b: {  	s21 =	simm.s32 $0x3C070;
	[tilespmem:v26+s14+$0x0] =	vst.idx.msk vm5, v19;
	v19 =	vor.u32 s22, v1  }
0x49c: {  	s20 =	simm.s32 $0x3C0F0;
	[tilespmem:v28+s14+$0x0] =	vst.idx.msk vm6, v19;
	v19 =	vadd.s32 s21, v1  }
.LBB2_34:
0x49d: {  	p0 =	sne.s32 s20, $0x3FFF0;
	[tilespmem:v2+s14+$0x0] =	vst.idx.msk vm0, v19;
	s18 =	sadd.s32 $0x80, s18;
	s19 =	sadd.s32 $0x80, s19;
	v19 =	vmovc v3;
	v2 =	vmovc v4;
	v20 =	vmov v6;
	v21 =	vmov v7;
	v22 =	vmov v8  }
0x49e: {  	v23 =	vmovc v9;
	v24 =	vmovc v11;
	v25 =	vmov v12;
	v26 =	vmov v13;
	v27 =	vmov v15;
	s21 =	smov.u32 s20;
	s20 =	sadd.s32 $0x80, s20;
	v3 =	vld [tilespmem:s18+$0xFFFFFF90]  }
0x49f: {  	v28 =	vmovc v14;
	v29 =	vmov v16;
	v30 =	vmov v17;
	v31 =	vmov v18;
	v4 =	vld [tilespmem:s19+$0x0]  }
0x4a0: {  	v6 =	vld [tilespmem:s18+$0x0]  }
0x4a1: {  	v7 =	vld [tilespmem:s19+$0xFFFFFFF0]  }
0x4a2: {  	v8 =	vld [tilespmem:s18+$0xFFFFFFF0]  }
0x4a3: {  	v9 =	vld [tilespmem:s19+$0xFFFFFFE0]  }
0x4a4: {  	v11 =	vld [tilespmem:s18+$0xFFFFFFE0]  }
0x4a5: {  	v12 =	vld [tilespmem:s19+$0xFFFFFFD0]  }
0x4a6: {  	v13 =	vld [tilespmem:s18+$0xFFFFFFD0]  }
0x4a7: {  	v15 =	vld [tilespmem:s19+$0xFFFFFFC0]  }
0x4a8: {  	vm0 =	vgt.f32 v19, $5.000000000e-01;
	v14 =	vld [tilespmem:s18+$0xFFFFFFC0]  }
0x4a9: {  	vm1 =	vgt.f32 v10, $5.000000000e-01;
	v16 =	vld [tilespmem:s19+$0xFFFFFFB0]  }
0x4aa: {  	vm2 =	vgt.f32 v5, $5.000000000e-01;
	v5 =	vld [tilespmem:s18+$0xFFFFFFB0]  }
0x4ab: {  	vm3 =	vgt.f32 v28, $5.000000000e-01;
	v17 =	vld [tilespmem:s19+$0xFFFFFFA0]  }
0x4ac: {  	s22 =	sadd.s32 $0xFFFFFF90, s21;
	vm4 =	vgt.f32 v26, $5.000000000e-01;
	v10 =	vld [tilespmem:s18+$0xFFFFFFA0]  }
0x4ad: {  	vm5 =	vgt.f32 v24, $5.000000000e-01;
	v19 =	vor.u32 s22, v1;
	s22 =	sadd.s32 $0xFFFFFFA0, s21;
	v18 =	vld [tilespmem:s19+$0xFFFFFF90]  }
0x4ae: {  	vm6 =	vgt.f32 v22, $5.000000000e-01;
	[tilespmem:v31+s14+$0x0] =	vst.idx.msk vm0, v19;
	v19 =	vadd.s32 s22, v1;
	s22 =	sadd.s32 $0xFFFFFFB0, s21  }
0x4af: {  	vm0 =	vgt.f32 v20, $5.000000000e-01;
	[tilespmem:v30+s14+$0x0] =	vst.idx.msk vm1, v19;
	v19 =	vor.u32 s22, v1;
	s22 =	sadd.s32 $0xFFFFFFC0, s21  }
.Ltmp16:
0x4b0: {  	[tilespmem:v29+s14+$0x0] =	vst.idx.msk vm2, v19;
	v19 =	vadd.s32 s22, v1;
	s22 =	sadd.s32 $0xFFFFFFD0, s21;
	(pc) =	sbr.rel @p0 .LBB2_34-.Ltmp16, $4  }
0x4b1: {  	[tilespmem:v27+s14+$0x0] =	vst.idx.msk vm3, v19;
	v19 =	vor.u32 s22, v1;
	s22 =	sadd.s32 $0xFFFFFFE0, s21  }
0x4b2: {  	[tilespmem:v25+s14+$0x0] =	vst.idx.msk vm4, v19;
	v19 =	vadd.s32 s22, v1;
	s22 =	sadd.s32 $0xFFFFFFF0, s21  }
0x4b3: {  	[tilespmem:v23+s14+$0x0] =	vst.idx.msk vm5, v19;
	v19 =	vor.u32 s22, v1  }
0x4b4: {  	[tilespmem:v21+s14+$0x0] =	vst.idx.msk vm6, v19;
	v19 =	vadd.s32 s21, v1  }
0x4b5: {  	_ =	sdelay $0x2  }
0x4b6: {  	s17 =	sadd.s32 $0x1, s17  }
0x4b7: {  	p0 =	sne.s32 s17, s25  }
.Ltmp17:
0x4b8: {  	[tilespmem:v2+s14+$0x0] =	vst.idx.msk vm0, v19;
	(pc) =	sbr.rel @p0 .LBB2_1-.Ltmp17, $4  }
0x4b9: {  	[hbm4b:s23+s8] =	stream.strided.scatter [tilespmem:s14], [sflag:$0x3], $0x2000, s9, s8, $0x38;
	[tilespmem:$0x12200] =	vst v63  }
0x4ba: {  	_ =	swait.ge [sflag:s16], $0x2000  }
0x4bb: {  	[sflag:s16] =	ssyncset.done $0x0  }
0x4bc: {  	[sflag:s16] =	ssyncadd.s32 $0xFFFFE000  }
0x4bd: {  	_ =	sfence.sel $0x180000  }
0x4be: {  	[bflag:$0x0] =	sbarrier.arrive $0xFFFF  }
0x4bf: {  	_ =	strace $0x90000047  }
0x4c0: {  	s0 =	stileid.u32;
	[bflag:$0x2] =	sbarrier.arrive $0xFFFF  }
0x4c1: {  	p0 =	sne.s32 s0, $0x0;
	s0 =	rddreg [dreg:$0x3]  }
0x4c2: {  	s0 =	sadd.s32 @!p0 $0x100000, s0  }
0x4c3: {  	[sflag:s0] =	ssyncadd.tile.s32 @!p0 $0x1;
	_ =	shalt  }
.Lfunc_end2:
_tile_overlayer_lowered:
.L_overlay_start_2:
0x4c4: {  	(tag) =	ssettag $0x2  }
0x4c5: {  	s0 =	rddreg [dreg:$0x0];
	s2 =	stileid.u32  }
0x4c6: {  	s1 =	rddreg [dreg:$0x1];
	p0 =	sne.s32 s2, $0x0  }
0x4c7: {  	s3 =	rddreg [dreg:$0x2];
	[bflag:$0x3] =	sbarrier.arrive $0xFFFF;
	s2 =	simm.s32 @!p0 $0x1C03  }
0x4c8: {  	[timem:s3], [sflag:s2] =	dma.local @!p0 [hbm:s0], s1  }
0x4c9: {  	s0 =	simm.s32 @!p0 $0x3  }
0x4ca: {  	_ =	swait.ge @!p0 [sflag:s0], s1  }
0x4cb: {  	s1 =	ssub.s32 @!p0 $0x0, s1;
	[sflag:s0] =	ssyncset.done @!p0 $0x0  }
0x4cc: {  	[sflag:s0] =	ssyncadd.s32 @!p0 s1  }
0x4cd: {  	[bflag:$0x3] =	sbarrier.arrive $0xFFFF  }
0x4ce: {  	_ =	shalt  }

</sc_bundles>
